<compile_context>
chip_gen: v7x
topology: tpu7x:2x2x1
jax: 0.10.2.dev20260603
libtpu: 0.0.44.dev20260713+nightly
codegen_flags: <defaults>
</compile_context>

<pallas_src>
import functools

import jax
import jax.numpy as jnp
from jax import lax
from jax.experimental import pallas as pl
from jax.experimental.pallas import tpu as pltpu
from jax.experimental.pallas import tpu_sc as plsc

N = 5000
NMS_T = 0.7
SCORE_T = 0.05
DETS = 100

L = 16
NSUB = 16
NPAD = 5120
PER = NPAD // NSUB
CH = PER // L
OUT_ROWS = 112
XOFF = 64

_f32 = jnp.float32


def _nms_body(x0h, y0h, x1h, y1h, sh, outh,
              x0f, y0f, x1f, y1f, sf,
              x0v, y0v, x1v, y1v, av, kv, iv_,
              rowv, blkv, tmpa, tmpb, outv, shared):
    c_id = lax.axis_index("c")
    w = lax.axis_index("s")
    base = w * PER
    basef = (w * PER).astype(_f32)

    pltpu.sync_copy(x0h, x0f)
    pltpu.sync_copy(y0h, y0f)
    pltpu.sync_copy(x1h, x1f)
    pltpu.sync_copy(y1h, y1f)
    pltpu.sync_copy(sh, sf)

    li = lax.iota(jnp.int32, L)
    zeros = jnp.zeros((L,), _f32)
    neg = jnp.full((L,), _f32(-1e30))

    b1v0 = jnp.full((L,), _f32(-3e30))
    b1i0 = jnp.full((L,), _f32(1e9))
    b2v0 = jnp.full((L,), _f32(-3e30))
    b2i0 = jnp.full((L,), _f32(1e9))
    for c in range(CH):
        sl = pl.ds(c * L, L)
        gidx32 = base + li * CH + c
        gidx = gidx32.astype(_f32)
        xa = plsc.load_gather(x0f, [gidx32])
        ya = plsc.load_gather(y0f, [gidx32])
        xb = plsc.load_gather(x1f, [gidx32])
        yb = plsc.load_gather(y1f, [gidx32])
        s_c = plsc.load_gather(sf, [gidx32])
        x0v[sl] = xa
        y0v[sl] = ya
        x1v[sl] = xb
        y1v[sl] = yb
        av[sl] = (xb - xa) * (yb - ya)
        iv_[sl] = gidx
        invalid_key = _f32(-4.0) - gidx * _f32(1.0 / 5000.0)
        key = jnp.where(s_c > SCORE_T, s_c, invalid_key)
        key = jnp.where(s_c < _f32(-1e29), neg, key)
        kv[sl] = key
        gt1 = key > b1v0
        gt2 = key > b2v0
        b2v0 = jnp.where(gt1, b1v0, jnp.where(gt2, key, b2v0))
        b2i0 = jnp.where(gt1, b1i0, jnp.where(gt2, gidx, b2i0))
        b1v0 = jnp.where(gt1, key, b1v0)
        b1i0 = jnp.where(gt1, gidx, b1i0)

    def cond_fn(carry):
        return carry[0] < DETS

    def step(carry):
        t, r, b1v, b1i, b2v, b2i = carry
        m1 = jnp.max(b1v)
        plsc.store_compressed(tmpa.at[...], b1i, mask=b1v == m1)
        i1 = tmpa[...][0]
        winlane = b1i == jnp.full((L,), i1)
        rb1v = jnp.where(winlane, b2v, b1v)
        rb1i = jnp.where(winlane, b2i, b1i)
        m2 = jnp.max(rb1v)
        plsc.store_compressed(tmpb.at[...], rb1i, mask=rb1v == m2)
        i2 = tmpb[...][0]

        rowv[...] = jnp.where(li == 0, jnp.full((L,), m1),
                    jnp.where(li == 1, jnp.full((L,), i1),
                    jnp.where(li == 2, jnp.full((L,), m2), jnp.full((L,), i2))))
        boff = XOFF + (r & 1) * NSUB
        pltpu.sync_copy(rowv, shared.at[boff + w])
        plsc.subcore_barrier()
        pltpu.sync_copy(shared.at[pl.ds(boff, NSUB)], blkv)

        def col(j):
            return plsc.load_gather(blkv, [li, jnp.full((L,), j, jnp.int32)])

        cm1, ci1, cm2, ci2 = col(0), col(1), col(2), col(3)
        gm1 = jnp.max(cm1)
        plsc.store_compressed(tmpa.at[...], ci1, mask=cm1 == gm1)
        gi1 = tmpa[...][0]
        p1 = jnp.full((L,), gi1.astype(jnp.int32))
        w1x0 = plsc.load_gather(x0f, [p1])
        w1y0 = plsc.load_gather(y0f, [p1])
        w1x1 = plsc.load_gather(x1f, [p1])
        w1y1 = plsc.load_gather(y1f, [p1])
        w1a = (w1x1 - w1x0) * (w1y1 - w1y0)

        def supp_by_w1(ix32, val):
            ex0 = plsc.load_gather(x0f, [ix32])
            ey0 = plsc.load_gather(y0f, [ix32])
            ex1 = plsc.load_gather(x1f, [ix32])
            ey1 = plsc.load_gather(y1f, [ix32])
            ea = (ex1 - ex0) * (ey1 - ey0)
            iw = jnp.maximum(jnp.minimum(ex1, w1x1) - jnp.maximum(ex0, w1x0), zeros)
            ih = jnp.maximum(jnp.minimum(ey1, w1y1) - jnp.maximum(ey0, w1y0), zeros)
            inter = iw * ih
            union = jnp.maximum(ea + w1a - inter, _f32(1e-9))
            return (inter > NMS_T * union) & (val > SCORE_T)

        gi1v = jnp.full((L,), gi1)
        avail1 = jnp.logical_not(supp_by_w1(ci1.astype(jnp.int32), cm1)) & (ci1 != gi1v)
        avail2 = jnp.logical_not(supp_by_w1(ci2.astype(jnp.int32), cm2)) & (ci2 != gi1v)
        rep_v = jnp.where(avail1, cm1, jnp.where(avail2, cm2, jnp.full((L,), _f32(-3e30))))
        rep_i = jnp.where(avail1, ci1, jnp.where(avail2, ci2, jnp.full((L,), _f32(1e9))))
        gm2 = jnp.max(rep_v)
        plsc.store_compressed(tmpb.at[...], rep_i, mask=rep_v == gm2)
        gi2 = tmpb[...][0]
        fb_lane = jnp.logical_not(avail1) & jnp.logical_not(avail2) & (cm2 >= gm2)
        fb = jnp.any(fb_lane)
        ok2 = jnp.logical_not(fb)

        p2r = jnp.full((L,), jnp.minimum(gi2, _f32(NPAD - 1)).astype(jnp.int32))
        w2x0r = plsc.load_gather(x0f, [p2r])
        w2y0r = plsc.load_gather(y0f, [p2r])
        w2x1r = plsc.load_gather(x1f, [p2r])
        w2y1r = plsc.load_gather(y1f, [p2r])
        w2x0 = jnp.where(ok2, w2x0r, neg)
        w2y0 = jnp.where(ok2, w2y0r, neg)
        w2x1 = jnp.where(ok2, w2x1r, neg)
        w2y1 = jnp.where(ok2, w2y1r, neg)
        w2a = (w2x1 - w2x0) * (w2y1 - w2y0)
        gi2v = jnp.where(ok2, jnp.full((L,), gi2), jnp.full((L,), _f32(-5.0)))

        @pl.when(jnp.logical_and(w == 0, c_id == 0))
        def _emit():
            so1 = jnp.where(gm1 > SCORE_T, gm1, _f32(0.0))
            orow = jnp.where(li == 0, w1x0,
                   jnp.where(li == 1, w1y0,
                   jnp.where(li == 2, w1x1,
                   jnp.where(li == 3, w1y1,
                   jnp.where(li == 4, jnp.full((L,), so1), zeros)))))
            outv[pl.ds(t * L, L)] = orow

        @pl.when(jnp.logical_and(jnp.logical_and(w == 0, c_id == 0),
                                 jnp.logical_and(ok2, t + 1 < DETS)))
        def _emit2():
            so2 = jnp.where(gm2 > SCORE_T, gm2, _f32(0.0))
            orow2 = jnp.where(li == 0, w2x0,
                    jnp.where(li == 1, w2y0,
                    jnp.where(li == 2, w2x1,
                    jnp.where(li == 3, w2y1,
                    jnp.where(li == 4, jnp.full((L,), so2), zeros)))))
            outv[pl.ds((t + 1) * L, L)] = orow2

        nb1v = jnp.full((L,), _f32(-3e30))
        nb1i = jnp.full((L,), _f32(1e9))
        nb2v = jnp.full((L,), _f32(-3e30))
        nb2i = jnp.full((L,), _f32(1e9))
        for c in range(CH):
            sl = pl.ds(c * L, L)
            xa, ya, xb, yb = x0v[sl], y0v[sl], x1v[sl], y1v[sl]
            ac, kc, idxc = av[sl], kv[sl], iv_[sl]
            iw1 = jnp.maximum(jnp.minimum(xb, w1x1) - jnp.maximum(xa, w1x0), zeros)
            ih1 = jnp.maximum(jnp.minimum(yb, w1y1) - jnp.maximum(ya, w1y0), zeros)
            in1 = iw1 * ih1
            un1 = jnp.maximum(ac + w1a - in1, _f32(1e-9))
            iw2 = jnp.maximum(jnp.minimum(xb, w2x1) - jnp.maximum(xa, w2x0), zeros)
            ih2 = jnp.maximum(jnp.minimum(yb, w2y1) - jnp.maximum(ya, w2y0), zeros)
            in2 = iw2 * ih2
            un2 = jnp.maximum(ac + w2a - in2, _f32(1e-9))
            sup = ((in1 > NMS_T * un1) | (in2 > NMS_T * un2)) & (kc > SCORE_T)
            kc = jnp.where(sup, kc - _f32(2.0), kc)
            kc = jnp.where((idxc == jnp.full((L,), gi1)) | (idxc == gi2v), neg, kc)
            kv[sl] = kc
            gt1 = kc > nb1v
            gt2 = kc > nb2v
            nb2v = jnp.where(gt1, nb1v, jnp.where(gt2, kc, nb2v))
            nb2i = jnp.where(gt1, nb1i, jnp.where(gt2, idxc, nb2i))
            nb1v = jnp.where(gt1, kc, nb1v)
            nb1i = jnp.where(gt1, idxc, nb1i)
        tn = t + jnp.where(ok2, jnp.int32(2), jnp.int32(1))
        return tn, r + jnp.int32(1), nb1v, nb1i, nb2v, nb2i

    lax.while_loop(cond_fn, step,
                   (jnp.int32(0), jnp.int32(0), b1v0, b1i0, b2v0, b2i0))

    @pl.when(jnp.logical_and(w == 0, c_id == 0))
    def _writeback():
        pltpu.sync_copy(outv, outh)


_nms = functools.partial(
    pl.kernel,
    out_type=jax.ShapeDtypeStruct((OUT_ROWS * L,), _f32),
    mesh=plsc.VectorSubcoreMesh(
        core_axis_name="c", subcore_axis_name="s", num_cores=2, num_subcores=NSUB
    ),
    scratch_types=[
        pltpu.VMEM((NPAD,), _f32),
        pltpu.VMEM((NPAD,), _f32),
        pltpu.VMEM((NPAD,), _f32),
        pltpu.VMEM((NPAD,), _f32),
        pltpu.VMEM((NPAD,), _f32),
        pltpu.VMEM((PER,), _f32),
        pltpu.VMEM((PER,), _f32),
        pltpu.VMEM((PER,), _f32),
        pltpu.VMEM((PER,), _f32),
        pltpu.VMEM((PER,), _f32),
        pltpu.VMEM((PER,), _f32),
        pltpu.VMEM((PER,), _f32),
        pltpu.VMEM((L,), _f32),
        pltpu.VMEM((NSUB, L), _f32),
        pltpu.VMEM((L,), _f32),
        pltpu.VMEM((L,), _f32),
        pltpu.VMEM((OUT_ROWS * L,), _f32),
        pltpu.VMEM_SHARED((XOFF + 2 * NSUB, L), _f32),
    ],
    compiler_params=pltpu.CompilerParams(needs_layout_passes=False),
)(_nms_body)


def kernel(boxes, scores):
    pad = NPAD - N
    x0 = jnp.pad(boxes[:, 0], (0, pad))
    y0 = jnp.pad(boxes[:, 1], (0, pad))
    x1 = jnp.pad(boxes[:, 2], (0, pad))
    y1 = jnp.pad(boxes[:, 3], (0, pad))
    s = jnp.pad(scores, (0, pad), constant_values=-1e30)
    out_flat = _nms(x0, y0, x1, y1, s)
    return out_flat.reshape(OUT_ROWS, L)[:DETS, :5]

# --- scband reference (transcript-rebuilt; emitter-appended) ---
"""Pipeline reference for scband-model-79456894976290 (READ-ONLY COPY).

The authoritative reference and input builder live on the scoring server;
editing this copy changes nothing except your own understanding.
"""

import jax, jax.numpy as jnp
import numpy as np

N = 5000
NMS_THRESH = 0.7          # self.model.rpn.nms_thresh from __init__ arg nms_thresh
SCORE_THRESH = 0.05       # box_score_thresh (ModelConfig default)
DETS_PER_IMG = 100        # box_detections_per_img (ModelConfig default)


def setup_inputs(seed: int = 0) -> dict:
    key = jax.random.key(seed)
    k1, k2, k3 = jax.random.split(key, 3)
    # valid xyxy boxes inside an 800x800 image
    cxcy = jax.random.uniform(k1, (N, 2), minval=0.0, maxval=800.0, dtype=jnp.float32)
    wh = jax.random.uniform(k2, (N, 2), minval=8.0, maxval=128.0, dtype=jnp.float32)
    boxes = jnp.concatenate([cxcy - wh / 2.0, cxcy + wh / 2.0], axis=1)
    scores = jax.random.uniform(k3, (N,), dtype=jnp.float32)
    return {"boxes": boxes, "scores": scores}


def _pairwise_iou(b):
    area = (b[:, 2] - b[:, 0]) * (b[:, 3] - b[:, 1])
    lt = jnp.maximum(b[:, None, :2], b[None, :, :2])
    rb = jnp.minimum(b[:, None, 2:], b[None, :, 2:])
    wh = jnp.clip(rb - lt, 0.0)
    inter = wh[..., 0] * wh[..., 1]
    union = area[:, None] + area[None, :] - inter
    return inter / jnp.maximum(union, 1e-9)


def reference(boxes, scores):
    # Faithful translation of the post-processing NMS stage of the detection head
    # (RoIHead2.postprocess_detections): score-threshold -> sort -> greedy NMS
    # at iou>nms_thresh -> keep top detections_per_img.
    valid = scores > SCORE_THRESH
    s = jnp.where(valid, scores, -jnp.inf)
    order = jnp.argsort(-s)
    b = boxes[order]
    s_sorted = s[order]
    valid_sorted = s_sorted > -jnp.inf
    iou = _pairwise_iou(b)
    n = b.shape[0]
    pos = jnp.arange(n)

    def body(keep, i):
        sup = (iou[i] > NMS_THRESH) & (pos > i) & keep[i] & valid_sorted[i]
        keep = keep & jnp.logical_not(sup)
        return keep, None

    keep, _ = jax.lax.scan(body, jnp.ones((n,), dtype=bool), jnp.arange(n))
    keep = keep & valid_sorted
    final = jnp.where(keep, s_sorted, -jnp.inf)
    top_scores, top_idx = jax.lax.top_k(final, DETS_PER_IMG)
    out_boxes = b[top_idx]
    out_scores = jnp.where(top_scores == -jnp.inf, 0.0, top_scores)
    return jnp.concatenate([out_boxes, out_scores[:, None]], axis=1)  # [100, 5]

if __name__ == "__main__":
    import jax
    _d = setup_inputs()
    print(jax.jit(kernel)(*tuple(_d.values())))

</pallas_src>

<mosaic_0001>
#map = affine_map<(d0, d1) -> (0)>
module attributes {stable_mosaic.version = 14 : i64} {
  func.func @_nms_body(%arg0: i32, %arg1: i32, %arg2: memref<5120xf32, #tpu.memory_space<hbm>>, %arg3: memref<5120xf32, #tpu.memory_space<hbm>>, %arg4: memref<5120xf32, #tpu.memory_space<hbm>>, %arg5: memref<5120xf32, #tpu.memory_space<hbm>>, %arg6: memref<5120xf32, #tpu.memory_space<hbm>>, %arg7: memref<1792xf32, #tpu.memory_space<hbm>>, %arg8: memref<5120xf32, #tpu.memory_space<vmem>>, %arg9: memref<5120xf32, #tpu.memory_space<vmem>>, %arg10: memref<5120xf32, #tpu.memory_space<vmem>>, %arg11: memref<5120xf32, #tpu.memory_space<vmem>>, %arg12: memref<5120xf32, #tpu.memory_space<vmem>>, %arg13: memref<320xf32, #tpu.memory_space<vmem>>, %arg14: memref<320xf32, #tpu.memory_space<vmem>>, %arg15: memref<320xf32, #tpu.memory_space<vmem>>, %arg16: memref<320xf32, #tpu.memory_space<vmem>>, %arg17: memref<320xf32, #tpu.memory_space<vmem>>, %arg18: memref<320xf32, #tpu.memory_space<vmem>>, %arg19: memref<320xf32, #tpu.memory_space<vmem>>, %arg20: memref<16xf32, #tpu.memory_space<vmem>>, %arg21: memref<16x16xf32, #tpu.memory_space<vmem>>, %arg22: memref<16xf32, #tpu.memory_space<vmem>>, %arg23: memref<16xf32, #tpu.memory_space<vmem>>, %arg24: memref<1792xf32, #tpu.memory_space<vmem>>, %arg25: memref<96x16xf32, #tpu.memory_space<vmem_shared>>) attributes {dimension_semantics = [#tpu.dimension_semantics<core_parallel>, #tpu.dimension_semantics<subcore_parallel>], iteration_bounds = array<i64: 2, 16>, scalar_prefetch = 0 : i64, scratch_operands = 18 : i64, tpu.core_type = #tpu.core_type<sc_vector_subcore>, window_params = [{transform_indices = #map}, {transform_indices = #map}, {transform_indices = #map}, {transform_indices = #map}, {transform_indices = #map}, {transform_indices = #map}]} {
    %mul3A = arith.constant 320 : i32
    %mul3A_0 = arith.muli %arg1, %mul3A : i32
    %mul3A_1 = arith.constant 320 : i32
    %mul3A_2 = arith.muli %arg1, %mul3A_1 : i32
    %convert_element_type3A = arith.sitofp %mul3A_2 : i32 to f32
    "tpu.region"() ({
      %run_scoped3A = tpu.sem_alloc : memref<!tpu.dma_semaphore, #tpu.memory_space<semaphore_mem>>
      tpu.enqueue_dma source(%arg2 : memref<5120xf32, #tpu.memory_space<hbm>>) target(%arg8 : memref<5120xf32, #tpu.memory_space<vmem>>) target_semaphore(%run_scoped3A : memref<!tpu.dma_semaphore, #tpu.memory_space<semaphore_mem>>)
      tpu.wait_dma2 semaphore(%run_scoped3A : memref<!tpu.dma_semaphore, #tpu.memory_space<semaphore_mem>>) src(%arg2 : memref<5120xf32, #tpu.memory_space<hbm>>) dst(%arg8 : memref<5120xf32, #tpu.memory_space<vmem>>)
      tpu.yield
    }) : () -> ()
    "tpu.region"() ({
      %run_scoped3A = tpu.sem_alloc : memref<!tpu.dma_semaphore, #tpu.memory_space<semaphore_mem>>
      tpu.enqueue_dma source(%arg3 : memref<5120xf32, #tpu.memory_space<hbm>>) target(%arg9 : memref<5120xf32, #tpu.memory_space<vmem>>) target_semaphore(%run_scoped3A : memref<!tpu.dma_semaphore, #tpu.memory_space<semaphore_mem>>)
      tpu.wait_dma2 semaphore(%run_scoped3A : memref<!tpu.dma_semaphore, #tpu.memory_space<semaphore_mem>>) src(%arg3 : memref<5120xf32, #tpu.memory_space<hbm>>) dst(%arg9 : memref<5120xf32, #tpu.memory_space<vmem>>)
      tpu.yield
    }) : () -> ()
    "tpu.region"() ({
      %run_scoped3A = tpu.sem_alloc : memref<!tpu.dma_semaphore, #tpu.memory_space<semaphore_mem>>
      tpu.enqueue_dma source(%arg4 : memref<5120xf32, #tpu.memory_space<hbm>>) target(%arg10 : memref<5120xf32, #tpu.memory_space<vmem>>) target_semaphore(%run_scoped3A : memref<!tpu.dma_semaphore, #tpu.memory_space<semaphore_mem>>)
      tpu.wait_dma2 semaphore(%run_scoped3A : memref<!tpu.dma_semaphore, #tpu.memory_space<semaphore_mem>>) src(%arg4 : memref<5120xf32, #tpu.memory_space<hbm>>) dst(%arg10 : memref<5120xf32, #tpu.memory_space<vmem>>)
      tpu.yield
    }) : () -> ()
    "tpu.region"() ({
      %run_scoped3A = tpu.sem_alloc : memref<!tpu.dma_semaphore, #tpu.memory_space<semaphore_mem>>
      tpu.enqueue_dma source(%arg5 : memref<5120xf32, #tpu.memory_space<hbm>>) target(%arg11 : memref<5120xf32, #tpu.memory_space<vmem>>) target_semaphore(%run_scoped3A : memref<!tpu.dma_semaphore, #tpu.memory_space<semaphore_mem>>)
      tpu.wait_dma2 semaphore(%run_scoped3A : memref<!tpu.dma_semaphore, #tpu.memory_space<semaphore_mem>>) src(%arg5 : memref<5120xf32, #tpu.memory_space<hbm>>) dst(%arg11 : memref<5120xf32, #tpu.memory_space<vmem>>)
      tpu.yield
    }) : () -> ()
    "tpu.region"() ({
      %run_scoped3A = tpu.sem_alloc : memref<!tpu.dma_semaphore, #tpu.memory_space<semaphore_mem>>
      tpu.enqueue_dma source(%arg6 : memref<5120xf32, #tpu.memory_space<hbm>>) target(%arg12 : memref<5120xf32, #tpu.memory_space<vmem>>) target_semaphore(%run_scoped3A : memref<!tpu.dma_semaphore, #tpu.memory_space<semaphore_mem>>)
      tpu.wait_dma2 semaphore(%run_scoped3A : memref<!tpu.dma_semaphore, #tpu.memory_space<semaphore_mem>>) src(%arg6 : memref<5120xf32, #tpu.memory_space<hbm>>) dst(%arg12 : memref<5120xf32, #tpu.memory_space<vmem>>)
      tpu.yield
    }) : () -> ()
    %iota3A = tpu.iota {dimensions = array<i32: 0>} : vector<16xi32>
    %broadcast_in_dim3A = arith.constant 0.000000e+00 : f32
    %broadcast_in_dim3A_3 = vector.broadcast %broadcast_in_dim3A : f32 to vector<16xf32>
    %broadcast_in_dim3A_4 = arith.constant -1.000000e+30 : f32
    %broadcast_in_dim3A_5 = vector.broadcast %broadcast_in_dim3A_4 : f32 to vector<16xf32>
    %broadcast_in_dim3A_6 = arith.constant -3.000000e+30 : f32
    %broadcast_in_dim3A_7 = vector.broadcast %broadcast_in_dim3A_6 : f32 to vector<16xf32>
    %broadcast_in_dim3A_8 = arith.constant 1.000000e+09 : f32
    %broadcast_in_dim3A_9 = vector.broadcast %broadcast_in_dim3A_8 : f32 to vector<16xf32>
    %broadcast_in_dim3A_10 = arith.constant -3.000000e+30 : f32
    %broadcast_in_dim3A_11 = vector.broadcast %broadcast_in_dim3A_10 : f32 to vector<16xf32>
    %broadcast_in_dim3A_12 = arith.constant 1.000000e+09 : f32
    %broadcast_in_dim3A_13 = vector.broadcast %broadcast_in_dim3A_12 : f32 to vector<16xf32>
    %mul3A_14 = arith.constant 20 : i32
    %mul3A_15 = vector.broadcast %mul3A_14 : i32 to vector<16xi32>
    %mul3A_16 = arith.muli %iota3A, %mul3A_15 : vector<16xi32>
    %add3A = vector.broadcast %mul3A_0 : i32 to vector<16xi32>
    %add3A_17 = arith.addi %add3A, %mul3A_16 : vector<16xi32>
    %add3A_18 = arith.constant 0 : i32
    %add3A_19 = vector.broadcast %add3A_18 : i32 to vector<16xi32>
    %add3A_20 = arith.addi %add3A_17, %add3A_19 : vector<16xi32>
    %convert_element_type3A_21 = arith.sitofp %add3A_20 : vector<16xi32> to vector<16xf32>
    %gather3A = tpu.vector_load_idx %arg8[%add3A_20] : memref<5120xf32, #tpu.memory_space<vmem>>[vector<16xi32>], vector<16xf32>,
    %gather3A_22 = tpu.vector_load_idx %arg9[%add3A_20] : memref<5120xf32, #tpu.memory_space<vmem>>[vector<16xi32>], vector<16xf32>,
    %gather3A_23 = tpu.vector_load_idx %arg10[%add3A_20] : memref<5120xf32, #tpu.memory_space<vmem>>[vector<16xi32>], vector<16xf32>,
    %gather3A_24 = tpu.vector_load_idx %arg11[%add3A_20] : memref<5120xf32, #tpu.memory_space<vmem>>[vector<16xi32>], vector<16xf32>,
    %gather3A_25 = tpu.vector_load_idx %arg12[%add3A_20] : memref<5120xf32, #tpu.memory_space<vmem>>[vector<16xi32>], vector<16xf32>,
    %swap3A = arith.constant 0 : index
    %swap3A_26 = tpu.vector_load %arg13[%swap3A] {strides = array<i32>} : memref<320xf32, #tpu.memory_space<vmem>>, vector<16xf32>,
    tpu.vector_store %arg13[%swap3A], %gather3A {strides = array<i32>} : memref<320xf32, #tpu.memory_space<vmem>>, vector<16xf32>,
    %swap3A_27 = arith.constant 0 : index
    %swap3A_28 = tpu.vector_load %arg14[%swap3A_27] {strides = array<i32>} : memref<320xf32, #tpu.memory_space<vmem>>, vector<16xf32>,
    tpu.vector_store %arg14[%swap3A_27], %gather3A_22 {strides = array<i32>} : memref<320xf32, #tpu.memory_space<vmem>>, vector<16xf32>,
    %swap3A_29 = arith.constant 0 : index
    %swap3A_30 = tpu.vector_load %arg15[%swap3A_29] {strides = array<i32>} : memref<320xf32, #tpu.memory_space<vmem>>, vector<16xf32>,
    tpu.vector_store %arg15[%swap3A_29], %gather3A_23 {strides = array<i32>} : memref<320xf32, #tpu.memory_space<vmem>>, vector<16xf32>,
    %swap3A_31 = arith.constant 0 : index
    %swap3A_32 = tpu.vector_load %arg16[%swap3A_31] {strides = array<i32>} : memref<320xf32, #tpu.memory_space<vmem>>, vector<16xf32>,
    tpu.vector_store %arg16[%swap3A_31], %gather3A_24 {strides = array<i32>} : memref<320xf32, #tpu.memory_space<vmem>>, vector<16xf32>,
    %sub3A = arith.subf %gather3A_23, %gather3A : vector<16xf32>
    %sub3A_33 = arith.subf %gather3A_24, %gather3A_22 : vector<16xf32>
    %mul3A_34 = arith.mulf %sub3A, %sub3A_33 : vector<16xf32>
    %swap3A_35 = arith.constant 0 : index
    %swap3A_36 = tpu.vector_load %arg17[%swap3A_35] {strides = array<i32>} : memref<320xf32, #tpu.memory_space<vmem>>, vector<16xf32>,
    tpu.vector_store %arg17[%swap3A_35], %mul3A_34 {strides = array<i32>} : memref<320xf32, #tpu.memory_space<vmem>>, vector<16xf32>,
    %swap3A_37 = arith.constant 0 : index
    %swap3A_38 = tpu.vector_load %arg19[%swap3A_37] {strides = array<i32>} : memref<320xf32, #tpu.memory_space<vmem>>, vector<16xf32>,
    tpu.vector_store %arg19[%swap3A_37], %convert_element_type3A_21 {strides = array<i32>} : memref<320xf32, #tpu.memory_space<vmem>>, vector<16xf32>,
    %mul3A_39 = arith.constant 2.000000e-04 : f32
    %mul3A_40 = vector.broadcast %mul3A_39 : f32 to vector<16xf32>
    %mul3A_41 = arith.mulf %convert_element_type3A_21, %mul3A_40 : vector<16xf32>
    %sub3A_42 = arith.constant -4.000000e+00 : f32
    %sub3A_43 = vector.broadcast %sub3A_42 : f32 to vector<16xf32>
    %sub3A_44 = arith.subf %sub3A_43, %mul3A_41 : vector<16xf32>
    %gt3A = arith.constant 5.000000e-02 : f32
    %gt3A_45 = vector.broadcast %gt3A : f32 to vector<16xf32>
    %gt3A_46 = arith.cmpf ogt, %gather3A_25, %gt3A_45 : vector<16xf32>
    %select_n3A = arith.select %gt3A_46, %gather3A_25, %sub3A_44 : vector<16xi1>, vector<16xf32>
    %lt3A = arith.constant -1.000000e+29 : f32
    %lt3A_47 = vector.broadcast %lt3A : f32 to vector<16xf32>
    %lt3A_48 = arith.cmpf olt, %gather3A_25, %lt3A_47 : vector<16xf32>
    %select_n3A_49 = arith.select %lt3A_48, %broadcast_in_dim3A_5, %select_n3A : vector<16xi1>, vector<16xf32>
    %swap3A_50 = arith.constant 0 : index
    %swap3A_51 = tpu.vector_load %arg18[%swap3A_50] {strides = array<i32>} : memref<320xf32, #tpu.memory_space<vmem>>, vector<16xf32>,
    tpu.vector_store %arg18[%swap3A_50], %select_n3A_49 {strides = array<i32>} : memref<320xf32, #tpu.memory_space<vmem>>, vector<16xf32>,
    %gt3A_52 = arith.cmpf ogt, %select_n3A_49, %broadcast_in_dim3A_7 : vector<16xf32>
    %gt3A_53 = arith.cmpf ogt, %select_n3A_49, %broadcast_in_dim3A_11 : vector<16xf32>
    %select_n3A_54 = arith.select %gt3A_53, %select_n3A_49, %broadcast_in_dim3A_11 : vector<16xi1>, vector<16xf32>
    %select_n3A_55 = arith.select %gt3A_52, %broadcast_in_dim3A_7, %select_n3A_54 : vector<16xi1>, vector<16xf32>
    %select_n3A_56 = arith.select %gt3A_53, %convert_element_type3A_21, %broadcast_in_dim3A_13 : vector<16xi1>, vector<16xf32>
    %select_n3A_57 = arith.select %gt3A_52, %broadcast_in_dim3A_9, %select_n3A_56 : vector<16xi1>, vector<16xf32>
    %select_n3A_58 = arith.select %gt3A_52, %select_n3A_49, %broadcast_in_dim3A_7 : vector<16xi1>, vector<16xf32>
    %select_n3A_59 = arith.select %gt3A_52, %convert_element_type3A_21, %broadcast_in_dim3A_9 : vector<16xi1>, vector<16xf32>
    %mul3A_60 = arith.constant 20 : i32
    %mul3A_61 = vector.broadcast %mul3A_60 : i32 to vector<16xi32>
    %mul3A_62 = arith.muli %iota3A, %mul3A_61 : vector<16xi32>
    %add3A_63 = vector.broadcast %mul3A_0 : i32 to vector<16xi32>
    %add3A_64 = arith.addi %add3A_63, %mul3A_62 : vector<16xi32>
    %add3A_65 = arith.constant 1 : i32
    %add3A_66 = vector.broadcast %add3A_65 : i32 to vector<16xi32>
    %add3A_67 = arith.addi %add3A_64, %add3A_66 : vector<16xi32>
    %convert_element_type3A_68 = arith.sitofp %add3A_67 : vector<16xi32> to vector<16xf32>
    %gather3A_69 = tpu.vector_load_idx %arg8[%add3A_67] : memref<5120xf32, #tpu.memory_space<vmem>>[vector<16xi32>], vector<16xf32>,
    %gather3A_70 = tpu.vector_load_idx %arg9[%add3A_67] : memref<5120xf32, #tpu.memory_space<vmem>>[vector<16xi32>], vector<16xf32>,
    %gather3A_71 = tpu.vector_load_idx %arg10[%add3A_67] : memref<5120xf32, #tpu.memory_space<vmem>>[vector<16xi32>], vector<16xf32>,
    %gather3A_72 = tpu.vector_load_idx %arg11[%add3A_67] : memref<5120xf32, #tpu.memory_space<vmem>>[vector<16xi32>], vector<16xf32>,
    %gather3A_73 = tpu.vector_load_idx %arg12[%add3A_67] : memref<5120xf32, #tpu.memory_space<vmem>>[vector<16xi32>], vector<16xf32>,
    %swap3A_74 = arith.constant 16 : index
    %swap3A_75 = tpu.vector_load %arg13[%swap3A_74] {strides = array<i32>} : memref<320xf32, #tpu.memory_space<vmem>>, vector<16xf32>,
    tpu.vector_store %arg13[%swap3A_74], %gather3A_69 {strides = array<i32>} : memref<320xf32, #tpu.memory_space<vmem>>, vector<16xf32>,
    %swap3A_76 = arith.constant 16 : index
    %swap3A_77 = tpu.vector_load %arg14[%swap3A_76] {strides = array<i32>} : memref<320xf32, #tpu.memory_space<vmem>>, vector<16xf32>,
    tpu.vector_store %arg14[%swap3A_76], %gather3A_70 {strides = array<i32>} : memref<320xf32, #tpu.memory_space<vmem>>, vector<16xf32>,
    %swap3A_78 = arith.constant 16 : index
    %swap3A_79 = tpu.vector_load %arg15[%swap3A_78] {strides = array<i32>} : memref<320xf32, #tpu.memory_space<vmem>>, vector<16xf32>,
    tpu.vector_store %arg15[%swap3A_78], %gather3A_71 {strides = array<i32>} : memref<320xf32, #tpu.memory_space<vmem>>, vector<16xf32>,
    %swap3A_80 = arith.constant 16 : index
    %swap3A_81 = tpu.vector_load %arg16[%swap3A_80] {strides = array<i32>} : memref<320xf32, #tpu.memory_space<vmem>>, vector<16xf32>,
    tpu.vector_store %arg16[%swap3A_80], %gather3A_72 {strides = array<i32>} : memref<320xf32, #tpu.memory_space<vmem>>, vector<16xf32>,
    %sub3A_82 = arith.subf %gather3A_71, %gather3A_69 : vector<16xf32>
    %sub3A_83 = arith.subf %gather3A_72, %gather3A_70 : vector<16xf32>
    %mul3A_84 = arith.mulf %sub3A_82, %sub3A_83 : vector<16xf32>
    %swap3A_85 = arith.constant 16 : index
    %swap3A_86 = tpu.vector_load %arg17[%swap3A_85] {strides = array<i32>} : memref<320xf32, #tpu.memory_space<vmem>>, vector<16xf32>,
    tpu.vector_store %arg17[%swap3A_85], %mul3A_84 {strides = array<i32>} : memref<320xf32, #tpu.memory_space<vmem>>, vector<16xf32>,
    %swap3A_87 = arith.constant 16 : index
    %swap3A_88 = tpu.vector_load %arg19[%swap3A_87] {strides = array<i32>} : memref<320xf32, #tpu.memory_space<vmem>>, vector<16xf32>,
    tpu.vector_store %arg19[%swap3A_87], %convert_element_type3A_68 {strides = array<i32>} : memref<320xf32, #tpu.memory_space<vmem>>, vector<16xf32>,
    %mul3A_89 = arith.constant 2.000000e-04 : f32
    %mul3A_90 = vector.broadcast %mul3A_89 : f32 to vector<16xf32>
    %mul3A_91 = arith.mulf %convert_element_type3A_68, %mul3A_90 : vector<16xf32>
    %sub3A_92 = arith.constant -4.000000e+00 : f32
    %sub3A_93 = vector.broadcast %sub3A_92 : f32 to vector<16xf32>
    %sub3A_94 = arith.subf %sub3A_93, %mul3A_91 : vector<16xf32>
    %gt3A_95 = arith.constant 5.000000e-02 : f32
    %gt3A_96 = vector.broadcast %gt3A_95 : f32 to vector<16xf32>
    %gt3A_97 = arith.cmpf ogt, %gather3A_73, %gt3A_96 : vector<16xf32>
    %select_n3A_98 = arith.select %gt3A_97, %gather3A_73, %sub3A_94 : vector<16xi1>, vector<16xf32>
    %lt3A_99 = arith.constant -1.000000e+29 : f32
    %lt3A_100 = vector.broadcast %lt3A_99 : f32 to vector<16xf32>
    %lt3A_101 = arith.cmpf olt, %gather3A_73, %lt3A_100 : vector<16xf32>
    %select_n3A_102 = arith.select %lt3A_101, %broadcast_in_dim3A_5, %select_n3A_98 : vector<16xi1>, vector<16xf32>
    %swap3A_103 = arith.constant 16 : index
    %swap3A_104 = tpu.vector_load %arg18[%swap3A_103] {strides = array<i32>} : memref<320xf32, #tpu.memory_space<vmem>>, vector<16xf32>,
    tpu.vector_store %arg18[%swap3A_103], %select_n3A_102 {strides = array<i32>} : memref<320xf32, #tpu.memory_space<vmem>>, vector<16xf32>,
    %gt3A_105 = arith.cmpf ogt, %select_n3A_102, %select_n3A_58 : vector<16xf32>
    %gt3A_106 = arith.cmpf ogt, %select_n3A_102, %select_n3A_55 : vector<16xf32>
    %select_n3A_107 = arith.select %gt3A_106, %select_n3A_102, %select_n3A_55 : vector<16xi1>, vector<16xf32>
    %select_n3A_108 = arith.select %gt3A_105, %select_n3A_58, %select_n3A_107 : vector<16xi1>, vector<16xf32>
    %select_n3A_109 = arith.select %gt3A_106, %convert_element_type3A_68, %select_n3A_57 : vector<16xi1>, vector<16xf32>
    %select_n3A_110 = arith.select %gt3A_105, %select_n3A_59, %select_n3A_109 : vector<16xi1>, vector<16xf32>
    %select_n3A_111 = arith.select %gt3A_105, %select_n3A_102, %select_n3A_58 : vector<16xi1>, vector<16xf32>
    %select_n3A_112 = arith.select %gt3A_105, %convert_element_type3A_68, %select_n3A_59 : vector<16xi1>, vector<16xf32>
    %mul3A_113 = arith.constant 20 : i32
    %mul3A_114 = vector.broadcast %mul3A_113 : i32 to vector<16xi32>
    %mul3A_115 = arith.muli %iota3A, %mul3A_114 : vector<16xi32>
    %add3A_116 = vector.broadcast %mul3A_0 : i32 to vector<16xi32>
    %add3A_117 = arith.addi %add3A_116, %mul3A_115 : vector<16xi32>
    %add3A_118 = arith.constant 2 : i32
    %add3A_119 = vector.broadcast %add3A_118 : i32 to vector<16xi32>
    %add3A_120 = arith.addi %add3A_117, %add3A_119 : vector<16xi32>
    %convert_element_type3A_121 = arith.sitofp %add3A_120 : vector<16xi32> to vector<16xf32>
    %gather3A_122 = tpu.vector_load_idx %arg8[%add3A_120] : memref<5120xf32, #tpu.memory_space<vmem>>[vector<16xi32>], vector<16xf32>,
    %gather3A_123 = tpu.vector_load_idx %arg9[%add3A_120] : memref<5120xf32, #tpu.memory_space<vmem>>[vector<16xi32>], vector<16xf32>,
    %gather3A_124 = tpu.vector_load_idx %arg10[%add3A_120] : memref<5120xf32, #tpu.memory_space<vmem>>[vector<16xi32>], vector<16xf32>,
    %gather3A_125 = tpu.vector_load_idx %arg11[%add3A_120] : memref<5120xf32, #tpu.memory_space<vmem>>[vector<16xi32>], vector<16xf32>,
    %gather3A_126 = tpu.vector_load_idx %arg12[%add3A_120] : memref<5120xf32, #tpu.memory_space<vmem>>[vector<16xi32>], vector<16xf32>,
    %swap3A_127 = arith.constant 32 : index
    %swap3A_128 = tpu.vector_load %arg13[%swap3A_127] {strides = array<i32>} : memref<320xf32, #tpu.memory_space<vmem>>, vector<16xf32>,
    tpu.vector_store %arg13[%swap3A_127], %gather3A_122 {strides = array<i32>} : memref<320xf32, #tpu.memory_space<vmem>>, vector<16xf32>,
    %swap3A_129 = arith.constant 32 : index
    %swap3A_130 = tpu.vector_load %arg14[%swap3A_129] {strides = array<i32>} : memref<320xf32, #tpu.memory_space<vmem>>, vector<16xf32>,
    tpu.vector_store %arg14[%swap3A_129], %gather3A_123 {strides = array<i32>} : memref<320xf32, #tpu.memory_space<vmem>>, vector<16xf32>,
    %swap3A_131 = arith.constant 32 : index
    %swap3A_132 = tpu.vector_load %arg15[%swap3A_131] {strides = array<i32>} : memref<320xf32, #tpu.memory_space<vmem>>, vector<16xf32>,
    tpu.vector_store %arg15[%swap3A_131], %gather3A_124 {strides = array<i32>} : memref<320xf32, #tpu.memory_space<vmem>>, vector<16xf32>,
    %swap3A_133 = arith.constant 32 : index
    %swap3A_134 = tpu.vector_load %arg16[%swap3A_133] {strides = array<i32>} : memref<320xf32, #tpu.memory_space<vmem>>, vector<16xf32>,
    tpu.vector_store %arg16[%swap3A_133], %gather3A_125 {strides = array<i32>} : memref<320xf32, #tpu.memory_space<vmem>>, vector<16xf32>,
    %sub3A_135 = arith.subf %gather3A_124, %gather3A_122 : vector<16xf32>
    %sub3A_136 = arith.subf %gather3A_125, %gather3A_123 : vector<16xf32>
    %mul3A_137 = arith.mulf %sub3A_135, %sub3A_136 : vector<16xf32>
    %swap3A_138 = arith.constant 32 : index
    %swap3A_139 = tpu.vector_load %arg17[%swap3A_138] {strides = array<i32>} : memref<320xf32, #tpu.memory_space<vmem>>, vector<16xf32>,
    tpu.vector_store %arg17[%swap3A_138], %mul3A_137 {strides = array<i32>} : memref<320xf32, #tpu.memory_space<vmem>>, vector<16xf32>,
    %swap3A_140 = arith.constant 32 : index
    %swap3A_141 = tpu.vector_load %arg19[%swap3A_140] {strides = array<i32>} : memref<320xf32, #tpu.memory_space<vmem>>, vector<16xf32>,
    tpu.vector_store %arg19[%swap3A_140], %convert_element_type3A_121 {strides = array<i32>} : memref<320xf32, #tpu.memory_space<vmem>>, vector<16xf32>,
    %mul3A_142 = arith.constant 2.000000e-04 : f32
    %mul3A_143 = vector.broadcast %mul3A_142 : f32 to vector<16xf32>
    %mul3A_144 = arith.mulf %convert_element_type3A_121, %mul3A_143 : vector<16xf32>
    %sub3A_145 = arith.constant -4.000000e+00 : f32
    %sub3A_146 = vector.broadcast %sub3A_145 : f32 to vector<16xf32>
    %sub3A_147 = arith.subf %sub3A_146, %mul3A_144 : vector<16xf32>
    %gt3A_148 = arith.constant 5.000000e-02 : f32
    %gt3A_149 = vector.broadcast %gt3A_148 : f32 to vector<16xf32>
    %gt3A_150 = arith.cmpf ogt, %gather3A_126, %gt3A_149 : vector<16xf32>
    %select_n3A_151 = arith.select %gt3A_150, %gather3A_126, %sub3A_147 : vector<16xi1>, vector<16xf32>
    %lt3A_152 = arith.constant -1.000000e+29 : f32
    %lt3A_153 = vector.broadcast %lt3A_152 : f32 to vector<16xf32>
    %lt3A_154 = arith.cmpf olt, %gather3A_126, %lt3A_153 : vector<16xf32>
    %select_n3A_155 = arith.select %lt3A_154, %broadcast_in_dim3A_5, %select_n3A_151 : vector<16xi1>, vector<16xf32>
    %swap3A_156 = arith.constant 32 : index
    %swap3A_157 = tpu.vector_load %arg18[%swap3A_156] {strides = array<i32>} : memref<320xf32, #tpu.memory_space<vmem>>, vector<16xf32>,
    tpu.vector_store %arg18[%swap3A_156], %select_n3A_155 {strides = array<i32>} : memref<320xf32, #tpu.memory_space<vmem>>, vector<16xf32>,
    %gt3A_158 = arith.cmpf ogt, %select_n3A_155, %select_n3A_111 : vector<16xf32>
    %gt3A_159 = arith.cmpf ogt, %select_n3A_155, %select_n3A_108 : vector<16xf32>
    %select_n3A_160 = arith.select %gt3A_159, %select_n3A_155, %select_n3A_108 : vector<16xi1>, vector<16xf32>
    %select_n3A_161 = arith.select %gt3A_158, %select_n3A_111, %select_n3A_160 : vector<16xi1>, vector<16xf32>
    %select_n3A_162 = arith.select %gt3A_159, %convert_element_type3A_121, %select_n3A_110 : vector<16xi1>, vector<16xf32>
    %select_n3A_163 = arith.select %gt3A_158, %select_n3A_112, %select_n3A_162 : vector<16xi1>, vector<16xf32>
    %select_n3A_164 = arith.select %gt3A_158, %select_n3A_155, %select_n3A_111 : vector<16xi1>, vector<16xf32>
    %select_n3A_165 = arith.select %gt3A_158, %convert_element_type3A_121, %select_n3A_112 : vector<16xi1>, vector<16xf32>
    %mul3A_166 = arith.constant 20 : i32
    %mul3A_167 = vector.broadcast %mul3A_166 : i32 to vector<16xi32>
    %mul3A_168 = arith.muli %iota3A, %mul3A_167 : vector<16xi32>
    %add3A_169 = vector.broadcast %mul3A_0 : i32 to vector<16xi32>
    %add3A_170 = arith.addi %add3A_169, %mul3A_168 : vector<16xi32>
    %add3A_171 = arith.constant 3 : i32
    %add3A_172 = vector.broadcast %add3A_171 : i32 to vector<16xi32>
    %add3A_173 = arith.addi %add3A_170, %add3A_172 : vector<16xi32>
    %convert_element_type3A_174 = arith.sitofp %add3A_173 : vector<16xi32> to vector<16xf32>
    %gather3A_175 = tpu.vector_load_idx %arg8[%add3A_173] : memref<5120xf32, #tpu.memory_space<vmem>>[vector<16xi32>], vector<16xf32>,
    %gather3A_176 = tpu.vector_load_idx %arg9[%add3A_173] : memref<5120xf32, #tpu.memory_space<vmem>>[vector<16xi32>], vector<16xf32>,
    %gather3A_177 = tpu.vector_load_idx %arg10[%add3A_173] : memref<5120xf32, #tpu.memory_space<vmem>>[vector<16xi32>], vector<16xf32>,
    %gather3A_178 = tpu.vector_load_idx %arg11[%add3A_173] : memref<5120xf32, #tpu.memory_space<vmem>>[vector<16xi32>], vector<16xf32>,
    %gather3A_179 = tpu.vector_load_idx %arg12[%add3A_173] : memref<5120xf32, #tpu.memory_space<vmem>>[vector<16xi32>], vector<16xf32>,
    %swap3A_180 = arith.constant 48 : index
    %swap3A_181 = tpu.vector_load %arg13[%swap3A_180] {strides = array<i32>} : memref<320xf32, #tpu.memory_space<vmem>>, vector<16xf32>,
    tpu.vector_store %arg13[%swap3A_180], %gather3A_175 {strides = array<i32>} : memref<320xf32, #tpu.memory_space<vmem>>, vector<16xf32>,
    %swap3A_182 = arith.constant 48 : index
    %swap3A_183 = tpu.vector_load %arg14[%swap3A_182] {strides = array<i32>} : memref<320xf32, #tpu.memory_space<vmem>>, vector<16xf32>,
    tpu.vector_store %arg14[%swap3A_182], %gather3A_176 {strides = array<i32>} : memref<320xf32, #tpu.memory_space<vmem>>, vector<16xf32>,
    %swap3A_184 = arith.constant 48 : index
    %swap3A_185 = tpu.vector_load %arg15[%swap3A_184] {strides = array<i32>} : memref<320xf32, #tpu.memory_space<vmem>>, vector<16xf32>,
    tpu.vector_store %arg15[%swap3A_184], %gather3A_177 {strides = array<i32>} : memref<320xf32, #tpu.memory_space<vmem>>, vector<16xf32>,
    %swap3A_186 = arith.constant 48 : index
    %swap3A_187 = tpu.vector_load %arg16[%swap3A_186] {strides = array<i32>} : memref<320xf32, #tpu.memory_space<vmem>>, vector<16xf32>,
    tpu.vector_store %arg16[%swap3A_186], %gather3A_178 {strides = array<i32>} : memref<320xf32, #tpu.memory_space<vmem>>, vector<16xf32>,
    %sub3A_188 = arith.subf %gather3A_177, %gather3A_175 : vector<16xf32>
    %sub3A_189 = arith.subf %gather3A_178, %gather3A_176 : vector<16xf32>
    %mul3A_190 = arith.mulf %sub3A_188, %sub3A_189 : vector<16xf32>
    %swap3A_191 = arith.constant 48 : index
    %swap3A_192 = tpu.vector_load %arg17[%swap3A_191] {strides = array<i32>} : memref<320xf32, #tpu.memory_space<vmem>>, vector<16xf32>,
    tpu.vector_store %arg17[%swap3A_191], %mul3A_190 {strides = array<i32>} : memref<320xf32, #tpu.memory_space<vmem>>, vector<16xf32>,
    %swap3A_193 = arith.constant 48 : index
    %swap3A_194 = tpu.vector_load %arg19[%swap3A_193] {strides = array<i32>} : memref<320xf32, #tpu.memory_space<vmem>>, vector<16xf32>,
    tpu.vector_store %arg19[%swap3A_193], %convert_element_type3A_174 {strides = array<i32>} : memref<320xf32, #tpu.memory_space<vmem>>, vector<16xf32>,
    %mul3A_195 = arith.constant 2.000000e-04 : f32
    %mul3A_196 = vector.broadcast %mul3A_195 : f32 to vector<16xf32>
    %mul3A_197 = arith.mulf %convert_element_type3A_174, %mul3A_196 : vector<16xf32>
    %sub3A_198 = arith.constant -4.000000e+00 : f32
    %sub3A_199 = vector.broadcast %sub3A_198 : f32 to vector<16xf32>
    %sub3A_200 = arith.subf %sub3A_199, %mul3A_197 : vector<16xf32>
    %gt3A_201 = arith.constant 5.000000e-02 : f32
    %gt3A_202 = vector.broadcast %gt3A_201 : f32 to vector<16xf32>
    %gt3A_203 = arith.cmpf ogt, %gather3A_179, %gt3A_202 : vector<16xf32>
    %select_n3A_204 = arith.select %gt3A_203, %gather3A_179, %sub3A_200 : vector<16xi1>, vector<16xf32>
    %lt3A_205 = arith.constant -1.000000e+29 : f32
    %lt3A_206 = vector.broadcast %lt3A_205 : f32 to vector<16xf32>
    %lt3A_207 = arith.cmpf olt, %gather3A_179, %lt3A_206 : vector<16xf32>
    %select_n3A_208 = arith.select %lt3A_207, %broadcast_in_dim3A_5, %select_n3A_204 : vector<16xi1>, vector<16xf32>
    %swap3A_209 = arith.constant 48 : index
    %swap3A_210 = tpu.vector_load %arg18[%swap3A_209] {strides = array<i32>} : memref<320xf32, #tpu.memory_space<vmem>>, vector<16xf32>,
    tpu.vector_store %arg18[%swap3A_209], %select_n3A_208 {strides = array<i32>} : memref<320xf32, #tpu.memory_space<vmem>>, vector<16xf32>,
    %gt3A_211 = arith.cmpf ogt, %select_n3A_208, %select_n3A_164 : vector<16xf32>
    %gt3A_212 = arith.cmpf ogt, %select_n3A_208, %select_n3A_161 : vector<16xf32>
    %select_n3A_213 = arith.select %gt3A_212, %select_n3A_208, %select_n3A_161 : vector<16xi1>, vector<16xf32>
    %select_n3A_214 = arith.select %gt3A_211, %select_n3A_164, %select_n3A_213 : vector<16xi1>, vector<16xf32>
    %select_n3A_215 = arith.select %gt3A_212, %convert_element_type3A_174, %select_n3A_163 : vector<16xi1>, vector<16xf32>
    %select_n3A_216 = arith.select %gt3A_211, %select_n3A_165, %select_n3A_215 : vector<16xi1>, vector<16xf32>
    %select_n3A_217 = arith.select %gt3A_211, %select_n3A_208, %select_n3A_164 : vector<16xi1>, vector<16xf32>
    %select_n3A_218 = arith.select %gt3A_211, %convert_element_type3A_174, %select_n3A_165 : vector<16xi1>, vector<16xf32>
    %mul3A_219 = arith.constant 20 : i32
    %mul3A_220 = vector.broadcast %mul3A_219 : i32 to vector<16xi32>
    %mul3A_221 = arith.muli %iota3A, %mul3A_220 : vector<16xi32>
    %add3A_222 = vector.broadcast %mul3A_0 : i32 to vector<16xi32>
    %add3A_223 = arith.addi %add3A_222, %mul3A_221 : vector<16xi32>
    %add3A_224 = arith.constant 4 : i32
    %add3A_225 = vector.broadcast %add3A_224 : i32 to vector<16xi32>
    %add3A_226 = arith.addi %add3A_223, %add3A_225 : vector<16xi32>
    %convert_element_type3A_227 = arith.sitofp %add3A_226 : vector<16xi32> to vector<16xf32>
    %gather3A_228 = tpu.vector_load_idx %arg8[%add3A_226] : memref<5120xf32, #tpu.memory_space<vmem>>[vector<16xi32>], vector<16xf32>,
    %gather3A_229 = tpu.vector_load_idx %arg9[%add3A_226] : memref<5120xf32, #tpu.memory_space<vmem>>[vector<16xi32>], vector<16xf32>,
    %gather3A_230 = tpu.vector_load_idx %arg10[%add3A_226] : memref<5120xf32, #tpu.memory_space<vmem>>[vector<16xi32>], vector<16xf32>,
    %gather3A_231 = tpu.vector_load_idx %arg11[%add3A_226] : memref<5120xf32, #tpu.memory_space<vmem>>[vector<16xi32>], vector<16xf32>,
    %gather3A_232 = tpu.vector_load_idx %arg12[%add3A_226] : memref<5120xf32, #tpu.memory_space<vmem>>[vector<16xi32>], vector<16xf32>,
    %swap3A_233 = arith.constant 64 : index
    %swap3A_234 = tpu.vector_load %arg13[%swap3A_233] {strides = array<i32>} : memref<320xf32, #tpu.memory_space<vmem>>, vector<16xf32>,
    tpu.vector_store %arg13[%swap3A_233], %gather3A_228 {strides = array<i32>} : memref<320xf32, #tpu.memory_space<vmem>>, vector<16xf32>,
    %swap3A_235 = arith.constant 64 : index
    %swap3A_236 = tpu.vector_load %arg14[%swap3A_235] {strides = array<i32>} : memref<320xf32, #tpu.memory_space<vmem>>, vector<16xf32>,
    tpu.vector_store %arg14[%swap3A_235], %gather3A_229 {strides = array<i32>} : memref<320xf32, #tpu.memory_space<vmem>>, vector<16xf32>,
    %swap3A_237 = arith.constant 64 : index
    %swap3A_238 = tpu.vector_load %arg15[%swap3A_237] {strides = array<i32>} : memref<320xf32, #tpu.memory_space<vmem>>, vector<16xf32>,
    tpu.vector_store %arg15[%swap3A_237], %gather3A_230 {strides = array<i32>} : memref<320xf32, #tpu.memory_space<vmem>>, vector<16xf32>,
    %swap3A_239 = arith.constant 64 : index
    %swap3A_240 = tpu.vector_load %arg16[%swap3A_239] {strides = array<i32>} : memref<320xf32, #tpu.memory_space<vmem>>, vector<16xf32>,
    tpu.vector_store %arg16[%swap3A_239], %gather3A_231 {strides = array<i32>} : memref<320xf32, #tpu.memory_space<vmem>>, vector<16xf32>,
    %sub3A_241 = arith.subf %gather3A_230, %gather3A_228 : vector<16xf32>
    %sub3A_242 = arith.subf %gather3A_231, %gather3A_229 : vector<16xf32>
    %mul3A_243 = arith.mulf %sub3A_241, %sub3A_242 : vector<16xf32>
    %swap3A_244 = arith.constant 64 : index
    %swap3A_245 = tpu.vector_load %arg17[%swap3A_244] {strides = array<i32>} : memref<320xf32, #tpu.memory_space<vmem>>, vector<16xf32>,
    tpu.vector_store %arg17[%swap3A_244], %mul3A_243 {strides = array<i32>} : memref<320xf32, #tpu.memory_space<vmem>>, vector<16xf32>,
    %swap3A_246 = arith.constant 64 : index
    %swap3A_247 = tpu.vector_load %arg19[%swap3A_246] {strides = array<i32>} : memref<320xf32, #tpu.memory_space<vmem>>, vector<16xf32>,
    tpu.vector_store %arg19[%swap3A_246], %convert_element_type3A_227 {strides = array<i32>} : memref<320xf32, #tpu.memory_space<vmem>>, vector<16xf32>,
    %mul3A_248 = arith.constant 2.000000e-04 : f32
    %mul3A_249 = vector.broadcast %mul3A_248 : f32 to vector<16xf32>
    %mul3A_250 = arith.mulf %convert_element_type3A_227, %mul3A_249 : vector<16xf32>
    %sub3A_251 = arith.constant -4.000000e+00 : f32
    %sub3A_252 = vector.broadcast %sub3A_251 : f32 to vector<16xf32>
    %sub3A_253 = arith.subf %sub3A_252, %mul3A_250 : vector<16xf32>
    %gt3A_254 = arith.constant 5.000000e-02 : f32
    %gt3A_255 = vector.broadcast %gt3A_254 : f32 to vector<16xf32>
    %gt3A_256 = arith.cmpf ogt, %gather3A_232, %gt3A_255 : vector<16xf32>
    %select_n3A_257 = arith.select %gt3A_256, %gather3A_232, %sub3A_253 : vector<16xi1>, vector<16xf32>
    %lt3A_258 = arith.constant -1.000000e+29 : f32
    %lt3A_259 = vector.broadcast %lt3A_258 : f32 to vector<16xf32>
    %lt3A_260 = arith.cmpf olt, %gather3A_232, %lt3A_259 : vector<16xf32>
    %select_n3A_261 = arith.select %lt3A_260, %broadcast_in_dim3A_5, %select_n3A_257 : vector<16xi1>, vector<16xf32>
    %swap3A_262 = arith.constant 64 : index
    %swap3A_263 = tpu.vector_load %arg18[%swap3A_262] {strides = array<i32>} : memref<320xf32, #tpu.memory_space<vmem>>, vector<16xf32>,
    tpu.vector_store %arg18[%swap3A_262], %select_n3A_261 {strides = array<i32>} : memref<320xf32, #tpu.memory_space<vmem>>, vector<16xf32>,
    %gt3A_264 = arith.cmpf ogt, %select_n3A_261, %select_n3A_217 : vector<16xf32>
    %gt3A_265 = arith.cmpf ogt, %select_n3A_261, %select_n3A_214 : vector<16xf32>
    %select_n3A_266 = arith.select %gt3A_265, %select_n3A_261, %select_n3A_214 : vector<16xi1>, vector<16xf32>
    %select_n3A_267 = arith.select %gt3A_264, %select_n3A_217, %select_n3A_266 : vector<16xi1>, vector<16xf32>
    %select_n3A_268 = arith.select %gt3A_265, %convert_element_type3A_227, %select_n3A_216 : vector<16xi1>, vector<16xf32>
    %select_n3A_269 = arith.select %gt3A_264, %select_n3A_218, %select_n3A_268 : vector<16xi1>, vector<16xf32>
    %select_n3A_270 = arith.select %gt3A_264, %select_n3A_261, %select_n3A_217 : vector<16xi1>, vector<16xf32>
    %select_n3A_271 = arith.select %gt3A_264, %convert_element_type3A_227, %select_n3A_218 : vector<16xi1>, vector<16xf32>
    %mul3A_272 = arith.constant 20 : i32
    %mul3A_273 = vector.broadcast %mul3A_272 : i32 to vector<16xi32>
    %mul3A_274 = arith.muli %iota3A, %mul3A_273 : vector<16xi32>
    %add3A_275 = vector.broadcast %mul3A_0 : i32 to vector<16xi32>
    %add3A_276 = arith.addi %add3A_275, %mul3A_274 : vector<16xi32>
    %add3A_277 = arith.constant 5 : i32
    %add3A_278 = vector.broadcast %add3A_277 : i32 to vector<16xi32>
    %add3A_279 = arith.addi %add3A_276, %add3A_278 : vector<16xi32>
    %convert_element_type3A_280 = arith.sitofp %add3A_279 : vector<16xi32> to vector<16xf32>
    %gather3A_281 = tpu.vector_load_idx %arg8[%add3A_279] : memref<5120xf32, #tpu.memory_space<vmem>>[vector<16xi32>], vector<16xf32>,
    %gather3A_282 = tpu.vector_load_idx %arg9[%add3A_279] : memref<5120xf32, #tpu.memory_space<vmem>>[vector<16xi32>], vector<16xf32>,
    %gather3A_283 = tpu.vector_load_idx %arg10[%add3A_279] : memref<5120xf32, #tpu.memory_space<vmem>>[vector<16xi32>], vector<16xf32>,
    %gather3A_284 = tpu.vector_load_idx %arg11[%add3A_279] : memref<5120xf32, #tpu.memory_space<vmem>>[vector<16xi32>], vector<16xf32>,
    %gather3A_285 = tpu.vector_load_idx %arg12[%add3A_279] : memref<5120xf32, #tpu.memory_space<vmem>>[vector<16xi32>], vector<16xf32>,
    %swap3A_286 = arith.constant 80 : index
    %swap3A_287 = tpu.vector_load %arg13[%swap3A_286] {strides = array<i32>} : memref<320xf32, #tpu.memory_space<vmem>>, vector<16xf32>,
    tpu.vector_store %arg13[%swap3A_286], %gather3A_281 {strides = array<i32>} : memref<320xf32, #tpu.memory_space<vmem>>, vector<16xf32>,
    %swap3A_288 = arith.constant 80 : index
    %swap3A_289 = tpu.vector_load %arg14[%swap3A_288] {strides = array<i32>} : memref<320xf32, #tpu.memory_space<vmem>>, vector<16xf32>,
    tpu.vector_store %arg14[%swap3A_288], %gather3A_282 {strides = array<i32>} : memref<320xf32, #tpu.memory_space<vmem>>, vector<16xf32>,
    %swap3A_290 = arith.constant 80 : index
    %swap3A_291 = tpu.vector_load %arg15[%swap3A_290] {strides = array<i32>} : memref<320xf32, #tpu.memory_space<vmem>>, vector<16xf32>,
    tpu.vector_store %arg15[%swap3A_290], %gather3A_283 {strides = array<i32>} : memref<320xf32, #tpu.memory_space<vmem>>, vector<16xf32>,
    %swap3A_292 = arith.constant 80 : index
    %swap3A_293 = tpu.vector_load %arg16[%swap3A_292] {strides = array<i32>} : memref<320xf32, #tpu.memory_space<vmem>>, vector<16xf32>,
    tpu.vector_store %arg16[%swap3A_292], %gather3A_284 {strides = array<i32>} : memref<320xf32, #tpu.memory_space<vmem>>, vector<16xf32>,
    %sub3A_294 = arith.subf %gather3A_283, %gather3A_281 : vector<16xf32>
    %sub3A_295 = arith.subf %gather3A_284, %gather3A_282 : vector<16xf32>
    %mul3A_296 = arith.mulf %sub3A_294, %sub3A_295 : vector<16xf32>
    %swap3A_297 = arith.constant 80 : index
    %swap3A_298 = tpu.vector_load %arg17[%swap3A_297] {strides = array<i32>} : memref<320xf32, #tpu.memory_space<vmem>>, vector<16xf32>,
    tpu.vector_store %arg17[%swap3A_297], %mul3A_296 {strides = array<i32>} : memref<320xf32, #tpu.memory_space<vmem>>, vector<16xf32>,
    %swap3A_299 = arith.constant 80 : index
    %swap3A_300 = tpu.vector_load %arg19[%swap3A_299] {strides = array<i32>} : memref<320xf32, #tpu.memory_space<vmem>>, vector<16xf32>,
    tpu.vector_store %arg19[%swap3A_299], %convert_element_type3A_280 {strides = array<i32>} : memref<320xf32, #tpu.memory_space<vmem>>, vector<16xf32>,
    %mul3A_301 = arith.constant 2.000000e-04 : f32
    %mul3A_302 = vector.broadcast %mul3A_301 : f32 to vector<16xf32>
    %mul3A_303 = arith.mulf %convert_element_type3A_280, %mul3A_302 : vector<16xf32>
    %sub3A_304 = arith.constant -4.000000e+00 : f32
    %sub3A_305 = vector.broadcast %sub3A_304 : f32 to vector<16xf32>
    %sub3A_306 = arith.subf %sub3A_305, %mul3A_303 : vector<16xf32>
    %gt3A_307 = arith.constant 5.000000e-02 : f32
    %gt3A_308 = vector.broadcast %gt3A_307 : f32 to vector<16xf32>
    %gt3A_309 = arith.cmpf ogt, %gather3A_285, %gt3A_308 : vector<16xf32>
    %select_n3A_310 = arith.select %gt3A_309, %gather3A_285, %sub3A_306 : vector<16xi1>, vector<16xf32>
    %lt3A_311 = arith.constant -1.000000e+29 : f32
    %lt3A_312 = vector.broadcast %lt3A_311 : f32 to vector<16xf32>
    %lt3A_313 = arith.cmpf olt, %gather3A_285, %lt3A_312 : vector<16xf32>
    %select_n3A_314 = arith.select %lt3A_313, %broadcast_in_dim3A_5, %select_n3A_310 : vector<16xi1>, vector<16xf32>
    %swap3A_315 = arith.constant 80 : index
    %swap3A_316 = tpu.vector_load %arg18[%swap3A_315] {strides = array<i32>} : memref<320xf32, #tpu.memory_space<vmem>>, vector<16xf32>,
    tpu.vector_store %arg18[%swap3A_315], %select_n3A_314 {strides = array<i32>} : memref<320xf32, #tpu.memory_space<vmem>>, vector<16xf32>,
    %gt3A_317 = arith.cmpf ogt, %select_n3A_314, %select_n3A_270 : vector<16xf32>
    %gt3A_318 = arith.cmpf ogt, %select_n3A_314, %select_n3A_267 : vector<16xf32>
    %select_n3A_319 = arith.select %gt3A_318, %select_n3A_314, %select_n3A_267 : vector<16xi1>, vector<16xf32>
    %select_n3A_320 = arith.select %gt3A_317, %select_n3A_270, %select_n3A_319 : vector<16xi1>, vector<16xf32>
    %select_n3A_321 = arith.select %gt3A_318, %convert_element_type3A_280, %select_n3A_269 : vector<16xi1>, vector<16xf32>
    %select_n3A_322 = arith.select %gt3A_317, %select_n3A_271, %select_n3A_321 : vector<16xi1>, vector<16xf32>
    %select_n3A_323 = arith.select %gt3A_317, %select_n3A_314, %select_n3A_270 : vector<16xi1>, vector<16xf32>
    %select_n3A_324 = arith.select %gt3A_317, %convert_element_type3A_280, %select_n3A_271 : vector<16xi1>, vector<16xf32>
    %mul3A_325 = arith.constant 20 : i32
    %mul3A_326 = vector.broadcast %mul3A_325 : i32 to vector<16xi32>
    %mul3A_327 = arith.muli %iota3A, %mul3A_326 : vector<16xi32>
    %add3A_328 = vector.broadcast %mul3A_0 : i32 to vector<16xi32>
    %add3A_329 = arith.addi %add3A_328, %mul3A_327 : vector<16xi32>
    %add3A_330 = arith.constant 6 : i32
    %add3A_331 = vector.broadcast %add3A_330 : i32 to vector<16xi32>
    %add3A_332 = arith.addi %add3A_329, %add3A_331 : vector<16xi32>
    %convert_element_type3A_333 = arith.sitofp %add3A_332 : vector<16xi32> to vector<16xf32>
    %gather3A_334 = tpu.vector_load_idx %arg8[%add3A_332] : memref<5120xf32, #tpu.memory_space<vmem>>[vector<16xi32>], vector<16xf32>,
    %gather3A_335 = tpu.vector_load_idx %arg9[%add3A_332] : memref<5120xf32, #tpu.memory_space<vmem>>[vector<16xi32>], vector<16xf32>,
    %gather3A_336 = tpu.vector_load_idx %arg10[%add3A_332] : memref<5120xf32, #tpu.memory_space<vmem>>[vector<16xi32>], vector<16xf32>,
    %gather3A_337 = tpu.vector_load_idx %arg11[%add3A_332] : memref<5120xf32, #tpu.memory_space<vmem>>[vector<16xi32>], vector<16xf32>,
    %gather3A_338 = tpu.vector_load_idx %arg12[%add3A_332] : memref<5120xf32, #tpu.memory_space<vmem>>[vector<16xi32>], vector<16xf32>,
    %swap3A_339 = arith.constant 96 : index
    %swap3A_340 = tpu.vector_load %arg13[%swap3A_339] {strides = array<i32>} : memref<320xf32, #tpu.memory_space<vmem>>, vector<16xf32>,
    tpu.vector_store %arg13[%swap3A_339], %gather3A_334 {strides = array<i32>} : memref<320xf32, #tpu.memory_space<vmem>>, vector<16xf32>,
    %swap3A_341 = arith.constant 96 : index
    %swap3A_342 = tpu.vector_load %arg14[%swap3A_341] {strides = array<i32>} : memref<320xf32, #tpu.memory_space<vmem>>, vector<16xf32>,
    tpu.vector_store %arg14[%swap3A_341], %gather3A_335 {strides = array<i32>} : memref<320xf32, #tpu.memory_space<vmem>>, vector<16xf32>,
    %swap3A_343 = arith.constant 96 : index
    %swap3A_344 = tpu.vector_load %arg15[%swap3A_343] {strides = array<i32>} : memref<320xf32, #tpu.memory_space<vmem>>, vector<16xf32>,
    tpu.vector_store %arg15[%swap3A_343], %gather3A_336 {strides = array<i32>} : memref<320xf32, #tpu.memory_space<vmem>>, vector<16xf32>,
    %swap3A_345 = arith.constant 96 : index
    %swap3A_346 = tpu.vector_load %arg16[%swap3A_345] {strides = array<i32>} : memref<320xf32, #tpu.memory_space<vmem>>, vector<16xf32>,
    tpu.vector_store %arg16[%swap3A_345], %gather3A_337 {strides = array<i32>} : memref<320xf32, #tpu.memory_space<vmem>>, vector<16xf32>,
    %sub3A_347 = arith.subf %gather3A_336, %gather3A_334 : vector<16xf32>
    %sub3A_348 = arith.subf %gather3A_337, %gather3A_335 : vector<16xf32>
    %mul3A_349 = arith.mulf %sub3A_347, %sub3A_348 : vector<16xf32>
    %swap3A_350 = arith.constant 96 : index
    %swap3A_351 = tpu.vector_load %arg17[%swap3A_350] {strides = array<i32>} : memref<320xf32, #tpu.memory_space<vmem>>, vector<16xf32>,
    tpu.vector_store %arg17[%swap3A_350], %mul3A_349 {strides = array<i32>} : memref<320xf32, #tpu.memory_space<vmem>>, vector<16xf32>,
    %swap3A_352 = arith.constant 96 : index
    %swap3A_353 = tpu.vector_load %arg19[%swap3A_352] {strides = array<i32>} : memref<320xf32, #tpu.memory_space<vmem>>, vector<16xf32>,
    tpu.vector_store %arg19[%swap3A_352], %convert_element_type3A_333 {strides = array<i32>} : memref<320xf32, #tpu.memory_space<vmem>>, vector<16xf32>,
    %mul3A_354 = arith.constant 2.000000e-04 : f32
    %mul3A_355 = vector.broadcast %mul3A_354 : f32 to vector<16xf32>
    %mul3A_356 = arith.mulf %convert_element_type3A_333, %mul3A_355 : vector<16xf32>
    %sub3A_357 = arith.constant -4.000000e+00 : f32
    %sub3A_358 = vector.broadcast %sub3A_357 : f32 to vector<16xf32>
    %sub3A_359 = arith.subf %sub3A_358, %mul3A_356 : vector<16xf32>
    %gt3A_360 = arith.constant 5.000000e-02 : f32
    %gt3A_361 = vector.broadcast %gt3A_360 : f32 to vector<16xf32>
    %gt3A_362 = arith.cmpf ogt, %gather3A_338, %gt3A_361 : vector<16xf32>
    %select_n3A_363 = arith.select %gt3A_362, %gather3A_338, %sub3A_359 : vector<16xi1>, vector<16xf32>
    %lt3A_364 = arith.constant -1.000000e+29 : f32
    %lt3A_365 = vector.broadcast %lt3A_364 : f32 to vector<16xf32>
    %lt3A_366 = arith.cmpf olt, %gather3A_338, %lt3A_365 : vector<16xf32>
    %select_n3A_367 = arith.select %lt3A_366, %broadcast_in_dim3A_5, %select_n3A_363 : vector<16xi1>, vector<16xf32>
    %swap3A_368 = arith.constant 96 : index
    %swap3A_369 = tpu.vector_load %arg18[%swap3A_368] {strides = array<i32>} : memref<320xf32, #tpu.memory_space<vmem>>, vector<16xf32>,
    tpu.vector_store %arg18[%swap3A_368], %select_n3A_367 {strides = array<i32>} : memref<320xf32, #tpu.memory_space<vmem>>, vector<16xf32>,
    %gt3A_370 = arith.cmpf ogt, %select_n3A_367, %select_n3A_323 : vector<16xf32>
    %gt3A_371 = arith.cmpf ogt, %select_n3A_367, %select_n3A_320 : vector<16xf32>
    %select_n3A_372 = arith.select %gt3A_371, %select_n3A_367, %select_n3A_320 : vector<16xi1>, vector<16xf32>
    %select_n3A_373 = arith.select %gt3A_370, %select_n3A_323, %select_n3A_372 : vector<16xi1>, vector<16xf32>
    %select_n3A_374 = arith.select %gt3A_371, %convert_element_type3A_333, %select_n3A_322 : vector<16xi1>, vector<16xf32>
    %select_n3A_375 = arith.select %gt3A_370, %select_n3A_324, %select_n3A_374 : vector<16xi1>, vector<16xf32>
    %select_n3A_376 = arith.select %gt3A_370, %select_n3A_367, %select_n3A_323 : vector<16xi1>, vector<16xf32>
    %select_n3A_377 = arith.select %gt3A_370, %convert_element_type3A_333, %select_n3A_324 : vector<16xi1>, vector<16xf32>
    %mul3A_378 = arith.constant 20 : i32
    %mul3A_379 = vector.broadcast %mul3A_378 : i32 to vector<16xi32>
    %mul3A_380 = arith.muli %iota3A, %mul3A_379 : vector<16xi32>
    %add3A_381 = vector.broadcast %mul3A_0 : i32 to vector<16xi32>
    %add3A_382 = arith.addi %add3A_381, %mul3A_380 : vector<16xi32>
    %add3A_383 = arith.constant 7 : i32
    %add3A_384 = vector.broadcast %add3A_383 : i32 to vector<16xi32>
    %add3A_385 = arith.addi %add3A_382, %add3A_384 : vector<16xi32>
    %convert_element_type3A_386 = arith.sitofp %add3A_385 : vector<16xi32> to vector<16xf32>
    %gather3A_387 = tpu.vector_load_idx %arg8[%add3A_385] : memref<5120xf32, #tpu.memory_space<vmem>>[vector<16xi32>], vector<16xf32>,
    %gather3A_388 = tpu.vector_load_idx %arg9[%add3A_385] : memref<5120xf32, #tpu.memory_space<vmem>>[vector<16xi32>], vector<16xf32>,
    %gather3A_389 = tpu.vector_load_idx %arg10[%add3A_385] : memref<5120xf32, #tpu.memory_space<vmem>>[vector<16xi32>], vector<16xf32>,
    %gather3A_390 = tpu.vector_load_idx %arg11[%add3A_385] : memref<5120xf32, #tpu.memory_space<vmem>>[vector<16xi32>], vector<16xf32>,
    %gather3A_391 = tpu.vector_load_idx %arg12[%add3A_385] : memref<5120xf32, #tpu.memory_space<vmem>>[vector<16xi32>], vector<16xf32>,
    %swap3A_392 = arith.constant 112 : index
    %swap3A_393 = tpu.vector_load %arg13[%swap3A_392] {strides = array<i32>} : memref<320xf32, #tpu.memory_space<vmem>>, vector<16xf32>,
    tpu.vector_store %arg13[%swap3A_392], %gather3A_387 {strides = array<i32>} : memref<320xf32, #tpu.memory_space<vmem>>, vector<16xf32>,
    %swap3A_394 = arith.constant 112 : index
    %swap3A_395 = tpu.vector_load %arg14[%swap3A_394] {strides = array<i32>} : memref<320xf32, #tpu.memory_space<vmem>>, vector<16xf32>,
    tpu.vector_store %arg14[%swap3A_394], %gather3A_388 {strides = array<i32>} : memref<320xf32, #tpu.memory_space<vmem>>, vector<16xf32>,
    %swap3A_396 = arith.constant 112 : index
    %swap3A_397 = tpu.vector_load %arg15[%swap3A_396] {strides = array<i32>} : memref<320xf32, #tpu.memory_space<vmem>>, vector<16xf32>,
    tpu.vector_store %arg15[%swap3A_396], %gather3A_389 {strides = array<i32>} : memref<320xf32, #tpu.memory_space<vmem>>, vector<16xf32>,
    %swap3A_398 = arith.constant 112 : index
    %swap3A_399 = tpu.vector_load %arg16[%swap3A_398] {strides = array<i32>} : memref<320xf32, #tpu.memory_space<vmem>>, vector<16xf32>,
    tpu.vector_store %arg16[%swap3A_398], %gather3A_390 {strides = array<i32>} : memref<320xf32, #tpu.memory_space<vmem>>, vector<16xf32>,
    %sub3A_400 = arith.subf %gather3A_389, %gather3A_387 : vector<16xf32>
    %sub3A_401 = arith.subf %gather3A_390, %gather3A_388 : vector<16xf32>
    %mul3A_402 = arith.mulf %sub3A_400, %sub3A_401 : vector<16xf32>
    %swap3A_403 = arith.constant 112 : index
    %swap3A_404 = tpu.vector_load %arg17[%swap3A_403] {strides = array<i32>} : memref<320xf32, #tpu.memory_space<vmem>>, vector<16xf32>,
    tpu.vector_store %arg17[%swap3A_403], %mul3A_402 {strides = array<i32>} : memref<320xf32, #tpu.memory_space<vmem>>, vector<16xf32>,
    %swap3A_405 = arith.constant 112 : index
    %swap3A_406 = tpu.vector_load %arg19[%swap3A_405] {strides = array<i32>} : memref<320xf32, #tpu.memory_space<vmem>>, vector<16xf32>,
    tpu.vector_store %arg19[%swap3A_405], %convert_element_type3A_386 {strides = array<i32>} : memref<320xf32, #tpu.memory_space<vmem>>, vector<16xf32>,
    %mul3A_407 = arith.constant 2.000000e-04 : f32
    %mul3A_408 = vector.broadcast %mul3A_407 : f32 to vector<16xf32>
    %mul3A_409 = arith.mulf %convert_element_type3A_386, %mul3A_408 : vector<16xf32>
    %sub3A_410 = arith.constant -4.000000e+00 : f32
    %sub3A_411 = vector.broadcast %sub3A_410 : f32 to vector<16xf32>
    %sub3A_412 = arith.subf %sub3A_411, %mul3A_409 : vector<16xf32>
    %gt3A_413 = arith.constant 5.000000e-02 : f32
    %gt3A_414 = vector.broadcast %gt3A_413 : f32 to vector<16xf32>
    %gt3A_415 = arith.cmpf ogt, %gather3A_391, %gt3A_414 : vector<16xf32>
    %select_n3A_416 = arith.select %gt3A_415, %gather3A_391, %sub3A_412 : vector<16xi1>, vector<16xf32>
    %lt3A_417 = arith.constant -1.000000e+29 : f32
    %lt3A_418 = vector.broadcast %lt3A_417 : f32 to vector<16xf32>
    %lt3A_419 = arith.cmpf olt, %gather3A_391, %lt3A_418 : vector<16xf32>
    %select_n3A_420 = arith.select %lt3A_419, %broadcast_in_dim3A_5, %select_n3A_416 : vector<16xi1>, vector<16xf32>
    %swap3A_421 = arith.constant 112 : index
    %swap3A_422 = tpu.vector_load %arg18[%swap3A_421] {strides = array<i32>} : memref<320xf32, #tpu.memory_space<vmem>>, vector<16xf32>,
    tpu.vector_store %arg18[%swap3A_421], %select_n3A_420 {strides = array<i32>} : memref<320xf32, #tpu.memory_space<vmem>>, vector<16xf32>,
    %gt3A_423 = arith.cmpf ogt, %select_n3A_420, %select_n3A_376 : vector<16xf32>
    %gt3A_424 = arith.cmpf ogt, %select_n3A_420, %select_n3A_373 : vector<16xf32>
    %select_n3A_425 = arith.select %gt3A_424, %select_n3A_420, %select_n3A_373 : vector<16xi1>, vector<16xf32>
    %select_n3A_426 = arith.select %gt3A_423, %select_n3A_376, %select_n3A_425 : vector<16xi1>, vector<16xf32>
    %select_n3A_427 = arith.select %gt3A_424, %convert_element_type3A_386, %select_n3A_375 : vector<16xi1>, vector<16xf32>
    %select_n3A_428 = arith.select %gt3A_423, %select_n3A_377, %select_n3A_427 : vector<16xi1>, vector<16xf32>
    %select_n3A_429 = arith.select %gt3A_423, %select_n3A_420, %select_n3A_376 : vector<16xi1>, vector<16xf32>
    %select_n3A_430 = arith.select %gt3A_423, %convert_element_type3A_386, %select_n3A_377 : vector<16xi1>, vector<16xf32>
    %mul3A_431 = arith.constant 20 : i32
    %mul3A_432 = vector.broadcast %mul3A_431 : i32 to vector<16xi32>
    %mul3A_433 = arith.muli %iota3A, %mul3A_432 : vector<16xi32>
    %add3A_434 = vector.broadcast %mul3A_0 : i32 to vector<16xi32>
    %add3A_435 = arith.addi %add3A_434, %mul3A_433 : vector<16xi32>
    %add3A_436 = arith.constant 8 : i32
    %add3A_437 = vector.broadcast %add3A_436 : i32 to vector<16xi32>
    %add3A_438 = arith.addi %add3A_435, %add3A_437 : vector<16xi32>
    %convert_element_type3A_439 = arith.sitofp %add3A_438 : vector<16xi32> to vector<16xf32>
    %gather3A_440 = tpu.vector_load_idx %arg8[%add3A_438] : memref<5120xf32, #tpu.memory_space<vmem>>[vector<16xi32>], vector<16xf32>,
    %gather3A_441 = tpu.vector_load_idx %arg9[%add3A_438] : memref<5120xf32, #tpu.memory_space<vmem>>[vector<16xi32>], vector<16xf32>,
    %gather3A_442 = tpu.vector_load_idx %arg10[%add3A_438] : memref<5120xf32, #tpu.memory_space<vmem>>[vector<16xi32>], vector<16xf32>,
    %gather3A_443 = tpu.vector_load_idx %arg11[%add3A_438] : memref<5120xf32, #tpu.memory_space<vmem>>[vector<16xi32>], vector<16xf32>,
    %gather3A_444 = tpu.vector_load_idx %arg12[%add3A_438] : memref<5120xf32, #tpu.memory_space<vmem>>[vector<16xi32>], vector<16xf32>,
    %swap3A_445 = arith.constant 128 : index
    %swap3A_446 = tpu.vector_load %arg13[%swap3A_445] {strides = array<i32>} : memref<320xf32, #tpu.memory_space<vmem>>, vector<16xf32>,
    tpu.vector_store %arg13[%swap3A_445], %gather3A_440 {strides = array<i32>} : memref<320xf32, #tpu.memory_space<vmem>>, vector<16xf32>,
    %swap3A_447 = arith.constant 128 : index
    %swap3A_448 = tpu.vector_load %arg14[%swap3A_447] {strides = array<i32>} : memref<320xf32, #tpu.memory_space<vmem>>, vector<16xf32>,
    tpu.vector_store %arg14[%swap3A_447], %gather3A_441 {strides = array<i32>} : memref<320xf32, #tpu.memory_space<vmem>>, vector<16xf32>,
    %swap3A_449 = arith.constant 128 : index
    %swap3A_450 = tpu.vector_load %arg15[%swap3A_449] {strides = array<i32>} : memref<320xf32, #tpu.memory_space<vmem>>, vector<16xf32>,
    tpu.vector_store %arg15[%swap3A_449], %gather3A_442 {strides = array<i32>} : memref<320xf32, #tpu.memory_space<vmem>>, vector<16xf32>,
    %swap3A_451 = arith.constant 128 : index
    %swap3A_452 = tpu.vector_load %arg16[%swap3A_451] {strides = array<i32>} : memref<320xf32, #tpu.memory_space<vmem>>, vector<16xf32>,
    tpu.vector_store %arg16[%swap3A_451], %gather3A_443 {strides = array<i32>} : memref<320xf32, #tpu.memory_space<vmem>>, vector<16xf32>,
    %sub3A_453 = arith.subf %gather3A_442, %gather3A_440 : vector<16xf32>
    %sub3A_454 = arith.subf %gather3A_443, %gather3A_441 : vector<16xf32>
    %mul3A_455 = arith.mulf %sub3A_453, %sub3A_454 : vector<16xf32>
    %swap3A_456 = arith.constant 128 : index
    %swap3A_457 = tpu.vector_load %arg17[%swap3A_456] {strides = array<i32>} : memref<320xf32, #tpu.memory_space<vmem>>, vector<16xf32>,
    tpu.vector_store %arg17[%swap3A_456], %mul3A_455 {strides = array<i32>} : memref<320xf32, #tpu.memory_space<vmem>>, vector<16xf32>,
    %swap3A_458 = arith.constant 128 : index
    %swap3A_459 = tpu.vector_load %arg19[%swap3A_458] {strides = array<i32>} : memref<320xf32, #tpu.memory_space<vmem>>, vector<16xf32>,
    tpu.vector_store %arg19[%swap3A_458], %convert_element_type3A_439 {strides = array<i32>} : memref<320xf32, #tpu.memory_space<vmem>>, vector<16xf32>,
    %mul3A_460 = arith.constant 2.000000e-04 : f32
    %mul3A_461 = vector.broadcast %mul3A_460 : f32 to vector<16xf32>
    %mul3A_462 = arith.mulf %convert_element_type3A_439, %mul3A_461 : vector<16xf32>
    %sub3A_463 = arith.constant -4.000000e+00 : f32
    %sub3A_464 = vector.broadcast %sub3A_463 : f32 to vector<16xf32>
    %sub3A_465 = arith.subf %sub3A_464, %mul3A_462 : vector<16xf32>
    %gt3A_466 = arith.constant 5.000000e-02 : f32
    %gt3A_467 = vector.broadcast %gt3A_466 : f32 to vector<16xf32>
    %gt3A_468 = arith.cmpf ogt, %gather3A_444, %gt3A_467 : vector<16xf32>
    %select_n3A_469 = arith.select %gt3A_468, %gather3A_444, %sub3A_465 : vector<16xi1>, vector<16xf32>
    %lt3A_470 = arith.constant -1.000000e+29 : f32
    %lt3A_471 = vector.broadcast %lt3A_470 : f32 to vector<16xf32>
    %lt3A_472 = arith.cmpf olt, %gather3A_444, %lt3A_471 : vector<16xf32>
    %select_n3A_473 = arith.select %lt3A_472, %broadcast_in_dim3A_5, %select_n3A_469 : vector<16xi1>, vector<16xf32>
    %swap3A_474 = arith.constant 128 : index
    %swap3A_475 = tpu.vector_load %arg18[%swap3A_474] {strides = array<i32>} : memref<320xf32, #tpu.memory_space<vmem>>, vector<16xf32>,
    tpu.vector_store %arg18[%swap3A_474], %select_n3A_473 {strides = array<i32>} : memref<320xf32, #tpu.memory_space<vmem>>, vector<16xf32>,
    %gt3A_476 = arith.cmpf ogt, %select_n3A_473, %select_n3A_429 : vector<16xf32>
    %gt3A_477 = arith.cmpf ogt, %select_n3A_473, %select_n3A_426 : vector<16xf32>
    %select_n3A_478 = arith.select %gt3A_477, %select_n3A_473, %select_n3A_426 : vector<16xi1>, vector<16xf32>
    %select_n3A_479 = arith.select %gt3A_476, %select_n3A_429, %select_n3A_478 : vector<16xi1>, vector<16xf32>
    %select_n3A_480 = arith.select %gt3A_477, %convert_element_type3A_439, %select_n3A_428 : vector<16xi1>, vector<16xf32>
    %select_n3A_481 = arith.select %gt3A_476, %select_n3A_430, %select_n3A_480 : vector<16xi1>, vector<16xf32>
    %select_n3A_482 = arith.select %gt3A_476, %select_n3A_473, %select_n3A_429 : vector<16xi1>, vector<16xf32>
    %select_n3A_483 = arith.select %gt3A_476, %convert_element_type3A_439, %select_n3A_430 : vector<16xi1>, vector<16xf32>
    %mul3A_484 = arith.constant 20 : i32
    %mul3A_485 = vector.broadcast %mul3A_484 : i32 to vector<16xi32>
    %mul3A_486 = arith.muli %iota3A, %mul3A_485 : vector<16xi32>
    %add3A_487 = vector.broadcast %mul3A_0 : i32 to vector<16xi32>
    %add3A_488 = arith.addi %add3A_487, %mul3A_486 : vector<16xi32>
    %add3A_489 = arith.constant 9 : i32
    %add3A_490 = vector.broadcast %add3A_489 : i32 to vector<16xi32>
    %add3A_491 = arith.addi %add3A_488, %add3A_490 : vector<16xi32>
    %convert_element_type3A_492 = arith.sitofp %add3A_491 : vector<16xi32> to vector<16xf32>
    %gather3A_493 = tpu.vector_load_idx %arg8[%add3A_491] : memref<5120xf32, #tpu.memory_space<vmem>>[vector<16xi32>], vector<16xf32>,
    %gather3A_494 = tpu.vector_load_idx %arg9[%add3A_491] : memref<5120xf32, #tpu.memory_space<vmem>>[vector<16xi32>], vector<16xf32>,
    %gather3A_495 = tpu.vector_load_idx %arg10[%add3A_491] : memref<5120xf32, #tpu.memory_space<vmem>>[vector<16xi32>], vector<16xf32>,
    %gather3A_496 = tpu.vector_load_idx %arg11[%add3A_491] : memref<5120xf32, #tpu.memory_space<vmem>>[vector<16xi32>], vector<16xf32>,
    %gather3A_497 = tpu.vector_load_idx %arg12[%add3A_491] : memref<5120xf32, #tpu.memory_space<vmem>>[vector<16xi32>], vector<16xf32>,
    %swap3A_498 = arith.constant 144 : index
    %swap3A_499 = tpu.vector_load %arg13[%swap3A_498] {strides = array<i32>} : memref<320xf32, #tpu.memory_space<vmem>>, vector<16xf32>,
    tpu.vector_store %arg13[%swap3A_498], %gather3A_493 {strides = array<i32>} : memref<320xf32, #tpu.memory_space<vmem>>, vector<16xf32>,
    %swap3A_500 = arith.constant 144 : index
    %swap3A_501 = tpu.vector_load %arg14[%swap3A_500] {strides = array<i32>} : memref<320xf32, #tpu.memory_space<vmem>>, vector<16xf32>,
    tpu.vector_store %arg14[%swap3A_500], %gather3A_494 {strides = array<i32>} : memref<320xf32, #tpu.memory_space<vmem>>, vector<16xf32>,
    %swap3A_502 = arith.constant 144 : index
    %swap3A_503 = tpu.vector_load %arg15[%swap3A_502] {strides = array<i32>} : memref<320xf32, #tpu.memory_space<vmem>>, vector<16xf32>,
    tpu.vector_store %arg15[%swap3A_502], %gather3A_495 {strides = array<i32>} : memref<320xf32, #tpu.memory_space<vmem>>, vector<16xf32>,
    %swap3A_504 = arith.constant 144 : index
    %swap3A_505 = tpu.vector_load %arg16[%swap3A_504] {strides = array<i32>} : memref<320xf32, #tpu.memory_space<vmem>>, vector<16xf32>,
    tpu.vector_store %arg16[%swap3A_504], %gather3A_496 {strides = array<i32>} : memref<320xf32, #tpu.memory_space<vmem>>, vector<16xf32>,
    %sub3A_506 = arith.subf %gather3A_495, %gather3A_493 : vector<16xf32>
    %sub3A_507 = arith.subf %gather3A_496, %gather3A_494 : vector<16xf32>
    %mul3A_508 = arith.mulf %sub3A_506, %sub3A_507 : vector<16xf32>
    %swap3A_509 = arith.constant 144 : index
    %swap3A_510 = tpu.vector_load %arg17[%swap3A_509] {strides = array<i32>} : memref<320xf32, #tpu.memory_space<vmem>>, vector<16xf32>,
    tpu.vector_store %arg17[%swap3A_509], %mul3A_508 {strides = array<i32>} : memref<320xf32, #tpu.memory_space<vmem>>, vector<16xf32>,
    %swap3A_511 = arith.constant 144 : index
    %swap3A_512 = tpu.vector_load %arg19[%swap3A_511] {strides = array<i32>} : memref<320xf32, #tpu.memory_space<vmem>>, vector<16xf32>,
    tpu.vector_store %arg19[%swap3A_511], %convert_element_type3A_492 {strides = array<i32>} : memref<320xf32, #tpu.memory_space<vmem>>, vector<16xf32>,
    %mul3A_513 = arith.constant 2.000000e-04 : f32
    %mul3A_514 = vector.broadcast %mul3A_513 : f32 to vector<16xf32>
    %mul3A_515 = arith.mulf %convert_element_type3A_492, %mul3A_514 : vector<16xf32>
    %sub3A_516 = arith.constant -4.000000e+00 : f32
    %sub3A_517 = vector.broadcast %sub3A_516 : f32 to vector<16xf32>
    %sub3A_518 = arith.subf %sub3A_517, %mul3A_515 : vector<16xf32>
    %gt3A_519 = arith.constant 5.000000e-02 : f32
    %gt3A_520 = vector.broadcast %gt3A_519 : f32 to vector<16xf32>
    %gt3A_521 = arith.cmpf ogt, %gather3A_497, %gt3A_520 : vector<16xf32>
    %select_n3A_522 = arith.select %gt3A_521, %gather3A_497, %sub3A_518 : vector<16xi1>, vector<16xf32>
    %lt3A_523 = arith.constant -1.000000e+29 : f32
    %lt3A_524 = vector.broadcast %lt3A_523 : f32 to vector<16xf32>
    %lt3A_525 = arith.cmpf olt, %gather3A_497, %lt3A_524 : vector<16xf32>
    %select_n3A_526 = arith.select %lt3A_525, %broadcast_in_dim3A_5, %select_n3A_522 : vector<16xi1>, vector<16xf32>
    %swap3A_527 = arith.constant 144 : index
    %swap3A_528 = tpu.vector_load %arg18[%swap3A_527] {strides = array<i32>} : memref<320xf32, #tpu.memory_space<vmem>>, vector<16xf32>,
    tpu.vector_store %arg18[%swap3A_527], %select_n3A_526 {strides = array<i32>} : memref<320xf32, #tpu.memory_space<vmem>>, vector<16xf32>,
    %gt3A_529 = arith.cmpf ogt, %select_n3A_526, %select_n3A_482 : vector<16xf32>
    %gt3A_530 = arith.cmpf ogt, %select_n3A_526, %select_n3A_479 : vector<16xf32>
    %select_n3A_531 = arith.select %gt3A_530, %select_n3A_526, %select_n3A_479 : vector<16xi1>, vector<16xf32>
    %select_n3A_532 = arith.select %gt3A_529, %select_n3A_482, %select_n3A_531 : vector<16xi1>, vector<16xf32>
    %select_n3A_533 = arith.select %gt3A_530, %convert_element_type3A_492, %select_n3A_481 : vector<16xi1>, vector<16xf32>
    %select_n3A_534 = arith.select %gt3A_529, %select_n3A_483, %select_n3A_533 : vector<16xi1>, vector<16xf32>
    %select_n3A_535 = arith.select %gt3A_529, %select_n3A_526, %select_n3A_482 : vector<16xi1>, vector<16xf32>
    %select_n3A_536 = arith.select %gt3A_529, %convert_element_type3A_492, %select_n3A_483 : vector<16xi1>, vector<16xf32>
    %mul3A_537 = arith.constant 20 : i32
    %mul3A_538 = vector.broadcast %mul3A_537 : i32 to vector<16xi32>
    %mul3A_539 = arith.muli %iota3A, %mul3A_538 : vector<16xi32>
    %add3A_540 = vector.broadcast %mul3A_0 : i32 to vector<16xi32>
    %add3A_541 = arith.addi %add3A_540, %mul3A_539 : vector<16xi32>
    %add3A_542 = arith.constant 10 : i32
    %add3A_543 = vector.broadcast %add3A_542 : i32 to vector<16xi32>
    %add3A_544 = arith.addi %add3A_541, %add3A_543 : vector<16xi32>
    %convert_element_type3A_545 = arith.sitofp %add3A_544 : vector<16xi32> to vector<16xf32>
    %gather3A_546 = tpu.vector_load_idx %arg8[%add3A_544] : memref<5120xf32, #tpu.memory_space<vmem>>[vector<16xi32>], vector<16xf32>,
    %gather3A_547 = tpu.vector_load_idx %arg9[%add3A_544] : memref<5120xf32, #tpu.memory_space<vmem>>[vector<16xi32>], vector<16xf32>,
    %gather3A_548 = tpu.vector_load_idx %arg10[%add3A_544] : memref<5120xf32, #tpu.memory_space<vmem>>[vector<16xi32>], vector<16xf32>,
    %gather3A_549 = tpu.vector_load_idx %arg11[%add3A_544] : memref<5120xf32, #tpu.memory_space<vmem>>[vector<16xi32>], vector<16xf32>,
    %gather3A_550 = tpu.vector_load_idx %arg12[%add3A_544] : memref<5120xf32, #tpu.memory_space<vmem>>[vector<16xi32>], vector<16xf32>,
    %swap3A_551 = arith.constant 160 : index
    %swap3A_552 = tpu.vector_load %arg13[%swap3A_551] {strides = array<i32>} : memref<320xf32, #tpu.memory_space<vmem>>, vector<16xf32>,
    tpu.vector_store %arg13[%swap3A_551], %gather3A_546 {strides = array<i32>} : memref<320xf32, #tpu.memory_space<vmem>>, vector<16xf32>,
    %swap3A_553 = arith.constant 160 : index
    %swap3A_554 = tpu.vector_load %arg14[%swap3A_553] {strides = array<i32>} : memref<320xf32, #tpu.memory_space<vmem>>, vector<16xf32>,
    tpu.vector_store %arg14[%swap3A_553], %gather3A_547 {strides = array<i32>} : memref<320xf32, #tpu.memory_space<vmem>>, vector<16xf32>,
    %swap3A_555 = arith.constant 160 : index
    %swap3A_556 = tpu.vector_load %arg15[%swap3A_555] {strides = array<i32>} : memref<320xf32, #tpu.memory_space<vmem>>, vector<16xf32>,
    tpu.vector_store %arg15[%swap3A_555], %gather3A_548 {strides = array<i32>} : memref<320xf32, #tpu.memory_space<vmem>>, vector<16xf32>,
    %swap3A_557 = arith.constant 160 : index
    %swap3A_558 = tpu.vector_load %arg16[%swap3A_557] {strides = array<i32>} : memref<320xf32, #tpu.memory_space<vmem>>, vector<16xf32>,
    tpu.vector_store %arg16[%swap3A_557], %gather3A_549 {strides = array<i32>} : memref<320xf32, #tpu.memory_space<vmem>>, vector<16xf32>,
    %sub3A_559 = arith.subf %gather3A_548, %gather3A_546 : vector<16xf32>
    %sub3A_560 = arith.subf %gather3A_549, %gather3A_547 : vector<16xf32>
    %mul3A_561 = arith.mulf %sub3A_559, %sub3A_560 : vector<16xf32>
    %swap3A_562 = arith.constant 160 : index
    %swap3A_563 = tpu.vector_load %arg17[%swap3A_562] {strides = array<i32>} : memref<320xf32, #tpu.memory_space<vmem>>, vector<16xf32>,
    tpu.vector_store %arg17[%swap3A_562], %mul3A_561 {strides = array<i32>} : memref<320xf32, #tpu.memory_space<vmem>>, vector<16xf32>,
    %swap3A_564 = arith.constant 160 : index
    %swap3A_565 = tpu.vector_load %arg19[%swap3A_564] {strides = array<i32>} : memref<320xf32, #tpu.memory_space<vmem>>, vector<16xf32>,
    tpu.vector_store %arg19[%swap3A_564], %convert_element_type3A_545 {strides = array<i32>} : memref<320xf32, #tpu.memory_space<vmem>>, vector<16xf32>,
    %mul3A_566 = arith.constant 2.000000e-04 : f32
    %mul3A_567 = vector.broadcast %mul3A_566 : f32 to vector<16xf32>
    %mul3A_568 = arith.mulf %convert_element_type3A_545, %mul3A_567 : vector<16xf32>
    %sub3A_569 = arith.constant -4.000000e+00 : f32
    %sub3A_570 = vector.broadcast %sub3A_569 : f32 to vector<16xf32>
    %sub3A_571 = arith.subf %sub3A_570, %mul3A_568 : vector<16xf32>
    %gt3A_572 = arith.constant 5.000000e-02 : f32
    %gt3A_573 = vector.broadcast %gt3A_572 : f32 to vector<16xf32>
    %gt3A_574 = arith.cmpf ogt, %gather3A_550, %gt3A_573 : vector<16xf32>
    %select_n3A_575 = arith.select %gt3A_574, %gather3A_550, %sub3A_571 : vector<16xi1>, vector<16xf32>
    %lt3A_576 = arith.constant -1.000000e+29 : f32
    %lt3A_577 = vector.broadcast %lt3A_576 : f32 to vector<16xf32>
    %lt3A_578 = arith.cmpf olt, %gather3A_550, %lt3A_577 : vector<16xf32>
    %select_n3A_579 = arith.select %lt3A_578, %broadcast_in_dim3A_5, %select_n3A_575 : vector<16xi1>, vector<16xf32>
    %swap3A_580 = arith.constant 160 : index
    %swap3A_581 = tpu.vector_load %arg18[%swap3A_580] {strides = array<i32>} : memref<320xf32, #tpu.memory_space<vmem>>, vector<16xf32>,
    tpu.vector_store %arg18[%swap3A_580], %select_n3A_579 {strides = array<i32>} : memref<320xf32, #tpu.memory_space<vmem>>, vector<16xf32>,
    %gt3A_582 = arith.cmpf ogt, %select_n3A_579, %select_n3A_535 : vector<16xf32>
    %gt3A_583 = arith.cmpf ogt, %select_n3A_579, %select_n3A_532 : vector<16xf32>
    %select_n3A_584 = arith.select %gt3A_583, %select_n3A_579, %select_n3A_532 : vector<16xi1>, vector<16xf32>
    %select_n3A_585 = arith.select %gt3A_582, %select_n3A_535, %select_n3A_584 : vector<16xi1>, vector<16xf32>
    %select_n3A_586 = arith.select %gt3A_583, %convert_element_type3A_545, %select_n3A_534 : vector<16xi1>, vector<16xf32>
    %select_n3A_587 = arith.select %gt3A_582, %select_n3A_536, %select_n3A_586 : vector<16xi1>, vector<16xf32>
    %select_n3A_588 = arith.select %gt3A_582, %select_n3A_579, %select_n3A_535 : vector<16xi1>, vector<16xf32>
    %select_n3A_589 = arith.select %gt3A_582, %convert_element_type3A_545, %select_n3A_536 : vector<16xi1>, vector<16xf32>
    %mul3A_590 = arith.constant 20 : i32
    %mul3A_591 = vector.broadcast %mul3A_590 : i32 to vector<16xi32>
    %mul3A_592 = arith.muli %iota3A, %mul3A_591 : vector<16xi32>
    %add3A_593 = vector.broadcast %mul3A_0 : i32 to vector<16xi32>
    %add3A_594 = arith.addi %add3A_593, %mul3A_592 : vector<16xi32>
    %add3A_595 = arith.constant 11 : i32
    %add3A_596 = vector.broadcast %add3A_595 : i32 to vector<16xi32>
    %add3A_597 = arith.addi %add3A_594, %add3A_596 : vector<16xi32>
    %convert_element_type3A_598 = arith.sitofp %add3A_597 : vector<16xi32> to vector<16xf32>
    %gather3A_599 = tpu.vector_load_idx %arg8[%add3A_597] : memref<5120xf32, #tpu.memory_space<vmem>>[vector<16xi32>], vector<16xf32>,
    %gather3A_600 = tpu.vector_load_idx %arg9[%add3A_597] : memref<5120xf32, #tpu.memory_space<vmem>>[vector<16xi32>], vector<16xf32>,
    %gather3A_601 = tpu.vector_load_idx %arg10[%add3A_597] : memref<5120xf32, #tpu.memory_space<vmem>>[vector<16xi32>], vector<16xf32>,
    %gather3A_602 = tpu.vector_load_idx %arg11[%add3A_597] : memref<5120xf32, #tpu.memory_space<vmem>>[vector<16xi32>], vector<16xf32>,
    %gather3A_603 = tpu.vector_load_idx %arg12[%add3A_597] : memref<5120xf32, #tpu.memory_space<vmem>>[vector<16xi32>], vector<16xf32>,
    %swap3A_604 = arith.constant 176 : index
    %swap3A_605 = tpu.vector_load %arg13[%swap3A_604] {strides = array<i32>} : memref<320xf32, #tpu.memory_space<vmem>>, vector<16xf32>,
    tpu.vector_store %arg13[%swap3A_604], %gather3A_599 {strides = array<i32>} : memref<320xf32, #tpu.memory_space<vmem>>, vector<16xf32>,
    %swap3A_606 = arith.constant 176 : index
    %swap3A_607 = tpu.vector_load %arg14[%swap3A_606] {strides = array<i32>} : memref<320xf32, #tpu.memory_space<vmem>>, vector<16xf32>,
    tpu.vector_store %arg14[%swap3A_606], %gather3A_600 {strides = array<i32>} : memref<320xf32, #tpu.memory_space<vmem>>, vector<16xf32>,
    %swap3A_608 = arith.constant 176 : index
    %swap3A_609 = tpu.vector_load %arg15[%swap3A_608] {strides = array<i32>} : memref<320xf32, #tpu.memory_space<vmem>>, vector<16xf32>,
    tpu.vector_store %arg15[%swap3A_608], %gather3A_601 {strides = array<i32>} : memref<320xf32, #tpu.memory_space<vmem>>, vector<16xf32>,
    %swap3A_610 = arith.constant 176 : index
    %swap3A_611 = tpu.vector_load %arg16[%swap3A_610] {strides = array<i32>} : memref<320xf32, #tpu.memory_space<vmem>>, vector<16xf32>,
    tpu.vector_store %arg16[%swap3A_610], %gather3A_602 {strides = array<i32>} : memref<320xf32, #tpu.memory_space<vmem>>, vector<16xf32>,
    %sub3A_612 = arith.subf %gather3A_601, %gather3A_599 : vector<16xf32>
    %sub3A_613 = arith.subf %gather3A_602, %gather3A_600 : vector<16xf32>
    %mul3A_614 = arith.mulf %sub3A_612, %sub3A_613 : vector<16xf32>
    %swap3A_615 = arith.constant 176 : index
    %swap3A_616 = tpu.vector_load %arg17[%swap3A_615] {strides = array<i32>} : memref<320xf32, #tpu.memory_space<vmem>>, vector<16xf32>,
    tpu.vector_store %arg17[%swap3A_615], %mul3A_614 {strides = array<i32>} : memref<320xf32, #tpu.memory_space<vmem>>, vector<16xf32>,
    %swap3A_617 = arith.constant 176 : index
    %swap3A_618 = tpu.vector_load %arg19[%swap3A_617] {strides = array<i32>} : memref<320xf32, #tpu.memory_space<vmem>>, vector<16xf32>,
    tpu.vector_store %arg19[%swap3A_617], %convert_element_type3A_598 {strides = array<i32>} : memref<320xf32, #tpu.memory_space<vmem>>, vector<16xf32>,
    %mul3A_619 = arith.constant 2.000000e-04 : f32
    %mul3A_620 = vector.broadcast %mul3A_619 : f32 to vector<16xf32>
    %mul3A_621 = arith.mulf %convert_element_type3A_598, %mul3A_620 : vector<16xf32>
    %sub3A_622 = arith.constant -4.000000e+00 : f32
    %sub3A_623 = vector.broadcast %sub3A_622 : f32 to vector<16xf32>
    %sub3A_624 = arith.subf %sub3A_623, %mul3A_621 : vector<16xf32>
    %gt3A_625 = arith.constant 5.000000e-02 : f32
    %gt3A_626 = vector.broadcast %gt3A_625 : f32 to vector<16xf32>
    %gt3A_627 = arith.cmpf ogt, %gather3A_603, %gt3A_626 : vector<16xf32>
    %select_n3A_628 = arith.select %gt3A_627, %gather3A_603, %sub3A_624 : vector<16xi1>, vector<16xf32>
    %lt3A_629 = arith.constant -1.000000e+29 : f32
    %lt3A_630 = vector.broadcast %lt3A_629 : f32 to vector<16xf32>
    %lt3A_631 = arith.cmpf olt, %gather3A_603, %lt3A_630 : vector<16xf32>
    %select_n3A_632 = arith.select %lt3A_631, %broadcast_in_dim3A_5, %select_n3A_628 : vector<16xi1>, vector<16xf32>
    %swap3A_633 = arith.constant 176 : index
    %swap3A_634 = tpu.vector_load %arg18[%swap3A_633] {strides = array<i32>} : memref<320xf32, #tpu.memory_space<vmem>>, vector<16xf32>,
    tpu.vector_store %arg18[%swap3A_633], %select_n3A_632 {strides = array<i32>} : memref<320xf32, #tpu.memory_space<vmem>>, vector<16xf32>,
    %gt3A_635 = arith.cmpf ogt, %select_n3A_632, %select_n3A_588 : vector<16xf32>
    %gt3A_636 = arith.cmpf ogt, %select_n3A_632, %select_n3A_585 : vector<16xf32>
    %select_n3A_637 = arith.select %gt3A_636, %select_n3A_632, %select_n3A_585 : vector<16xi1>, vector<16xf32>
    %select_n3A_638 = arith.select %gt3A_635, %select_n3A_588, %select_n3A_637 : vector<16xi1>, vector<16xf32>
    %select_n3A_639 = arith.select %gt3A_636, %convert_element_type3A_598, %select_n3A_587 : vector<16xi1>, vector<16xf32>
    %select_n3A_640 = arith.select %gt3A_635, %select_n3A_589, %select_n3A_639 : vector<16xi1>, vector<16xf32>
    %select_n3A_641 = arith.select %gt3A_635, %select_n3A_632, %select_n3A_588 : vector<16xi1>, vector<16xf32>
    %select_n3A_642 = arith.select %gt3A_635, %convert_element_type3A_598, %select_n3A_589 : vector<16xi1>, vector<16xf32>
    %mul3A_643 = arith.constant 20 : i32
    %mul3A_644 = vector.broadcast %mul3A_643 : i32 to vector<16xi32>
    %mul3A_645 = arith.muli %iota3A, %mul3A_644 : vector<16xi32>
    %add3A_646 = vector.broadcast %mul3A_0 : i32 to vector<16xi32>
    %add3A_647 = arith.addi %add3A_646, %mul3A_645 : vector<16xi32>
    %add3A_648 = arith.constant 12 : i32
    %add3A_649 = vector.broadcast %add3A_648 : i32 to vector<16xi32>
    %add3A_650 = arith.addi %add3A_647, %add3A_649 : vector<16xi32>
    %convert_element_type3A_651 = arith.sitofp %add3A_650 : vector<16xi32> to vector<16xf32>
    %gather3A_652 = tpu.vector_load_idx %arg8[%add3A_650] : memref<5120xf32, #tpu.memory_space<vmem>>[vector<16xi32>], vector<16xf32>,
    %gather3A_653 = tpu.vector_load_idx %arg9[%add3A_650] : memref<5120xf32, #tpu.memory_space<vmem>>[vector<16xi32>], vector<16xf32>,
    %gather3A_654 = tpu.vector_load_idx %arg10[%add3A_650] : memref<5120xf32, #tpu.memory_space<vmem>>[vector<16xi32>], vector<16xf32>,
    %gather3A_655 = tpu.vector_load_idx %arg11[%add3A_650] : memref<5120xf32, #tpu.memory_space<vmem>>[vector<16xi32>], vector<16xf32>,
    %gather3A_656 = tpu.vector_load_idx %arg12[%add3A_650] : memref<5120xf32, #tpu.memory_space<vmem>>[vector<16xi32>], vector<16xf32>,
    %swap3A_657 = arith.constant 192 : index
    %swap3A_658 = tpu.vector_load %arg13[%swap3A_657] {strides = array<i32>} : memref<320xf32, #tpu.memory_space<vmem>>, vector<16xf32>,
    tpu.vector_store %arg13[%swap3A_657], %gather3A_652 {strides = array<i32>} : memref<320xf32, #tpu.memory_space<vmem>>, vector<16xf32>,
    %swap3A_659 = arith.constant 192 : index
    %swap3A_660 = tpu.vector_load %arg14[%swap3A_659] {strides = array<i32>} : memref<320xf32, #tpu.memory_space<vmem>>, vector<16xf32>,
    tpu.vector_store %arg14[%swap3A_659], %gather3A_653 {strides = array<i32>} : memref<320xf32, #tpu.memory_space<vmem>>, vector<16xf32>,
    %swap3A_661 = arith.constant 192 : index
    %swap3A_662 = tpu.vector_load %arg15[%swap3A_661] {strides = array<i32>} : memref<320xf32, #tpu.memory_space<vmem>>, vector<16xf32>,
    tpu.vector_store %arg15[%swap3A_661], %gather3A_654 {strides = array<i32>} : memref<320xf32, #tpu.memory_space<vmem>>, vector<16xf32>,
    %swap3A_663 = arith.constant 192 : index
    %swap3A_664 = tpu.vector_load %arg16[%swap3A_663] {strides = array<i32>} : memref<320xf32, #tpu.memory_space<vmem>>, vector<16xf32>,
    tpu.vector_store %arg16[%swap3A_663], %gather3A_655 {strides = array<i32>} : memref<320xf32, #tpu.memory_space<vmem>>, vector<16xf32>,
    %sub3A_665 = arith.subf %gather3A_654, %gather3A_652 : vector<16xf32>
    %sub3A_666 = arith.subf %gather3A_655, %gather3A_653 : vector<16xf32>
    %mul3A_667 = arith.mulf %sub3A_665, %sub3A_666 : vector<16xf32>
    %swap3A_668 = arith.constant 192 : index
    %swap3A_669 = tpu.vector_load %arg17[%swap3A_668] {strides = array<i32>} : memref<320xf32, #tpu.memory_space<vmem>>, vector<16xf32>,
    tpu.vector_store %arg17[%swap3A_668], %mul3A_667 {strides = array<i32>} : memref<320xf32, #tpu.memory_space<vmem>>, vector<16xf32>,
    %swap3A_670 = arith.constant 192 : index
    %swap3A_671 = tpu.vector_load %arg19[%swap3A_670] {strides = array<i32>} : memref<320xf32, #tpu.memory_space<vmem>>, vector<16xf32>,
    tpu.vector_store %arg19[%swap3A_670], %convert_element_type3A_651 {strides = array<i32>} : memref<320xf32, #tpu.memory_space<vmem>>, vector<16xf32>,
    %mul3A_672 = arith.constant 2.000000e-04 : f32
    %mul3A_673 = vector.broadcast %mul3A_672 : f32 to vector<16xf32>
    %mul3A_674 = arith.mulf %convert_element_type3A_651, %mul3A_673 : vector<16xf32>
    %sub3A_675 = arith.constant -4.000000e+00 : f32
    %sub3A_676 = vector.broadcast %sub3A_675 : f32 to vector<16xf32>
    %sub3A_677 = arith.subf %sub3A_676, %mul3A_674 : vector<16xf32>
    %gt3A_678 = arith.constant 5.000000e-02 : f32
    %gt3A_679 = vector.broadcast %gt3A_678 : f32 to vector<16xf32>
    %gt3A_680 = arith.cmpf ogt, %gather3A_656, %gt3A_679 : vector<16xf32>
    %select_n3A_681 = arith.select %gt3A_680, %gather3A_656, %sub3A_677 : vector<16xi1>, vector<16xf32>
    %lt3A_682 = arith.constant -1.000000e+29 : f32
    %lt3A_683 = vector.broadcast %lt3A_682 : f32 to vector<16xf32>
    %lt3A_684 = arith.cmpf olt, %gather3A_656, %lt3A_683 : vector<16xf32>
    %select_n3A_685 = arith.select %lt3A_684, %broadcast_in_dim3A_5, %select_n3A_681 : vector<16xi1>, vector<16xf32>
    %swap3A_686 = arith.constant 192 : index
    %swap3A_687 = tpu.vector_load %arg18[%swap3A_686] {strides = array<i32>} : memref<320xf32, #tpu.memory_space<vmem>>, vector<16xf32>,
    tpu.vector_store %arg18[%swap3A_686], %select_n3A_685 {strides = array<i32>} : memref<320xf32, #tpu.memory_space<vmem>>, vector<16xf32>,
    %gt3A_688 = arith.cmpf ogt, %select_n3A_685, %select_n3A_641 : vector<16xf32>
    %gt3A_689 = arith.cmpf ogt, %select_n3A_685, %select_n3A_638 : vector<16xf32>
    %select_n3A_690 = arith.select %gt3A_689, %select_n3A_685, %select_n3A_638 : vector<16xi1>, vector<16xf32>
    %select_n3A_691 = arith.select %gt3A_688, %select_n3A_641, %select_n3A_690 : vector<16xi1>, vector<16xf32>
    %select_n3A_692 = arith.select %gt3A_689, %convert_element_type3A_651, %select_n3A_640 : vector<16xi1>, vector<16xf32>
    %select_n3A_693 = arith.select %gt3A_688, %select_n3A_642, %select_n3A_692 : vector<16xi1>, vector<16xf32>
    %select_n3A_694 = arith.select %gt3A_688, %select_n3A_685, %select_n3A_641 : vector<16xi1>, vector<16xf32>
    %select_n3A_695 = arith.select %gt3A_688, %convert_element_type3A_651, %select_n3A_642 : vector<16xi1>, vector<16xf32>
    %mul3A_696 = arith.constant 20 : i32
    %mul3A_697 = vector.broadcast %mul3A_696 : i32 to vector<16xi32>
    %mul3A_698 = arith.muli %iota3A, %mul3A_697 : vector<16xi32>
    %add3A_699 = vector.broadcast %mul3A_0 : i32 to vector<16xi32>
    %add3A_700 = arith.addi %add3A_699, %mul3A_698 : vector<16xi32>
    %add3A_701 = arith.constant 13 : i32
    %add3A_702 = vector.broadcast %add3A_701 : i32 to vector<16xi32>
    %add3A_703 = arith.addi %add3A_700, %add3A_702 : vector<16xi32>
    %convert_element_type3A_704 = arith.sitofp %add3A_703 : vector<16xi32> to vector<16xf32>
    %gather3A_705 = tpu.vector_load_idx %arg8[%add3A_703] : memref<5120xf32, #tpu.memory_space<vmem>>[vector<16xi32>], vector<16xf32>,
    %gather3A_706 = tpu.vector_load_idx %arg9[%add3A_703] : memref<5120xf32, #tpu.memory_space<vmem>>[vector<16xi32>], vector<16xf32>,
    %gather3A_707 = tpu.vector_load_idx %arg10[%add3A_703] : memref<5120xf32, #tpu.memory_space<vmem>>[vector<16xi32>], vector<16xf32>,
    %gather3A_708 = tpu.vector_load_idx %arg11[%add3A_703] : memref<5120xf32, #tpu.memory_space<vmem>>[vector<16xi32>], vector<16xf32>,
    %gather3A_709 = tpu.vector_load_idx %arg12[%add3A_703] : memref<5120xf32, #tpu.memory_space<vmem>>[vector<16xi32>], vector<16xf32>,
    %swap3A_710 = arith.constant 208 : index
    %swap3A_711 = tpu.vector_load %arg13[%swap3A_710] {strides = array<i32>} : memref<320xf32, #tpu.memory_space<vmem>>, vector<16xf32>,
    tpu.vector_store %arg13[%swap3A_710], %gather3A_705 {strides = array<i32>} : memref<320xf32, #tpu.memory_space<vmem>>, vector<16xf32>,
    %swap3A_712 = arith.constant 208 : index
    %swap3A_713 = tpu.vector_load %arg14[%swap3A_712] {strides = array<i32>} : memref<320xf32, #tpu.memory_space<vmem>>, vector<16xf32>,
    tpu.vector_store %arg14[%swap3A_712], %gather3A_706 {strides = array<i32>} : memref<320xf32, #tpu.memory_space<vmem>>, vector<16xf32>,
    %swap3A_714 = arith.constant 208 : index
    %swap3A_715 = tpu.vector_load %arg15[%swap3A_714] {strides = array<i32>} : memref<320xf32, #tpu.memory_space<vmem>>, vector<16xf32>,
    tpu.vector_store %arg15[%swap3A_714], %gather3A_707 {strides = array<i32>} : memref<320xf32, #tpu.memory_space<vmem>>, vector<16xf32>,
    %swap3A_716 = arith.constant 208 : index
    %swap3A_717 = tpu.vector_load %arg16[%swap3A_716] {strides = array<i32>} : memref<320xf32, #tpu.memory_space<vmem>>, vector<16xf32>,
    tpu.vector_store %arg16[%swap3A_716], %gather3A_708 {strides = array<i32>} : memref<320xf32, #tpu.memory_space<vmem>>, vector<16xf32>,
    %sub3A_718 = arith.subf %gather3A_707, %gather3A_705 : vector<16xf32>
    %sub3A_719 = arith.subf %gather3A_708, %gather3A_706 : vector<16xf32>
    %mul3A_720 = arith.mulf %sub3A_718, %sub3A_719 : vector<16xf32>
    %swap3A_721 = arith.constant 208 : index
    %swap3A_722 = tpu.vector_load %arg17[%swap3A_721] {strides = array<i32>} : memref<320xf32, #tpu.memory_space<vmem>>, vector<16xf32>,
    tpu.vector_store %arg17[%swap3A_721], %mul3A_720 {strides = array<i32>} : memref<320xf32, #tpu.memory_space<vmem>>, vector<16xf32>,
    %swap3A_723 = arith.constant 208 : index
    %swap3A_724 = tpu.vector_load %arg19[%swap3A_723] {strides = array<i32>} : memref<320xf32, #tpu.memory_space<vmem>>, vector<16xf32>,
    tpu.vector_store %arg19[%swap3A_723], %convert_element_type3A_704 {strides = array<i32>} : memref<320xf32, #tpu.memory_space<vmem>>, vector<16xf32>,
    %mul3A_725 = arith.constant 2.000000e-04 : f32
    %mul3A_726 = vector.broadcast %mul3A_725 : f32 to vector<16xf32>
    %mul3A_727 = arith.mulf %convert_element_type3A_704, %mul3A_726 : vector<16xf32>
    %sub3A_728 = arith.constant -4.000000e+00 : f32
    %sub3A_729 = vector.broadcast %sub3A_728 : f32 to vector<16xf32>
    %sub3A_730 = arith.subf %sub3A_729, %mul3A_727 : vector<16xf32>
    %gt3A_731 = arith.constant 5.000000e-02 : f32
    %gt3A_732 = vector.broadcast %gt3A_731 : f32 to vector<16xf32>
    %gt3A_733 = arith.cmpf ogt, %gather3A_709, %gt3A_732 : vector<16xf32>
    %select_n3A_734 = arith.select %gt3A_733, %gather3A_709, %sub3A_730 : vector<16xi1>, vector<16xf32>
    %lt3A_735 = arith.constant -1.000000e+29 : f32
    %lt3A_736 = vector.broadcast %lt3A_735 : f32 to vector<16xf32>
    %lt3A_737 = arith.cmpf olt, %gather3A_709, %lt3A_736 : vector<16xf32>
    %select_n3A_738 = arith.select %lt3A_737, %broadcast_in_dim3A_5, %select_n3A_734 : vector<16xi1>, vector<16xf32>
    %swap3A_739 = arith.constant 208 : index
    %swap3A_740 = tpu.vector_load %arg18[%swap3A_739] {strides = array<i32>} : memref<320xf32, #tpu.memory_space<vmem>>, vector<16xf32>,
    tpu.vector_store %arg18[%swap3A_739], %select_n3A_738 {strides = array<i32>} : memref<320xf32, #tpu.memory_space<vmem>>, vector<16xf32>,
    %gt3A_741 = arith.cmpf ogt, %select_n3A_738, %select_n3A_694 : vector<16xf32>
    %gt3A_742 = arith.cmpf ogt, %select_n3A_738, %select_n3A_691 : vector<16xf32>
    %select_n3A_743 = arith.select %gt3A_742, %select_n3A_738, %select_n3A_691 : vector<16xi1>, vector<16xf32>
    %select_n3A_744 = arith.select %gt3A_741, %select_n3A_694, %select_n3A_743 : vector<16xi1>, vector<16xf32>
    %select_n3A_745 = arith.select %gt3A_742, %convert_element_type3A_704, %select_n3A_693 : vector<16xi1>, vector<16xf32>
    %select_n3A_746 = arith.select %gt3A_741, %select_n3A_695, %select_n3A_745 : vector<16xi1>, vector<16xf32>
    %select_n3A_747 = arith.select %gt3A_741, %select_n3A_738, %select_n3A_694 : vector<16xi1>, vector<16xf32>
    %select_n3A_748 = arith.select %gt3A_741, %convert_element_type3A_704, %select_n3A_695 : vector<16xi1>, vector<16xf32>
    %mul3A_749 = arith.constant 20 : i32
    %mul3A_750 = vector.broadcast %mul3A_749 : i32 to vector<16xi32>
    %mul3A_751 = arith.muli %iota3A, %mul3A_750 : vector<16xi32>
    %add3A_752 = vector.broadcast %mul3A_0 : i32 to vector<16xi32>
    %add3A_753 = arith.addi %add3A_752, %mul3A_751 : vector<16xi32>
    %add3A_754 = arith.constant 14 : i32
    %add3A_755 = vector.broadcast %add3A_754 : i32 to vector<16xi32>
    %add3A_756 = arith.addi %add3A_753, %add3A_755 : vector<16xi32>
    %convert_element_type3A_757 = arith.sitofp %add3A_756 : vector<16xi32> to vector<16xf32>
    %gather3A_758 = tpu.vector_load_idx %arg8[%add3A_756] : memref<5120xf32, #tpu.memory_space<vmem>>[vector<16xi32>], vector<16xf32>,
    %gather3A_759 = tpu.vector_load_idx %arg9[%add3A_756] : memref<5120xf32, #tpu.memory_space<vmem>>[vector<16xi32>], vector<16xf32>,
    %gather3A_760 = tpu.vector_load_idx %arg10[%add3A_756] : memref<5120xf32, #tpu.memory_space<vmem>>[vector<16xi32>], vector<16xf32>,
    %gather3A_761 = tpu.vector_load_idx %arg11[%add3A_756] : memref<5120xf32, #tpu.memory_space<vmem>>[vector<16xi32>], vector<16xf32>,
    %gather3A_762 = tpu.vector_load_idx %arg12[%add3A_756] : memref<5120xf32, #tpu.memory_space<vmem>>[vector<16xi32>], vector<16xf32>,
    %swap3A_763 = arith.constant 224 : index
    %swap3A_764 = tpu.vector_load %arg13[%swap3A_763] {strides = array<i32>} : memref<320xf32, #tpu.memory_space<vmem>>, vector<16xf32>,
    tpu.vector_store %arg13[%swap3A_763], %gather3A_758 {strides = array<i32>} : memref<320xf32, #tpu.memory_space<vmem>>, vector<16xf32>,
    %swap3A_765 = arith.constant 224 : index
    %swap3A_766 = tpu.vector_load %arg14[%swap3A_765] {strides = array<i32>} : memref<320xf32, #tpu.memory_space<vmem>>, vector<16xf32>,
    tpu.vector_store %arg14[%swap3A_765], %gather3A_759 {strides = array<i32>} : memref<320xf32, #tpu.memory_space<vmem>>, vector<16xf32>,
    %swap3A_767 = arith.constant 224 : index
    %swap3A_768 = tpu.vector_load %arg15[%swap3A_767] {strides = array<i32>} : memref<320xf32, #tpu.memory_space<vmem>>, vector<16xf32>,
    tpu.vector_store %arg15[%swap3A_767], %gather3A_760 {strides = array<i32>} : memref<320xf32, #tpu.memory_space<vmem>>, vector<16xf32>,
    %swap3A_769 = arith.constant 224 : index
    %swap3A_770 = tpu.vector_load %arg16[%swap3A_769] {strides = array<i32>} : memref<320xf32, #tpu.memory_space<vmem>>, vector<16xf32>,
    tpu.vector_store %arg16[%swap3A_769], %gather3A_761 {strides = array<i32>} : memref<320xf32, #tpu.memory_space<vmem>>, vector<16xf32>,
    %sub3A_771 = arith.subf %gather3A_760, %gather3A_758 : vector<16xf32>
    %sub3A_772 = arith.subf %gather3A_761, %gather3A_759 : vector<16xf32>
    %mul3A_773 = arith.mulf %sub3A_771, %sub3A_772 : vector<16xf32>
    %swap3A_774 = arith.constant 224 : index
    %swap3A_775 = tpu.vector_load %arg17[%swap3A_774] {strides = array<i32>} : memref<320xf32, #tpu.memory_space<vmem>>, vector<16xf32>,
    tpu.vector_store %arg17[%swap3A_774], %mul3A_773 {strides = array<i32>} : memref<320xf32, #tpu.memory_space<vmem>>, vector<16xf32>,
    %swap3A_776 = arith.constant 224 : index
    %swap3A_777 = tpu.vector_load %arg19[%swap3A_776] {strides = array<i32>} : memref<320xf32, #tpu.memory_space<vmem>>, vector<16xf32>,
    tpu.vector_store %arg19[%swap3A_776], %convert_element_type3A_757 {strides = array<i32>} : memref<320xf32, #tpu.memory_space<vmem>>, vector<16xf32>,
    %mul3A_778 = arith.constant 2.000000e-04 : f32
    %mul3A_779 = vector.broadcast %mul3A_778 : f32 to vector<16xf32>
    %mul3A_780 = arith.mulf %convert_element_type3A_757, %mul3A_779 : vector<16xf32>
    %sub3A_781 = arith.constant -4.000000e+00 : f32
    %sub3A_782 = vector.broadcast %sub3A_781 : f32 to vector<16xf32>
    %sub3A_783 = arith.subf %sub3A_782, %mul3A_780 : vector<16xf32>
    %gt3A_784 = arith.constant 5.000000e-02 : f32
    %gt3A_785 = vector.broadcast %gt3A_784 : f32 to vector<16xf32>
    %gt3A_786 = arith.cmpf ogt, %gather3A_762, %gt3A_785 : vector<16xf32>
    %select_n3A_787 = arith.select %gt3A_786, %gather3A_762, %sub3A_783 : vector<16xi1>, vector<16xf32>
    %lt3A_788 = arith.constant -1.000000e+29 : f32
    %lt3A_789 = vector.broadcast %lt3A_788 : f32 to vector<16xf32>
    %lt3A_790 = arith.cmpf olt, %gather3A_762, %lt3A_789 : vector<16xf32>
    %select_n3A_791 = arith.select %lt3A_790, %broadcast_in_dim3A_5, %select_n3A_787 : vector<16xi1>, vector<16xf32>
    %swap3A_792 = arith.constant 224 : index
    %swap3A_793 = tpu.vector_load %arg18[%swap3A_792] {strides = array<i32>} : memref<320xf32, #tpu.memory_space<vmem>>, vector<16xf32>,
    tpu.vector_store %arg18[%swap3A_792], %select_n3A_791 {strides = array<i32>} : memref<320xf32, #tpu.memory_space<vmem>>, vector<16xf32>,
    %gt3A_794 = arith.cmpf ogt, %select_n3A_791, %select_n3A_747 : vector<16xf32>
    %gt3A_795 = arith.cmpf ogt, %select_n3A_791, %select_n3A_744 : vector<16xf32>
    %select_n3A_796 = arith.select %gt3A_795, %select_n3A_791, %select_n3A_744 : vector<16xi1>, vector<16xf32>
    %select_n3A_797 = arith.select %gt3A_794, %select_n3A_747, %select_n3A_796 : vector<16xi1>, vector<16xf32>
    %select_n3A_798 = arith.select %gt3A_795, %convert_element_type3A_757, %select_n3A_746 : vector<16xi1>, vector<16xf32>
    %select_n3A_799 = arith.select %gt3A_794, %select_n3A_748, %select_n3A_798 : vector<16xi1>, vector<16xf32>
    %select_n3A_800 = arith.select %gt3A_794, %select_n3A_791, %select_n3A_747 : vector<16xi1>, vector<16xf32>
    %select_n3A_801 = arith.select %gt3A_794, %convert_element_type3A_757, %select_n3A_748 : vector<16xi1>, vector<16xf32>
    %mul3A_802 = arith.constant 20 : i32
    %mul3A_803 = vector.broadcast %mul3A_802 : i32 to vector<16xi32>
    %mul3A_804 = arith.muli %iota3A, %mul3A_803 : vector<16xi32>
    %add3A_805 = vector.broadcast %mul3A_0 : i32 to vector<16xi32>
    %add3A_806 = arith.addi %add3A_805, %mul3A_804 : vector<16xi32>
    %add3A_807 = arith.constant 15 : i32
    %add3A_808 = vector.broadcast %add3A_807 : i32 to vector<16xi32>
    %add3A_809 = arith.addi %add3A_806, %add3A_808 : vector<16xi32>
    %convert_element_type3A_810 = arith.sitofp %add3A_809 : vector<16xi32> to vector<16xf32>
    %gather3A_811 = tpu.vector_load_idx %arg8[%add3A_809] : memref<5120xf32, #tpu.memory_space<vmem>>[vector<16xi32>], vector<16xf32>,
    %gather3A_812 = tpu.vector_load_idx %arg9[%add3A_809] : memref<5120xf32, #tpu.memory_space<vmem>>[vector<16xi32>], vector<16xf32>,
    %gather3A_813 = tpu.vector_load_idx %arg10[%add3A_809] : memref<5120xf32, #tpu.memory_space<vmem>>[vector<16xi32>], vector<16xf32>,
    %gather3A_814 = tpu.vector_load_idx %arg11[%add3A_809] : memref<5120xf32, #tpu.memory_space<vmem>>[vector<16xi32>], vector<16xf32>,
    %gather3A_815 = tpu.vector_load_idx %arg12[%add3A_809] : memref<5120xf32, #tpu.memory_space<vmem>>[vector<16xi32>], vector<16xf32>,
    %swap3A_816 = arith.constant 240 : index
    %swap3A_817 = tpu.vector_load %arg13[%swap3A_816] {strides = array<i32>} : memref<320xf32, #tpu.memory_space<vmem>>, vector<16xf32>,
    tpu.vector_store %arg13[%swap3A_816], %gather3A_811 {strides = array<i32>} : memref<320xf32, #tpu.memory_space<vmem>>, vector<16xf32>,
    %swap3A_818 = arith.constant 240 : index
    %swap3A_819 = tpu.vector_load %arg14[%swap3A_818] {strides = array<i32>} : memref<320xf32, #tpu.memory_space<vmem>>, vector<16xf32>,
    tpu.vector_store %arg14[%swap3A_818], %gather3A_812 {strides = array<i32>} : memref<320xf32, #tpu.memory_space<vmem>>, vector<16xf32>,
    %swap3A_820 = arith.constant 240 : index
    %swap3A_821 = tpu.vector_load %arg15[%swap3A_820] {strides = array<i32>} : memref<320xf32, #tpu.memory_space<vmem>>, vector<16xf32>,
    tpu.vector_store %arg15[%swap3A_820], %gather3A_813 {strides = array<i32>} : memref<320xf32, #tpu.memory_space<vmem>>, vector<16xf32>,
    %swap3A_822 = arith.constant 240 : index
    %swap3A_823 = tpu.vector_load %arg16[%swap3A_822] {strides = array<i32>} : memref<320xf32, #tpu.memory_space<vmem>>, vector<16xf32>,
    tpu.vector_store %arg16[%swap3A_822], %gather3A_814 {strides = array<i32>} : memref<320xf32, #tpu.memory_space<vmem>>, vector<16xf32>,
    %sub3A_824 = arith.subf %gather3A_813, %gather3A_811 : vector<16xf32>
    %sub3A_825 = arith.subf %gather3A_814, %gather3A_812 : vector<16xf32>
    %mul3A_826 = arith.mulf %sub3A_824, %sub3A_825 : vector<16xf32>
    %swap3A_827 = arith.constant 240 : index
    %swap3A_828 = tpu.vector_load %arg17[%swap3A_827] {strides = array<i32>} : memref<320xf32, #tpu.memory_space<vmem>>, vector<16xf32>,
    tpu.vector_store %arg17[%swap3A_827], %mul3A_826 {strides = array<i32>} : memref<320xf32, #tpu.memory_space<vmem>>, vector<16xf32>,
    %swap3A_829 = arith.constant 240 : index
    %swap3A_830 = tpu.vector_load %arg19[%swap3A_829] {strides = array<i32>} : memref<320xf32, #tpu.memory_space<vmem>>, vector<16xf32>,
    tpu.vector_store %arg19[%swap3A_829], %convert_element_type3A_810 {strides = array<i32>} : memref<320xf32, #tpu.memory_space<vmem>>, vector<16xf32>,
    %mul3A_831 = arith.constant 2.000000e-04 : f32
    %mul3A_832 = vector.broadcast %mul3A_831 : f32 to vector<16xf32>
    %mul3A_833 = arith.mulf %convert_element_type3A_810, %mul3A_832 : vector<16xf32>
    %sub3A_834 = arith.constant -4.000000e+00 : f32
    %sub3A_835 = vector.broadcast %sub3A_834 : f32 to vector<16xf32>
    %sub3A_836 = arith.subf %sub3A_835, %mul3A_833 : vector<16xf32>
    %gt3A_837 = arith.constant 5.000000e-02 : f32
    %gt3A_838 = vector.broadcast %gt3A_837 : f32 to vector<16xf32>
    %gt3A_839 = arith.cmpf ogt, %gather3A_815, %gt3A_838 : vector<16xf32>
    %select_n3A_840 = arith.select %gt3A_839, %gather3A_815, %sub3A_836 : vector<16xi1>, vector<16xf32>
    %lt3A_841 = arith.constant -1.000000e+29 : f32
    %lt3A_842 = vector.broadcast %lt3A_841 : f32 to vector<16xf32>
    %lt3A_843 = arith.cmpf olt, %gather3A_815, %lt3A_842 : vector<16xf32>
    %select_n3A_844 = arith.select %lt3A_843, %broadcast_in_dim3A_5, %select_n3A_840 : vector<16xi1>, vector<16xf32>
    %swap3A_845 = arith.constant 240 : index
    %swap3A_846 = tpu.vector_load %arg18[%swap3A_845] {strides = array<i32>} : memref<320xf32, #tpu.memory_space<vmem>>, vector<16xf32>,
    tpu.vector_store %arg18[%swap3A_845], %select_n3A_844 {strides = array<i32>} : memref<320xf32, #tpu.memory_space<vmem>>, vector<16xf32>,
    %gt3A_847 = arith.cmpf ogt, %select_n3A_844, %select_n3A_800 : vector<16xf32>
    %gt3A_848 = arith.cmpf ogt, %select_n3A_844, %select_n3A_797 : vector<16xf32>
    %select_n3A_849 = arith.select %gt3A_848, %select_n3A_844, %select_n3A_797 : vector<16xi1>, vector<16xf32>
    %select_n3A_850 = arith.select %gt3A_847, %select_n3A_800, %select_n3A_849 : vector<16xi1>, vector<16xf32>
    %select_n3A_851 = arith.select %gt3A_848, %convert_element_type3A_810, %select_n3A_799 : vector<16xi1>, vector<16xf32>
    %select_n3A_852 = arith.select %gt3A_847, %select_n3A_801, %select_n3A_851 : vector<16xi1>, vector<16xf32>
    %select_n3A_853 = arith.select %gt3A_847, %select_n3A_844, %select_n3A_800 : vector<16xi1>, vector<16xf32>
    %select_n3A_854 = arith.select %gt3A_847, %convert_element_type3A_810, %select_n3A_801 : vector<16xi1>, vector<16xf32>
    %mul3A_855 = arith.constant 20 : i32
    %mul3A_856 = vector.broadcast %mul3A_855 : i32 to vector<16xi32>
    %mul3A_857 = arith.muli %iota3A, %mul3A_856 : vector<16xi32>
    %add3A_858 = vector.broadcast %mul3A_0 : i32 to vector<16xi32>
    %add3A_859 = arith.addi %add3A_858, %mul3A_857 : vector<16xi32>
    %add3A_860 = arith.constant 16 : i32
    %add3A_861 = vector.broadcast %add3A_860 : i32 to vector<16xi32>
    %add3A_862 = arith.addi %add3A_859, %add3A_861 : vector<16xi32>
    %convert_element_type3A_863 = arith.sitofp %add3A_862 : vector<16xi32> to vector<16xf32>
    %gather3A_864 = tpu.vector_load_idx %arg8[%add3A_862] : memref<5120xf32, #tpu.memory_space<vmem>>[vector<16xi32>], vector<16xf32>,
    %gather3A_865 = tpu.vector_load_idx %arg9[%add3A_862] : memref<5120xf32, #tpu.memory_space<vmem>>[vector<16xi32>], vector<16xf32>,
    %gather3A_866 = tpu.vector_load_idx %arg10[%add3A_862] : memref<5120xf32, #tpu.memory_space<vmem>>[vector<16xi32>], vector<16xf32>,
    %gather3A_867 = tpu.vector_load_idx %arg11[%add3A_862] : memref<5120xf32, #tpu.memory_space<vmem>>[vector<16xi32>], vector<16xf32>,
    %gather3A_868 = tpu.vector_load_idx %arg12[%add3A_862] : memref<5120xf32, #tpu.memory_space<vmem>>[vector<16xi32>], vector<16xf32>,
    %swap3A_869 = arith.constant 256 : index
    %swap3A_870 = tpu.vector_load %arg13[%swap3A_869] {strides = array<i32>} : memref<320xf32, #tpu.memory_space<vmem>>, vector<16xf32>,
    tpu.vector_store %arg13[%swap3A_869], %gather3A_864 {strides = array<i32>} : memref<320xf32, #tpu.memory_space<vmem>>, vector<16xf32>,
    %swap3A_871 = arith.constant 256 : index
    %swap3A_872 = tpu.vector_load %arg14[%swap3A_871] {strides = array<i32>} : memref<320xf32, #tpu.memory_space<vmem>>, vector<16xf32>,
    tpu.vector_store %arg14[%swap3A_871], %gather3A_865 {strides = array<i32>} : memref<320xf32, #tpu.memory_space<vmem>>, vector<16xf32>,
    %swap3A_873 = arith.constant 256 : index
    %swap3A_874 = tpu.vector_load %arg15[%swap3A_873] {strides = array<i32>} : memref<320xf32, #tpu.memory_space<vmem>>, vector<16xf32>,
    tpu.vector_store %arg15[%swap3A_873], %gather3A_866 {strides = array<i32>} : memref<320xf32, #tpu.memory_space<vmem>>, vector<16xf32>,
    %swap3A_875 = arith.constant 256 : index
    %swap3A_876 = tpu.vector_load %arg16[%swap3A_875] {strides = array<i32>} : memref<320xf32, #tpu.memory_space<vmem>>, vector<16xf32>,
    tpu.vector_store %arg16[%swap3A_875], %gather3A_867 {strides = array<i32>} : memref<320xf32, #tpu.memory_space<vmem>>, vector<16xf32>,
    %sub3A_877 = arith.subf %gather3A_866, %gather3A_864 : vector<16xf32>
    %sub3A_878 = arith.subf %gather3A_867, %gather3A_865 : vector<16xf32>
    %mul3A_879 = arith.mulf %sub3A_877, %sub3A_878 : vector<16xf32>
    %swap3A_880 = arith.constant 256 : index
    %swap3A_881 = tpu.vector_load %arg17[%swap3A_880] {strides = array<i32>} : memref<320xf32, #tpu.memory_space<vmem>>, vector<16xf32>,
    tpu.vector_store %arg17[%swap3A_880], %mul3A_879 {strides = array<i32>} : memref<320xf32, #tpu.memory_space<vmem>>, vector<16xf32>,
    %swap3A_882 = arith.constant 256 : index
    %swap3A_883 = tpu.vector_load %arg19[%swap3A_882] {strides = array<i32>} : memref<320xf32, #tpu.memory_space<vmem>>, vector<16xf32>,
    tpu.vector_store %arg19[%swap3A_882], %convert_element_type3A_863 {strides = array<i32>} : memref<320xf32, #tpu.memory_space<vmem>>, vector<16xf32>,
    %mul3A_884 = arith.constant 2.000000e-04 : f32
    %mul3A_885 = vector.broadcast %mul3A_884 : f32 to vector<16xf32>
    %mul3A_886 = arith.mulf %convert_element_type3A_863, %mul3A_885 : vector<16xf32>
    %sub3A_887 = arith.constant -4.000000e+00 : f32
    %sub3A_888 = vector.broadcast %sub3A_887 : f32 to vector<16xf32>
    %sub3A_889 = arith.subf %sub3A_888, %mul3A_886 : vector<16xf32>
    %gt3A_890 = arith.constant 5.000000e-02 : f32
    %gt3A_891 = vector.broadcast %gt3A_890 : f32 to vector<16xf32>
    %gt3A_892 = arith.cmpf ogt, %gather3A_868, %gt3A_891 : vector<16xf32>
    %select_n3A_893 = arith.select %gt3A_892, %gather3A_868, %sub3A_889 : vector<16xi1>, vector<16xf32>
    %lt3A_894 = arith.constant -1.000000e+29 : f32
    %lt3A_895 = vector.broadcast %lt3A_894 : f32 to vector<16xf32>
    %lt3A_896 = arith.cmpf olt, %gather3A_868, %lt3A_895 : vector<16xf32>
    %select_n3A_897 = arith.select %lt3A_896, %broadcast_in_dim3A_5, %select_n3A_893 : vector<16xi1>, vector<16xf32>
    %swap3A_898 = arith.constant 256 : index
    %swap3A_899 = tpu.vector_load %arg18[%swap3A_898] {strides = array<i32>} : memref<320xf32, #tpu.memory_space<vmem>>, vector<16xf32>,
    tpu.vector_store %arg18[%swap3A_898], %select_n3A_897 {strides = array<i32>} : memref<320xf32, #tpu.memory_space<vmem>>, vector<16xf32>,
    %gt3A_900 = arith.cmpf ogt, %select_n3A_897, %select_n3A_853 : vector<16xf32>
    %gt3A_901 = arith.cmpf ogt, %select_n3A_897, %select_n3A_850 : vector<16xf32>
    %select_n3A_902 = arith.select %gt3A_901, %select_n3A_897, %select_n3A_850 : vector<16xi1>, vector<16xf32>
    %select_n3A_903 = arith.select %gt3A_900, %select_n3A_853, %select_n3A_902 : vector<16xi1>, vector<16xf32>
    %select_n3A_904 = arith.select %gt3A_901, %convert_element_type3A_863, %select_n3A_852 : vector<16xi1>, vector<16xf32>
    %select_n3A_905 = arith.select %gt3A_900, %select_n3A_854, %select_n3A_904 : vector<16xi1>, vector<16xf32>
    %select_n3A_906 = arith.select %gt3A_900, %select_n3A_897, %select_n3A_853 : vector<16xi1>, vector<16xf32>
    %select_n3A_907 = arith.select %gt3A_900, %convert_element_type3A_863, %select_n3A_854 : vector<16xi1>, vector<16xf32>
    %mul3A_908 = arith.constant 20 : i32
    %mul3A_909 = vector.broadcast %mul3A_908 : i32 to vector<16xi32>
    %mul3A_910 = arith.muli %iota3A, %mul3A_909 : vector<16xi32>
    %add3A_911 = vector.broadcast %mul3A_0 : i32 to vector<16xi32>
    %add3A_912 = arith.addi %add3A_911, %mul3A_910 : vector<16xi32>
    %add3A_913 = arith.constant 17 : i32
    %add3A_914 = vector.broadcast %add3A_913 : i32 to vector<16xi32>
    %add3A_915 = arith.addi %add3A_912, %add3A_914 : vector<16xi32>
    %convert_element_type3A_916 = arith.sitofp %add3A_915 : vector<16xi32> to vector<16xf32>
    %gather3A_917 = tpu.vector_load_idx %arg8[%add3A_915] : memref<5120xf32, #tpu.memory_space<vmem>>[vector<16xi32>], vector<16xf32>,
    %gather3A_918 = tpu.vector_load_idx %arg9[%add3A_915] : memref<5120xf32, #tpu.memory_space<vmem>>[vector<16xi32>], vector<16xf32>,
    %gather3A_919 = tpu.vector_load_idx %arg10[%add3A_915] : memref<5120xf32, #tpu.memory_space<vmem>>[vector<16xi32>], vector<16xf32>,
    %gather3A_920 = tpu.vector_load_idx %arg11[%add3A_915] : memref<5120xf32, #tpu.memory_space<vmem>>[vector<16xi32>], vector<16xf32>,
    %gather3A_921 = tpu.vector_load_idx %arg12[%add3A_915] : memref<5120xf32, #tpu.memory_space<vmem>>[vector<16xi32>], vector<16xf32>,
    %swap3A_922 = arith.constant 272 : index
    %swap3A_923 = tpu.vector_load %arg13[%swap3A_922] {strides = array<i32>} : memref<320xf32, #tpu.memory_space<vmem>>, vector<16xf32>,
    tpu.vector_store %arg13[%swap3A_922], %gather3A_917 {strides = array<i32>} : memref<320xf32, #tpu.memory_space<vmem>>, vector<16xf32>,
    %swap3A_924 = arith.constant 272 : index
    %swap3A_925 = tpu.vector_load %arg14[%swap3A_924] {strides = array<i32>} : memref<320xf32, #tpu.memory_space<vmem>>, vector<16xf32>,
    tpu.vector_store %arg14[%swap3A_924], %gather3A_918 {strides = array<i32>} : memref<320xf32, #tpu.memory_space<vmem>>, vector<16xf32>,
    %swap3A_926 = arith.constant 272 : index
    %swap3A_927 = tpu.vector_load %arg15[%swap3A_926] {strides = array<i32>} : memref<320xf32, #tpu.memory_space<vmem>>, vector<16xf32>,
    tpu.vector_store %arg15[%swap3A_926], %gather3A_919 {strides = array<i32>} : memref<320xf32, #tpu.memory_space<vmem>>, vector<16xf32>,
    %swap3A_928 = arith.constant 272 : index
    %swap3A_929 = tpu.vector_load %arg16[%swap3A_928] {strides = array<i32>} : memref<320xf32, #tpu.memory_space<vmem>>, vector<16xf32>,
    tpu.vector_store %arg16[%swap3A_928], %gather3A_920 {strides = array<i32>} : memref<320xf32, #tpu.memory_space<vmem>>, vector<16xf32>,
    %sub3A_930 = arith.subf %gather3A_919, %gather3A_917 : vector<16xf32>
    %sub3A_931 = arith.subf %gather3A_920, %gather3A_918 : vector<16xf32>
    %mul3A_932 = arith.mulf %sub3A_930, %sub3A_931 : vector<16xf32>
    %swap3A_933 = arith.constant 272 : index
    %swap3A_934 = tpu.vector_load %arg17[%swap3A_933] {strides = array<i32>} : memref<320xf32, #tpu.memory_space<vmem>>, vector<16xf32>,
    tpu.vector_store %arg17[%swap3A_933], %mul3A_932 {strides = array<i32>} : memref<320xf32, #tpu.memory_space<vmem>>, vector<16xf32>,
    %swap3A_935 = arith.constant 272 : index
    %swap3A_936 = tpu.vector_load %arg19[%swap3A_935] {strides = array<i32>} : memref<320xf32, #tpu.memory_space<vmem>>, vector<16xf32>,
    tpu.vector_store %arg19[%swap3A_935], %convert_element_type3A_916 {strides = array<i32>} : memref<320xf32, #tpu.memory_space<vmem>>, vector<16xf32>,
    %mul3A_937 = arith.constant 2.000000e-04 : f32
    %mul3A_938 = vector.broadcast %mul3A_937 : f32 to vector<16xf32>
    %mul3A_939 = arith.mulf %convert_element_type3A_916, %mul3A_938 : vector<16xf32>
    %sub3A_940 = arith.constant -4.000000e+00 : f32
    %sub3A_941 = vector.broadcast %sub3A_940 : f32 to vector<16xf32>
    %sub3A_942 = arith.subf %sub3A_941, %mul3A_939 : vector<16xf32>
    %gt3A_943 = arith.constant 5.000000e-02 : f32
    %gt3A_944 = vector.broadcast %gt3A_943 : f32 to vector<16xf32>
    %gt3A_945 = arith.cmpf ogt, %gather3A_921, %gt3A_944 : vector<16xf32>
    %select_n3A_946 = arith.select %gt3A_945, %gather3A_921, %sub3A_942 : vector<16xi1>, vector<16xf32>
    %lt3A_947 = arith.constant -1.000000e+29 : f32
    %lt3A_948 = vector.broadcast %lt3A_947 : f32 to vector<16xf32>
    %lt3A_949 = arith.cmpf olt, %gather3A_921, %lt3A_948 : vector<16xf32>
    %select_n3A_950 = arith.select %lt3A_949, %broadcast_in_dim3A_5, %select_n3A_946 : vector<16xi1>, vector<16xf32>
    %swap3A_951 = arith.constant 272 : index
    %swap3A_952 = tpu.vector_load %arg18[%swap3A_951] {strides = array<i32>} : memref<320xf32, #tpu.memory_space<vmem>>, vector<16xf32>,
    tpu.vector_store %arg18[%swap3A_951], %select_n3A_950 {strides = array<i32>} : memref<320xf32, #tpu.memory_space<vmem>>, vector<16xf32>,
    %gt3A_953 = arith.cmpf ogt, %select_n3A_950, %select_n3A_906 : vector<16xf32>
    %gt3A_954 = arith.cmpf ogt, %select_n3A_950, %select_n3A_903 : vector<16xf32>
    %select_n3A_955 = arith.select %gt3A_954, %select_n3A_950, %select_n3A_903 : vector<16xi1>, vector<16xf32>
    %select_n3A_956 = arith.select %gt3A_953, %select_n3A_906, %select_n3A_955 : vector<16xi1>, vector<16xf32>
    %select_n3A_957 = arith.select %gt3A_954, %convert_element_type3A_916, %select_n3A_905 : vector<16xi1>, vector<16xf32>
    %select_n3A_958 = arith.select %gt3A_953, %select_n3A_907, %select_n3A_957 : vector<16xi1>, vector<16xf32>
    %select_n3A_959 = arith.select %gt3A_953, %select_n3A_950, %select_n3A_906 : vector<16xi1>, vector<16xf32>
    %select_n3A_960 = arith.select %gt3A_953, %convert_element_type3A_916, %select_n3A_907 : vector<16xi1>, vector<16xf32>
    %mul3A_961 = arith.constant 20 : i32
    %mul3A_962 = vector.broadcast %mul3A_961 : i32 to vector<16xi32>
    %mul3A_963 = arith.muli %iota3A, %mul3A_962 : vector<16xi32>
    %add3A_964 = vector.broadcast %mul3A_0 : i32 to vector<16xi32>
    %add3A_965 = arith.addi %add3A_964, %mul3A_963 : vector<16xi32>
    %add3A_966 = arith.constant 18 : i32
    %add3A_967 = vector.broadcast %add3A_966 : i32 to vector<16xi32>
    %add3A_968 = arith.addi %add3A_965, %add3A_967 : vector<16xi32>
    %convert_element_type3A_969 = arith.sitofp %add3A_968 : vector<16xi32> to vector<16xf32>
    %gather3A_970 = tpu.vector_load_idx %arg8[%add3A_968] : memref<5120xf32, #tpu.memory_space<vmem>>[vector<16xi32>], vector<16xf32>,
    %gather3A_971 = tpu.vector_load_idx %arg9[%add3A_968] : memref<5120xf32, #tpu.memory_space<vmem>>[vector<16xi32>], vector<16xf32>,
    %gather3A_972 = tpu.vector_load_idx %arg10[%add3A_968] : memref<5120xf32, #tpu.memory_space<vmem>>[vector<16xi32>], vector<16xf32>,
    %gather3A_973 = tpu.vector_load_idx %arg11[%add3A_968] : memref<5120xf32, #tpu.memory_space<vmem>>[vector<16xi32>], vector<16xf32>,
    %gather3A_974 = tpu.vector_load_idx %arg12[%add3A_968] : memref<5120xf32, #tpu.memory_space<vmem>>[vector<16xi32>], vector<16xf32>,
    %swap3A_975 = arith.constant 288 : index
    %swap3A_976 = tpu.vector_load %arg13[%swap3A_975] {strides = array<i32>} : memref<320xf32, #tpu.memory_space<vmem>>, vector<16xf32>,
    tpu.vector_store %arg13[%swap3A_975], %gather3A_970 {strides = array<i32>} : memref<320xf32, #tpu.memory_space<vmem>>, vector<16xf32>,
    %swap3A_977 = arith.constant 288 : index
    %swap3A_978 = tpu.vector_load %arg14[%swap3A_977] {strides = array<i32>} : memref<320xf32, #tpu.memory_space<vmem>>, vector<16xf32>,
    tpu.vector_store %arg14[%swap3A_977], %gather3A_971 {strides = array<i32>} : memref<320xf32, #tpu.memory_space<vmem>>, vector<16xf32>,
    %swap3A_979 = arith.constant 288 : index
    %swap3A_980 = tpu.vector_load %arg15[%swap3A_979] {strides = array<i32>} : memref<320xf32, #tpu.memory_space<vmem>>, vector<16xf32>,
    tpu.vector_store %arg15[%swap3A_979], %gather3A_972 {strides = array<i32>} : memref<320xf32, #tpu.memory_space<vmem>>, vector<16xf32>,
    %swap3A_981 = arith.constant 288 : index
    %swap3A_982 = tpu.vector_load %arg16[%swap3A_981] {strides = array<i32>} : memref<320xf32, #tpu.memory_space<vmem>>, vector<16xf32>,
    tpu.vector_store %arg16[%swap3A_981], %gather3A_973 {strides = array<i32>} : memref<320xf32, #tpu.memory_space<vmem>>, vector<16xf32>,
    %sub3A_983 = arith.subf %gather3A_972, %gather3A_970 : vector<16xf32>
    %sub3A_984 = arith.subf %gather3A_973, %gather3A_971 : vector<16xf32>
    %mul3A_985 = arith.mulf %sub3A_983, %sub3A_984 : vector<16xf32>
    %swap3A_986 = arith.constant 288 : index
    %swap3A_987 = tpu.vector_load %arg17[%swap3A_986] {strides = array<i32>} : memref<320xf32, #tpu.memory_space<vmem>>, vector<16xf32>,
    tpu.vector_store %arg17[%swap3A_986], %mul3A_985 {strides = array<i32>} : memref<320xf32, #tpu.memory_space<vmem>>, vector<16xf32>,
    %swap3A_988 = arith.constant 288 : index
    %swap3A_989 = tpu.vector_load %arg19[%swap3A_988] {strides = array<i32>} : memref<320xf32, #tpu.memory_space<vmem>>, vector<16xf32>,
    tpu.vector_store %arg19[%swap3A_988], %convert_element_type3A_969 {strides = array<i32>} : memref<320xf32, #tpu.memory_space<vmem>>, vector<16xf32>,
    %mul3A_990 = arith.constant 2.000000e-04 : f32
    %mul3A_991 = vector.broadcast %mul3A_990 : f32 to vector<16xf32>
    %mul3A_992 = arith.mulf %convert_element_type3A_969, %mul3A_991 : vector<16xf32>
    %sub3A_993 = arith.constant -4.000000e+00 : f32
    %sub3A_994 = vector.broadcast %sub3A_993 : f32 to vector<16xf32>
    %sub3A_995 = arith.subf %sub3A_994, %mul3A_992 : vector<16xf32>
    %gt3A_996 = arith.constant 5.000000e-02 : f32
    %gt3A_997 = vector.broadcast %gt3A_996 : f32 to vector<16xf32>
    %gt3A_998 = arith.cmpf ogt, %gather3A_974, %gt3A_997 : vector<16xf32>
    %select_n3A_999 = arith.select %gt3A_998, %gather3A_974, %sub3A_995 : vector<16xi1>, vector<16xf32>
    %lt3A_1000 = arith.constant -1.000000e+29 : f32
    %lt3A_1001 = vector.broadcast %lt3A_1000 : f32 to vector<16xf32>
    %lt3A_1002 = arith.cmpf olt, %gather3A_974, %lt3A_1001 : vector<16xf32>
    %select_n3A_1003 = arith.select %lt3A_1002, %broadcast_in_dim3A_5, %select_n3A_999 : vector<16xi1>, vector<16xf32>
    %swap3A_1004 = arith.constant 288 : index
    %swap3A_1005 = tpu.vector_load %arg18[%swap3A_1004] {strides = array<i32>} : memref<320xf32, #tpu.memory_space<vmem>>, vector<16xf32>,
    tpu.vector_store %arg18[%swap3A_1004], %select_n3A_1003 {strides = array<i32>} : memref<320xf32, #tpu.memory_space<vmem>>, vector<16xf32>,
    %gt3A_1006 = arith.cmpf ogt, %select_n3A_1003, %select_n3A_959 : vector<16xf32>
    %gt3A_1007 = arith.cmpf ogt, %select_n3A_1003, %select_n3A_956 : vector<16xf32>
    %select_n3A_1008 = arith.select %gt3A_1007, %select_n3A_1003, %select_n3A_956 : vector<16xi1>, vector<16xf32>
    %select_n3A_1009 = arith.select %gt3A_1006, %select_n3A_959, %select_n3A_1008 : vector<16xi1>, vector<16xf32>
    %select_n3A_1010 = arith.select %gt3A_1007, %convert_element_type3A_969, %select_n3A_958 : vector<16xi1>, vector<16xf32>
    %select_n3A_1011 = arith.select %gt3A_1006, %select_n3A_960, %select_n3A_1010 : vector<16xi1>, vector<16xf32>
    %select_n3A_1012 = arith.select %gt3A_1006, %select_n3A_1003, %select_n3A_959 : vector<16xi1>, vector<16xf32>
    %select_n3A_1013 = arith.select %gt3A_1006, %convert_element_type3A_969, %select_n3A_960 : vector<16xi1>, vector<16xf32>
    %mul3A_1014 = arith.constant 20 : i32
    %mul3A_1015 = vector.broadcast %mul3A_1014 : i32 to vector<16xi32>
    %mul3A_1016 = arith.muli %iota3A, %mul3A_1015 : vector<16xi32>
    %add3A_1017 = vector.broadcast %mul3A_0 : i32 to vector<16xi32>
    %add3A_1018 = arith.addi %add3A_1017, %mul3A_1016 : vector<16xi32>
    %add3A_1019 = arith.constant 19 : i32
    %add3A_1020 = vector.broadcast %add3A_1019 : i32 to vector<16xi32>
    %add3A_1021 = arith.addi %add3A_1018, %add3A_1020 : vector<16xi32>
    %convert_element_type3A_1022 = arith.sitofp %add3A_1021 : vector<16xi32> to vector<16xf32>
    %gather3A_1023 = tpu.vector_load_idx %arg8[%add3A_1021] : memref<5120xf32, #tpu.memory_space<vmem>>[vector<16xi32>], vector<16xf32>,
    %gather3A_1024 = tpu.vector_load_idx %arg9[%add3A_1021] : memref<5120xf32, #tpu.memory_space<vmem>>[vector<16xi32>], vector<16xf32>,
    %gather3A_1025 = tpu.vector_load_idx %arg10[%add3A_1021] : memref<5120xf32, #tpu.memory_space<vmem>>[vector<16xi32>], vector<16xf32>,
    %gather3A_1026 = tpu.vector_load_idx %arg11[%add3A_1021] : memref<5120xf32, #tpu.memory_space<vmem>>[vector<16xi32>], vector<16xf32>,
    %gather3A_1027 = tpu.vector_load_idx %arg12[%add3A_1021] : memref<5120xf32, #tpu.memory_space<vmem>>[vector<16xi32>], vector<16xf32>,
    %swap3A_1028 = arith.constant 304 : index
    %swap3A_1029 = tpu.vector_load %arg13[%swap3A_1028] {strides = array<i32>} : memref<320xf32, #tpu.memory_space<vmem>>, vector<16xf32>,
    tpu.vector_store %arg13[%swap3A_1028], %gather3A_1023 {strides = array<i32>} : memref<320xf32, #tpu.memory_space<vmem>>, vector<16xf32>,
    %swap3A_1030 = arith.constant 304 : index
    %swap3A_1031 = tpu.vector_load %arg14[%swap3A_1030] {strides = array<i32>} : memref<320xf32, #tpu.memory_space<vmem>>, vector<16xf32>,
    tpu.vector_store %arg14[%swap3A_1030], %gather3A_1024 {strides = array<i32>} : memref<320xf32, #tpu.memory_space<vmem>>, vector<16xf32>,
    %swap3A_1032 = arith.constant 304 : index
    %swap3A_1033 = tpu.vector_load %arg15[%swap3A_1032] {strides = array<i32>} : memref<320xf32, #tpu.memory_space<vmem>>, vector<16xf32>,
    tpu.vector_store %arg15[%swap3A_1032], %gather3A_1025 {strides = array<i32>} : memref<320xf32, #tpu.memory_space<vmem>>, vector<16xf32>,
    %swap3A_1034 = arith.constant 304 : index
    %swap3A_1035 = tpu.vector_load %arg16[%swap3A_1034] {strides = array<i32>} : memref<320xf32, #tpu.memory_space<vmem>>, vector<16xf32>,
    tpu.vector_store %arg16[%swap3A_1034], %gather3A_1026 {strides = array<i32>} : memref<320xf32, #tpu.memory_space<vmem>>, vector<16xf32>,
    %sub3A_1036 = arith.subf %gather3A_1025, %gather3A_1023 : vector<16xf32>
    %sub3A_1037 = arith.subf %gather3A_1026, %gather3A_1024 : vector<16xf32>
    %mul3A_1038 = arith.mulf %sub3A_1036, %sub3A_1037 : vector<16xf32>
    %swap3A_1039 = arith.constant 304 : index
    %swap3A_1040 = tpu.vector_load %arg17[%swap3A_1039] {strides = array<i32>} : memref<320xf32, #tpu.memory_space<vmem>>, vector<16xf32>,
    tpu.vector_store %arg17[%swap3A_1039], %mul3A_1038 {strides = array<i32>} : memref<320xf32, #tpu.memory_space<vmem>>, vector<16xf32>,
    %swap3A_1041 = arith.constant 304 : index
    %swap3A_1042 = tpu.vector_load %arg19[%swap3A_1041] {strides = array<i32>} : memref<320xf32, #tpu.memory_space<vmem>>, vector<16xf32>,
    tpu.vector_store %arg19[%swap3A_1041], %convert_element_type3A_1022 {strides = array<i32>} : memref<320xf32, #tpu.memory_space<vmem>>, vector<16xf32>,
    %mul3A_1043 = arith.constant 2.000000e-04 : f32
    %mul3A_1044 = vector.broadcast %mul3A_1043 : f32 to vector<16xf32>
    %mul3A_1045 = arith.mulf %convert_element_type3A_1022, %mul3A_1044 : vector<16xf32>
    %sub3A_1046 = arith.constant -4.000000e+00 : f32
    %sub3A_1047 = vector.broadcast %sub3A_1046 : f32 to vector<16xf32>
    %sub3A_1048 = arith.subf %sub3A_1047, %mul3A_1045 : vector<16xf32>
    %gt3A_1049 = arith.constant 5.000000e-02 : f32
    %gt3A_1050 = vector.broadcast %gt3A_1049 : f32 to vector<16xf32>
    %gt3A_1051 = arith.cmpf ogt, %gather3A_1027, %gt3A_1050 : vector<16xf32>
    %select_n3A_1052 = arith.select %gt3A_1051, %gather3A_1027, %sub3A_1048 : vector<16xi1>, vector<16xf32>
    %lt3A_1053 = arith.constant -1.000000e+29 : f32
    %lt3A_1054 = vector.broadcast %lt3A_1053 : f32 to vector<16xf32>
    %lt3A_1055 = arith.cmpf olt, %gather3A_1027, %lt3A_1054 : vector<16xf32>
    %select_n3A_1056 = arith.select %lt3A_1055, %broadcast_in_dim3A_5, %select_n3A_1052 : vector<16xi1>, vector<16xf32>
    %swap3A_1057 = arith.constant 304 : index
    %swap3A_1058 = tpu.vector_load %arg18[%swap3A_1057] {strides = array<i32>} : memref<320xf32, #tpu.memory_space<vmem>>, vector<16xf32>,
    tpu.vector_store %arg18[%swap3A_1057], %select_n3A_1056 {strides = array<i32>} : memref<320xf32, #tpu.memory_space<vmem>>, vector<16xf32>,
    %gt3A_1059 = arith.cmpf ogt, %select_n3A_1056, %select_n3A_1012 : vector<16xf32>
    %gt3A_1060 = arith.cmpf ogt, %select_n3A_1056, %select_n3A_1009 : vector<16xf32>
    %select_n3A_1061 = arith.select %gt3A_1060, %select_n3A_1056, %select_n3A_1009 : vector<16xi1>, vector<16xf32>
    %select_n3A_1062 = arith.select %gt3A_1059, %select_n3A_1012, %select_n3A_1061 : vector<16xi1>, vector<16xf32>
    %select_n3A_1063 = arith.select %gt3A_1060, %convert_element_type3A_1022, %select_n3A_1011 : vector<16xi1>, vector<16xf32>
    %select_n3A_1064 = arith.select %gt3A_1059, %select_n3A_1013, %select_n3A_1063 : vector<16xi1>, vector<16xf32>
    %select_n3A_1065 = arith.select %gt3A_1059, %select_n3A_1056, %select_n3A_1012 : vector<16xi1>, vector<16xf32>
    %select_n3A_1066 = arith.select %gt3A_1059, %convert_element_type3A_1022, %select_n3A_1013 : vector<16xi1>, vector<16xf32>
    %while3A = arith.constant 0 : i32
    %while3A_1067 = arith.constant 0 : i32
    %while3A_1068:6 = scf.while (%while3A_1074 = %while3A, %while3A_1075 = %while3A_1067, %while3A_1076 = %select_n3A_1065, %while3A_1077 = %select_n3A_1066, %while3A_1078 = %select_n3A_1062, %while3A_1079 = %select_n3A_1064) : (i32, i32, vector<16xf32>, vector<16xf32>, vector<16xf32>, vector<16xf32>) -> (i32, i32, vector<16xf32>, vector<16xf32>, vector<16xf32>, vector<16xf32>) {
      %lt3A_1080 = arith.constant 100 : i32
      %lt3A_1081 = arith.cmpi slt, %while3A_1074, %lt3A_1080 : i32
      scf.condition(%lt3A_1081) %while3A_1074, %while3A_1075, %while3A_1076, %while3A_1077, %while3A_1078, %while3A_1079 : i32, i32, vector<16xf32>, vector<16xf32>, vector<16xf32>, vector<16xf32>
    } do {
    ^bb0(%while3A_1074: i32, %while3A_1075: i32, %while3A_1076: vector<16xf32>, %while3A_1077: vector<16xf32>, %while3A_1078: vector<16xf32>, %while3A_1079: vector<16xf32>):
      %reduce_max3A = arith.constant true
      %reduce_max3A_1080 = vector.broadcast %reduce_max3A : i1 to vector<16xi1>
      %reduce_max3A_1081 = tpu.scan <max>, %while3A_1076 masked %reduce_max3A_1080 : vector<16xf32>, vector<16xi1> -> vector<16xf32>
      %reduce_max3A_1082 = vector.extract %reduce_max3A_1081[15] : f32 from vector<16xf32>
      %eq3A_1083 = vector.broadcast %reduce_max3A_1082 : f32 to vector<16xf32>
      %eq3A_1084 = arith.cmpf oeq, %while3A_1076, %eq3A_1083 : vector<16xf32>
      %swap3A_1085 = arith.constant 0 : index
      %swap3A_1086 = tpu.vector_load %arg22[%swap3A_1085] masked %eq3A_1084 {strides = array<i32>} : memref<16xf32, #tpu.memory_space<vmem>>, vector<16xf32>, vector<16xi1>
      tpu.vector_store %arg22[%swap3A_1085], %while3A_1077 masked %eq3A_1084 {strides = array<i32>} : memref<16xf32, #tpu.memory_space<vmem>>, vector<16xf32>, vector<16xi1>
      %get3A = arith.constant 0 : index
      %get3A_1087 = tpu.vector_load %arg22[%get3A] {strides = array<i32>} : memref<16xf32, #tpu.memory_space<vmem>>, vector<16xf32>,
      %slice3A = vector.extract_strided_slice %get3A_1087 {offsets = [0], sizes = [1], strides = [1]} : vector<16xf32> to vector<1xf32>
      %squeeze3A = vector.extract %slice3A[0] : f32 from vector<1xf32>
      %broadcast_in_dim3A_1088 = vector.broadcast %squeeze3A : f32 to vector<16xf32>
      %eq3A_1089 = arith.cmpf oeq, %while3A_1077, %broadcast_in_dim3A_1088 : vector<16xf32>
      %select_n3A_1090 = arith.select %eq3A_1089, %while3A_1078, %while3A_1076 : vector<16xi1>, vector<16xf32>
      %select_n3A_1091 = arith.select %eq3A_1089, %while3A_1079, %while3A_1077 : vector<16xi1>, vector<16xf32>
      %reduce_max3A_1092 = arith.constant true
      %reduce_max3A_1093 = vector.broadcast %reduce_max3A_1092 : i1 to vector<16xi1>
      %reduce_max3A_1094 = tpu.scan <max>, %select_n3A_1090 masked %reduce_max3A_1093 : vector<16xf32>, vector<16xi1> -> vector<16xf32>
      %reduce_max3A_1095 = vector.extract %reduce_max3A_1094[15] : f32 from vector<16xf32>
      %eq3A_1096 = vector.broadcast %reduce_max3A_1095 : f32 to vector<16xf32>
      %eq3A_1097 = arith.cmpf oeq, %select_n3A_1090, %eq3A_1096 : vector<16xf32>
      %swap3A_1098 = arith.constant 0 : index
      %swap3A_1099 = tpu.vector_load %arg23[%swap3A_1098] masked %eq3A_1097 {strides = array<i32>} : memref<16xf32, #tpu.memory_space<vmem>>, vector<16xf32>, vector<16xi1>
      tpu.vector_store %arg23[%swap3A_1098], %select_n3A_1091 masked %eq3A_1097 {strides = array<i32>} : memref<16xf32, #tpu.memory_space<vmem>>, vector<16xf32>, vector<16xi1>
      %get3A_1100 = arith.constant 0 : index
      %get3A_1101 = tpu.vector_load %arg23[%get3A_1100] {strides = array<i32>} : memref<16xf32, #tpu.memory_space<vmem>>, vector<16xf32>,
      %slice3A_1102 = vector.extract_strided_slice %get3A_1101 {offsets = [0], sizes = [1], strides = [1]} : vector<16xf32> to vector<1xf32>
      %squeeze3A_1103 = vector.extract %slice3A_1102[0] : f32 from vector<1xf32>
      %eq3A_1104 = arith.constant 0 : i32
      %eq3A_1105 = vector.broadcast %eq3A_1104 : i32 to vector<16xi32>
      %eq3A_1106 = arith.cmpi eq, %iota3A, %eq3A_1105 : vector<16xi32>
      %broadcast_in_dim3A_1107 = vector.broadcast %reduce_max3A_1082 : f32 to vector<16xf32>
      %eq3A_1108 = arith.constant 1 : i32
      %eq3A_1109 = vector.broadcast %eq3A_1108 : i32 to vector<16xi32>
      %eq3A_1110 = arith.cmpi eq, %iota3A, %eq3A_1109 : vector<16xi32>
      %broadcast_in_dim3A_1111 = vector.broadcast %squeeze3A : f32 to vector<16xf32>
      %eq3A_1112 = arith.constant 2 : i32
      %eq3A_1113 = vector.broadcast %eq3A_1112 : i32 to vector<16xi32>
      %eq3A_1114 = arith.cmpi eq, %iota3A, %eq3A_1113 : vector<16xi32>
      %broadcast_in_dim3A_1115 = vector.broadcast %reduce_max3A_1095 : f32 to vector<16xf32>
      %broadcast_in_dim3A_1116 = vector.broadcast %squeeze3A_1103 : f32 to vector<16xf32>
      %select_n3A_1117 = arith.select %eq3A_1114, %broadcast_in_dim3A_1115, %broadcast_in_dim3A_1116 : vector<16xi1>, vector<16xf32>
      %select_n3A_1118 = arith.select %eq3A_1110, %broadcast_in_dim3A_1111, %select_n3A_1117 : vector<16xi1>, vector<16xf32>
      %select_n3A_1119 = arith.select %eq3A_1106, %broadcast_in_dim3A_1107, %select_n3A_1118 : vector<16xi1>, vector<16xf32>
      %swap3A_1120 = arith.constant 0 : index
      %swap3A_1121 = tpu.vector_load %arg20[%swap3A_1120] {strides = array<i32>} : memref<16xf32, #tpu.memory_space<vmem>>, vector<16xf32>,
      tpu.vector_store %arg20[%swap3A_1120], %select_n3A_1119 {strides = array<i32>} : memref<16xf32, #tpu.memory_space<vmem>>, vector<16xf32>,
      %and3A_1122 = arith.constant 1 : i32
      %and3A_1123 = arith.andi %while3A_1075, %and3A_1122 : i32
      %mul3A_1124 = arith.constant 16 : i32
      %mul3A_1125 = arith.muli %and3A_1123, %mul3A_1124 : i32
      %add3A_1126 = arith.constant 64 : i32
      %add3A_1127 = arith.addi %add3A_1126, %mul3A_1125 : i32
      %add3A_1128 = arith.addi %add3A_1127, %arg1 : i32
      "tpu.region"() ({
        %run_scoped3A = tpu.sem_alloc : memref<!tpu.dma_semaphore, #tpu.memory_space<semaphore_mem>>
        %dma_start3A = arith.constant 0 : i32
        %dma_start3A_2799 = tpu.memref_slice %arg25[%add3A_1128, %dma_start3A] : memref<96x16xf32, #tpu.memory_space<vmem_shared>> -> memref<1x16xf32, #tpu.memory_space<vmem_shared>>
        %dma_start3A_2800 = tpu.memref_squeeze %dma_start3A_2799 : memref<1x16xf32, #tpu.memory_space<vmem_shared>> -> memref<16xf32, #tpu.memory_space<vmem_shared>>
        %dma_start3A_2801 = arith.constant 0 : i32
        %dma_start3A_2802 = tpu.memref_slice %arg25[%add3A_1128, %dma_start3A_2801] : memref<96x16xf32, #tpu.memory_space<vmem_shared>> -> memref<1x16xf32, #tpu.memory_space<vmem_shared>>
        %dma_start3A_2803 = tpu.memref_squeeze %dma_start3A_2802 : memref<1x16xf32, #tpu.memory_space<vmem_shared>> -> memref<16xf32, #tpu.memory_space<vmem_shared>>
        tpu.enqueue_dma source(%arg20 : memref<16xf32, #tpu.memory_space<vmem>>) target(%dma_start3A_2803 : memref<16xf32, #tpu.memory_space<vmem_shared>>) target_semaphore(%run_scoped3A : memref<!tpu.dma_semaphore, #tpu.memory_space<semaphore_mem>>)
        %dma_wait3A = arith.constant 0 : i32
        %dma_wait3A_2804 = tpu.memref_slice %arg25[%add3A_1128, %dma_wait3A] : memref<96x16xf32, #tpu.memory_space<vmem_shared>> -> memref<1x16xf32, #tpu.memory_space<vmem_shared>>
        %dma_wait3A_2805 = tpu.memref_squeeze %dma_wait3A_2804 : memref<1x16xf32, #tpu.memory_space<vmem_shared>> -> memref<16xf32, #tpu.memory_space<vmem_shared>>
        %dma_wait3A_2806 = arith.constant 0 : i32
        %dma_wait3A_2807 = tpu.memref_slice %arg25[%add3A_1128, %dma_wait3A_2806] : memref<96x16xf32, #tpu.memory_space<vmem_shared>> -> memref<1x16xf32, #tpu.memory_space<vmem_shared>>
        %dma_wait3A_2808 = tpu.memref_squeeze %dma_wait3A_2807 : memref<1x16xf32, #tpu.memory_space<vmem_shared>> -> memref<16xf32, #tpu.memory_space<vmem_shared>>
        tpu.wait_dma2 semaphore(%run_scoped3A : memref<!tpu.dma_semaphore, #tpu.memory_space<semaphore_mem>>) src(%arg20 : memref<16xf32, #tpu.memory_space<vmem>>) dst(%dma_wait3A_2808 : memref<16xf32, #tpu.memory_space<vmem_shared>>)
        tpu.yield
      }) : () -> ()
      %barrier3A = arith.constant 0 : index
      tpu.barrier barrier_id(%barrier3A)
      "tpu.region"() ({
        %run_scoped3A = tpu.sem_alloc : memref<!tpu.dma_semaphore, #tpu.memory_space<semaphore_mem>>
        %dma_start3A = arith.constant 0 : i32
        %dma_start3A_2799 = tpu.memref_slice %arg25[%add3A_1127, %dma_start3A] : memref<96x16xf32, #tpu.memory_space<vmem_shared>> -> memref<16x16xf32, #tpu.memory_space<vmem_shared>>
        %dma_start3A_2800 = arith.constant 0 : i32
        %dma_start3A_2801 = tpu.memref_slice %arg25[%add3A_1127, %dma_start3A_2800] : memref<96x16xf32, #tpu.memory_space<vmem_shared>> -> memref<16x16xf32, #tpu.memory_space<vmem_shared>>
        tpu.enqueue_dma source(%dma_start3A_2801 : memref<16x16xf32, #tpu.memory_space<vmem_shared>>) target(%arg21 : memref<16x16xf32, #tpu.memory_space<vmem>>) target_semaphore(%run_scoped3A : memref<!tpu.dma_semaphore, #tpu.memory_space<semaphore_mem>>)
        %dma_wait3A = arith.constant 0 : i32
        %dma_wait3A_2802 = tpu.memref_slice %arg25[%add3A_1127, %dma_wait3A] : memref<96x16xf32, #tpu.memory_space<vmem_shared>> -> memref<16x16xf32, #tpu.memory_space<vmem_shared>>
        %dma_wait3A_2803 = arith.constant 0 : i32
        %dma_wait3A_2804 = tpu.memref_slice %arg25[%add3A_1127, %dma_wait3A_2803] : memref<96x16xf32, #tpu.memory_space<vmem_shared>> -> memref<16x16xf32, #tpu.memory_space<vmem_shared>>
        tpu.wait_dma2 semaphore(%run_scoped3A : memref<!tpu.dma_semaphore, #tpu.memory_space<semaphore_mem>>) src(%dma_wait3A_2804 : memref<16x16xf32, #tpu.memory_space<vmem_shared>>) dst(%arg21 : memref<16x16xf32, #tpu.memory_space<vmem>>)
        tpu.yield
      }) : () -> ()
      %broadcast_in_dim3A_1129 = arith.constant 0 : i32
      %broadcast_in_dim3A_1130 = vector.broadcast %broadcast_in_dim3A_1129 : i32 to vector<16xi32>
      %gather3A_1131 = tpu.vector_load_idx %arg21[%iota3A, %broadcast_in_dim3A_1130] : memref<16x16xf32, #tpu.memory_space<vmem>>[vector<16xi32>, vector<16xi32>], vector<16xf32>,
      %broadcast_in_dim3A_1132 = arith.constant 1 : i32
      %broadcast_in_dim3A_1133 = vector.broadcast %broadcast_in_dim3A_1132 : i32 to vector<16xi32>
      %gather3A_1134 = tpu.vector_load_idx %arg21[%iota3A, %broadcast_in_dim3A_1133] : memref<16x16xf32, #tpu.memory_space<vmem>>[vector<16xi32>, vector<16xi32>], vector<16xf32>,
      %broadcast_in_dim3A_1135 = arith.constant 2 : i32
      %broadcast_in_dim3A_1136 = vector.broadcast %broadcast_in_dim3A_1135 : i32 to vector<16xi32>
      %gather3A_1137 = tpu.vector_load_idx %arg21[%iota3A, %broadcast_in_dim3A_1136] : memref<16x16xf32, #tpu.memory_space<vmem>>[vector<16xi32>, vector<16xi32>], vector<16xf32>,
      %broadcast_in_dim3A_1138 = arith.constant 3 : i32
      %broadcast_in_dim3A_1139 = vector.broadcast %broadcast_in_dim3A_1138 : i32 to vector<16xi32>
      %gather3A_1140 = tpu.vector_load_idx %arg21[%iota3A, %broadcast_in_dim3A_1139] : memref<16x16xf32, #tpu.memory_space<vmem>>[vector<16xi32>, vector<16xi32>], vector<16xf32>,
      %reduce_max3A_1141 = arith.constant true
      %reduce_max3A_1142 = vector.broadcast %reduce_max3A_1141 : i1 to vector<16xi1>
      %reduce_max3A_1143 = tpu.scan <max>, %gather3A_1131 masked %reduce_max3A_1142 : vector<16xf32>, vector<16xi1> -> vector<16xf32>
      %reduce_max3A_1144 = vector.extract %reduce_max3A_1143[15] : f32 from vector<16xf32>
      %eq3A_1145 = vector.broadcast %reduce_max3A_1144 : f32 to vector<16xf32>
      %eq3A_1146 = arith.cmpf oeq, %gather3A_1131, %eq3A_1145 : vector<16xf32>
      %swap3A_1147 = arith.constant 0 : index
      %swap3A_1148 = tpu.vector_load %arg22[%swap3A_1147] masked %eq3A_1146 {strides = array<i32>} : memref<16xf32, #tpu.memory_space<vmem>>, vector<16xf32>, vector<16xi1>
      tpu.vector_store %arg22[%swap3A_1147], %gather3A_1134 masked %eq3A_1146 {strides = array<i32>} : memref<16xf32, #tpu.memory_space<vmem>>, vector<16xf32>, vector<16xi1>
      %get3A_1149 = arith.constant 0 : index
      %get3A_1150 = tpu.vector_load %arg22[%get3A_1149] {strides = array<i32>} : memref<16xf32, #tpu.memory_space<vmem>>, vector<16xf32>,
      %slice3A_1151 = vector.extract_strided_slice %get3A_1150 {offsets = [0], sizes = [1], strides = [1]} : vector<16xf32> to vector<1xf32>
      %squeeze3A_1152 = vector.extract %slice3A_1151[0] : f32 from vector<1xf32>
      %convert_element_type3A_1153 = arith.fptosi %squeeze3A_1152 : f32 to i32
      %broadcast_in_dim3A_1154 = vector.broadcast %convert_element_type3A_1153 : i32 to vector<16xi32>
      %gather3A_1155 = tpu.vector_load_idx %arg8[%broadcast_in_dim3A_1154] : memref<5120xf32, #tpu.memory_space<vmem>>[vector<16xi32>], vector<16xf32>,
      %gather3A_1156 = tpu.vector_load_idx %arg9[%broadcast_in_dim3A_1154] : memref<5120xf32, #tpu.memory_space<vmem>>[vector<16xi32>], vector<16xf32>,
      %gather3A_1157 = tpu.vector_load_idx %arg10[%broadcast_in_dim3A_1154] : memref<5120xf32, #tpu.memory_space<vmem>>[vector<16xi32>], vector<16xf32>,
      %gather3A_1158 = tpu.vector_load_idx %arg11[%broadcast_in_dim3A_1154] : memref<5120xf32, #tpu.memory_space<vmem>>[vector<16xi32>], vector<16xf32>,
      %sub3A_1159 = arith.subf %gather3A_1157, %gather3A_1155 : vector<16xf32>
      %sub3A_1160 = arith.subf %gather3A_1158, %gather3A_1156 : vector<16xf32>
      %mul3A_1161 = arith.mulf %sub3A_1159, %sub3A_1160 : vector<16xf32>
      %broadcast_in_dim3A_1162 = vector.broadcast %squeeze3A_1152 : f32 to vector<16xf32>
      %convert_element_type3A_1163 = arith.fptosi %gather3A_1134 : vector<16xf32> to vector<16xi32>
      %gather3A_1164 = tpu.vector_load_idx %arg8[%convert_element_type3A_1163] : memref<5120xf32, #tpu.memory_space<vmem>>[vector<16xi32>], vector<16xf32>,
      %gather3A_1165 = tpu.vector_load_idx %arg9[%convert_element_type3A_1163] : memref<5120xf32, #tpu.memory_space<vmem>>[vector<16xi32>], vector<16xf32>,
      %gather3A_1166 = tpu.vector_load_idx %arg10[%convert_element_type3A_1163] : memref<5120xf32, #tpu.memory_space<vmem>>[vector<16xi32>], vector<16xf32>,
      %gather3A_1167 = tpu.vector_load_idx %arg11[%convert_element_type3A_1163] : memref<5120xf32, #tpu.memory_space<vmem>>[vector<16xi32>], vector<16xf32>,
      %sub3A_1168 = arith.subf %gather3A_1166, %gather3A_1164 : vector<16xf32>
      %sub3A_1169 = arith.subf %gather3A_1167, %gather3A_1165 : vector<16xf32>
      %mul3A_1170 = arith.mulf %sub3A_1168, %sub3A_1169 : vector<16xf32>
      %min3A = arith.minimumf %gather3A_1166, %gather3A_1157 : vector<16xf32>
      %max3A = arith.maximumf %gather3A_1164, %gather3A_1155 : vector<16xf32>
      %sub3A_1171 = arith.subf %min3A, %max3A : vector<16xf32>
      %max3A_1172 = arith.maximumf %sub3A_1171, %broadcast_in_dim3A_3 : vector<16xf32>
      %min3A_1173 = arith.minimumf %gather3A_1167, %gather3A_1158 : vector<16xf32>
      %max3A_1174 = arith.maximumf %gather3A_1165, %gather3A_1156 : vector<16xf32>
      %sub3A_1175 = arith.subf %min3A_1173, %max3A_1174 : vector<16xf32>
      %max3A_1176 = arith.maximumf %sub3A_1175, %broadcast_in_dim3A_3 : vector<16xf32>
      %mul3A_1177 = arith.mulf %max3A_1172, %max3A_1176 : vector<16xf32>
      %add3A_1178 = arith.addf %mul3A_1170, %mul3A_1161 : vector<16xf32>
      %sub3A_1179 = arith.subf %add3A_1178, %mul3A_1177 : vector<16xf32>
      %max3A_1180 = arith.constant 9.99999971E-10 : f32
      %max3A_1181 = vector.broadcast %max3A_1180 : f32 to vector<16xf32>
      %max3A_1182 = arith.maximumf %sub3A_1179, %max3A_1181 : vector<16xf32>
      %mul3A_1183 = arith.constant 0.699999988 : f32
      %mul3A_1184 = vector.broadcast %mul3A_1183 : f32 to vector<16xf32>
      %mul3A_1185 = arith.mulf %mul3A_1184, %max3A_1182 : vector<16xf32>
      %gt3A_1186 = arith.cmpf ogt, %mul3A_1177, %mul3A_1185 : vector<16xf32>
      %gt3A_1187 = arith.constant 5.000000e-02 : f32
      %gt3A_1188 = vector.broadcast %gt3A_1187 : f32 to vector<16xf32>
      %gt3A_1189 = arith.cmpf ogt, %gather3A_1131, %gt3A_1188 : vector<16xf32>
      %and3A_1190 = arith.andi %gt3A_1186, %gt3A_1189 : vector<16xi1>
      %not3A = arith.constant dense<true> : vector<16xi1>
      %not3A_1191 = arith.xori %and3A_1190, %not3A : vector<16xi1>
      %ne3A = arith.cmpf one, %gather3A_1134, %broadcast_in_dim3A_1162 : vector<16xf32>
      %and3A_1192 = arith.andi %not3A_1191, %ne3A : vector<16xi1>
      %convert_element_type3A_1193 = arith.fptosi %gather3A_1140 : vector<16xf32> to vector<16xi32>
      %gather3A_1194 = tpu.vector_load_idx %arg8[%convert_element_type3A_1193] : memref<5120xf32, #tpu.memory_space<vmem>>[vector<16xi32>], vector<16xf32>,
      %gather3A_1195 = tpu.vector_load_idx %arg9[%convert_element_type3A_1193] : memref<5120xf32, #tpu.memory_space<vmem>>[vector<16xi32>], vector<16xf32>,
      %gather3A_1196 = tpu.vector_load_idx %arg10[%convert_element_type3A_1193] : memref<5120xf32, #tpu.memory_space<vmem>>[vector<16xi32>], vector<16xf32>,
      %gather3A_1197 = tpu.vector_load_idx %arg11[%convert_element_type3A_1193] : memref<5120xf32, #tpu.memory_space<vmem>>[vector<16xi32>], vector<16xf32>,
      %sub3A_1198 = arith.subf %gather3A_1196, %gather3A_1194 : vector<16xf32>
      %sub3A_1199 = arith.subf %gather3A_1197, %gather3A_1195 : vector<16xf32>
      %mul3A_1200 = arith.mulf %sub3A_1198, %sub3A_1199 : vector<16xf32>
      %min3A_1201 = arith.minimumf %gather3A_1196, %gather3A_1157 : vector<16xf32>
      %max3A_1202 = arith.maximumf %gather3A_1194, %gather3A_1155 : vector<16xf32>
      %sub3A_1203 = arith.subf %min3A_1201, %max3A_1202 : vector<16xf32>
      %max3A_1204 = arith.maximumf %sub3A_1203, %broadcast_in_dim3A_3 : vector<16xf32>
      %min3A_1205 = arith.minimumf %gather3A_1197, %gather3A_1158 : vector<16xf32>
      %max3A_1206 = arith.maximumf %gather3A_1195, %gather3A_1156 : vector<16xf32>
      %sub3A_1207 = arith.subf %min3A_1205, %max3A_1206 : vector<16xf32>
      %max3A_1208 = arith.maximumf %sub3A_1207, %broadcast_in_dim3A_3 : vector<16xf32>
      %mul3A_1209 = arith.mulf %max3A_1204, %max3A_1208 : vector<16xf32>
      %add3A_1210 = arith.addf %mul3A_1200, %mul3A_1161 : vector<16xf32>
      %sub3A_1211 = arith.subf %add3A_1210, %mul3A_1209 : vector<16xf32>
      %max3A_1212 = arith.constant 9.99999971E-10 : f32
      %max3A_1213 = vector.broadcast %max3A_1212 : f32 to vector<16xf32>
      %max3A_1214 = arith.maximumf %sub3A_1211, %max3A_1213 : vector<16xf32>
      %mul3A_1215 = arith.constant 0.699999988 : f32
      %mul3A_1216 = vector.broadcast %mul3A_1215 : f32 to vector<16xf32>
      %mul3A_1217 = arith.mulf %mul3A_1216, %max3A_1214 : vector<16xf32>
      %gt3A_1218 = arith.cmpf ogt, %mul3A_1209, %mul3A_1217 : vector<16xf32>
      %gt3A_1219 = arith.constant 5.000000e-02 : f32
      %gt3A_1220 = vector.broadcast %gt3A_1219 : f32 to vector<16xf32>
      %gt3A_1221 = arith.cmpf ogt, %gather3A_1137, %gt3A_1220 : vector<16xf32>
      %and3A_1222 = arith.andi %gt3A_1218, %gt3A_1221 : vector<16xi1>
      %not3A_1223 = arith.constant dense<true> : vector<16xi1>
      %not3A_1224 = arith.xori %and3A_1222, %not3A_1223 : vector<16xi1>
      %ne3A_1225 = arith.cmpf one, %gather3A_1140, %broadcast_in_dim3A_1162 : vector<16xf32>
      %and3A_1226 = arith.andi %not3A_1224, %ne3A_1225 : vector<16xi1>
      %broadcast_in_dim3A_1227 = arith.constant -3.000000e+30 : f32
      %broadcast_in_dim3A_1228 = vector.broadcast %broadcast_in_dim3A_1227 : f32 to vector<16xf32>
      %select_n3A_1229 = arith.select %and3A_1226, %gather3A_1137, %broadcast_in_dim3A_1228 : vector<16xi1>, vector<16xf32>
      %select_n3A_1230 = arith.select %and3A_1192, %gather3A_1131, %select_n3A_1229 : vector<16xi1>, vector<16xf32>
      %broadcast_in_dim3A_1231 = arith.constant 1.000000e+09 : f32
      %broadcast_in_dim3A_1232 = vector.broadcast %broadcast_in_dim3A_1231 : f32 to vector<16xf32>
      %select_n3A_1233 = arith.select %and3A_1226, %gather3A_1140, %broadcast_in_dim3A_1232 : vector<16xi1>, vector<16xf32>
      %select_n3A_1234 = arith.select %and3A_1192, %gather3A_1134, %select_n3A_1233 : vector<16xi1>, vector<16xf32>
      %reduce_max3A_1235 = arith.constant true
      %reduce_max3A_1236 = vector.broadcast %reduce_max3A_1235 : i1 to vector<16xi1>
      %reduce_max3A_1237 = tpu.scan <max>, %select_n3A_1230 masked %reduce_max3A_1236 : vector<16xf32>, vector<16xi1> -> vector<16xf32>
      %reduce_max3A_1238 = vector.extract %reduce_max3A_1237[15] : f32 from vector<16xf32>
      %eq3A_1239 = vector.broadcast %reduce_max3A_1238 : f32 to vector<16xf32>
      %eq3A_1240 = arith.cmpf oeq, %select_n3A_1230, %eq3A_1239 : vector<16xf32>
      %swap3A_1241 = arith.constant 0 : index
      %swap3A_1242 = tpu.vector_load %arg23[%swap3A_1241] masked %eq3A_1240 {strides = array<i32>} : memref<16xf32, #tpu.memory_space<vmem>>, vector<16xf32>, vector<16xi1>
      tpu.vector_store %arg23[%swap3A_1241], %select_n3A_1234 masked %eq3A_1240 {strides = array<i32>} : memref<16xf32, #tpu.memory_space<vmem>>, vector<16xf32>, vector<16xi1>
      %get3A_1243 = arith.constant 0 : index
      %get3A_1244 = tpu.vector_load %arg23[%get3A_1243] {strides = array<i32>} : memref<16xf32, #tpu.memory_space<vmem>>, vector<16xf32>,
      %slice3A_1245 = vector.extract_strided_slice %get3A_1244 {offsets = [0], sizes = [1], strides = [1]} : vector<16xf32> to vector<1xf32>
      %squeeze3A_1246 = vector.extract %slice3A_1245[0] : f32 from vector<1xf32>
      %not3A_1247 = arith.constant dense<true> : vector<16xi1>
      %not3A_1248 = arith.xori %and3A_1192, %not3A_1247 : vector<16xi1>
      %not3A_1249 = arith.constant dense<true> : vector<16xi1>
      %not3A_1250 = arith.xori %and3A_1226, %not3A_1249 : vector<16xi1>
      %and3A_1251 = arith.andi %not3A_1248, %not3A_1250 : vector<16xi1>
      %ge3A = vector.broadcast %reduce_max3A_1238 : f32 to vector<16xf32>
      %ge3A_1252 = arith.cmpf oge, %gather3A_1137, %ge3A : vector<16xf32>
      %and3A_1253 = arith.andi %and3A_1251, %ge3A_1252 : vector<16xi1>
      %reduce_or3A = arith.constant 1.000000e+00 : f32
      %reduce_or3A_1254 = arith.constant 0.000000e+00 : f32
      %reduce_or3A_1255 = vector.broadcast %reduce_or3A : f32 to vector<16xf32>
      %reduce_or3A_1256 = vector.broadcast %reduce_or3A_1254 : f32 to vector<16xf32>
      %reduce_or3A_1257 = arith.select %and3A_1253, %reduce_or3A_1255, %reduce_or3A_1256 : vector<16xi1>, vector<16xf32>
      %reduce_or3A_1258 = arith.constant true
      %reduce_or3A_1259 = vector.broadcast %reduce_or3A_1258 : i1 to vector<16xi1>
      %reduce_or3A_1260 = tpu.scan <max>, %reduce_or3A_1257 masked %reduce_or3A_1259 : vector<16xf32>, vector<16xi1> -> vector<16xf32>
      %reduce_or3A_1261 = vector.extract %reduce_or3A_1260[15] : f32 from vector<16xf32>
      %reduce_or3A_1262 = arith.constant 0.000000e+00 : f32
      %reduce_or3A_1263 = arith.cmpf ogt, %reduce_or3A_1261, %reduce_or3A_1262 : f32
      %not3A_1264 = arith.constant true
      %not3A_1265 = arith.xori %reduce_or3A_1263, %not3A_1264 : i1
      %min3A_1266 = arith.constant 5.119000e+03 : f32
      %min3A_1267 = arith.minimumf %squeeze3A_1246, %min3A_1266 : f32
      %convert_element_type3A_1268 = arith.fptosi %min3A_1267 : f32 to i32
      %broadcast_in_dim3A_1269 = vector.broadcast %convert_element_type3A_1268 : i32 to vector<16xi32>
      %gather3A_1270 = tpu.vector_load_idx %arg8[%broadcast_in_dim3A_1269] : memref<5120xf32, #tpu.memory_space<vmem>>[vector<16xi32>], vector<16xf32>,
      %gather3A_1271 = tpu.vector_load_idx %arg9[%broadcast_in_dim3A_1269] : memref<5120xf32, #tpu.memory_space<vmem>>[vector<16xi32>], vector<16xf32>,
      %gather3A_1272 = tpu.vector_load_idx %arg10[%broadcast_in_dim3A_1269] : memref<5120xf32, #tpu.memory_space<vmem>>[vector<16xi32>], vector<16xf32>,
      %gather3A_1273 = tpu.vector_load_idx %arg11[%broadcast_in_dim3A_1269] : memref<5120xf32, #tpu.memory_space<vmem>>[vector<16xi32>], vector<16xf32>,
      %select_n3A_1274 = arith.select %not3A_1265, %gather3A_1270, %broadcast_in_dim3A_5 : vector<16xf32>
      %select_n3A_1275 = arith.select %not3A_1265, %gather3A_1271, %broadcast_in_dim3A_5 : vector<16xf32>
      %select_n3A_1276 = arith.select %not3A_1265, %gather3A_1272, %broadcast_in_dim3A_5 : vector<16xf32>
      %select_n3A_1277 = arith.select %not3A_1265, %gather3A_1273, %broadcast_in_dim3A_5 : vector<16xf32>
      %sub3A_1278 = arith.subf %select_n3A_1276, %select_n3A_1274 : vector<16xf32>
      %sub3A_1279 = arith.subf %select_n3A_1277, %select_n3A_1275 : vector<16xf32>
      %mul3A_1280 = arith.mulf %sub3A_1278, %sub3A_1279 : vector<16xf32>
      %broadcast_in_dim3A_1281 = vector.broadcast %squeeze3A_1246 : f32 to vector<16xf32>
      %broadcast_in_dim3A_1282 = arith.constant -5.000000e+00 : f32
      %broadcast_in_dim3A_1283 = vector.broadcast %broadcast_in_dim3A_1282 : f32 to vector<16xf32>
      %select_n3A_1284 = arith.select %not3A_1265, %broadcast_in_dim3A_1281, %broadcast_in_dim3A_1283 : vector<16xf32>
      %eq3A_1285 = arith.constant 0 : i32
      %eq3A_1286 = arith.cmpi eq, %arg1, %eq3A_1285 : i32
      %eq3A_1287 = arith.constant 0 : i32
      %eq3A_1288 = arith.cmpi eq, %arg0, %eq3A_1287 : i32
      %and3A_1289 = arith.andi %eq3A_1286, %eq3A_1288 : i1
      %convert_element_type3A_1290 = arith.extui %and3A_1289 : i1 to i32
      %cond3A_1291 = arith.constant 0 : i32
      %cond3A_1292 = arith.cmpi ne, %convert_element_type3A_1290, %cond3A_1291 : i32
      scf.if %cond3A_1292 {
        %gt3A_2799 = arith.constant 5.000000e-02 : f32
        %gt3A_2800 = arith.cmpf ogt, %reduce_max3A_1144, %gt3A_2799 : f32
        %jit3A_2801 = arith.constant 0.000000e+00 : f32
        %select_n3A_2802 = arith.select %gt3A_2800, %reduce_max3A_1144, %jit3A_2801 : f32
        %eq3A_2803 = arith.constant 0 : i32
        %eq3A_2804 = vector.broadcast %eq3A_2803 : i32 to vector<16xi32>
        %eq3A_2805 = arith.cmpi eq, %iota3A, %eq3A_2804 : vector<16xi32>
        %eq3A_2806 = arith.constant 1 : i32
        %eq3A_2807 = vector.broadcast %eq3A_2806 : i32 to vector<16xi32>
        %eq3A_2808 = arith.cmpi eq, %iota3A, %eq3A_2807 : vector<16xi32>
        %eq3A_2809 = arith.constant 2 : i32
        %eq3A_2810 = vector.broadcast %eq3A_2809 : i32 to vector<16xi32>
        %eq3A_2811 = arith.cmpi eq, %iota3A, %eq3A_2810 : vector<16xi32>
        %eq3A_2812 = arith.constant 3 : i32
        %eq3A_2813 = vector.broadcast %eq3A_2812 : i32 to vector<16xi32>
        %eq3A_2814 = arith.cmpi eq, %iota3A, %eq3A_2813 : vector<16xi32>
        %eq3A_2815 = arith.constant 4 : i32
        %eq3A_2816 = vector.broadcast %eq3A_2815 : i32 to vector<16xi32>
        %eq3A_2817 = arith.cmpi eq, %iota3A, %eq3A_2816 : vector<16xi32>
        %broadcast_in_dim3A_2818 = vector.broadcast %select_n3A_2802 : f32 to vector<16xf32>
        %select_n3A_2819 = arith.select %eq3A_2817, %broadcast_in_dim3A_2818, %broadcast_in_dim3A_3 : vector<16xi1>, vector<16xf32>
        %select_n3A_2820 = arith.select %eq3A_2814, %gather3A_1158, %select_n3A_2819 : vector<16xi1>, vector<16xf32>
        %select_n3A_2821 = arith.select %eq3A_2811, %gather3A_1157, %select_n3A_2820 : vector<16xi1>, vector<16xf32>
        %select_n3A_2822 = arith.select %eq3A_2808, %gather3A_1156, %select_n3A_2821 : vector<16xi1>, vector<16xf32>
        %select_n3A_2823 = arith.select %eq3A_2805, %gather3A_1155, %select_n3A_2822 : vector<16xi1>, vector<16xf32>
        %mul3A_2824 = arith.constant 16 : i32
        %mul3A_2825 = arith.muli %while3A_1074, %mul3A_2824 : i32
        %swap3A_2826 = arith.index_cast %mul3A_2825 : i32 to index
        %swap3A_2827 = tpu.vector_load %arg24[%swap3A_2826] {strides = array<i32>} : memref<1792xf32, #tpu.memory_space<vmem>>, vector<16xf32>,
        tpu.vector_store %arg24[%swap3A_2826], %select_n3A_2823 {strides = array<i32>} : memref<1792xf32, #tpu.memory_space<vmem>>, vector<16xf32>,
      } else {
      }
      %eq3A_1293 = arith.constant 0 : i32
      %eq3A_1294 = arith.cmpi eq, %arg1, %eq3A_1293 : i32
      %eq3A_1295 = arith.constant 0 : i32
      %eq3A_1296 = arith.cmpi eq, %arg0, %eq3A_1295 : i32
      %and3A_1297 = arith.andi %eq3A_1294, %eq3A_1296 : i1
      %add3A_1298 = arith.constant 1 : i32
      %add3A_1299 = arith.addi %while3A_1074, %add3A_1298 : i32
      %lt3A_1300 = arith.constant 100 : i32
      %lt3A_1301 = arith.cmpi slt, %add3A_1299, %lt3A_1300 : i32
      %and3A_1302 = arith.andi %not3A_1265, %lt3A_1301 : i1
      %and3A_1303 = arith.andi %and3A_1297, %and3A_1302 : i1
      %convert_element_type3A_1304 = arith.extui %and3A_1303 : i1 to i32
      %cond3A_1305 = arith.constant 0 : i32
      %cond3A_1306 = arith.cmpi ne, %convert_element_type3A_1304, %cond3A_1305 : i32
      scf.if %cond3A_1306 {
        %gt3A_2799 = arith.constant 5.000000e-02 : f32
        %gt3A_2800 = arith.cmpf ogt, %reduce_max3A_1238, %gt3A_2799 : f32
        %jit3A_2801 = arith.constant 0.000000e+00 : f32
        %select_n3A_2802 = arith.select %gt3A_2800, %reduce_max3A_1238, %jit3A_2801 : f32
        %eq3A_2803 = arith.constant 0 : i32
        %eq3A_2804 = vector.broadcast %eq3A_2803 : i32 to vector<16xi32>
        %eq3A_2805 = arith.cmpi eq, %iota3A, %eq3A_2804 : vector<16xi32>
        %eq3A_2806 = arith.constant 1 : i32
        %eq3A_2807 = vector.broadcast %eq3A_2806 : i32 to vector<16xi32>
        %eq3A_2808 = arith.cmpi eq, %iota3A, %eq3A_2807 : vector<16xi32>
        %eq3A_2809 = arith.constant 2 : i32
        %eq3A_2810 = vector.broadcast %eq3A_2809 : i32 to vector<16xi32>
        %eq3A_2811 = arith.cmpi eq, %iota3A, %eq3A_2810 : vector<16xi32>
        %eq3A_2812 = arith.constant 3 : i32
        %eq3A_2813 = vector.broadcast %eq3A_2812 : i32 to vector<16xi32>
        %eq3A_2814 = arith.cmpi eq, %iota3A, %eq3A_2813 : vector<16xi32>
        %eq3A_2815 = arith.constant 4 : i32
        %eq3A_2816 = vector.broadcast %eq3A_2815 : i32 to vector<16xi32>
        %eq3A_2817 = arith.cmpi eq, %iota3A, %eq3A_2816 : vector<16xi32>
        %broadcast_in_dim3A_2818 = vector.broadcast %select_n3A_2802 : f32 to vector<16xf32>
        %select_n3A_2819 = arith.select %eq3A_2817, %broadcast_in_dim3A_2818, %broadcast_in_dim3A_3 : vector<16xi1>, vector<16xf32>
        %select_n3A_2820 = arith.select %eq3A_2814, %select_n3A_1277, %select_n3A_2819 : vector<16xi1>, vector<16xf32>
        %select_n3A_2821 = arith.select %eq3A_2811, %select_n3A_1276, %select_n3A_2820 : vector<16xi1>, vector<16xf32>
        %select_n3A_2822 = arith.select %eq3A_2808, %select_n3A_1275, %select_n3A_2821 : vector<16xi1>, vector<16xf32>
        %select_n3A_2823 = arith.select %eq3A_2805, %select_n3A_1274, %select_n3A_2822 : vector<16xi1>, vector<16xf32>
        %add3A_2824 = arith.constant 1 : i32
        %add3A_2825 = arith.addi %while3A_1074, %add3A_2824 : i32
        %mul3A_2826 = arith.constant 16 : i32
        %mul3A_2827 = arith.muli %add3A_2825, %mul3A_2826 : i32
        %swap3A_2828 = arith.index_cast %mul3A_2827 : i32 to index
        %swap3A_2829 = tpu.vector_load %arg24[%swap3A_2828] {strides = array<i32>} : memref<1792xf32, #tpu.memory_space<vmem>>, vector<16xf32>,
        tpu.vector_store %arg24[%swap3A_2828], %select_n3A_2823 {strides = array<i32>} : memref<1792xf32, #tpu.memory_space<vmem>>, vector<16xf32>,
      } else {
      }
      %broadcast_in_dim3A_1307 = arith.constant -3.000000e+30 : f32
      %broadcast_in_dim3A_1308 = vector.broadcast %broadcast_in_dim3A_1307 : f32 to vector<16xf32>
      %broadcast_in_dim3A_1309 = arith.constant 1.000000e+09 : f32
      %broadcast_in_dim3A_1310 = vector.broadcast %broadcast_in_dim3A_1309 : f32 to vector<16xf32>
      %broadcast_in_dim3A_1311 = arith.constant -3.000000e+30 : f32
      %broadcast_in_dim3A_1312 = vector.broadcast %broadcast_in_dim3A_1311 : f32 to vector<16xf32>
      %broadcast_in_dim3A_1313 = arith.constant 1.000000e+09 : f32
      %broadcast_in_dim3A_1314 = vector.broadcast %broadcast_in_dim3A_1313 : f32 to vector<16xf32>
      %get3A_1315 = arith.constant 0 : index
      %get3A_1316 = tpu.vector_load %arg13[%get3A_1315] {strides = array<i32>} : memref<320xf32, #tpu.memory_space<vmem>>, vector<16xf32>,
      %get3A_1317 = arith.constant 0 : index
      %get3A_1318 = tpu.vector_load %arg14[%get3A_1317] {strides = array<i32>} : memref<320xf32, #tpu.memory_space<vmem>>, vector<16xf32>,
      %get3A_1319 = arith.constant 0 : index
      %get3A_1320 = tpu.vector_load %arg15[%get3A_1319] {strides = array<i32>} : memref<320xf32, #tpu.memory_space<vmem>>, vector<16xf32>,
      %get3A_1321 = arith.constant 0 : index
      %get3A_1322 = tpu.vector_load %arg16[%get3A_1321] {strides = array<i32>} : memref<320xf32, #tpu.memory_space<vmem>>, vector<16xf32>,
      %get3A_1323 = arith.constant 0 : index
      %get3A_1324 = tpu.vector_load %arg17[%get3A_1323] {strides = array<i32>} : memref<320xf32, #tpu.memory_space<vmem>>, vector<16xf32>,
      %get3A_1325 = arith.constant 0 : index
      %get3A_1326 = tpu.vector_load %arg18[%get3A_1325] {strides = array<i32>} : memref<320xf32, #tpu.memory_space<vmem>>, vector<16xf32>,
      %get3A_1327 = arith.constant 0 : index
      %get3A_1328 = tpu.vector_load %arg19[%get3A_1327] {strides = array<i32>} : memref<320xf32, #tpu.memory_space<vmem>>, vector<16xf32>,
      %min3A_1329 = arith.minimumf %get3A_1320, %gather3A_1157 : vector<16xf32>
      %max3A_1330 = arith.maximumf %get3A_1316, %gather3A_1155 : vector<16xf32>
      %sub3A_1331 = arith.subf %min3A_1329, %max3A_1330 : vector<16xf32>
      %max3A_1332 = arith.maximumf %sub3A_1331, %broadcast_in_dim3A_3 : vector<16xf32>
      %min3A_1333 = arith.minimumf %get3A_1322, %gather3A_1158 : vector<16xf32>
      %max3A_1334 = arith.maximumf %get3A_1318, %gather3A_1156 : vector<16xf32>
      %sub3A_1335 = arith.subf %min3A_1333, %max3A_1334 : vector<16xf32>
      %max3A_1336 = arith.maximumf %sub3A_1335, %broadcast_in_dim3A_3 : vector<16xf32>
      %mul3A_1337 = arith.mulf %max3A_1332, %max3A_1336 : vector<16xf32>
      %add3A_1338 = arith.addf %get3A_1324, %mul3A_1161 : vector<16xf32>
      %sub3A_1339 = arith.subf %add3A_1338, %mul3A_1337 : vector<16xf32>
      %max3A_1340 = arith.constant 9.99999971E-10 : f32
      %max3A_1341 = vector.broadcast %max3A_1340 : f32 to vector<16xf32>
      %max3A_1342 = arith.maximumf %sub3A_1339, %max3A_1341 : vector<16xf32>
      %min3A_1343 = arith.minimumf %get3A_1320, %select_n3A_1276 : vector<16xf32>
      %max3A_1344 = arith.maximumf %get3A_1316, %select_n3A_1274 : vector<16xf32>
      %sub3A_1345 = arith.subf %min3A_1343, %max3A_1344 : vector<16xf32>
      %max3A_1346 = arith.maximumf %sub3A_1345, %broadcast_in_dim3A_3 : vector<16xf32>
      %min3A_1347 = arith.minimumf %get3A_1322, %select_n3A_1277 : vector<16xf32>
      %max3A_1348 = arith.maximumf %get3A_1318, %select_n3A_1275 : vector<16xf32>
      %sub3A_1349 = arith.subf %min3A_1347, %max3A_1348 : vector<16xf32>
      %max3A_1350 = arith.maximumf %sub3A_1349, %broadcast_in_dim3A_3 : vector<16xf32>
      %mul3A_1351 = arith.mulf %max3A_1346, %max3A_1350 : vector<16xf32>
      %add3A_1352 = arith.addf %get3A_1324, %mul3A_1280 : vector<16xf32>
      %sub3A_1353 = arith.subf %add3A_1352, %mul3A_1351 : vector<16xf32>
      %max3A_1354 = arith.constant 9.99999971E-10 : f32
      %max3A_1355 = vector.broadcast %max3A_1354 : f32 to vector<16xf32>
      %max3A_1356 = arith.maximumf %sub3A_1353, %max3A_1355 : vector<16xf32>
      %mul3A_1357 = arith.constant 0.699999988 : f32
      %mul3A_1358 = vector.broadcast %mul3A_1357 : f32 to vector<16xf32>
      %mul3A_1359 = arith.mulf %mul3A_1358, %max3A_1342 : vector<16xf32>
      %gt3A_1360 = arith.cmpf ogt, %mul3A_1337, %mul3A_1359 : vector<16xf32>
      %mul3A_1361 = arith.constant 0.699999988 : f32
      %mul3A_1362 = vector.broadcast %mul3A_1361 : f32 to vector<16xf32>
      %mul3A_1363 = arith.mulf %mul3A_1362, %max3A_1356 : vector<16xf32>
      %gt3A_1364 = arith.cmpf ogt, %mul3A_1351, %mul3A_1363 : vector<16xf32>
      %or3A = arith.ori %gt3A_1360, %gt3A_1364 : vector<16xi1>
      %gt3A_1365 = arith.constant 5.000000e-02 : f32
      %gt3A_1366 = vector.broadcast %gt3A_1365 : f32 to vector<16xf32>
      %gt3A_1367 = arith.cmpf ogt, %get3A_1326, %gt3A_1366 : vector<16xf32>
      %and3A_1368 = arith.andi %or3A, %gt3A_1367 : vector<16xi1>
      %sub3A_1369 = arith.constant 2.000000e+00 : f32
      %sub3A_1370 = vector.broadcast %sub3A_1369 : f32 to vector<16xf32>
      %sub3A_1371 = arith.subf %get3A_1326, %sub3A_1370 : vector<16xf32>
      %select_n3A_1372 = arith.select %and3A_1368, %sub3A_1371, %get3A_1326 : vector<16xi1>, vector<16xf32>
      %broadcast_in_dim3A_1373 = vector.broadcast %squeeze3A_1152 : f32 to vector<16xf32>
      %eq3A_1374 = arith.cmpf oeq, %get3A_1328, %broadcast_in_dim3A_1373 : vector<16xf32>
      %eq3A_1375 = arith.cmpf oeq, %get3A_1328, %select_n3A_1284 : vector<16xf32>
      %or3A_1376 = arith.ori %eq3A_1374, %eq3A_1375 : vector<16xi1>
      %select_n3A_1377 = arith.select %or3A_1376, %broadcast_in_dim3A_5, %select_n3A_1372 : vector<16xi1>, vector<16xf32>
      %swap3A_1378 = arith.constant 0 : index
      %swap3A_1379 = tpu.vector_load %arg18[%swap3A_1378] {strides = array<i32>} : memref<320xf32, #tpu.memory_space<vmem>>, vector<16xf32>,
      tpu.vector_store %arg18[%swap3A_1378], %select_n3A_1377 {strides = array<i32>} : memref<320xf32, #tpu.memory_space<vmem>>, vector<16xf32>,
      %gt3A_1380 = arith.cmpf ogt, %select_n3A_1377, %broadcast_in_dim3A_1308 : vector<16xf32>
      %gt3A_1381 = arith.cmpf ogt, %select_n3A_1377, %broadcast_in_dim3A_1312 : vector<16xf32>
      %select_n3A_1382 = arith.select %gt3A_1381, %select_n3A_1377, %broadcast_in_dim3A_1312 : vector<16xi1>, vector<16xf32>
      %select_n3A_1383 = arith.select %gt3A_1380, %broadcast_in_dim3A_1308, %select_n3A_1382 : vector<16xi1>, vector<16xf32>
      %select_n3A_1384 = arith.select %gt3A_1381, %get3A_1328, %broadcast_in_dim3A_1314 : vector<16xi1>, vector<16xf32>
      %select_n3A_1385 = arith.select %gt3A_1380, %broadcast_in_dim3A_1310, %select_n3A_1384 : vector<16xi1>, vector<16xf32>
      %select_n3A_1386 = arith.select %gt3A_1380, %select_n3A_1377, %broadcast_in_dim3A_1308 : vector<16xi1>, vector<16xf32>
      %select_n3A_1387 = arith.select %gt3A_1380, %get3A_1328, %broadcast_in_dim3A_1310 : vector<16xi1>, vector<16xf32>
      %get3A_1388 = arith.constant 16 : index
      %get3A_1389 = tpu.vector_load %arg13[%get3A_1388] {strides = array<i32>} : memref<320xf32, #tpu.memory_space<vmem>>, vector<16xf32>,
      %get3A_1390 = arith.constant 16 : index
      %get3A_1391 = tpu.vector_load %arg14[%get3A_1390] {strides = array<i32>} : memref<320xf32, #tpu.memory_space<vmem>>, vector<16xf32>,
      %get3A_1392 = arith.constant 16 : index
      %get3A_1393 = tpu.vector_load %arg15[%get3A_1392] {strides = array<i32>} : memref<320xf32, #tpu.memory_space<vmem>>, vector<16xf32>,
      %get3A_1394 = arith.constant 16 : index
      %get3A_1395 = tpu.vector_load %arg16[%get3A_1394] {strides = array<i32>} : memref<320xf32, #tpu.memory_space<vmem>>, vector<16xf32>,
      %get3A_1396 = arith.constant 16 : index
      %get3A_1397 = tpu.vector_load %arg17[%get3A_1396] {strides = array<i32>} : memref<320xf32, #tpu.memory_space<vmem>>, vector<16xf32>,
      %get3A_1398 = arith.constant 16 : index
      %get3A_1399 = tpu.vector_load %arg18[%get3A_1398] {strides = array<i32>} : memref<320xf32, #tpu.memory_space<vmem>>, vector<16xf32>,
      %get3A_1400 = arith.constant 16 : index
      %get3A_1401 = tpu.vector_load %arg19[%get3A_1400] {strides = array<i32>} : memref<320xf32, #tpu.memory_space<vmem>>, vector<16xf32>,
      %min3A_1402 = arith.minimumf %get3A_1393, %gather3A_1157 : vector<16xf32>
      %max3A_1403 = arith.maximumf %get3A_1389, %gather3A_1155 : vector<16xf32>
      %sub3A_1404 = arith.subf %min3A_1402, %max3A_1403 : vector<16xf32>
      %max3A_1405 = arith.maximumf %sub3A_1404, %broadcast_in_dim3A_3 : vector<16xf32>
      %min3A_1406 = arith.minimumf %get3A_1395, %gather3A_1158 : vector<16xf32>
      %max3A_1407 = arith.maximumf %get3A_1391, %gather3A_1156 : vector<16xf32>
      %sub3A_1408 = arith.subf %min3A_1406, %max3A_1407 : vector<16xf32>
      %max3A_1409 = arith.maximumf %sub3A_1408, %broadcast_in_dim3A_3 : vector<16xf32>
      %mul3A_1410 = arith.mulf %max3A_1405, %max3A_1409 : vector<16xf32>
      %add3A_1411 = arith.addf %get3A_1397, %mul3A_1161 : vector<16xf32>
      %sub3A_1412 = arith.subf %add3A_1411, %mul3A_1410 : vector<16xf32>
      %max3A_1413 = arith.constant 9.99999971E-10 : f32
      %max3A_1414 = vector.broadcast %max3A_1413 : f32 to vector<16xf32>
      %max3A_1415 = arith.maximumf %sub3A_1412, %max3A_1414 : vector<16xf32>
      %min3A_1416 = arith.minimumf %get3A_1393, %select_n3A_1276 : vector<16xf32>
      %max3A_1417 = arith.maximumf %get3A_1389, %select_n3A_1274 : vector<16xf32>
      %sub3A_1418 = arith.subf %min3A_1416, %max3A_1417 : vector<16xf32>
      %max3A_1419 = arith.maximumf %sub3A_1418, %broadcast_in_dim3A_3 : vector<16xf32>
      %min3A_1420 = arith.minimumf %get3A_1395, %select_n3A_1277 : vector<16xf32>
      %max3A_1421 = arith.maximumf %get3A_1391, %select_n3A_1275 : vector<16xf32>
      %sub3A_1422 = arith.subf %min3A_1420, %max3A_1421 : vector<16xf32>
      %max3A_1423 = arith.maximumf %sub3A_1422, %broadcast_in_dim3A_3 : vector<16xf32>
      %mul3A_1424 = arith.mulf %max3A_1419, %max3A_1423 : vector<16xf32>
      %add3A_1425 = arith.addf %get3A_1397, %mul3A_1280 : vector<16xf32>
      %sub3A_1426 = arith.subf %add3A_1425, %mul3A_1424 : vector<16xf32>
      %max3A_1427 = arith.constant 9.99999971E-10 : f32
      %max3A_1428 = vector.broadcast %max3A_1427 : f32 to vector<16xf32>
      %max3A_1429 = arith.maximumf %sub3A_1426, %max3A_1428 : vector<16xf32>
      %mul3A_1430 = arith.constant 0.699999988 : f32
      %mul3A_1431 = vector.broadcast %mul3A_1430 : f32 to vector<16xf32>
      %mul3A_1432 = arith.mulf %mul3A_1431, %max3A_1415 : vector<16xf32>
      %gt3A_1433 = arith.cmpf ogt, %mul3A_1410, %mul3A_1432 : vector<16xf32>
      %mul3A_1434 = arith.constant 0.699999988 : f32
      %mul3A_1435 = vector.broadcast %mul3A_1434 : f32 to vector<16xf32>
      %mul3A_1436 = arith.mulf %mul3A_1435, %max3A_1429 : vector<16xf32>
      %gt3A_1437 = arith.cmpf ogt, %mul3A_1424, %mul3A_1436 : vector<16xf32>
      %or3A_1438 = arith.ori %gt3A_1433, %gt3A_1437 : vector<16xi1>
      %gt3A_1439 = arith.constant 5.000000e-02 : f32
      %gt3A_1440 = vector.broadcast %gt3A_1439 : f32 to vector<16xf32>
      %gt3A_1441 = arith.cmpf ogt, %get3A_1399, %gt3A_1440 : vector<16xf32>
      %and3A_1442 = arith.andi %or3A_1438, %gt3A_1441 : vector<16xi1>
      %sub3A_1443 = arith.constant 2.000000e+00 : f32
      %sub3A_1444 = vector.broadcast %sub3A_1443 : f32 to vector<16xf32>
      %sub3A_1445 = arith.subf %get3A_1399, %sub3A_1444 : vector<16xf32>
      %select_n3A_1446 = arith.select %and3A_1442, %sub3A_1445, %get3A_1399 : vector<16xi1>, vector<16xf32>
      %broadcast_in_dim3A_1447 = vector.broadcast %squeeze3A_1152 : f32 to vector<16xf32>
      %eq3A_1448 = arith.cmpf oeq, %get3A_1401, %broadcast_in_dim3A_1447 : vector<16xf32>
      %eq3A_1449 = arith.cmpf oeq, %get3A_1401, %select_n3A_1284 : vector<16xf32>
      %or3A_1450 = arith.ori %eq3A_1448, %eq3A_1449 : vector<16xi1>
      %select_n3A_1451 = arith.select %or3A_1450, %broadcast_in_dim3A_5, %select_n3A_1446 : vector<16xi1>, vector<16xf32>
      %swap3A_1452 = arith.constant 16 : index
      %swap3A_1453 = tpu.vector_load %arg18[%swap3A_1452] {strides = array<i32>} : memref<320xf32, #tpu.memory_space<vmem>>, vector<16xf32>,
      tpu.vector_store %arg18[%swap3A_1452], %select_n3A_1451 {strides = array<i32>} : memref<320xf32, #tpu.memory_space<vmem>>, vector<16xf32>,
      %gt3A_1454 = arith.cmpf ogt, %select_n3A_1451, %select_n3A_1386 : vector<16xf32>
      %gt3A_1455 = arith.cmpf ogt, %select_n3A_1451, %select_n3A_1383 : vector<16xf32>
      %select_n3A_1456 = arith.select %gt3A_1455, %select_n3A_1451, %select_n3A_1383 : vector<16xi1>, vector<16xf32>
      %select_n3A_1457 = arith.select %gt3A_1454, %select_n3A_1386, %select_n3A_1456 : vector<16xi1>, vector<16xf32>
      %select_n3A_1458 = arith.select %gt3A_1455, %get3A_1401, %select_n3A_1385 : vector<16xi1>, vector<16xf32>
      %select_n3A_1459 = arith.select %gt3A_1454, %select_n3A_1387, %select_n3A_1458 : vector<16xi1>, vector<16xf32>
      %select_n3A_1460 = arith.select %gt3A_1454, %select_n3A_1451, %select_n3A_1386 : vector<16xi1>, vector<16xf32>
      %select_n3A_1461 = arith.select %gt3A_1454, %get3A_1401, %select_n3A_1387 : vector<16xi1>, vector<16xf32>
      %get3A_1462 = arith.constant 32 : index
      %get3A_1463 = tpu.vector_load %arg13[%get3A_1462] {strides = array<i32>} : memref<320xf32, #tpu.memory_space<vmem>>, vector<16xf32>,
      %get3A_1464 = arith.constant 32 : index
      %get3A_1465 = tpu.vector_load %arg14[%get3A_1464] {strides = array<i32>} : memref<320xf32, #tpu.memory_space<vmem>>, vector<16xf32>,
      %get3A_1466 = arith.constant 32 : index
      %get3A_1467 = tpu.vector_load %arg15[%get3A_1466] {strides = array<i32>} : memref<320xf32, #tpu.memory_space<vmem>>, vector<16xf32>,
      %get3A_1468 = arith.constant 32 : index
      %get3A_1469 = tpu.vector_load %arg16[%get3A_1468] {strides = array<i32>} : memref<320xf32, #tpu.memory_space<vmem>>, vector<16xf32>,
      %get3A_1470 = arith.constant 32 : index
      %get3A_1471 = tpu.vector_load %arg17[%get3A_1470] {strides = array<i32>} : memref<320xf32, #tpu.memory_space<vmem>>, vector<16xf32>,
      %get3A_1472 = arith.constant 32 : index
      %get3A_1473 = tpu.vector_load %arg18[%get3A_1472] {strides = array<i32>} : memref<320xf32, #tpu.memory_space<vmem>>, vector<16xf32>,
      %get3A_1474 = arith.constant 32 : index
      %get3A_1475 = tpu.vector_load %arg19[%get3A_1474] {strides = array<i32>} : memref<320xf32, #tpu.memory_space<vmem>>, vector<16xf32>,
      %min3A_1476 = arith.minimumf %get3A_1467, %gather3A_1157 : vector<16xf32>
      %max3A_1477 = arith.maximumf %get3A_1463, %gather3A_1155 : vector<16xf32>
      %sub3A_1478 = arith.subf %min3A_1476, %max3A_1477 : vector<16xf32>
      %max3A_1479 = arith.maximumf %sub3A_1478, %broadcast_in_dim3A_3 : vector<16xf32>
      %min3A_1480 = arith.minimumf %get3A_1469, %gather3A_1158 : vector<16xf32>
      %max3A_1481 = arith.maximumf %get3A_1465, %gather3A_1156 : vector<16xf32>
      %sub3A_1482 = arith.subf %min3A_1480, %max3A_1481 : vector<16xf32>
      %max3A_1483 = arith.maximumf %sub3A_1482, %broadcast_in_dim3A_3 : vector<16xf32>
      %mul3A_1484 = arith.mulf %max3A_1479, %max3A_1483 : vector<16xf32>
      %add3A_1485 = arith.addf %get3A_1471, %mul3A_1161 : vector<16xf32>
      %sub3A_1486 = arith.subf %add3A_1485, %mul3A_1484 : vector<16xf32>
      %max3A_1487 = arith.constant 9.99999971E-10 : f32
      %max3A_1488 = vector.broadcast %max3A_1487 : f32 to vector<16xf32>
      %max3A_1489 = arith.maximumf %sub3A_1486, %max3A_1488 : vector<16xf32>
      %min3A_1490 = arith.minimumf %get3A_1467, %select_n3A_1276 : vector<16xf32>
      %max3A_1491 = arith.maximumf %get3A_1463, %select_n3A_1274 : vector<16xf32>
      %sub3A_1492 = arith.subf %min3A_1490, %max3A_1491 : vector<16xf32>
      %max3A_1493 = arith.maximumf %sub3A_1492, %broadcast_in_dim3A_3 : vector<16xf32>
      %min3A_1494 = arith.minimumf %get3A_1469, %select_n3A_1277 : vector<16xf32>
      %max3A_1495 = arith.maximumf %get3A_1465, %select_n3A_1275 : vector<16xf32>
      %sub3A_1496 = arith.subf %min3A_1494, %max3A_1495 : vector<16xf32>
      %max3A_1497 = arith.maximumf %sub3A_1496, %broadcast_in_dim3A_3 : vector<16xf32>
      %mul3A_1498 = arith.mulf %max3A_1493, %max3A_1497 : vector<16xf32>
      %add3A_1499 = arith.addf %get3A_1471, %mul3A_1280 : vector<16xf32>
      %sub3A_1500 = arith.subf %add3A_1499, %mul3A_1498 : vector<16xf32>
      %max3A_1501 = arith.constant 9.99999971E-10 : f32
      %max3A_1502 = vector.broadcast %max3A_1501 : f32 to vector<16xf32>
      %max3A_1503 = arith.maximumf %sub3A_1500, %max3A_1502 : vector<16xf32>
      %mul3A_1504 = arith.constant 0.699999988 : f32
      %mul3A_1505 = vector.broadcast %mul3A_1504 : f32 to vector<16xf32>
      %mul3A_1506 = arith.mulf %mul3A_1505, %max3A_1489 : vector<16xf32>
      %gt3A_1507 = arith.cmpf ogt, %mul3A_1484, %mul3A_1506 : vector<16xf32>
      %mul3A_1508 = arith.constant 0.699999988 : f32
      %mul3A_1509 = vector.broadcast %mul3A_1508 : f32 to vector<16xf32>
      %mul3A_1510 = arith.mulf %mul3A_1509, %max3A_1503 : vector<16xf32>
      %gt3A_1511 = arith.cmpf ogt, %mul3A_1498, %mul3A_1510 : vector<16xf32>
      %or3A_1512 = arith.ori %gt3A_1507, %gt3A_1511 : vector<16xi1>
      %gt3A_1513 = arith.constant 5.000000e-02 : f32
      %gt3A_1514 = vector.broadcast %gt3A_1513 : f32 to vector<16xf32>
      %gt3A_1515 = arith.cmpf ogt, %get3A_1473, %gt3A_1514 : vector<16xf32>
      %and3A_1516 = arith.andi %or3A_1512, %gt3A_1515 : vector<16xi1>
      %sub3A_1517 = arith.constant 2.000000e+00 : f32
      %sub3A_1518 = vector.broadcast %sub3A_1517 : f32 to vector<16xf32>
      %sub3A_1519 = arith.subf %get3A_1473, %sub3A_1518 : vector<16xf32>
      %select_n3A_1520 = arith.select %and3A_1516, %sub3A_1519, %get3A_1473 : vector<16xi1>, vector<16xf32>
      %broadcast_in_dim3A_1521 = vector.broadcast %squeeze3A_1152 : f32 to vector<16xf32>
      %eq3A_1522 = arith.cmpf oeq, %get3A_1475, %broadcast_in_dim3A_1521 : vector<16xf32>
      %eq3A_1523 = arith.cmpf oeq, %get3A_1475, %select_n3A_1284 : vector<16xf32>
      %or3A_1524 = arith.ori %eq3A_1522, %eq3A_1523 : vector<16xi1>
      %select_n3A_1525 = arith.select %or3A_1524, %broadcast_in_dim3A_5, %select_n3A_1520 : vector<16xi1>, vector<16xf32>
      %swap3A_1526 = arith.constant 32 : index
      %swap3A_1527 = tpu.vector_load %arg18[%swap3A_1526] {strides = array<i32>} : memref<320xf32, #tpu.memory_space<vmem>>, vector<16xf32>,
      tpu.vector_store %arg18[%swap3A_1526], %select_n3A_1525 {strides = array<i32>} : memref<320xf32, #tpu.memory_space<vmem>>, vector<16xf32>,
      %gt3A_1528 = arith.cmpf ogt, %select_n3A_1525, %select_n3A_1460 : vector<16xf32>
      %gt3A_1529 = arith.cmpf ogt, %select_n3A_1525, %select_n3A_1457 : vector<16xf32>
      %select_n3A_1530 = arith.select %gt3A_1529, %select_n3A_1525, %select_n3A_1457 : vector<16xi1>, vector<16xf32>
      %select_n3A_1531 = arith.select %gt3A_1528, %select_n3A_1460, %select_n3A_1530 : vector<16xi1>, vector<16xf32>
      %select_n3A_1532 = arith.select %gt3A_1529, %get3A_1475, %select_n3A_1459 : vector<16xi1>, vector<16xf32>
      %select_n3A_1533 = arith.select %gt3A_1528, %select_n3A_1461, %select_n3A_1532 : vector<16xi1>, vector<16xf32>
      %select_n3A_1534 = arith.select %gt3A_1528, %select_n3A_1525, %select_n3A_1460 : vector<16xi1>, vector<16xf32>
      %select_n3A_1535 = arith.select %gt3A_1528, %get3A_1475, %select_n3A_1461 : vector<16xi1>, vector<16xf32>
      %get3A_1536 = arith.constant 48 : index
      %get3A_1537 = tpu.vector_load %arg13[%get3A_1536] {strides = array<i32>} : memref<320xf32, #tpu.memory_space<vmem>>, vector<16xf32>,
      %get3A_1538 = arith.constant 48 : index
      %get3A_1539 = tpu.vector_load %arg14[%get3A_1538] {strides = array<i32>} : memref<320xf32, #tpu.memory_space<vmem>>, vector<16xf32>,
      %get3A_1540 = arith.constant 48 : index
      %get3A_1541 = tpu.vector_load %arg15[%get3A_1540] {strides = array<i32>} : memref<320xf32, #tpu.memory_space<vmem>>, vector<16xf32>,
      %get3A_1542 = arith.constant 48 : index
      %get3A_1543 = tpu.vector_load %arg16[%get3A_1542] {strides = array<i32>} : memref<320xf32, #tpu.memory_space<vmem>>, vector<16xf32>,
      %get3A_1544 = arith.constant 48 : index
      %get3A_1545 = tpu.vector_load %arg17[%get3A_1544] {strides = array<i32>} : memref<320xf32, #tpu.memory_space<vmem>>, vector<16xf32>,
      %get3A_1546 = arith.constant 48 : index
      %get3A_1547 = tpu.vector_load %arg18[%get3A_1546] {strides = array<i32>} : memref<320xf32, #tpu.memory_space<vmem>>, vector<16xf32>,
      %get3A_1548 = arith.constant 48 : index
      %get3A_1549 = tpu.vector_load %arg19[%get3A_1548] {strides = array<i32>} : memref<320xf32, #tpu.memory_space<vmem>>, vector<16xf32>,
      %min3A_1550 = arith.minimumf %get3A_1541, %gather3A_1157 : vector<16xf32>
      %max3A_1551 = arith.maximumf %get3A_1537, %gather3A_1155 : vector<16xf32>
      %sub3A_1552 = arith.subf %min3A_1550, %max3A_1551 : vector<16xf32>
      %max3A_1553 = arith.maximumf %sub3A_1552, %broadcast_in_dim3A_3 : vector<16xf32>
      %min3A_1554 = arith.minimumf %get3A_1543, %gather3A_1158 : vector<16xf32>
      %max3A_1555 = arith.maximumf %get3A_1539, %gather3A_1156 : vector<16xf32>
      %sub3A_1556 = arith.subf %min3A_1554, %max3A_1555 : vector<16xf32>
      %max3A_1557 = arith.maximumf %sub3A_1556, %broadcast_in_dim3A_3 : vector<16xf32>
      %mul3A_1558 = arith.mulf %max3A_1553, %max3A_1557 : vector<16xf32>
      %add3A_1559 = arith.addf %get3A_1545, %mul3A_1161 : vector<16xf32>
      %sub3A_1560 = arith.subf %add3A_1559, %mul3A_1558 : vector<16xf32>
      %max3A_1561 = arith.constant 9.99999971E-10 : f32
      %max3A_1562 = vector.broadcast %max3A_1561 : f32 to vector<16xf32>
      %max3A_1563 = arith.maximumf %sub3A_1560, %max3A_1562 : vector<16xf32>
      %min3A_1564 = arith.minimumf %get3A_1541, %select_n3A_1276 : vector<16xf32>
      %max3A_1565 = arith.maximumf %get3A_1537, %select_n3A_1274 : vector<16xf32>
      %sub3A_1566 = arith.subf %min3A_1564, %max3A_1565 : vector<16xf32>
      %max3A_1567 = arith.maximumf %sub3A_1566, %broadcast_in_dim3A_3 : vector<16xf32>
      %min3A_1568 = arith.minimumf %get3A_1543, %select_n3A_1277 : vector<16xf32>
      %max3A_1569 = arith.maximumf %get3A_1539, %select_n3A_1275 : vector<16xf32>
      %sub3A_1570 = arith.subf %min3A_1568, %max3A_1569 : vector<16xf32>
      %max3A_1571 = arith.maximumf %sub3A_1570, %broadcast_in_dim3A_3 : vector<16xf32>
      %mul3A_1572 = arith.mulf %max3A_1567, %max3A_1571 : vector<16xf32>
      %add3A_1573 = arith.addf %get3A_1545, %mul3A_1280 : vector<16xf32>
      %sub3A_1574 = arith.subf %add3A_1573, %mul3A_1572 : vector<16xf32>
      %max3A_1575 = arith.constant 9.99999971E-10 : f32
      %max3A_1576 = vector.broadcast %max3A_1575 : f32 to vector<16xf32>
      %max3A_1577 = arith.maximumf %sub3A_1574, %max3A_1576 : vector<16xf32>
      %mul3A_1578 = arith.constant 0.699999988 : f32
      %mul3A_1579 = vector.broadcast %mul3A_1578 : f32 to vector<16xf32>
      %mul3A_1580 = arith.mulf %mul3A_1579, %max3A_1563 : vector<16xf32>
      %gt3A_1581 = arith.cmpf ogt, %mul3A_1558, %mul3A_1580 : vector<16xf32>
      %mul3A_1582 = arith.constant 0.699999988 : f32
      %mul3A_1583 = vector.broadcast %mul3A_1582 : f32 to vector<16xf32>
      %mul3A_1584 = arith.mulf %mul3A_1583, %max3A_1577 : vector<16xf32>
      %gt3A_1585 = arith.cmpf ogt, %mul3A_1572, %mul3A_1584 : vector<16xf32>
      %or3A_1586 = arith.ori %gt3A_1581, %gt3A_1585 : vector<16xi1>
      %gt3A_1587 = arith.constant 5.000000e-02 : f32
      %gt3A_1588 = vector.broadcast %gt3A_1587 : f32 to vector<16xf32>
      %gt3A_1589 = arith.cmpf ogt, %get3A_1547, %gt3A_1588 : vector<16xf32>
      %and3A_1590 = arith.andi %or3A_1586, %gt3A_1589 : vector<16xi1>
      %sub3A_1591 = arith.constant 2.000000e+00 : f32
      %sub3A_1592 = vector.broadcast %sub3A_1591 : f32 to vector<16xf32>
      %sub3A_1593 = arith.subf %get3A_1547, %sub3A_1592 : vector<16xf32>
      %select_n3A_1594 = arith.select %and3A_1590, %sub3A_1593, %get3A_1547 : vector<16xi1>, vector<16xf32>
      %broadcast_in_dim3A_1595 = vector.broadcast %squeeze3A_1152 : f32 to vector<16xf32>
      %eq3A_1596 = arith.cmpf oeq, %get3A_1549, %broadcast_in_dim3A_1595 : vector<16xf32>
      %eq3A_1597 = arith.cmpf oeq, %get3A_1549, %select_n3A_1284 : vector<16xf32>
      %or3A_1598 = arith.ori %eq3A_1596, %eq3A_1597 : vector<16xi1>
      %select_n3A_1599 = arith.select %or3A_1598, %broadcast_in_dim3A_5, %select_n3A_1594 : vector<16xi1>, vector<16xf32>
      %swap3A_1600 = arith.constant 48 : index
      %swap3A_1601 = tpu.vector_load %arg18[%swap3A_1600] {strides = array<i32>} : memref<320xf32, #tpu.memory_space<vmem>>, vector<16xf32>,
      tpu.vector_store %arg18[%swap3A_1600], %select_n3A_1599 {strides = array<i32>} : memref<320xf32, #tpu.memory_space<vmem>>, vector<16xf32>,
      %gt3A_1602 = arith.cmpf ogt, %select_n3A_1599, %select_n3A_1534 : vector<16xf32>
      %gt3A_1603 = arith.cmpf ogt, %select_n3A_1599, %select_n3A_1531 : vector<16xf32>
      %select_n3A_1604 = arith.select %gt3A_1603, %select_n3A_1599, %select_n3A_1531 : vector<16xi1>, vector<16xf32>
      %select_n3A_1605 = arith.select %gt3A_1602, %select_n3A_1534, %select_n3A_1604 : vector<16xi1>, vector<16xf32>
      %select_n3A_1606 = arith.select %gt3A_1603, %get3A_1549, %select_n3A_1533 : vector<16xi1>, vector<16xf32>
      %select_n3A_1607 = arith.select %gt3A_1602, %select_n3A_1535, %select_n3A_1606 : vector<16xi1>, vector<16xf32>
      %select_n3A_1608 = arith.select %gt3A_1602, %select_n3A_1599, %select_n3A_1534 : vector<16xi1>, vector<16xf32>
      %select_n3A_1609 = arith.select %gt3A_1602, %get3A_1549, %select_n3A_1535 : vector<16xi1>, vector<16xf32>
      %get3A_1610 = arith.constant 64 : index
      %get3A_1611 = tpu.vector_load %arg13[%get3A_1610] {strides = array<i32>} : memref<320xf32, #tpu.memory_space<vmem>>, vector<16xf32>,
      %get3A_1612 = arith.constant 64 : index
      %get3A_1613 = tpu.vector_load %arg14[%get3A_1612] {strides = array<i32>} : memref<320xf32, #tpu.memory_space<vmem>>, vector<16xf32>,
      %get3A_1614 = arith.constant 64 : index
      %get3A_1615 = tpu.vector_load %arg15[%get3A_1614] {strides = array<i32>} : memref<320xf32, #tpu.memory_space<vmem>>, vector<16xf32>,
      %get3A_1616 = arith.constant 64 : index
      %get3A_1617 = tpu.vector_load %arg16[%get3A_1616] {strides = array<i32>} : memref<320xf32, #tpu.memory_space<vmem>>, vector<16xf32>,
      %get3A_1618 = arith.constant 64 : index
      %get3A_1619 = tpu.vector_load %arg17[%get3A_1618] {strides = array<i32>} : memref<320xf32, #tpu.memory_space<vmem>>, vector<16xf32>,
      %get3A_1620 = arith.constant 64 : index
      %get3A_1621 = tpu.vector_load %arg18[%get3A_1620] {strides = array<i32>} : memref<320xf32, #tpu.memory_space<vmem>>, vector<16xf32>,
      %get3A_1622 = arith.constant 64 : index
      %get3A_1623 = tpu.vector_load %arg19[%get3A_1622] {strides = array<i32>} : memref<320xf32, #tpu.memory_space<vmem>>, vector<16xf32>,
      %min3A_1624 = arith.minimumf %get3A_1615, %gather3A_1157 : vector<16xf32>
      %max3A_1625 = arith.maximumf %get3A_1611, %gather3A_1155 : vector<16xf32>
      %sub3A_1626 = arith.subf %min3A_1624, %max3A_1625 : vector<16xf32>
      %max3A_1627 = arith.maximumf %sub3A_1626, %broadcast_in_dim3A_3 : vector<16xf32>
      %min3A_1628 = arith.minimumf %get3A_1617, %gather3A_1158 : vector<16xf32>
      %max3A_1629 = arith.maximumf %get3A_1613, %gather3A_1156 : vector<16xf32>
      %sub3A_1630 = arith.subf %min3A_1628, %max3A_1629 : vector<16xf32>
      %max3A_1631 = arith.maximumf %sub3A_1630, %broadcast_in_dim3A_3 : vector<16xf32>
      %mul3A_1632 = arith.mulf %max3A_1627, %max3A_1631 : vector<16xf32>
      %add3A_1633 = arith.addf %get3A_1619, %mul3A_1161 : vector<16xf32>
      %sub3A_1634 = arith.subf %add3A_1633, %mul3A_1632 : vector<16xf32>
      %max3A_1635 = arith.constant 9.99999971E-10 : f32
      %max3A_1636 = vector.broadcast %max3A_1635 : f32 to vector<16xf32>
      %max3A_1637 = arith.maximumf %sub3A_1634, %max3A_1636 : vector<16xf32>
      %min3A_1638 = arith.minimumf %get3A_1615, %select_n3A_1276 : vector<16xf32>
      %max3A_1639 = arith.maximumf %get3A_1611, %select_n3A_1274 : vector<16xf32>
      %sub3A_1640 = arith.subf %min3A_1638, %max3A_1639 : vector<16xf32>
      %max3A_1641 = arith.maximumf %sub3A_1640, %broadcast_in_dim3A_3 : vector<16xf32>
      %min3A_1642 = arith.minimumf %get3A_1617, %select_n3A_1277 : vector<16xf32>
      %max3A_1643 = arith.maximumf %get3A_1613, %select_n3A_1275 : vector<16xf32>
      %sub3A_1644 = arith.subf %min3A_1642, %max3A_1643 : vector<16xf32>
      %max3A_1645 = arith.maximumf %sub3A_1644, %broadcast_in_dim3A_3 : vector<16xf32>
      %mul3A_1646 = arith.mulf %max3A_1641, %max3A_1645 : vector<16xf32>
      %add3A_1647 = arith.addf %get3A_1619, %mul3A_1280 : vector<16xf32>
      %sub3A_1648 = arith.subf %add3A_1647, %mul3A_1646 : vector<16xf32>
      %max3A_1649 = arith.constant 9.99999971E-10 : f32
      %max3A_1650 = vector.broadcast %max3A_1649 : f32 to vector<16xf32>
      %max3A_1651 = arith.maximumf %sub3A_1648, %max3A_1650 : vector<16xf32>
      %mul3A_1652 = arith.constant 0.699999988 : f32
      %mul3A_1653 = vector.broadcast %mul3A_1652 : f32 to vector<16xf32>
      %mul3A_1654 = arith.mulf %mul3A_1653, %max3A_1637 : vector<16xf32>
      %gt3A_1655 = arith.cmpf ogt, %mul3A_1632, %mul3A_1654 : vector<16xf32>
      %mul3A_1656 = arith.constant 0.699999988 : f32
      %mul3A_1657 = vector.broadcast %mul3A_1656 : f32 to vector<16xf32>
      %mul3A_1658 = arith.mulf %mul3A_1657, %max3A_1651 : vector<16xf32>
      %gt3A_1659 = arith.cmpf ogt, %mul3A_1646, %mul3A_1658 : vector<16xf32>
      %or3A_1660 = arith.ori %gt3A_1655, %gt3A_1659 : vector<16xi1>
      %gt3A_1661 = arith.constant 5.000000e-02 : f32
      %gt3A_1662 = vector.broadcast %gt3A_1661 : f32 to vector<16xf32>
      %gt3A_1663 = arith.cmpf ogt, %get3A_1621, %gt3A_1662 : vector<16xf32>
      %and3A_1664 = arith.andi %or3A_1660, %gt3A_1663 : vector<16xi1>
      %sub3A_1665 = arith.constant 2.000000e+00 : f32
      %sub3A_1666 = vector.broadcast %sub3A_1665 : f32 to vector<16xf32>
      %sub3A_1667 = arith.subf %get3A_1621, %sub3A_1666 : vector<16xf32>
      %select_n3A_1668 = arith.select %and3A_1664, %sub3A_1667, %get3A_1621 : vector<16xi1>, vector<16xf32>
      %broadcast_in_dim3A_1669 = vector.broadcast %squeeze3A_1152 : f32 to vector<16xf32>
      %eq3A_1670 = arith.cmpf oeq, %get3A_1623, %broadcast_in_dim3A_1669 : vector<16xf32>
      %eq3A_1671 = arith.cmpf oeq, %get3A_1623, %select_n3A_1284 : vector<16xf32>
      %or3A_1672 = arith.ori %eq3A_1670, %eq3A_1671 : vector<16xi1>
      %select_n3A_1673 = arith.select %or3A_1672, %broadcast_in_dim3A_5, %select_n3A_1668 : vector<16xi1>, vector<16xf32>
      %swap3A_1674 = arith.constant 64 : index
      %swap3A_1675 = tpu.vector_load %arg18[%swap3A_1674] {strides = array<i32>} : memref<320xf32, #tpu.memory_space<vmem>>, vector<16xf32>,
      tpu.vector_store %arg18[%swap3A_1674], %select_n3A_1673 {strides = array<i32>} : memref<320xf32, #tpu.memory_space<vmem>>, vector<16xf32>,
      %gt3A_1676 = arith.cmpf ogt, %select_n3A_1673, %select_n3A_1608 : vector<16xf32>
      %gt3A_1677 = arith.cmpf ogt, %select_n3A_1673, %select_n3A_1605 : vector<16xf32>
      %select_n3A_1678 = arith.select %gt3A_1677, %select_n3A_1673, %select_n3A_1605 : vector<16xi1>, vector<16xf32>
      %select_n3A_1679 = arith.select %gt3A_1676, %select_n3A_1608, %select_n3A_1678 : vector<16xi1>, vector<16xf32>
      %select_n3A_1680 = arith.select %gt3A_1677, %get3A_1623, %select_n3A_1607 : vector<16xi1>, vector<16xf32>
      %select_n3A_1681 = arith.select %gt3A_1676, %select_n3A_1609, %select_n3A_1680 : vector<16xi1>, vector<16xf32>
      %select_n3A_1682 = arith.select %gt3A_1676, %select_n3A_1673, %select_n3A_1608 : vector<16xi1>, vector<16xf32>
      %select_n3A_1683 = arith.select %gt3A_1676, %get3A_1623, %select_n3A_1609 : vector<16xi1>, vector<16xf32>
      %get3A_1684 = arith.constant 80 : index
      %get3A_1685 = tpu.vector_load %arg13[%get3A_1684] {strides = array<i32>} : memref<320xf32, #tpu.memory_space<vmem>>, vector<16xf32>,
      %get3A_1686 = arith.constant 80 : index
      %get3A_1687 = tpu.vector_load %arg14[%get3A_1686] {strides = array<i32>} : memref<320xf32, #tpu.memory_space<vmem>>, vector<16xf32>,
      %get3A_1688 = arith.constant 80 : index
      %get3A_1689 = tpu.vector_load %arg15[%get3A_1688] {strides = array<i32>} : memref<320xf32, #tpu.memory_space<vmem>>, vector<16xf32>,
      %get3A_1690 = arith.constant 80 : index
      %get3A_1691 = tpu.vector_load %arg16[%get3A_1690] {strides = array<i32>} : memref<320xf32, #tpu.memory_space<vmem>>, vector<16xf32>,
      %get3A_1692 = arith.constant 80 : index
      %get3A_1693 = tpu.vector_load %arg17[%get3A_1692] {strides = array<i32>} : memref<320xf32, #tpu.memory_space<vmem>>, vector<16xf32>,
      %get3A_1694 = arith.constant 80 : index
      %get3A_1695 = tpu.vector_load %arg18[%get3A_1694] {strides = array<i32>} : memref<320xf32, #tpu.memory_space<vmem>>, vector<16xf32>,
      %get3A_1696 = arith.constant 80 : index
      %get3A_1697 = tpu.vector_load %arg19[%get3A_1696] {strides = array<i32>} : memref<320xf32, #tpu.memory_space<vmem>>, vector<16xf32>,
      %min3A_1698 = arith.minimumf %get3A_1689, %gather3A_1157 : vector<16xf32>
      %max3A_1699 = arith.maximumf %get3A_1685, %gather3A_1155 : vector<16xf32>
      %sub3A_1700 = arith.subf %min3A_1698, %max3A_1699 : vector<16xf32>
      %max3A_1701 = arith.maximumf %sub3A_1700, %broadcast_in_dim3A_3 : vector<16xf32>
      %min3A_1702 = arith.minimumf %get3A_1691, %gather3A_1158 : vector<16xf32>
      %max3A_1703 = arith.maximumf %get3A_1687, %gather3A_1156 : vector<16xf32>
      %sub3A_1704 = arith.subf %min3A_1702, %max3A_1703 : vector<16xf32>
      %max3A_1705 = arith.maximumf %sub3A_1704, %broadcast_in_dim3A_3 : vector<16xf32>
      %mul3A_1706 = arith.mulf %max3A_1701, %max3A_1705 : vector<16xf32>
      %add3A_1707 = arith.addf %get3A_1693, %mul3A_1161 : vector<16xf32>
      %sub3A_1708 = arith.subf %add3A_1707, %mul3A_1706 : vector<16xf32>
      %max3A_1709 = arith.constant 9.99999971E-10 : f32
      %max3A_1710 = vector.broadcast %max3A_1709 : f32 to vector<16xf32>
      %max3A_1711 = arith.maximumf %sub3A_1708, %max3A_1710 : vector<16xf32>
      %min3A_1712 = arith.minimumf %get3A_1689, %select_n3A_1276 : vector<16xf32>
      %max3A_1713 = arith.maximumf %get3A_1685, %select_n3A_1274 : vector<16xf32>
      %sub3A_1714 = arith.subf %min3A_1712, %max3A_1713 : vector<16xf32>
      %max3A_1715 = arith.maximumf %sub3A_1714, %broadcast_in_dim3A_3 : vector<16xf32>
      %min3A_1716 = arith.minimumf %get3A_1691, %select_n3A_1277 : vector<16xf32>
      %max3A_1717 = arith.maximumf %get3A_1687, %select_n3A_1275 : vector<16xf32>
      %sub3A_1718 = arith.subf %min3A_1716, %max3A_1717 : vector<16xf32>
      %max3A_1719 = arith.maximumf %sub3A_1718, %broadcast_in_dim3A_3 : vector<16xf32>
      %mul3A_1720 = arith.mulf %max3A_1715, %max3A_1719 : vector<16xf32>
      %add3A_1721 = arith.addf %get3A_1693, %mul3A_1280 : vector<16xf32>
      %sub3A_1722 = arith.subf %add3A_1721, %mul3A_1720 : vector<16xf32>
      %max3A_1723 = arith.constant 9.99999971E-10 : f32
      %max3A_1724 = vector.broadcast %max3A_1723 : f32 to vector<16xf32>
      %max3A_1725 = arith.maximumf %sub3A_1722, %max3A_1724 : vector<16xf32>
      %mul3A_1726 = arith.constant 0.699999988 : f32
      %mul3A_1727 = vector.broadcast %mul3A_1726 : f32 to vector<16xf32>
      %mul3A_1728 = arith.mulf %mul3A_1727, %max3A_1711 : vector<16xf32>
      %gt3A_1729 = arith.cmpf ogt, %mul3A_1706, %mul3A_1728 : vector<16xf32>
      %mul3A_1730 = arith.constant 0.699999988 : f32
      %mul3A_1731 = vector.broadcast %mul3A_1730 : f32 to vector<16xf32>
      %mul3A_1732 = arith.mulf %mul3A_1731, %max3A_1725 : vector<16xf32>
      %gt3A_1733 = arith.cmpf ogt, %mul3A_1720, %mul3A_1732 : vector<16xf32>
      %or3A_1734 = arith.ori %gt3A_1729, %gt3A_1733 : vector<16xi1>
      %gt3A_1735 = arith.constant 5.000000e-02 : f32
      %gt3A_1736 = vector.broadcast %gt3A_1735 : f32 to vector<16xf32>
      %gt3A_1737 = arith.cmpf ogt, %get3A_1695, %gt3A_1736 : vector<16xf32>
      %and3A_1738 = arith.andi %or3A_1734, %gt3A_1737 : vector<16xi1>
      %sub3A_1739 = arith.constant 2.000000e+00 : f32
      %sub3A_1740 = vector.broadcast %sub3A_1739 : f32 to vector<16xf32>
      %sub3A_1741 = arith.subf %get3A_1695, %sub3A_1740 : vector<16xf32>
      %select_n3A_1742 = arith.select %and3A_1738, %sub3A_1741, %get3A_1695 : vector<16xi1>, vector<16xf32>
      %broadcast_in_dim3A_1743 = vector.broadcast %squeeze3A_1152 : f32 to vector<16xf32>
      %eq3A_1744 = arith.cmpf oeq, %get3A_1697, %broadcast_in_dim3A_1743 : vector<16xf32>
      %eq3A_1745 = arith.cmpf oeq, %get3A_1697, %select_n3A_1284 : vector<16xf32>
      %or3A_1746 = arith.ori %eq3A_1744, %eq3A_1745 : vector<16xi1>
      %select_n3A_1747 = arith.select %or3A_1746, %broadcast_in_dim3A_5, %select_n3A_1742 : vector<16xi1>, vector<16xf32>
      %swap3A_1748 = arith.constant 80 : index
      %swap3A_1749 = tpu.vector_load %arg18[%swap3A_1748] {strides = array<i32>} : memref<320xf32, #tpu.memory_space<vmem>>, vector<16xf32>,
      tpu.vector_store %arg18[%swap3A_1748], %select_n3A_1747 {strides = array<i32>} : memref<320xf32, #tpu.memory_space<vmem>>, vector<16xf32>,
      %gt3A_1750 = arith.cmpf ogt, %select_n3A_1747, %select_n3A_1682 : vector<16xf32>
      %gt3A_1751 = arith.cmpf ogt, %select_n3A_1747, %select_n3A_1679 : vector<16xf32>
      %select_n3A_1752 = arith.select %gt3A_1751, %select_n3A_1747, %select_n3A_1679 : vector<16xi1>, vector<16xf32>
      %select_n3A_1753 = arith.select %gt3A_1750, %select_n3A_1682, %select_n3A_1752 : vector<16xi1>, vector<16xf32>
      %select_n3A_1754 = arith.select %gt3A_1751, %get3A_1697, %select_n3A_1681 : vector<16xi1>, vector<16xf32>
      %select_n3A_1755 = arith.select %gt3A_1750, %select_n3A_1683, %select_n3A_1754 : vector<16xi1>, vector<16xf32>
      %select_n3A_1756 = arith.select %gt3A_1750, %select_n3A_1747, %select_n3A_1682 : vector<16xi1>, vector<16xf32>
      %select_n3A_1757 = arith.select %gt3A_1750, %get3A_1697, %select_n3A_1683 : vector<16xi1>, vector<16xf32>
      %get3A_1758 = arith.constant 96 : index
      %get3A_1759 = tpu.vector_load %arg13[%get3A_1758] {strides = array<i32>} : memref<320xf32, #tpu.memory_space<vmem>>, vector<16xf32>,
      %get3A_1760 = arith.constant 96 : index
      %get3A_1761 = tpu.vector_load %arg14[%get3A_1760] {strides = array<i32>} : memref<320xf32, #tpu.memory_space<vmem>>, vector<16xf32>,
      %get3A_1762 = arith.constant 96 : index
      %get3A_1763 = tpu.vector_load %arg15[%get3A_1762] {strides = array<i32>} : memref<320xf32, #tpu.memory_space<vmem>>, vector<16xf32>,
      %get3A_1764 = arith.constant 96 : index
      %get3A_1765 = tpu.vector_load %arg16[%get3A_1764] {strides = array<i32>} : memref<320xf32, #tpu.memory_space<vmem>>, vector<16xf32>,
      %get3A_1766 = arith.constant 96 : index
      %get3A_1767 = tpu.vector_load %arg17[%get3A_1766] {strides = array<i32>} : memref<320xf32, #tpu.memory_space<vmem>>, vector<16xf32>,
      %get3A_1768 = arith.constant 96 : index
      %get3A_1769 = tpu.vector_load %arg18[%get3A_1768] {strides = array<i32>} : memref<320xf32, #tpu.memory_space<vmem>>, vector<16xf32>,
      %get3A_1770 = arith.constant 96 : index
      %get3A_1771 = tpu.vector_load %arg19[%get3A_1770] {strides = array<i32>} : memref<320xf32, #tpu.memory_space<vmem>>, vector<16xf32>,
      %min3A_1772 = arith.minimumf %get3A_1763, %gather3A_1157 : vector<16xf32>
      %max3A_1773 = arith.maximumf %get3A_1759, %gather3A_1155 : vector<16xf32>
      %sub3A_1774 = arith.subf %min3A_1772, %max3A_1773 : vector<16xf32>
      %max3A_1775 = arith.maximumf %sub3A_1774, %broadcast_in_dim3A_3 : vector<16xf32>
      %min3A_1776 = arith.minimumf %get3A_1765, %gather3A_1158 : vector<16xf32>
      %max3A_1777 = arith.maximumf %get3A_1761, %gather3A_1156 : vector<16xf32>
      %sub3A_1778 = arith.subf %min3A_1776, %max3A_1777 : vector<16xf32>
      %max3A_1779 = arith.maximumf %sub3A_1778, %broadcast_in_dim3A_3 : vector<16xf32>
      %mul3A_1780 = arith.mulf %max3A_1775, %max3A_1779 : vector<16xf32>
      %add3A_1781 = arith.addf %get3A_1767, %mul3A_1161 : vector<16xf32>
      %sub3A_1782 = arith.subf %add3A_1781, %mul3A_1780 : vector<16xf32>
      %max3A_1783 = arith.constant 9.99999971E-10 : f32
      %max3A_1784 = vector.broadcast %max3A_1783 : f32 to vector<16xf32>
      %max3A_1785 = arith.maximumf %sub3A_1782, %max3A_1784 : vector<16xf32>
      %min3A_1786 = arith.minimumf %get3A_1763, %select_n3A_1276 : vector<16xf32>
      %max3A_1787 = arith.maximumf %get3A_1759, %select_n3A_1274 : vector<16xf32>
      %sub3A_1788 = arith.subf %min3A_1786, %max3A_1787 : vector<16xf32>
      %max3A_1789 = arith.maximumf %sub3A_1788, %broadcast_in_dim3A_3 : vector<16xf32>
      %min3A_1790 = arith.minimumf %get3A_1765, %select_n3A_1277 : vector<16xf32>
      %max3A_1791 = arith.maximumf %get3A_1761, %select_n3A_1275 : vector<16xf32>
      %sub3A_1792 = arith.subf %min3A_1790, %max3A_1791 : vector<16xf32>
      %max3A_1793 = arith.maximumf %sub3A_1792, %broadcast_in_dim3A_3 : vector<16xf32>
      %mul3A_1794 = arith.mulf %max3A_1789, %max3A_1793 : vector<16xf32>
      %add3A_1795 = arith.addf %get3A_1767, %mul3A_1280 : vector<16xf32>
      %sub3A_1796 = arith.subf %add3A_1795, %mul3A_1794 : vector<16xf32>
      %max3A_1797 = arith.constant 9.99999971E-10 : f32
      %max3A_1798 = vector.broadcast %max3A_1797 : f32 to vector<16xf32>
      %max3A_1799 = arith.maximumf %sub3A_1796, %max3A_1798 : vector<16xf32>
      %mul3A_1800 = arith.constant 0.699999988 : f32
      %mul3A_1801 = vector.broadcast %mul3A_1800 : f32 to vector<16xf32>
      %mul3A_1802 = arith.mulf %mul3A_1801, %max3A_1785 : vector<16xf32>
      %gt3A_1803 = arith.cmpf ogt, %mul3A_1780, %mul3A_1802 : vector<16xf32>
      %mul3A_1804 = arith.constant 0.699999988 : f32
      %mul3A_1805 = vector.broadcast %mul3A_1804 : f32 to vector<16xf32>
      %mul3A_1806 = arith.mulf %mul3A_1805, %max3A_1799 : vector<16xf32>
      %gt3A_1807 = arith.cmpf ogt, %mul3A_1794, %mul3A_1806 : vector<16xf32>
      %or3A_1808 = arith.ori %gt3A_1803, %gt3A_1807 : vector<16xi1>
      %gt3A_1809 = arith.constant 5.000000e-02 : f32
      %gt3A_1810 = vector.broadcast %gt3A_1809 : f32 to vector<16xf32>
      %gt3A_1811 = arith.cmpf ogt, %get3A_1769, %gt3A_1810 : vector<16xf32>
      %and3A_1812 = arith.andi %or3A_1808, %gt3A_1811 : vector<16xi1>
      %sub3A_1813 = arith.constant 2.000000e+00 : f32
      %sub3A_1814 = vector.broadcast %sub3A_1813 : f32 to vector<16xf32>
      %sub3A_1815 = arith.subf %get3A_1769, %sub3A_1814 : vector<16xf32>
      %select_n3A_1816 = arith.select %and3A_1812, %sub3A_1815, %get3A_1769 : vector<16xi1>, vector<16xf32>
      %broadcast_in_dim3A_1817 = vector.broadcast %squeeze3A_1152 : f32 to vector<16xf32>
      %eq3A_1818 = arith.cmpf oeq, %get3A_1771, %broadcast_in_dim3A_1817 : vector<16xf32>
      %eq3A_1819 = arith.cmpf oeq, %get3A_1771, %select_n3A_1284 : vector<16xf32>
      %or3A_1820 = arith.ori %eq3A_1818, %eq3A_1819 : vector<16xi1>
      %select_n3A_1821 = arith.select %or3A_1820, %broadcast_in_dim3A_5, %select_n3A_1816 : vector<16xi1>, vector<16xf32>
      %swap3A_1822 = arith.constant 96 : index
      %swap3A_1823 = tpu.vector_load %arg18[%swap3A_1822] {strides = array<i32>} : memref<320xf32, #tpu.memory_space<vmem>>, vector<16xf32>,
      tpu.vector_store %arg18[%swap3A_1822], %select_n3A_1821 {strides = array<i32>} : memref<320xf32, #tpu.memory_space<vmem>>, vector<16xf32>,
      %gt3A_1824 = arith.cmpf ogt, %select_n3A_1821, %select_n3A_1756 : vector<16xf32>
      %gt3A_1825 = arith.cmpf ogt, %select_n3A_1821, %select_n3A_1753 : vector<16xf32>
      %select_n3A_1826 = arith.select %gt3A_1825, %select_n3A_1821, %select_n3A_1753 : vector<16xi1>, vector<16xf32>
      %select_n3A_1827 = arith.select %gt3A_1824, %select_n3A_1756, %select_n3A_1826 : vector<16xi1>, vector<16xf32>
      %select_n3A_1828 = arith.select %gt3A_1825, %get3A_1771, %select_n3A_1755 : vector<16xi1>, vector<16xf32>
      %select_n3A_1829 = arith.select %gt3A_1824, %select_n3A_1757, %select_n3A_1828 : vector<16xi1>, vector<16xf32>
      %select_n3A_1830 = arith.select %gt3A_1824, %select_n3A_1821, %select_n3A_1756 : vector<16xi1>, vector<16xf32>
      %select_n3A_1831 = arith.select %gt3A_1824, %get3A_1771, %select_n3A_1757 : vector<16xi1>, vector<16xf32>
      %get3A_1832 = arith.constant 112 : index
      %get3A_1833 = tpu.vector_load %arg13[%get3A_1832] {strides = array<i32>} : memref<320xf32, #tpu.memory_space<vmem>>, vector<16xf32>,
      %get3A_1834 = arith.constant 112 : index
      %get3A_1835 = tpu.vector_load %arg14[%get3A_1834] {strides = array<i32>} : memref<320xf32, #tpu.memory_space<vmem>>, vector<16xf32>,
      %get3A_1836 = arith.constant 112 : index
      %get3A_1837 = tpu.vector_load %arg15[%get3A_1836] {strides = array<i32>} : memref<320xf32, #tpu.memory_space<vmem>>, vector<16xf32>,
      %get3A_1838 = arith.constant 112 : index
      %get3A_1839 = tpu.vector_load %arg16[%get3A_1838] {strides = array<i32>} : memref<320xf32, #tpu.memory_space<vmem>>, vector<16xf32>,
      %get3A_1840 = arith.constant 112 : index
      %get3A_1841 = tpu.vector_load %arg17[%get3A_1840] {strides = array<i32>} : memref<320xf32, #tpu.memory_space<vmem>>, vector<16xf32>,
      %get3A_1842 = arith.constant 112 : index
      %get3A_1843 = tpu.vector_load %arg18[%get3A_1842] {strides = array<i32>} : memref<320xf32, #tpu.memory_space<vmem>>, vector<16xf32>,
      %get3A_1844 = arith.constant 112 : index
      %get3A_1845 = tpu.vector_load %arg19[%get3A_1844] {strides = array<i32>} : memref<320xf32, #tpu.memory_space<vmem>>, vector<16xf32>,
      %min3A_1846 = arith.minimumf %get3A_1837, %gather3A_1157 : vector<16xf32>
      %max3A_1847 = arith.maximumf %get3A_1833, %gather3A_1155 : vector<16xf32>
      %sub3A_1848 = arith.subf %min3A_1846, %max3A_1847 : vector<16xf32>
      %max3A_1849 = arith.maximumf %sub3A_1848, %broadcast_in_dim3A_3 : vector<16xf32>
      %min3A_1850 = arith.minimumf %get3A_1839, %gather3A_1158 : vector<16xf32>
      %max3A_1851 = arith.maximumf %get3A_1835, %gather3A_1156 : vector<16xf32>
      %sub3A_1852 = arith.subf %min3A_1850, %max3A_1851 : vector<16xf32>
      %max3A_1853 = arith.maximumf %sub3A_1852, %broadcast_in_dim3A_3 : vector<16xf32>
      %mul3A_1854 = arith.mulf %max3A_1849, %max3A_1853 : vector<16xf32>
      %add3A_1855 = arith.addf %get3A_1841, %mul3A_1161 : vector<16xf32>
      %sub3A_1856 = arith.subf %add3A_1855, %mul3A_1854 : vector<16xf32>
      %max3A_1857 = arith.constant 9.99999971E-10 : f32
      %max3A_1858 = vector.broadcast %max3A_1857 : f32 to vector<16xf32>
      %max3A_1859 = arith.maximumf %sub3A_1856, %max3A_1858 : vector<16xf32>
      %min3A_1860 = arith.minimumf %get3A_1837, %select_n3A_1276 : vector<16xf32>
      %max3A_1861 = arith.maximumf %get3A_1833, %select_n3A_1274 : vector<16xf32>
      %sub3A_1862 = arith.subf %min3A_1860, %max3A_1861 : vector<16xf32>
      %max3A_1863 = arith.maximumf %sub3A_1862, %broadcast_in_dim3A_3 : vector<16xf32>
      %min3A_1864 = arith.minimumf %get3A_1839, %select_n3A_1277 : vector<16xf32>
      %max3A_1865 = arith.maximumf %get3A_1835, %select_n3A_1275 : vector<16xf32>
      %sub3A_1866 = arith.subf %min3A_1864, %max3A_1865 : vector<16xf32>
      %max3A_1867 = arith.maximumf %sub3A_1866, %broadcast_in_dim3A_3 : vector<16xf32>
      %mul3A_1868 = arith.mulf %max3A_1863, %max3A_1867 : vector<16xf32>
      %add3A_1869 = arith.addf %get3A_1841, %mul3A_1280 : vector<16xf32>
      %sub3A_1870 = arith.subf %add3A_1869, %mul3A_1868 : vector<16xf32>
      %max3A_1871 = arith.constant 9.99999971E-10 : f32
      %max3A_1872 = vector.broadcast %max3A_1871 : f32 to vector<16xf32>
      %max3A_1873 = arith.maximumf %sub3A_1870, %max3A_1872 : vector<16xf32>
      %mul3A_1874 = arith.constant 0.699999988 : f32
      %mul3A_1875 = vector.broadcast %mul3A_1874 : f32 to vector<16xf32>
      %mul3A_1876 = arith.mulf %mul3A_1875, %max3A_1859 : vector<16xf32>
      %gt3A_1877 = arith.cmpf ogt, %mul3A_1854, %mul3A_1876 : vector<16xf32>
      %mul3A_1878 = arith.constant 0.699999988 : f32
      %mul3A_1879 = vector.broadcast %mul3A_1878 : f32 to vector<16xf32>
      %mul3A_1880 = arith.mulf %mul3A_1879, %max3A_1873 : vector<16xf32>
      %gt3A_1881 = arith.cmpf ogt, %mul3A_1868, %mul3A_1880 : vector<16xf32>
      %or3A_1882 = arith.ori %gt3A_1877, %gt3A_1881 : vector<16xi1>
      %gt3A_1883 = arith.constant 5.000000e-02 : f32
      %gt3A_1884 = vector.broadcast %gt3A_1883 : f32 to vector<16xf32>
      %gt3A_1885 = arith.cmpf ogt, %get3A_1843, %gt3A_1884 : vector<16xf32>
      %and3A_1886 = arith.andi %or3A_1882, %gt3A_1885 : vector<16xi1>
      %sub3A_1887 = arith.constant 2.000000e+00 : f32
      %sub3A_1888 = vector.broadcast %sub3A_1887 : f32 to vector<16xf32>
      %sub3A_1889 = arith.subf %get3A_1843, %sub3A_1888 : vector<16xf32>
      %select_n3A_1890 = arith.select %and3A_1886, %sub3A_1889, %get3A_1843 : vector<16xi1>, vector<16xf32>
      %broadcast_in_dim3A_1891 = vector.broadcast %squeeze3A_1152 : f32 to vector<16xf32>
      %eq3A_1892 = arith.cmpf oeq, %get3A_1845, %broadcast_in_dim3A_1891 : vector<16xf32>
      %eq3A_1893 = arith.cmpf oeq, %get3A_1845, %select_n3A_1284 : vector<16xf32>
      %or3A_1894 = arith.ori %eq3A_1892, %eq3A_1893 : vector<16xi1>
      %select_n3A_1895 = arith.select %or3A_1894, %broadcast_in_dim3A_5, %select_n3A_1890 : vector<16xi1>, vector<16xf32>
      %swap3A_1896 = arith.constant 112 : index
      %swap3A_1897 = tpu.vector_load %arg18[%swap3A_1896] {strides = array<i32>} : memref<320xf32, #tpu.memory_space<vmem>>, vector<16xf32>,
      tpu.vector_store %arg18[%swap3A_1896], %select_n3A_1895 {strides = array<i32>} : memref<320xf32, #tpu.memory_space<vmem>>, vector<16xf32>,
      %gt3A_1898 = arith.cmpf ogt, %select_n3A_1895, %select_n3A_1830 : vector<16xf32>
      %gt3A_1899 = arith.cmpf ogt, %select_n3A_1895, %select_n3A_1827 : vector<16xf32>
      %select_n3A_1900 = arith.select %gt3A_1899, %select_n3A_1895, %select_n3A_1827 : vector<16xi1>, vector<16xf32>
      %select_n3A_1901 = arith.select %gt3A_1898, %select_n3A_1830, %select_n3A_1900 : vector<16xi1>, vector<16xf32>
      %select_n3A_1902 = arith.select %gt3A_1899, %get3A_1845, %select_n3A_1829 : vector<16xi1>, vector<16xf32>
      %select_n3A_1903 = arith.select %gt3A_1898, %select_n3A_1831, %select_n3A_1902 : vector<16xi1>, vector<16xf32>
      %select_n3A_1904 = arith.select %gt3A_1898, %select_n3A_1895, %select_n3A_1830 : vector<16xi1>, vector<16xf32>
      %select_n3A_1905 = arith.select %gt3A_1898, %get3A_1845, %select_n3A_1831 : vector<16xi1>, vector<16xf32>
      %get3A_1906 = arith.constant 128 : index
      %get3A_1907 = tpu.vector_load %arg13[%get3A_1906] {strides = array<i32>} : memref<320xf32, #tpu.memory_space<vmem>>, vector<16xf32>,
      %get3A_1908 = arith.constant 128 : index
      %get3A_1909 = tpu.vector_load %arg14[%get3A_1908] {strides = array<i32>} : memref<320xf32, #tpu.memory_space<vmem>>, vector<16xf32>,
      %get3A_1910 = arith.constant 128 : index
      %get3A_1911 = tpu.vector_load %arg15[%get3A_1910] {strides = array<i32>} : memref<320xf32, #tpu.memory_space<vmem>>, vector<16xf32>,
      %get3A_1912 = arith.constant 128 : index
      %get3A_1913 = tpu.vector_load %arg16[%get3A_1912] {strides = array<i32>} : memref<320xf32, #tpu.memory_space<vmem>>, vector<16xf32>,
      %get3A_1914 = arith.constant 128 : index
      %get3A_1915 = tpu.vector_load %arg17[%get3A_1914] {strides = array<i32>} : memref<320xf32, #tpu.memory_space<vmem>>, vector<16xf32>,
      %get3A_1916 = arith.constant 128 : index
      %get3A_1917 = tpu.vector_load %arg18[%get3A_1916] {strides = array<i32>} : memref<320xf32, #tpu.memory_space<vmem>>, vector<16xf32>,
      %get3A_1918 = arith.constant 128 : index
      %get3A_1919 = tpu.vector_load %arg19[%get3A_1918] {strides = array<i32>} : memref<320xf32, #tpu.memory_space<vmem>>, vector<16xf32>,
      %min3A_1920 = arith.minimumf %get3A_1911, %gather3A_1157 : vector<16xf32>
      %max3A_1921 = arith.maximumf %get3A_1907, %gather3A_1155 : vector<16xf32>
      %sub3A_1922 = arith.subf %min3A_1920, %max3A_1921 : vector<16xf32>
      %max3A_1923 = arith.maximumf %sub3A_1922, %broadcast_in_dim3A_3 : vector<16xf32>
      %min3A_1924 = arith.minimumf %get3A_1913, %gather3A_1158 : vector<16xf32>
      %max3A_1925 = arith.maximumf %get3A_1909, %gather3A_1156 : vector<16xf32>
      %sub3A_1926 = arith.subf %min3A_1924, %max3A_1925 : vector<16xf32>
      %max3A_1927 = arith.maximumf %sub3A_1926, %broadcast_in_dim3A_3 : vector<16xf32>
      %mul3A_1928 = arith.mulf %max3A_1923, %max3A_1927 : vector<16xf32>
      %add3A_1929 = arith.addf %get3A_1915, %mul3A_1161 : vector<16xf32>
      %sub3A_1930 = arith.subf %add3A_1929, %mul3A_1928 : vector<16xf32>
      %max3A_1931 = arith.constant 9.99999971E-10 : f32
      %max3A_1932 = vector.broadcast %max3A_1931 : f32 to vector<16xf32>
      %max3A_1933 = arith.maximumf %sub3A_1930, %max3A_1932 : vector<16xf32>
      %min3A_1934 = arith.minimumf %get3A_1911, %select_n3A_1276 : vector<16xf32>
      %max3A_1935 = arith.maximumf %get3A_1907, %select_n3A_1274 : vector<16xf32>
      %sub3A_1936 = arith.subf %min3A_1934, %max3A_1935 : vector<16xf32>
      %max3A_1937 = arith.maximumf %sub3A_1936, %broadcast_in_dim3A_3 : vector<16xf32>
      %min3A_1938 = arith.minimumf %get3A_1913, %select_n3A_1277 : vector<16xf32>
      %max3A_1939 = arith.maximumf %get3A_1909, %select_n3A_1275 : vector<16xf32>
      %sub3A_1940 = arith.subf %min3A_1938, %max3A_1939 : vector<16xf32>
      %max3A_1941 = arith.maximumf %sub3A_1940, %broadcast_in_dim3A_3 : vector<16xf32>
      %mul3A_1942 = arith.mulf %max3A_1937, %max3A_1941 : vector<16xf32>
      %add3A_1943 = arith.addf %get3A_1915, %mul3A_1280 : vector<16xf32>
      %sub3A_1944 = arith.subf %add3A_1943, %mul3A_1942 : vector<16xf32>
      %max3A_1945 = arith.constant 9.99999971E-10 : f32
      %max3A_1946 = vector.broadcast %max3A_1945 : f32 to vector<16xf32>
      %max3A_1947 = arith.maximumf %sub3A_1944, %max3A_1946 : vector<16xf32>
      %mul3A_1948 = arith.constant 0.699999988 : f32
      %mul3A_1949 = vector.broadcast %mul3A_1948 : f32 to vector<16xf32>
      %mul3A_1950 = arith.mulf %mul3A_1949, %max3A_1933 : vector<16xf32>
      %gt3A_1951 = arith.cmpf ogt, %mul3A_1928, %mul3A_1950 : vector<16xf32>
      %mul3A_1952 = arith.constant 0.699999988 : f32
      %mul3A_1953 = vector.broadcast %mul3A_1952 : f32 to vector<16xf32>
      %mul3A_1954 = arith.mulf %mul3A_1953, %max3A_1947 : vector<16xf32>
      %gt3A_1955 = arith.cmpf ogt, %mul3A_1942, %mul3A_1954 : vector<16xf32>
      %or3A_1956 = arith.ori %gt3A_1951, %gt3A_1955 : vector<16xi1>
      %gt3A_1957 = arith.constant 5.000000e-02 : f32
      %gt3A_1958 = vector.broadcast %gt3A_1957 : f32 to vector<16xf32>
      %gt3A_1959 = arith.cmpf ogt, %get3A_1917, %gt3A_1958 : vector<16xf32>
      %and3A_1960 = arith.andi %or3A_1956, %gt3A_1959 : vector<16xi1>
      %sub3A_1961 = arith.constant 2.000000e+00 : f32
      %sub3A_1962 = vector.broadcast %sub3A_1961 : f32 to vector<16xf32>
      %sub3A_1963 = arith.subf %get3A_1917, %sub3A_1962 : vector<16xf32>
      %select_n3A_1964 = arith.select %and3A_1960, %sub3A_1963, %get3A_1917 : vector<16xi1>, vector<16xf32>
      %broadcast_in_dim3A_1965 = vector.broadcast %squeeze3A_1152 : f32 to vector<16xf32>
      %eq3A_1966 = arith.cmpf oeq, %get3A_1919, %broadcast_in_dim3A_1965 : vector<16xf32>
      %eq3A_1967 = arith.cmpf oeq, %get3A_1919, %select_n3A_1284 : vector<16xf32>
      %or3A_1968 = arith.ori %eq3A_1966, %eq3A_1967 : vector<16xi1>
      %select_n3A_1969 = arith.select %or3A_1968, %broadcast_in_dim3A_5, %select_n3A_1964 : vector<16xi1>, vector<16xf32>
      %swap3A_1970 = arith.constant 128 : index
      %swap3A_1971 = tpu.vector_load %arg18[%swap3A_1970] {strides = array<i32>} : memref<320xf32, #tpu.memory_space<vmem>>, vector<16xf32>,
      tpu.vector_store %arg18[%swap3A_1970], %select_n3A_1969 {strides = array<i32>} : memref<320xf32, #tpu.memory_space<vmem>>, vector<16xf32>,
      %gt3A_1972 = arith.cmpf ogt, %select_n3A_1969, %select_n3A_1904 : vector<16xf32>
      %gt3A_1973 = arith.cmpf ogt, %select_n3A_1969, %select_n3A_1901 : vector<16xf32>
      %select_n3A_1974 = arith.select %gt3A_1973, %select_n3A_1969, %select_n3A_1901 : vector<16xi1>, vector<16xf32>
      %select_n3A_1975 = arith.select %gt3A_1972, %select_n3A_1904, %select_n3A_1974 : vector<16xi1>, vector<16xf32>
      %select_n3A_1976 = arith.select %gt3A_1973, %get3A_1919, %select_n3A_1903 : vector<16xi1>, vector<16xf32>
      %select_n3A_1977 = arith.select %gt3A_1972, %select_n3A_1905, %select_n3A_1976 : vector<16xi1>, vector<16xf32>
      %select_n3A_1978 = arith.select %gt3A_1972, %select_n3A_1969, %select_n3A_1904 : vector<16xi1>, vector<16xf32>
      %select_n3A_1979 = arith.select %gt3A_1972, %get3A_1919, %select_n3A_1905 : vector<16xi1>, vector<16xf32>
      %get3A_1980 = arith.constant 144 : index
      %get3A_1981 = tpu.vector_load %arg13[%get3A_1980] {strides = array<i32>} : memref<320xf32, #tpu.memory_space<vmem>>, vector<16xf32>,
      %get3A_1982 = arith.constant 144 : index
      %get3A_1983 = tpu.vector_load %arg14[%get3A_1982] {strides = array<i32>} : memref<320xf32, #tpu.memory_space<vmem>>, vector<16xf32>,
      %get3A_1984 = arith.constant 144 : index
      %get3A_1985 = tpu.vector_load %arg15[%get3A_1984] {strides = array<i32>} : memref<320xf32, #tpu.memory_space<vmem>>, vector<16xf32>,
      %get3A_1986 = arith.constant 144 : index
      %get3A_1987 = tpu.vector_load %arg16[%get3A_1986] {strides = array<i32>} : memref<320xf32, #tpu.memory_space<vmem>>, vector<16xf32>,
      %get3A_1988 = arith.constant 144 : index
      %get3A_1989 = tpu.vector_load %arg17[%get3A_1988] {strides = array<i32>} : memref<320xf32, #tpu.memory_space<vmem>>, vector<16xf32>,
      %get3A_1990 = arith.constant 144 : index
      %get3A_1991 = tpu.vector_load %arg18[%get3A_1990] {strides = array<i32>} : memref<320xf32, #tpu.memory_space<vmem>>, vector<16xf32>,
      %get3A_1992 = arith.constant 144 : index
      %get3A_1993 = tpu.vector_load %arg19[%get3A_1992] {strides = array<i32>} : memref<320xf32, #tpu.memory_space<vmem>>, vector<16xf32>,
      %min3A_1994 = arith.minimumf %get3A_1985, %gather3A_1157 : vector<16xf32>
      %max3A_1995 = arith.maximumf %get3A_1981, %gather3A_1155 : vector<16xf32>
      %sub3A_1996 = arith.subf %min3A_1994, %max3A_1995 : vector<16xf32>
      %max3A_1997 = arith.maximumf %sub3A_1996, %broadcast_in_dim3A_3 : vector<16xf32>
      %min3A_1998 = arith.minimumf %get3A_1987, %gather3A_1158 : vector<16xf32>
      %max3A_1999 = arith.maximumf %get3A_1983, %gather3A_1156 : vector<16xf32>
      %sub3A_2000 = arith.subf %min3A_1998, %max3A_1999 : vector<16xf32>
      %max3A_2001 = arith.maximumf %sub3A_2000, %broadcast_in_dim3A_3 : vector<16xf32>
      %mul3A_2002 = arith.mulf %max3A_1997, %max3A_2001 : vector<16xf32>
      %add3A_2003 = arith.addf %get3A_1989, %mul3A_1161 : vector<16xf32>
      %sub3A_2004 = arith.subf %add3A_2003, %mul3A_2002 : vector<16xf32>
      %max3A_2005 = arith.constant 9.99999971E-10 : f32
      %max3A_2006 = vector.broadcast %max3A_2005 : f32 to vector<16xf32>
      %max3A_2007 = arith.maximumf %sub3A_2004, %max3A_2006 : vector<16xf32>
      %min3A_2008 = arith.minimumf %get3A_1985, %select_n3A_1276 : vector<16xf32>
      %max3A_2009 = arith.maximumf %get3A_1981, %select_n3A_1274 : vector<16xf32>
      %sub3A_2010 = arith.subf %min3A_2008, %max3A_2009 : vector<16xf32>
      %max3A_2011 = arith.maximumf %sub3A_2010, %broadcast_in_dim3A_3 : vector<16xf32>
      %min3A_2012 = arith.minimumf %get3A_1987, %select_n3A_1277 : vector<16xf32>
      %max3A_2013 = arith.maximumf %get3A_1983, %select_n3A_1275 : vector<16xf32>
      %sub3A_2014 = arith.subf %min3A_2012, %max3A_2013 : vector<16xf32>
      %max3A_2015 = arith.maximumf %sub3A_2014, %broadcast_in_dim3A_3 : vector<16xf32>
      %mul3A_2016 = arith.mulf %max3A_2011, %max3A_2015 : vector<16xf32>
      %add3A_2017 = arith.addf %get3A_1989, %mul3A_1280 : vector<16xf32>
      %sub3A_2018 = arith.subf %add3A_2017, %mul3A_2016 : vector<16xf32>
      %max3A_2019 = arith.constant 9.99999971E-10 : f32
      %max3A_2020 = vector.broadcast %max3A_2019 : f32 to vector<16xf32>
      %max3A_2021 = arith.maximumf %sub3A_2018, %max3A_2020 : vector<16xf32>
      %mul3A_2022 = arith.constant 0.699999988 : f32
      %mul3A_2023 = vector.broadcast %mul3A_2022 : f32 to vector<16xf32>
      %mul3A_2024 = arith.mulf %mul3A_2023, %max3A_2007 : vector<16xf32>
      %gt3A_2025 = arith.cmpf ogt, %mul3A_2002, %mul3A_2024 : vector<16xf32>
      %mul3A_2026 = arith.constant 0.699999988 : f32
      %mul3A_2027 = vector.broadcast %mul3A_2026 : f32 to vector<16xf32>
      %mul3A_2028 = arith.mulf %mul3A_2027, %max3A_2021 : vector<16xf32>
      %gt3A_2029 = arith.cmpf ogt, %mul3A_2016, %mul3A_2028 : vector<16xf32>
      %or3A_2030 = arith.ori %gt3A_2025, %gt3A_2029 : vector<16xi1>
      %gt3A_2031 = arith.constant 5.000000e-02 : f32
      %gt3A_2032 = vector.broadcast %gt3A_2031 : f32 to vector<16xf32>
      %gt3A_2033 = arith.cmpf ogt, %get3A_1991, %gt3A_2032 : vector<16xf32>
      %and3A_2034 = arith.andi %or3A_2030, %gt3A_2033 : vector<16xi1>
      %sub3A_2035 = arith.constant 2.000000e+00 : f32
      %sub3A_2036 = vector.broadcast %sub3A_2035 : f32 to vector<16xf32>
      %sub3A_2037 = arith.subf %get3A_1991, %sub3A_2036 : vector<16xf32>
      %select_n3A_2038 = arith.select %and3A_2034, %sub3A_2037, %get3A_1991 : vector<16xi1>, vector<16xf32>
      %broadcast_in_dim3A_2039 = vector.broadcast %squeeze3A_1152 : f32 to vector<16xf32>
      %eq3A_2040 = arith.cmpf oeq, %get3A_1993, %broadcast_in_dim3A_2039 : vector<16xf32>
      %eq3A_2041 = arith.cmpf oeq, %get3A_1993, %select_n3A_1284 : vector<16xf32>
      %or3A_2042 = arith.ori %eq3A_2040, %eq3A_2041 : vector<16xi1>
      %select_n3A_2043 = arith.select %or3A_2042, %broadcast_in_dim3A_5, %select_n3A_2038 : vector<16xi1>, vector<16xf32>
      %swap3A_2044 = arith.constant 144 : index
      %swap3A_2045 = tpu.vector_load %arg18[%swap3A_2044] {strides = array<i32>} : memref<320xf32, #tpu.memory_space<vmem>>, vector<16xf32>,
      tpu.vector_store %arg18[%swap3A_2044], %select_n3A_2043 {strides = array<i32>} : memref<320xf32, #tpu.memory_space<vmem>>, vector<16xf32>,
      %gt3A_2046 = arith.cmpf ogt, %select_n3A_2043, %select_n3A_1978 : vector<16xf32>
      %gt3A_2047 = arith.cmpf ogt, %select_n3A_2043, %select_n3A_1975 : vector<16xf32>
      %select_n3A_2048 = arith.select %gt3A_2047, %select_n3A_2043, %select_n3A_1975 : vector<16xi1>, vector<16xf32>
      %select_n3A_2049 = arith.select %gt3A_2046, %select_n3A_1978, %select_n3A_2048 : vector<16xi1>, vector<16xf32>
      %select_n3A_2050 = arith.select %gt3A_2047, %get3A_1993, %select_n3A_1977 : vector<16xi1>, vector<16xf32>
      %select_n3A_2051 = arith.select %gt3A_2046, %select_n3A_1979, %select_n3A_2050 : vector<16xi1>, vector<16xf32>
      %select_n3A_2052 = arith.select %gt3A_2046, %select_n3A_2043, %select_n3A_1978 : vector<16xi1>, vector<16xf32>
      %select_n3A_2053 = arith.select %gt3A_2046, %get3A_1993, %select_n3A_1979 : vector<16xi1>, vector<16xf32>
      %get3A_2054 = arith.constant 160 : index
      %get3A_2055 = tpu.vector_load %arg13[%get3A_2054] {strides = array<i32>} : memref<320xf32, #tpu.memory_space<vmem>>, vector<16xf32>,
      %get3A_2056 = arith.constant 160 : index
      %get3A_2057 = tpu.vector_load %arg14[%get3A_2056] {strides = array<i32>} : memref<320xf32, #tpu.memory_space<vmem>>, vector<16xf32>,
      %get3A_2058 = arith.constant 160 : index
      %get3A_2059 = tpu.vector_load %arg15[%get3A_2058] {strides = array<i32>} : memref<320xf32, #tpu.memory_space<vmem>>, vector<16xf32>,
      %get3A_2060 = arith.constant 160 : index
      %get3A_2061 = tpu.vector_load %arg16[%get3A_2060] {strides = array<i32>} : memref<320xf32, #tpu.memory_space<vmem>>, vector<16xf32>,
      %get3A_2062 = arith.constant 160 : index
      %get3A_2063 = tpu.vector_load %arg17[%get3A_2062] {strides = array<i32>} : memref<320xf32, #tpu.memory_space<vmem>>, vector<16xf32>,
      %get3A_2064 = arith.constant 160 : index
      %get3A_2065 = tpu.vector_load %arg18[%get3A_2064] {strides = array<i32>} : memref<320xf32, #tpu.memory_space<vmem>>, vector<16xf32>,
      %get3A_2066 = arith.constant 160 : index
      %get3A_2067 = tpu.vector_load %arg19[%get3A_2066] {strides = array<i32>} : memref<320xf32, #tpu.memory_space<vmem>>, vector<16xf32>,
      %min3A_2068 = arith.minimumf %get3A_2059, %gather3A_1157 : vector<16xf32>
      %max3A_2069 = arith.maximumf %get3A_2055, %gather3A_1155 : vector<16xf32>
      %sub3A_2070 = arith.subf %min3A_2068, %max3A_2069 : vector<16xf32>
      %max3A_2071 = arith.maximumf %sub3A_2070, %broadcast_in_dim3A_3 : vector<16xf32>
      %min3A_2072 = arith.minimumf %get3A_2061, %gather3A_1158 : vector<16xf32>
      %max3A_2073 = arith.maximumf %get3A_2057, %gather3A_1156 : vector<16xf32>
      %sub3A_2074 = arith.subf %min3A_2072, %max3A_2073 : vector<16xf32>
      %max3A_2075 = arith.maximumf %sub3A_2074, %broadcast_in_dim3A_3 : vector<16xf32>
      %mul3A_2076 = arith.mulf %max3A_2071, %max3A_2075 : vector<16xf32>
      %add3A_2077 = arith.addf %get3A_2063, %mul3A_1161 : vector<16xf32>
      %sub3A_2078 = arith.subf %add3A_2077, %mul3A_2076 : vector<16xf32>
      %max3A_2079 = arith.constant 9.99999971E-10 : f32
      %max3A_2080 = vector.broadcast %max3A_2079 : f32 to vector<16xf32>
      %max3A_2081 = arith.maximumf %sub3A_2078, %max3A_2080 : vector<16xf32>
      %min3A_2082 = arith.minimumf %get3A_2059, %select_n3A_1276 : vector<16xf32>
      %max3A_2083 = arith.maximumf %get3A_2055, %select_n3A_1274 : vector<16xf32>
      %sub3A_2084 = arith.subf %min3A_2082, %max3A_2083 : vector<16xf32>
      %max3A_2085 = arith.maximumf %sub3A_2084, %broadcast_in_dim3A_3 : vector<16xf32>
      %min3A_2086 = arith.minimumf %get3A_2061, %select_n3A_1277 : vector<16xf32>
      %max3A_2087 = arith.maximumf %get3A_2057, %select_n3A_1275 : vector<16xf32>
      %sub3A_2088 = arith.subf %min3A_2086, %max3A_2087 : vector<16xf32>
      %max3A_2089 = arith.maximumf %sub3A_2088, %broadcast_in_dim3A_3 : vector<16xf32>
      %mul3A_2090 = arith.mulf %max3A_2085, %max3A_2089 : vector<16xf32>
      %add3A_2091 = arith.addf %get3A_2063, %mul3A_1280 : vector<16xf32>
      %sub3A_2092 = arith.subf %add3A_2091, %mul3A_2090 : vector<16xf32>
      %max3A_2093 = arith.constant 9.99999971E-10 : f32
      %max3A_2094 = vector.broadcast %max3A_2093 : f32 to vector<16xf32>
      %max3A_2095 = arith.maximumf %sub3A_2092, %max3A_2094 : vector<16xf32>
      %mul3A_2096 = arith.constant 0.699999988 : f32
      %mul3A_2097 = vector.broadcast %mul3A_2096 : f32 to vector<16xf32>
      %mul3A_2098 = arith.mulf %mul3A_2097, %max3A_2081 : vector<16xf32>
      %gt3A_2099 = arith.cmpf ogt, %mul3A_2076, %mul3A_2098 : vector<16xf32>
      %mul3A_2100 = arith.constant 0.699999988 : f32
      %mul3A_2101 = vector.broadcast %mul3A_2100 : f32 to vector<16xf32>
      %mul3A_2102 = arith.mulf %mul3A_2101, %max3A_2095 : vector<16xf32>
      %gt3A_2103 = arith.cmpf ogt, %mul3A_2090, %mul3A_2102 : vector<16xf32>
      %or3A_2104 = arith.ori %gt3A_2099, %gt3A_2103 : vector<16xi1>
      %gt3A_2105 = arith.constant 5.000000e-02 : f32
      %gt3A_2106 = vector.broadcast %gt3A_2105 : f32 to vector<16xf32>
      %gt3A_2107 = arith.cmpf ogt, %get3A_2065, %gt3A_2106 : vector<16xf32>
      %and3A_2108 = arith.andi %or3A_2104, %gt3A_2107 : vector<16xi1>
      %sub3A_2109 = arith.constant 2.000000e+00 : f32
      %sub3A_2110 = vector.broadcast %sub3A_2109 : f32 to vector<16xf32>
      %sub3A_2111 = arith.subf %get3A_2065, %sub3A_2110 : vector<16xf32>
      %select_n3A_2112 = arith.select %and3A_2108, %sub3A_2111, %get3A_2065 : vector<16xi1>, vector<16xf32>
      %broadcast_in_dim3A_2113 = vector.broadcast %squeeze3A_1152 : f32 to vector<16xf32>
      %eq3A_2114 = arith.cmpf oeq, %get3A_2067, %broadcast_in_dim3A_2113 : vector<16xf32>
      %eq3A_2115 = arith.cmpf oeq, %get3A_2067, %select_n3A_1284 : vector<16xf32>
      %or3A_2116 = arith.ori %eq3A_2114, %eq3A_2115 : vector<16xi1>
      %select_n3A_2117 = arith.select %or3A_2116, %broadcast_in_dim3A_5, %select_n3A_2112 : vector<16xi1>, vector<16xf32>
      %swap3A_2118 = arith.constant 160 : index
      %swap3A_2119 = tpu.vector_load %arg18[%swap3A_2118] {strides = array<i32>} : memref<320xf32, #tpu.memory_space<vmem>>, vector<16xf32>,
      tpu.vector_store %arg18[%swap3A_2118], %select_n3A_2117 {strides = array<i32>} : memref<320xf32, #tpu.memory_space<vmem>>, vector<16xf32>,
      %gt3A_2120 = arith.cmpf ogt, %select_n3A_2117, %select_n3A_2052 : vector<16xf32>
      %gt3A_2121 = arith.cmpf ogt, %select_n3A_2117, %select_n3A_2049 : vector<16xf32>
      %select_n3A_2122 = arith.select %gt3A_2121, %select_n3A_2117, %select_n3A_2049 : vector<16xi1>, vector<16xf32>
      %select_n3A_2123 = arith.select %gt3A_2120, %select_n3A_2052, %select_n3A_2122 : vector<16xi1>, vector<16xf32>
      %select_n3A_2124 = arith.select %gt3A_2121, %get3A_2067, %select_n3A_2051 : vector<16xi1>, vector<16xf32>
      %select_n3A_2125 = arith.select %gt3A_2120, %select_n3A_2053, %select_n3A_2124 : vector<16xi1>, vector<16xf32>
      %select_n3A_2126 = arith.select %gt3A_2120, %select_n3A_2117, %select_n3A_2052 : vector<16xi1>, vector<16xf32>
      %select_n3A_2127 = arith.select %gt3A_2120, %get3A_2067, %select_n3A_2053 : vector<16xi1>, vector<16xf32>
      %get3A_2128 = arith.constant 176 : index
      %get3A_2129 = tpu.vector_load %arg13[%get3A_2128] {strides = array<i32>} : memref<320xf32, #tpu.memory_space<vmem>>, vector<16xf32>,
      %get3A_2130 = arith.constant 176 : index
      %get3A_2131 = tpu.vector_load %arg14[%get3A_2130] {strides = array<i32>} : memref<320xf32, #tpu.memory_space<vmem>>, vector<16xf32>,
      %get3A_2132 = arith.constant 176 : index
      %get3A_2133 = tpu.vector_load %arg15[%get3A_2132] {strides = array<i32>} : memref<320xf32, #tpu.memory_space<vmem>>, vector<16xf32>,
      %get3A_2134 = arith.constant 176 : index
      %get3A_2135 = tpu.vector_load %arg16[%get3A_2134] {strides = array<i32>} : memref<320xf32, #tpu.memory_space<vmem>>, vector<16xf32>,
      %get3A_2136 = arith.constant 176 : index
      %get3A_2137 = tpu.vector_load %arg17[%get3A_2136] {strides = array<i32>} : memref<320xf32, #tpu.memory_space<vmem>>, vector<16xf32>,
      %get3A_2138 = arith.constant 176 : index
      %get3A_2139 = tpu.vector_load %arg18[%get3A_2138] {strides = array<i32>} : memref<320xf32, #tpu.memory_space<vmem>>, vector<16xf32>,
      %get3A_2140 = arith.constant 176 : index
      %get3A_2141 = tpu.vector_load %arg19[%get3A_2140] {strides = array<i32>} : memref<320xf32, #tpu.memory_space<vmem>>, vector<16xf32>,
      %min3A_2142 = arith.minimumf %get3A_2133, %gather3A_1157 : vector<16xf32>
      %max3A_2143 = arith.maximumf %get3A_2129, %gather3A_1155 : vector<16xf32>
      %sub3A_2144 = arith.subf %min3A_2142, %max3A_2143 : vector<16xf32>
      %max3A_2145 = arith.maximumf %sub3A_2144, %broadcast_in_dim3A_3 : vector<16xf32>
      %min3A_2146 = arith.minimumf %get3A_2135, %gather3A_1158 : vector<16xf32>
      %max3A_2147 = arith.maximumf %get3A_2131, %gather3A_1156 : vector<16xf32>
      %sub3A_2148 = arith.subf %min3A_2146, %max3A_2147 : vector<16xf32>
      %max3A_2149 = arith.maximumf %sub3A_2148, %broadcast_in_dim3A_3 : vector<16xf32>
      %mul3A_2150 = arith.mulf %max3A_2145, %max3A_2149 : vector<16xf32>
      %add3A_2151 = arith.addf %get3A_2137, %mul3A_1161 : vector<16xf32>
      %sub3A_2152 = arith.subf %add3A_2151, %mul3A_2150 : vector<16xf32>
      %max3A_2153 = arith.constant 9.99999971E-10 : f32
      %max3A_2154 = vector.broadcast %max3A_2153 : f32 to vector<16xf32>
      %max3A_2155 = arith.maximumf %sub3A_2152, %max3A_2154 : vector<16xf32>
      %min3A_2156 = arith.minimumf %get3A_2133, %select_n3A_1276 : vector<16xf32>
      %max3A_2157 = arith.maximumf %get3A_2129, %select_n3A_1274 : vector<16xf32>
      %sub3A_2158 = arith.subf %min3A_2156, %max3A_2157 : vector<16xf32>
      %max3A_2159 = arith.maximumf %sub3A_2158, %broadcast_in_dim3A_3 : vector<16xf32>
      %min3A_2160 = arith.minimumf %get3A_2135, %select_n3A_1277 : vector<16xf32>
      %max3A_2161 = arith.maximumf %get3A_2131, %select_n3A_1275 : vector<16xf32>
      %sub3A_2162 = arith.subf %min3A_2160, %max3A_2161 : vector<16xf32>
      %max3A_2163 = arith.maximumf %sub3A_2162, %broadcast_in_dim3A_3 : vector<16xf32>
      %mul3A_2164 = arith.mulf %max3A_2159, %max3A_2163 : vector<16xf32>
      %add3A_2165 = arith.addf %get3A_2137, %mul3A_1280 : vector<16xf32>
      %sub3A_2166 = arith.subf %add3A_2165, %mul3A_2164 : vector<16xf32>
      %max3A_2167 = arith.constant 9.99999971E-10 : f32
      %max3A_2168 = vector.broadcast %max3A_2167 : f32 to vector<16xf32>
      %max3A_2169 = arith.maximumf %sub3A_2166, %max3A_2168 : vector<16xf32>
      %mul3A_2170 = arith.constant 0.699999988 : f32
      %mul3A_2171 = vector.broadcast %mul3A_2170 : f32 to vector<16xf32>
      %mul3A_2172 = arith.mulf %mul3A_2171, %max3A_2155 : vector<16xf32>
      %gt3A_2173 = arith.cmpf ogt, %mul3A_2150, %mul3A_2172 : vector<16xf32>
      %mul3A_2174 = arith.constant 0.699999988 : f32
      %mul3A_2175 = vector.broadcast %mul3A_2174 : f32 to vector<16xf32>
      %mul3A_2176 = arith.mulf %mul3A_2175, %max3A_2169 : vector<16xf32>
      %gt3A_2177 = arith.cmpf ogt, %mul3A_2164, %mul3A_2176 : vector<16xf32>
      %or3A_2178 = arith.ori %gt3A_2173, %gt3A_2177 : vector<16xi1>
      %gt3A_2179 = arith.constant 5.000000e-02 : f32
      %gt3A_2180 = vector.broadcast %gt3A_2179 : f32 to vector<16xf32>
      %gt3A_2181 = arith.cmpf ogt, %get3A_2139, %gt3A_2180 : vector<16xf32>
      %and3A_2182 = arith.andi %or3A_2178, %gt3A_2181 : vector<16xi1>
      %sub3A_2183 = arith.constant 2.000000e+00 : f32
      %sub3A_2184 = vector.broadcast %sub3A_2183 : f32 to vector<16xf32>
      %sub3A_2185 = arith.subf %get3A_2139, %sub3A_2184 : vector<16xf32>
      %select_n3A_2186 = arith.select %and3A_2182, %sub3A_2185, %get3A_2139 : vector<16xi1>, vector<16xf32>
      %broadcast_in_dim3A_2187 = vector.broadcast %squeeze3A_1152 : f32 to vector<16xf32>
      %eq3A_2188 = arith.cmpf oeq, %get3A_2141, %broadcast_in_dim3A_2187 : vector<16xf32>
      %eq3A_2189 = arith.cmpf oeq, %get3A_2141, %select_n3A_1284 : vector<16xf32>
      %or3A_2190 = arith.ori %eq3A_2188, %eq3A_2189 : vector<16xi1>
      %select_n3A_2191 = arith.select %or3A_2190, %broadcast_in_dim3A_5, %select_n3A_2186 : vector<16xi1>, vector<16xf32>
      %swap3A_2192 = arith.constant 176 : index
      %swap3A_2193 = tpu.vector_load %arg18[%swap3A_2192] {strides = array<i32>} : memref<320xf32, #tpu.memory_space<vmem>>, vector<16xf32>,
      tpu.vector_store %arg18[%swap3A_2192], %select_n3A_2191 {strides = array<i32>} : memref<320xf32, #tpu.memory_space<vmem>>, vector<16xf32>,
      %gt3A_2194 = arith.cmpf ogt, %select_n3A_2191, %select_n3A_2126 : vector<16xf32>
      %gt3A_2195 = arith.cmpf ogt, %select_n3A_2191, %select_n3A_2123 : vector<16xf32>
      %select_n3A_2196 = arith.select %gt3A_2195, %select_n3A_2191, %select_n3A_2123 : vector<16xi1>, vector<16xf32>
      %select_n3A_2197 = arith.select %gt3A_2194, %select_n3A_2126, %select_n3A_2196 : vector<16xi1>, vector<16xf32>
      %select_n3A_2198 = arith.select %gt3A_2195, %get3A_2141, %select_n3A_2125 : vector<16xi1>, vector<16xf32>
      %select_n3A_2199 = arith.select %gt3A_2194, %select_n3A_2127, %select_n3A_2198 : vector<16xi1>, vector<16xf32>
      %select_n3A_2200 = arith.select %gt3A_2194, %select_n3A_2191, %select_n3A_2126 : vector<16xi1>, vector<16xf32>
      %select_n3A_2201 = arith.select %gt3A_2194, %get3A_2141, %select_n3A_2127 : vector<16xi1>, vector<16xf32>
      %get3A_2202 = arith.constant 192 : index
      %get3A_2203 = tpu.vector_load %arg13[%get3A_2202] {strides = array<i32>} : memref<320xf32, #tpu.memory_space<vmem>>, vector<16xf32>,
      %get3A_2204 = arith.constant 192 : index
      %get3A_2205 = tpu.vector_load %arg14[%get3A_2204] {strides = array<i32>} : memref<320xf32, #tpu.memory_space<vmem>>, vector<16xf32>,
      %get3A_2206 = arith.constant 192 : index
      %get3A_2207 = tpu.vector_load %arg15[%get3A_2206] {strides = array<i32>} : memref<320xf32, #tpu.memory_space<vmem>>, vector<16xf32>,
      %get3A_2208 = arith.constant 192 : index
      %get3A_2209 = tpu.vector_load %arg16[%get3A_2208] {strides = array<i32>} : memref<320xf32, #tpu.memory_space<vmem>>, vector<16xf32>,
      %get3A_2210 = arith.constant 192 : index
      %get3A_2211 = tpu.vector_load %arg17[%get3A_2210] {strides = array<i32>} : memref<320xf32, #tpu.memory_space<vmem>>, vector<16xf32>,
      %get3A_2212 = arith.constant 192 : index
      %get3A_2213 = tpu.vector_load %arg18[%get3A_2212] {strides = array<i32>} : memref<320xf32, #tpu.memory_space<vmem>>, vector<16xf32>,
      %get3A_2214 = arith.constant 192 : index
      %get3A_2215 = tpu.vector_load %arg19[%get3A_2214] {strides = array<i32>} : memref<320xf32, #tpu.memory_space<vmem>>, vector<16xf32>,
      %min3A_2216 = arith.minimumf %get3A_2207, %gather3A_1157 : vector<16xf32>
      %max3A_2217 = arith.maximumf %get3A_2203, %gather3A_1155 : vector<16xf32>
      %sub3A_2218 = arith.subf %min3A_2216, %max3A_2217 : vector<16xf32>
      %max3A_2219 = arith.maximumf %sub3A_2218, %broadcast_in_dim3A_3 : vector<16xf32>
      %min3A_2220 = arith.minimumf %get3A_2209, %gather3A_1158 : vector<16xf32>
      %max3A_2221 = arith.maximumf %get3A_2205, %gather3A_1156 : vector<16xf32>
      %sub3A_2222 = arith.subf %min3A_2220, %max3A_2221 : vector<16xf32>
      %max3A_2223 = arith.maximumf %sub3A_2222, %broadcast_in_dim3A_3 : vector<16xf32>
      %mul3A_2224 = arith.mulf %max3A_2219, %max3A_2223 : vector<16xf32>
      %add3A_2225 = arith.addf %get3A_2211, %mul3A_1161 : vector<16xf32>
      %sub3A_2226 = arith.subf %add3A_2225, %mul3A_2224 : vector<16xf32>
      %max3A_2227 = arith.constant 9.99999971E-10 : f32
      %max3A_2228 = vector.broadcast %max3A_2227 : f32 to vector<16xf32>
      %max3A_2229 = arith.maximumf %sub3A_2226, %max3A_2228 : vector<16xf32>
      %min3A_2230 = arith.minimumf %get3A_2207, %select_n3A_1276 : vector<16xf32>
      %max3A_2231 = arith.maximumf %get3A_2203, %select_n3A_1274 : vector<16xf32>
      %sub3A_2232 = arith.subf %min3A_2230, %max3A_2231 : vector<16xf32>
      %max3A_2233 = arith.maximumf %sub3A_2232, %broadcast_in_dim3A_3 : vector<16xf32>
      %min3A_2234 = arith.minimumf %get3A_2209, %select_n3A_1277 : vector<16xf32>
      %max3A_2235 = arith.maximumf %get3A_2205, %select_n3A_1275 : vector<16xf32>
      %sub3A_2236 = arith.subf %min3A_2234, %max3A_2235 : vector<16xf32>
      %max3A_2237 = arith.maximumf %sub3A_2236, %broadcast_in_dim3A_3 : vector<16xf32>
      %mul3A_2238 = arith.mulf %max3A_2233, %max3A_2237 : vector<16xf32>
      %add3A_2239 = arith.addf %get3A_2211, %mul3A_1280 : vector<16xf32>
      %sub3A_2240 = arith.subf %add3A_2239, %mul3A_2238 : vector<16xf32>
      %max3A_2241 = arith.constant 9.99999971E-10 : f32
      %max3A_2242 = vector.broadcast %max3A_2241 : f32 to vector<16xf32>
      %max3A_2243 = arith.maximumf %sub3A_2240, %max3A_2242 : vector<16xf32>
      %mul3A_2244 = arith.constant 0.699999988 : f32
      %mul3A_2245 = vector.broadcast %mul3A_2244 : f32 to vector<16xf32>
      %mul3A_2246 = arith.mulf %mul3A_2245, %max3A_2229 : vector<16xf32>
      %gt3A_2247 = arith.cmpf ogt, %mul3A_2224, %mul3A_2246 : vector<16xf32>
      %mul3A_2248 = arith.constant 0.699999988 : f32
      %mul3A_2249 = vector.broadcast %mul3A_2248 : f32 to vector<16xf32>
      %mul3A_2250 = arith.mulf %mul3A_2249, %max3A_2243 : vector<16xf32>
      %gt3A_2251 = arith.cmpf ogt, %mul3A_2238, %mul3A_2250 : vector<16xf32>
      %or3A_2252 = arith.ori %gt3A_2247, %gt3A_2251 : vector<16xi1>
      %gt3A_2253 = arith.constant 5.000000e-02 : f32
      %gt3A_2254 = vector.broadcast %gt3A_2253 : f32 to vector<16xf32>
      %gt3A_2255 = arith.cmpf ogt, %get3A_2213, %gt3A_2254 : vector<16xf32>
      %and3A_2256 = arith.andi %or3A_2252, %gt3A_2255 : vector<16xi1>
      %sub3A_2257 = arith.constant 2.000000e+00 : f32
      %sub3A_2258 = vector.broadcast %sub3A_2257 : f32 to vector<16xf32>
      %sub3A_2259 = arith.subf %get3A_2213, %sub3A_2258 : vector<16xf32>
      %select_n3A_2260 = arith.select %and3A_2256, %sub3A_2259, %get3A_2213 : vector<16xi1>, vector<16xf32>
      %broadcast_in_dim3A_2261 = vector.broadcast %squeeze3A_1152 : f32 to vector<16xf32>
      %eq3A_2262 = arith.cmpf oeq, %get3A_2215, %broadcast_in_dim3A_2261 : vector<16xf32>
      %eq3A_2263 = arith.cmpf oeq, %get3A_2215, %select_n3A_1284 : vector<16xf32>
      %or3A_2264 = arith.ori %eq3A_2262, %eq3A_2263 : vector<16xi1>
      %select_n3A_2265 = arith.select %or3A_2264, %broadcast_in_dim3A_5, %select_n3A_2260 : vector<16xi1>, vector<16xf32>
      %swap3A_2266 = arith.constant 192 : index
      %swap3A_2267 = tpu.vector_load %arg18[%swap3A_2266] {strides = array<i32>} : memref<320xf32, #tpu.memory_space<vmem>>, vector<16xf32>,
      tpu.vector_store %arg18[%swap3A_2266], %select_n3A_2265 {strides = array<i32>} : memref<320xf32, #tpu.memory_space<vmem>>, vector<16xf32>,
      %gt3A_2268 = arith.cmpf ogt, %select_n3A_2265, %select_n3A_2200 : vector<16xf32>
      %gt3A_2269 = arith.cmpf ogt, %select_n3A_2265, %select_n3A_2197 : vector<16xf32>
      %select_n3A_2270 = arith.select %gt3A_2269, %select_n3A_2265, %select_n3A_2197 : vector<16xi1>, vector<16xf32>
      %select_n3A_2271 = arith.select %gt3A_2268, %select_n3A_2200, %select_n3A_2270 : vector<16xi1>, vector<16xf32>
      %select_n3A_2272 = arith.select %gt3A_2269, %get3A_2215, %select_n3A_2199 : vector<16xi1>, vector<16xf32>
      %select_n3A_2273 = arith.select %gt3A_2268, %select_n3A_2201, %select_n3A_2272 : vector<16xi1>, vector<16xf32>
      %select_n3A_2274 = arith.select %gt3A_2268, %select_n3A_2265, %select_n3A_2200 : vector<16xi1>, vector<16xf32>
      %select_n3A_2275 = arith.select %gt3A_2268, %get3A_2215, %select_n3A_2201 : vector<16xi1>, vector<16xf32>
      %get3A_2276 = arith.constant 208 : index
      %get3A_2277 = tpu.vector_load %arg13[%get3A_2276] {strides = array<i32>} : memref<320xf32, #tpu.memory_space<vmem>>, vector<16xf32>,
      %get3A_2278 = arith.constant 208 : index
      %get3A_2279 = tpu.vector_load %arg14[%get3A_2278] {strides = array<i32>} : memref<320xf32, #tpu.memory_space<vmem>>, vector<16xf32>,
      %get3A_2280 = arith.constant 208 : index
      %get3A_2281 = tpu.vector_load %arg15[%get3A_2280] {strides = array<i32>} : memref<320xf32, #tpu.memory_space<vmem>>, vector<16xf32>,
      %get3A_2282 = arith.constant 208 : index
      %get3A_2283 = tpu.vector_load %arg16[%get3A_2282] {strides = array<i32>} : memref<320xf32, #tpu.memory_space<vmem>>, vector<16xf32>,
      %get3A_2284 = arith.constant 208 : index
      %get3A_2285 = tpu.vector_load %arg17[%get3A_2284] {strides = array<i32>} : memref<320xf32, #tpu.memory_space<vmem>>, vector<16xf32>,
      %get3A_2286 = arith.constant 208 : index
      %get3A_2287 = tpu.vector_load %arg18[%get3A_2286] {strides = array<i32>} : memref<320xf32, #tpu.memory_space<vmem>>, vector<16xf32>,
      %get3A_2288 = arith.constant 208 : index
      %get3A_2289 = tpu.vector_load %arg19[%get3A_2288] {strides = array<i32>} : memref<320xf32, #tpu.memory_space<vmem>>, vector<16xf32>,
      %min3A_2290 = arith.minimumf %get3A_2281, %gather3A_1157 : vector<16xf32>
      %max3A_2291 = arith.maximumf %get3A_2277, %gather3A_1155 : vector<16xf32>
      %sub3A_2292 = arith.subf %min3A_2290, %max3A_2291 : vector<16xf32>
      %max3A_2293 = arith.maximumf %sub3A_2292, %broadcast_in_dim3A_3 : vector<16xf32>
      %min3A_2294 = arith.minimumf %get3A_2283, %gather3A_1158 : vector<16xf32>
      %max3A_2295 = arith.maximumf %get3A_2279, %gather3A_1156 : vector<16xf32>
      %sub3A_2296 = arith.subf %min3A_2294, %max3A_2295 : vector<16xf32>
      %max3A_2297 = arith.maximumf %sub3A_2296, %broadcast_in_dim3A_3 : vector<16xf32>
      %mul3A_2298 = arith.mulf %max3A_2293, %max3A_2297 : vector<16xf32>
      %add3A_2299 = arith.addf %get3A_2285, %mul3A_1161 : vector<16xf32>
      %sub3A_2300 = arith.subf %add3A_2299, %mul3A_2298 : vector<16xf32>
      %max3A_2301 = arith.constant 9.99999971E-10 : f32
      %max3A_2302 = vector.broadcast %max3A_2301 : f32 to vector<16xf32>
      %max3A_2303 = arith.maximumf %sub3A_2300, %max3A_2302 : vector<16xf32>
      %min3A_2304 = arith.minimumf %get3A_2281, %select_n3A_1276 : vector<16xf32>
      %max3A_2305 = arith.maximumf %get3A_2277, %select_n3A_1274 : vector<16xf32>
      %sub3A_2306 = arith.subf %min3A_2304, %max3A_2305 : vector<16xf32>
      %max3A_2307 = arith.maximumf %sub3A_2306, %broadcast_in_dim3A_3 : vector<16xf32>
      %min3A_2308 = arith.minimumf %get3A_2283, %select_n3A_1277 : vector<16xf32>
      %max3A_2309 = arith.maximumf %get3A_2279, %select_n3A_1275 : vector<16xf32>
      %sub3A_2310 = arith.subf %min3A_2308, %max3A_2309 : vector<16xf32>
      %max3A_2311 = arith.maximumf %sub3A_2310, %broadcast_in_dim3A_3 : vector<16xf32>
      %mul3A_2312 = arith.mulf %max3A_2307, %max3A_2311 : vector<16xf32>
      %add3A_2313 = arith.addf %get3A_2285, %mul3A_1280 : vector<16xf32>
      %sub3A_2314 = arith.subf %add3A_2313, %mul3A_2312 : vector<16xf32>
      %max3A_2315 = arith.constant 9.99999971E-10 : f32
      %max3A_2316 = vector.broadcast %max3A_2315 : f32 to vector<16xf32>
      %max3A_2317 = arith.maximumf %sub3A_2314, %max3A_2316 : vector<16xf32>
      %mul3A_2318 = arith.constant 0.699999988 : f32
      %mul3A_2319 = vector.broadcast %mul3A_2318 : f32 to vector<16xf32>
      %mul3A_2320 = arith.mulf %mul3A_2319, %max3A_2303 : vector<16xf32>
      %gt3A_2321 = arith.cmpf ogt, %mul3A_2298, %mul3A_2320 : vector<16xf32>
      %mul3A_2322 = arith.constant 0.699999988 : f32
      %mul3A_2323 = vector.broadcast %mul3A_2322 : f32 to vector<16xf32>
      %mul3A_2324 = arith.mulf %mul3A_2323, %max3A_2317 : vector<16xf32>
      %gt3A_2325 = arith.cmpf ogt, %mul3A_2312, %mul3A_2324 : vector<16xf32>
      %or3A_2326 = arith.ori %gt3A_2321, %gt3A_2325 : vector<16xi1>
      %gt3A_2327 = arith.constant 5.000000e-02 : f32
      %gt3A_2328 = vector.broadcast %gt3A_2327 : f32 to vector<16xf32>
      %gt3A_2329 = arith.cmpf ogt, %get3A_2287, %gt3A_2328 : vector<16xf32>
      %and3A_2330 = arith.andi %or3A_2326, %gt3A_2329 : vector<16xi1>
      %sub3A_2331 = arith.constant 2.000000e+00 : f32
      %sub3A_2332 = vector.broadcast %sub3A_2331 : f32 to vector<16xf32>
      %sub3A_2333 = arith.subf %get3A_2287, %sub3A_2332 : vector<16xf32>
      %select_n3A_2334 = arith.select %and3A_2330, %sub3A_2333, %get3A_2287 : vector<16xi1>, vector<16xf32>
      %broadcast_in_dim3A_2335 = vector.broadcast %squeeze3A_1152 : f32 to vector<16xf32>
      %eq3A_2336 = arith.cmpf oeq, %get3A_2289, %broadcast_in_dim3A_2335 : vector<16xf32>
      %eq3A_2337 = arith.cmpf oeq, %get3A_2289, %select_n3A_1284 : vector<16xf32>
      %or3A_2338 = arith.ori %eq3A_2336, %eq3A_2337 : vector<16xi1>
      %select_n3A_2339 = arith.select %or3A_2338, %broadcast_in_dim3A_5, %select_n3A_2334 : vector<16xi1>, vector<16xf32>
      %swap3A_2340 = arith.constant 208 : index
      %swap3A_2341 = tpu.vector_load %arg18[%swap3A_2340] {strides = array<i32>} : memref<320xf32, #tpu.memory_space<vmem>>, vector<16xf32>,
      tpu.vector_store %arg18[%swap3A_2340], %select_n3A_2339 {strides = array<i32>} : memref<320xf32, #tpu.memory_space<vmem>>, vector<16xf32>,
      %gt3A_2342 = arith.cmpf ogt, %select_n3A_2339, %select_n3A_2274 : vector<16xf32>
      %gt3A_2343 = arith.cmpf ogt, %select_n3A_2339, %select_n3A_2271 : vector<16xf32>
      %select_n3A_2344 = arith.select %gt3A_2343, %select_n3A_2339, %select_n3A_2271 : vector<16xi1>, vector<16xf32>
      %select_n3A_2345 = arith.select %gt3A_2342, %select_n3A_2274, %select_n3A_2344 : vector<16xi1>, vector<16xf32>
      %select_n3A_2346 = arith.select %gt3A_2343, %get3A_2289, %select_n3A_2273 : vector<16xi1>, vector<16xf32>
      %select_n3A_2347 = arith.select %gt3A_2342, %select_n3A_2275, %select_n3A_2346 : vector<16xi1>, vector<16xf32>
      %select_n3A_2348 = arith.select %gt3A_2342, %select_n3A_2339, %select_n3A_2274 : vector<16xi1>, vector<16xf32>
      %select_n3A_2349 = arith.select %gt3A_2342, %get3A_2289, %select_n3A_2275 : vector<16xi1>, vector<16xf32>
      %get3A_2350 = arith.constant 224 : index
      %get3A_2351 = tpu.vector_load %arg13[%get3A_2350] {strides = array<i32>} : memref<320xf32, #tpu.memory_space<vmem>>, vector<16xf32>,
      %get3A_2352 = arith.constant 224 : index
      %get3A_2353 = tpu.vector_load %arg14[%get3A_2352] {strides = array<i32>} : memref<320xf32, #tpu.memory_space<vmem>>, vector<16xf32>,
      %get3A_2354 = arith.constant 224 : index
      %get3A_2355 = tpu.vector_load %arg15[%get3A_2354] {strides = array<i32>} : memref<320xf32, #tpu.memory_space<vmem>>, vector<16xf32>,
      %get3A_2356 = arith.constant 224 : index
      %get3A_2357 = tpu.vector_load %arg16[%get3A_2356] {strides = array<i32>} : memref<320xf32, #tpu.memory_space<vmem>>, vector<16xf32>,
      %get3A_2358 = arith.constant 224 : index
      %get3A_2359 = tpu.vector_load %arg17[%get3A_2358] {strides = array<i32>} : memref<320xf32, #tpu.memory_space<vmem>>, vector<16xf32>,
      %get3A_2360 = arith.constant 224 : index
      %get3A_2361 = tpu.vector_load %arg18[%get3A_2360] {strides = array<i32>} : memref<320xf32, #tpu.memory_space<vmem>>, vector<16xf32>,
      %get3A_2362 = arith.constant 224 : index
      %get3A_2363 = tpu.vector_load %arg19[%get3A_2362] {strides = array<i32>} : memref<320xf32, #tpu.memory_space<vmem>>, vector<16xf32>,
      %min3A_2364 = arith.minimumf %get3A_2355, %gather3A_1157 : vector<16xf32>
      %max3A_2365 = arith.maximumf %get3A_2351, %gather3A_1155 : vector<16xf32>
      %sub3A_2366 = arith.subf %min3A_2364, %max3A_2365 : vector<16xf32>
      %max3A_2367 = arith.maximumf %sub3A_2366, %broadcast_in_dim3A_3 : vector<16xf32>
      %min3A_2368 = arith.minimumf %get3A_2357, %gather3A_1158 : vector<16xf32>
      %max3A_2369 = arith.maximumf %get3A_2353, %gather3A_1156 : vector<16xf32>
      %sub3A_2370 = arith.subf %min3A_2368, %max3A_2369 : vector<16xf32>
      %max3A_2371 = arith.maximumf %sub3A_2370, %broadcast_in_dim3A_3 : vector<16xf32>
      %mul3A_2372 = arith.mulf %max3A_2367, %max3A_2371 : vector<16xf32>
      %add3A_2373 = arith.addf %get3A_2359, %mul3A_1161 : vector<16xf32>
      %sub3A_2374 = arith.subf %add3A_2373, %mul3A_2372 : vector<16xf32>
      %max3A_2375 = arith.constant 9.99999971E-10 : f32
      %max3A_2376 = vector.broadcast %max3A_2375 : f32 to vector<16xf32>
      %max3A_2377 = arith.maximumf %sub3A_2374, %max3A_2376 : vector<16xf32>
      %min3A_2378 = arith.minimumf %get3A_2355, %select_n3A_1276 : vector<16xf32>
      %max3A_2379 = arith.maximumf %get3A_2351, %select_n3A_1274 : vector<16xf32>
      %sub3A_2380 = arith.subf %min3A_2378, %max3A_2379 : vector<16xf32>
      %max3A_2381 = arith.maximumf %sub3A_2380, %broadcast_in_dim3A_3 : vector<16xf32>
      %min3A_2382 = arith.minimumf %get3A_2357, %select_n3A_1277 : vector<16xf32>
      %max3A_2383 = arith.maximumf %get3A_2353, %select_n3A_1275 : vector<16xf32>
      %sub3A_2384 = arith.subf %min3A_2382, %max3A_2383 : vector<16xf32>
      %max3A_2385 = arith.maximumf %sub3A_2384, %broadcast_in_dim3A_3 : vector<16xf32>
      %mul3A_2386 = arith.mulf %max3A_2381, %max3A_2385 : vector<16xf32>
      %add3A_2387 = arith.addf %get3A_2359, %mul3A_1280 : vector<16xf32>
      %sub3A_2388 = arith.subf %add3A_2387, %mul3A_2386 : vector<16xf32>
      %max3A_2389 = arith.constant 9.99999971E-10 : f32
      %max3A_2390 = vector.broadcast %max3A_2389 : f32 to vector<16xf32>
      %max3A_2391 = arith.maximumf %sub3A_2388, %max3A_2390 : vector<16xf32>
      %mul3A_2392 = arith.constant 0.699999988 : f32
      %mul3A_2393 = vector.broadcast %mul3A_2392 : f32 to vector<16xf32>
      %mul3A_2394 = arith.mulf %mul3A_2393, %max3A_2377 : vector<16xf32>
      %gt3A_2395 = arith.cmpf ogt, %mul3A_2372, %mul3A_2394 : vector<16xf32>
      %mul3A_2396 = arith.constant 0.699999988 : f32
      %mul3A_2397 = vector.broadcast %mul3A_2396 : f32 to vector<16xf32>
      %mul3A_2398 = arith.mulf %mul3A_2397, %max3A_2391 : vector<16xf32>
      %gt3A_2399 = arith.cmpf ogt, %mul3A_2386, %mul3A_2398 : vector<16xf32>
      %or3A_2400 = arith.ori %gt3A_2395, %gt3A_2399 : vector<16xi1>
      %gt3A_2401 = arith.constant 5.000000e-02 : f32
      %gt3A_2402 = vector.broadcast %gt3A_2401 : f32 to vector<16xf32>
      %gt3A_2403 = arith.cmpf ogt, %get3A_2361, %gt3A_2402 : vector<16xf32>
      %and3A_2404 = arith.andi %or3A_2400, %gt3A_2403 : vector<16xi1>
      %sub3A_2405 = arith.constant 2.000000e+00 : f32
      %sub3A_2406 = vector.broadcast %sub3A_2405 : f32 to vector<16xf32>
      %sub3A_2407 = arith.subf %get3A_2361, %sub3A_2406 : vector<16xf32>
      %select_n3A_2408 = arith.select %and3A_2404, %sub3A_2407, %get3A_2361 : vector<16xi1>, vector<16xf32>
      %broadcast_in_dim3A_2409 = vector.broadcast %squeeze3A_1152 : f32 to vector<16xf32>
      %eq3A_2410 = arith.cmpf oeq, %get3A_2363, %broadcast_in_dim3A_2409 : vector<16xf32>
      %eq3A_2411 = arith.cmpf oeq, %get3A_2363, %select_n3A_1284 : vector<16xf32>
      %or3A_2412 = arith.ori %eq3A_2410, %eq3A_2411 : vector<16xi1>
      %select_n3A_2413 = arith.select %or3A_2412, %broadcast_in_dim3A_5, %select_n3A_2408 : vector<16xi1>, vector<16xf32>
      %swap3A_2414 = arith.constant 224 : index
      %swap3A_2415 = tpu.vector_load %arg18[%swap3A_2414] {strides = array<i32>} : memref<320xf32, #tpu.memory_space<vmem>>, vector<16xf32>,
      tpu.vector_store %arg18[%swap3A_2414], %select_n3A_2413 {strides = array<i32>} : memref<320xf32, #tpu.memory_space<vmem>>, vector<16xf32>,
      %gt3A_2416 = arith.cmpf ogt, %select_n3A_2413, %select_n3A_2348 : vector<16xf32>
      %gt3A_2417 = arith.cmpf ogt, %select_n3A_2413, %select_n3A_2345 : vector<16xf32>
      %select_n3A_2418 = arith.select %gt3A_2417, %select_n3A_2413, %select_n3A_2345 : vector<16xi1>, vector<16xf32>
      %select_n3A_2419 = arith.select %gt3A_2416, %select_n3A_2348, %select_n3A_2418 : vector<16xi1>, vector<16xf32>
      %select_n3A_2420 = arith.select %gt3A_2417, %get3A_2363, %select_n3A_2347 : vector<16xi1>, vector<16xf32>
      %select_n3A_2421 = arith.select %gt3A_2416, %select_n3A_2349, %select_n3A_2420 : vector<16xi1>, vector<16xf32>
      %select_n3A_2422 = arith.select %gt3A_2416, %select_n3A_2413, %select_n3A_2348 : vector<16xi1>, vector<16xf32>
      %select_n3A_2423 = arith.select %gt3A_2416, %get3A_2363, %select_n3A_2349 : vector<16xi1>, vector<16xf32>
      %get3A_2424 = arith.constant 240 : index
      %get3A_2425 = tpu.vector_load %arg13[%get3A_2424] {strides = array<i32>} : memref<320xf32, #tpu.memory_space<vmem>>, vector<16xf32>,
      %get3A_2426 = arith.constant 240 : index
      %get3A_2427 = tpu.vector_load %arg14[%get3A_2426] {strides = array<i32>} : memref<320xf32, #tpu.memory_space<vmem>>, vector<16xf32>,
      %get3A_2428 = arith.constant 240 : index
      %get3A_2429 = tpu.vector_load %arg15[%get3A_2428] {strides = array<i32>} : memref<320xf32, #tpu.memory_space<vmem>>, vector<16xf32>,
      %get3A_2430 = arith.constant 240 : index
      %get3A_2431 = tpu.vector_load %arg16[%get3A_2430] {strides = array<i32>} : memref<320xf32, #tpu.memory_space<vmem>>, vector<16xf32>,
      %get3A_2432 = arith.constant 240 : index
      %get3A_2433 = tpu.vector_load %arg17[%get3A_2432] {strides = array<i32>} : memref<320xf32, #tpu.memory_space<vmem>>, vector<16xf32>,
      %get3A_2434 = arith.constant 240 : index
      %get3A_2435 = tpu.vector_load %arg18[%get3A_2434] {strides = array<i32>} : memref<320xf32, #tpu.memory_space<vmem>>, vector<16xf32>,
      %get3A_2436 = arith.constant 240 : index
      %get3A_2437 = tpu.vector_load %arg19[%get3A_2436] {strides = array<i32>} : memref<320xf32, #tpu.memory_space<vmem>>, vector<16xf32>,
      %min3A_2438 = arith.minimumf %get3A_2429, %gather3A_1157 : vector<16xf32>
      %max3A_2439 = arith.maximumf %get3A_2425, %gather3A_1155 : vector<16xf32>
      %sub3A_2440 = arith.subf %min3A_2438, %max3A_2439 : vector<16xf32>
      %max3A_2441 = arith.maximumf %sub3A_2440, %broadcast_in_dim3A_3 : vector<16xf32>
      %min3A_2442 = arith.minimumf %get3A_2431, %gather3A_1158 : vector<16xf32>
      %max3A_2443 = arith.maximumf %get3A_2427, %gather3A_1156 : vector<16xf32>
      %sub3A_2444 = arith.subf %min3A_2442, %max3A_2443 : vector<16xf32>
      %max3A_2445 = arith.maximumf %sub3A_2444, %broadcast_in_dim3A_3 : vector<16xf32>
      %mul3A_2446 = arith.mulf %max3A_2441, %max3A_2445 : vector<16xf32>
      %add3A_2447 = arith.addf %get3A_2433, %mul3A_1161 : vector<16xf32>
      %sub3A_2448 = arith.subf %add3A_2447, %mul3A_2446 : vector<16xf32>
      %max3A_2449 = arith.constant 9.99999971E-10 : f32
      %max3A_2450 = vector.broadcast %max3A_2449 : f32 to vector<16xf32>
      %max3A_2451 = arith.maximumf %sub3A_2448, %max3A_2450 : vector<16xf32>
      %min3A_2452 = arith.minimumf %get3A_2429, %select_n3A_1276 : vector<16xf32>
      %max3A_2453 = arith.maximumf %get3A_2425, %select_n3A_1274 : vector<16xf32>
      %sub3A_2454 = arith.subf %min3A_2452, %max3A_2453 : vector<16xf32>
      %max3A_2455 = arith.maximumf %sub3A_2454, %broadcast_in_dim3A_3 : vector<16xf32>
      %min3A_2456 = arith.minimumf %get3A_2431, %select_n3A_1277 : vector<16xf32>
      %max3A_2457 = arith.maximumf %get3A_2427, %select_n3A_1275 : vector<16xf32>
      %sub3A_2458 = arith.subf %min3A_2456, %max3A_2457 : vector<16xf32>
      %max3A_2459 = arith.maximumf %sub3A_2458, %broadcast_in_dim3A_3 : vector<16xf32>
      %mul3A_2460 = arith.mulf %max3A_2455, %max3A_2459 : vector<16xf32>
      %add3A_2461 = arith.addf %get3A_2433, %mul3A_1280 : vector<16xf32>
      %sub3A_2462 = arith.subf %add3A_2461, %mul3A_2460 : vector<16xf32>
      %max3A_2463 = arith.constant 9.99999971E-10 : f32
      %max3A_2464 = vector.broadcast %max3A_2463 : f32 to vector<16xf32>
      %max3A_2465 = arith.maximumf %sub3A_2462, %max3A_2464 : vector<16xf32>
      %mul3A_2466 = arith.constant 0.699999988 : f32
      %mul3A_2467 = vector.broadcast %mul3A_2466 : f32 to vector<16xf32>
      %mul3A_2468 = arith.mulf %mul3A_2467, %max3A_2451 : vector<16xf32>
      %gt3A_2469 = arith.cmpf ogt, %mul3A_2446, %mul3A_2468 : vector<16xf32>
      %mul3A_2470 = arith.constant 0.699999988 : f32
      %mul3A_2471 = vector.broadcast %mul3A_2470 : f32 to vector<16xf32>
      %mul3A_2472 = arith.mulf %mul3A_2471, %max3A_2465 : vector<16xf32>
      %gt3A_2473 = arith.cmpf ogt, %mul3A_2460, %mul3A_2472 : vector<16xf32>
      %or3A_2474 = arith.ori %gt3A_2469, %gt3A_2473 : vector<16xi1>
      %gt3A_2475 = arith.constant 5.000000e-02 : f32
      %gt3A_2476 = vector.broadcast %gt3A_2475 : f32 to vector<16xf32>
      %gt3A_2477 = arith.cmpf ogt, %get3A_2435, %gt3A_2476 : vector<16xf32>
      %and3A_2478 = arith.andi %or3A_2474, %gt3A_2477 : vector<16xi1>
      %sub3A_2479 = arith.constant 2.000000e+00 : f32
      %sub3A_2480 = vector.broadcast %sub3A_2479 : f32 to vector<16xf32>
      %sub3A_2481 = arith.subf %get3A_2435, %sub3A_2480 : vector<16xf32>
      %select_n3A_2482 = arith.select %and3A_2478, %sub3A_2481, %get3A_2435 : vector<16xi1>, vector<16xf32>
      %broadcast_in_dim3A_2483 = vector.broadcast %squeeze3A_1152 : f32 to vector<16xf32>
      %eq3A_2484 = arith.cmpf oeq, %get3A_2437, %broadcast_in_dim3A_2483 : vector<16xf32>
      %eq3A_2485 = arith.cmpf oeq, %get3A_2437, %select_n3A_1284 : vector<16xf32>
      %or3A_2486 = arith.ori %eq3A_2484, %eq3A_2485 : vector<16xi1>
      %select_n3A_2487 = arith.select %or3A_2486, %broadcast_in_dim3A_5, %select_n3A_2482 : vector<16xi1>, vector<16xf32>
      %swap3A_2488 = arith.constant 240 : index
      %swap3A_2489 = tpu.vector_load %arg18[%swap3A_2488] {strides = array<i32>} : memref<320xf32, #tpu.memory_space<vmem>>, vector<16xf32>,
      tpu.vector_store %arg18[%swap3A_2488], %select_n3A_2487 {strides = array<i32>} : memref<320xf32, #tpu.memory_space<vmem>>, vector<16xf32>,
      %gt3A_2490 = arith.cmpf ogt, %select_n3A_2487, %select_n3A_2422 : vector<16xf32>
      %gt3A_2491 = arith.cmpf ogt, %select_n3A_2487, %select_n3A_2419 : vector<16xf32>
      %select_n3A_2492 = arith.select %gt3A_2491, %select_n3A_2487, %select_n3A_2419 : vector<16xi1>, vector<16xf32>
      %select_n3A_2493 = arith.select %gt3A_2490, %select_n3A_2422, %select_n3A_2492 : vector<16xi1>, vector<16xf32>
      %select_n3A_2494 = arith.select %gt3A_2491, %get3A_2437, %select_n3A_2421 : vector<16xi1>, vector<16xf32>
      %select_n3A_2495 = arith.select %gt3A_2490, %select_n3A_2423, %select_n3A_2494 : vector<16xi1>, vector<16xf32>
      %select_n3A_2496 = arith.select %gt3A_2490, %select_n3A_2487, %select_n3A_2422 : vector<16xi1>, vector<16xf32>
      %select_n3A_2497 = arith.select %gt3A_2490, %get3A_2437, %select_n3A_2423 : vector<16xi1>, vector<16xf32>
      %get3A_2498 = arith.constant 256 : index
      %get3A_2499 = tpu.vector_load %arg13[%get3A_2498] {strides = array<i32>} : memref<320xf32, #tpu.memory_space<vmem>>, vector<16xf32>,
      %get3A_2500 = arith.constant 256 : index
      %get3A_2501 = tpu.vector_load %arg14[%get3A_2500] {strides = array<i32>} : memref<320xf32, #tpu.memory_space<vmem>>, vector<16xf32>,
      %get3A_2502 = arith.constant 256 : index
      %get3A_2503 = tpu.vector_load %arg15[%get3A_2502] {strides = array<i32>} : memref<320xf32, #tpu.memory_space<vmem>>, vector<16xf32>,
      %get3A_2504 = arith.constant 256 : index
      %get3A_2505 = tpu.vector_load %arg16[%get3A_2504] {strides = array<i32>} : memref<320xf32, #tpu.memory_space<vmem>>, vector<16xf32>,
      %get3A_2506 = arith.constant 256 : index
      %get3A_2507 = tpu.vector_load %arg17[%get3A_2506] {strides = array<i32>} : memref<320xf32, #tpu.memory_space<vmem>>, vector<16xf32>,
      %get3A_2508 = arith.constant 256 : index
      %get3A_2509 = tpu.vector_load %arg18[%get3A_2508] {strides = array<i32>} : memref<320xf32, #tpu.memory_space<vmem>>, vector<16xf32>,
      %get3A_2510 = arith.constant 256 : index
      %get3A_2511 = tpu.vector_load %arg19[%get3A_2510] {strides = array<i32>} : memref<320xf32, #tpu.memory_space<vmem>>, vector<16xf32>,
      %min3A_2512 = arith.minimumf %get3A_2503, %gather3A_1157 : vector<16xf32>
      %max3A_2513 = arith.maximumf %get3A_2499, %gather3A_1155 : vector<16xf32>
      %sub3A_2514 = arith.subf %min3A_2512, %max3A_2513 : vector<16xf32>
      %max3A_2515 = arith.maximumf %sub3A_2514, %broadcast_in_dim3A_3 : vector<16xf32>
      %min3A_2516 = arith.minimumf %get3A_2505, %gather3A_1158 : vector<16xf32>
      %max3A_2517 = arith.maximumf %get3A_2501, %gather3A_1156 : vector<16xf32>
      %sub3A_2518 = arith.subf %min3A_2516, %max3A_2517 : vector<16xf32>
      %max3A_2519 = arith.maximumf %sub3A_2518, %broadcast_in_dim3A_3 : vector<16xf32>
      %mul3A_2520 = arith.mulf %max3A_2515, %max3A_2519 : vector<16xf32>
      %add3A_2521 = arith.addf %get3A_2507, %mul3A_1161 : vector<16xf32>
      %sub3A_2522 = arith.subf %add3A_2521, %mul3A_2520 : vector<16xf32>
      %max3A_2523 = arith.constant 9.99999971E-10 : f32
      %max3A_2524 = vector.broadcast %max3A_2523 : f32 to vector<16xf32>
      %max3A_2525 = arith.maximumf %sub3A_2522, %max3A_2524 : vector<16xf32>
      %min3A_2526 = arith.minimumf %get3A_2503, %select_n3A_1276 : vector<16xf32>
      %max3A_2527 = arith.maximumf %get3A_2499, %select_n3A_1274 : vector<16xf32>
      %sub3A_2528 = arith.subf %min3A_2526, %max3A_2527 : vector<16xf32>
      %max3A_2529 = arith.maximumf %sub3A_2528, %broadcast_in_dim3A_3 : vector<16xf32>
      %min3A_2530 = arith.minimumf %get3A_2505, %select_n3A_1277 : vector<16xf32>
      %max3A_2531 = arith.maximumf %get3A_2501, %select_n3A_1275 : vector<16xf32>
      %sub3A_2532 = arith.subf %min3A_2530, %max3A_2531 : vector<16xf32>
      %max3A_2533 = arith.maximumf %sub3A_2532, %broadcast_in_dim3A_3 : vector<16xf32>
      %mul3A_2534 = arith.mulf %max3A_2529, %max3A_2533 : vector<16xf32>
      %add3A_2535 = arith.addf %get3A_2507, %mul3A_1280 : vector<16xf32>
      %sub3A_2536 = arith.subf %add3A_2535, %mul3A_2534 : vector<16xf32>
      %max3A_2537 = arith.constant 9.99999971E-10 : f32
      %max3A_2538 = vector.broadcast %max3A_2537 : f32 to vector<16xf32>
      %max3A_2539 = arith.maximumf %sub3A_2536, %max3A_2538 : vector<16xf32>
      %mul3A_2540 = arith.constant 0.699999988 : f32
      %mul3A_2541 = vector.broadcast %mul3A_2540 : f32 to vector<16xf32>
      %mul3A_2542 = arith.mulf %mul3A_2541, %max3A_2525 : vector<16xf32>
      %gt3A_2543 = arith.cmpf ogt, %mul3A_2520, %mul3A_2542 : vector<16xf32>
      %mul3A_2544 = arith.constant 0.699999988 : f32
      %mul3A_2545 = vector.broadcast %mul3A_2544 : f32 to vector<16xf32>
      %mul3A_2546 = arith.mulf %mul3A_2545, %max3A_2539 : vector<16xf32>
      %gt3A_2547 = arith.cmpf ogt, %mul3A_2534, %mul3A_2546 : vector<16xf32>
      %or3A_2548 = arith.ori %gt3A_2543, %gt3A_2547 : vector<16xi1>
      %gt3A_2549 = arith.constant 5.000000e-02 : f32
      %gt3A_2550 = vector.broadcast %gt3A_2549 : f32 to vector<16xf32>
      %gt3A_2551 = arith.cmpf ogt, %get3A_2509, %gt3A_2550 : vector<16xf32>
      %and3A_2552 = arith.andi %or3A_2548, %gt3A_2551 : vector<16xi1>
      %sub3A_2553 = arith.constant 2.000000e+00 : f32
      %sub3A_2554 = vector.broadcast %sub3A_2553 : f32 to vector<16xf32>
      %sub3A_2555 = arith.subf %get3A_2509, %sub3A_2554 : vector<16xf32>
      %select_n3A_2556 = arith.select %and3A_2552, %sub3A_2555, %get3A_2509 : vector<16xi1>, vector<16xf32>
      %broadcast_in_dim3A_2557 = vector.broadcast %squeeze3A_1152 : f32 to vector<16xf32>
      %eq3A_2558 = arith.cmpf oeq, %get3A_2511, %broadcast_in_dim3A_2557 : vector<16xf32>
      %eq3A_2559 = arith.cmpf oeq, %get3A_2511, %select_n3A_1284 : vector<16xf32>
      %or3A_2560 = arith.ori %eq3A_2558, %eq3A_2559 : vector<16xi1>
      %select_n3A_2561 = arith.select %or3A_2560, %broadcast_in_dim3A_5, %select_n3A_2556 : vector<16xi1>, vector<16xf32>
      %swap3A_2562 = arith.constant 256 : index
      %swap3A_2563 = tpu.vector_load %arg18[%swap3A_2562] {strides = array<i32>} : memref<320xf32, #tpu.memory_space<vmem>>, vector<16xf32>,
      tpu.vector_store %arg18[%swap3A_2562], %select_n3A_2561 {strides = array<i32>} : memref<320xf32, #tpu.memory_space<vmem>>, vector<16xf32>,
      %gt3A_2564 = arith.cmpf ogt, %select_n3A_2561, %select_n3A_2496 : vector<16xf32>
      %gt3A_2565 = arith.cmpf ogt, %select_n3A_2561, %select_n3A_2493 : vector<16xf32>
      %select_n3A_2566 = arith.select %gt3A_2565, %select_n3A_2561, %select_n3A_2493 : vector<16xi1>, vector<16xf32>
      %select_n3A_2567 = arith.select %gt3A_2564, %select_n3A_2496, %select_n3A_2566 : vector<16xi1>, vector<16xf32>
      %select_n3A_2568 = arith.select %gt3A_2565, %get3A_2511, %select_n3A_2495 : vector<16xi1>, vector<16xf32>
      %select_n3A_2569 = arith.select %gt3A_2564, %select_n3A_2497, %select_n3A_2568 : vector<16xi1>, vector<16xf32>
      %select_n3A_2570 = arith.select %gt3A_2564, %select_n3A_2561, %select_n3A_2496 : vector<16xi1>, vector<16xf32>
      %select_n3A_2571 = arith.select %gt3A_2564, %get3A_2511, %select_n3A_2497 : vector<16xi1>, vector<16xf32>
      %get3A_2572 = arith.constant 272 : index
      %get3A_2573 = tpu.vector_load %arg13[%get3A_2572] {strides = array<i32>} : memref<320xf32, #tpu.memory_space<vmem>>, vector<16xf32>,
      %get3A_2574 = arith.constant 272 : index
      %get3A_2575 = tpu.vector_load %arg14[%get3A_2574] {strides = array<i32>} : memref<320xf32, #tpu.memory_space<vmem>>, vector<16xf32>,
      %get3A_2576 = arith.constant 272 : index
      %get3A_2577 = tpu.vector_load %arg15[%get3A_2576] {strides = array<i32>} : memref<320xf32, #tpu.memory_space<vmem>>, vector<16xf32>,
      %get3A_2578 = arith.constant 272 : index
      %get3A_2579 = tpu.vector_load %arg16[%get3A_2578] {strides = array<i32>} : memref<320xf32, #tpu.memory_space<vmem>>, vector<16xf32>,
      %get3A_2580 = arith.constant 272 : index
      %get3A_2581 = tpu.vector_load %arg17[%get3A_2580] {strides = array<i32>} : memref<320xf32, #tpu.memory_space<vmem>>, vector<16xf32>,
      %get3A_2582 = arith.constant 272 : index
      %get3A_2583 = tpu.vector_load %arg18[%get3A_2582] {strides = array<i32>} : memref<320xf32, #tpu.memory_space<vmem>>, vector<16xf32>,
      %get3A_2584 = arith.constant 272 : index
      %get3A_2585 = tpu.vector_load %arg19[%get3A_2584] {strides = array<i32>} : memref<320xf32, #tpu.memory_space<vmem>>, vector<16xf32>,
      %min3A_2586 = arith.minimumf %get3A_2577, %gather3A_1157 : vector<16xf32>
      %max3A_2587 = arith.maximumf %get3A_2573, %gather3A_1155 : vector<16xf32>
      %sub3A_2588 = arith.subf %min3A_2586, %max3A_2587 : vector<16xf32>
      %max3A_2589 = arith.maximumf %sub3A_2588, %broadcast_in_dim3A_3 : vector<16xf32>
      %min3A_2590 = arith.minimumf %get3A_2579, %gather3A_1158 : vector<16xf32>
      %max3A_2591 = arith.maximumf %get3A_2575, %gather3A_1156 : vector<16xf32>
      %sub3A_2592 = arith.subf %min3A_2590, %max3A_2591 : vector<16xf32>
      %max3A_2593 = arith.maximumf %sub3A_2592, %broadcast_in_dim3A_3 : vector<16xf32>
      %mul3A_2594 = arith.mulf %max3A_2589, %max3A_2593 : vector<16xf32>
      %add3A_2595 = arith.addf %get3A_2581, %mul3A_1161 : vector<16xf32>
      %sub3A_2596 = arith.subf %add3A_2595, %mul3A_2594 : vector<16xf32>
      %max3A_2597 = arith.constant 9.99999971E-10 : f32
      %max3A_2598 = vector.broadcast %max3A_2597 : f32 to vector<16xf32>
      %max3A_2599 = arith.maximumf %sub3A_2596, %max3A_2598 : vector<16xf32>
      %min3A_2600 = arith.minimumf %get3A_2577, %select_n3A_1276 : vector<16xf32>
      %max3A_2601 = arith.maximumf %get3A_2573, %select_n3A_1274 : vector<16xf32>
      %sub3A_2602 = arith.subf %min3A_2600, %max3A_2601 : vector<16xf32>
      %max3A_2603 = arith.maximumf %sub3A_2602, %broadcast_in_dim3A_3 : vector<16xf32>
      %min3A_2604 = arith.minimumf %get3A_2579, %select_n3A_1277 : vector<16xf32>
      %max3A_2605 = arith.maximumf %get3A_2575, %select_n3A_1275 : vector<16xf32>
      %sub3A_2606 = arith.subf %min3A_2604, %max3A_2605 : vector<16xf32>
      %max3A_2607 = arith.maximumf %sub3A_2606, %broadcast_in_dim3A_3 : vector<16xf32>
      %mul3A_2608 = arith.mulf %max3A_2603, %max3A_2607 : vector<16xf32>
      %add3A_2609 = arith.addf %get3A_2581, %mul3A_1280 : vector<16xf32>
      %sub3A_2610 = arith.subf %add3A_2609, %mul3A_2608 : vector<16xf32>
      %max3A_2611 = arith.constant 9.99999971E-10 : f32
      %max3A_2612 = vector.broadcast %max3A_2611 : f32 to vector<16xf32>
      %max3A_2613 = arith.maximumf %sub3A_2610, %max3A_2612 : vector<16xf32>
      %mul3A_2614 = arith.constant 0.699999988 : f32
      %mul3A_2615 = vector.broadcast %mul3A_2614 : f32 to vector<16xf32>
      %mul3A_2616 = arith.mulf %mul3A_2615, %max3A_2599 : vector<16xf32>
      %gt3A_2617 = arith.cmpf ogt, %mul3A_2594, %mul3A_2616 : vector<16xf32>
      %mul3A_2618 = arith.constant 0.699999988 : f32
      %mul3A_2619 = vector.broadcast %mul3A_2618 : f32 to vector<16xf32>
      %mul3A_2620 = arith.mulf %mul3A_2619, %max3A_2613 : vector<16xf32>
      %gt3A_2621 = arith.cmpf ogt, %mul3A_2608, %mul3A_2620 : vector<16xf32>
      %or3A_2622 = arith.ori %gt3A_2617, %gt3A_2621 : vector<16xi1>
      %gt3A_2623 = arith.constant 5.000000e-02 : f32
      %gt3A_2624 = vector.broadcast %gt3A_2623 : f32 to vector<16xf32>
      %gt3A_2625 = arith.cmpf ogt, %get3A_2583, %gt3A_2624 : vector<16xf32>
      %and3A_2626 = arith.andi %or3A_2622, %gt3A_2625 : vector<16xi1>
      %sub3A_2627 = arith.constant 2.000000e+00 : f32
      %sub3A_2628 = vector.broadcast %sub3A_2627 : f32 to vector<16xf32>
      %sub3A_2629 = arith.subf %get3A_2583, %sub3A_2628 : vector<16xf32>
      %select_n3A_2630 = arith.select %and3A_2626, %sub3A_2629, %get3A_2583 : vector<16xi1>, vector<16xf32>
      %broadcast_in_dim3A_2631 = vector.broadcast %squeeze3A_1152 : f32 to vector<16xf32>
      %eq3A_2632 = arith.cmpf oeq, %get3A_2585, %broadcast_in_dim3A_2631 : vector<16xf32>
      %eq3A_2633 = arith.cmpf oeq, %get3A_2585, %select_n3A_1284 : vector<16xf32>
      %or3A_2634 = arith.ori %eq3A_2632, %eq3A_2633 : vector<16xi1>
      %select_n3A_2635 = arith.select %or3A_2634, %broadcast_in_dim3A_5, %select_n3A_2630 : vector<16xi1>, vector<16xf32>
      %swap3A_2636 = arith.constant 272 : index
      %swap3A_2637 = tpu.vector_load %arg18[%swap3A_2636] {strides = array<i32>} : memref<320xf32, #tpu.memory_space<vmem>>, vector<16xf32>,
      tpu.vector_store %arg18[%swap3A_2636], %select_n3A_2635 {strides = array<i32>} : memref<320xf32, #tpu.memory_space<vmem>>, vector<16xf32>,
      %gt3A_2638 = arith.cmpf ogt, %select_n3A_2635, %select_n3A_2570 : vector<16xf32>
      %gt3A_2639 = arith.cmpf ogt, %select_n3A_2635, %select_n3A_2567 : vector<16xf32>
      %select_n3A_2640 = arith.select %gt3A_2639, %select_n3A_2635, %select_n3A_2567 : vector<16xi1>, vector<16xf32>
      %select_n3A_2641 = arith.select %gt3A_2638, %select_n3A_2570, %select_n3A_2640 : vector<16xi1>, vector<16xf32>
      %select_n3A_2642 = arith.select %gt3A_2639, %get3A_2585, %select_n3A_2569 : vector<16xi1>, vector<16xf32>
      %select_n3A_2643 = arith.select %gt3A_2638, %select_n3A_2571, %select_n3A_2642 : vector<16xi1>, vector<16xf32>
      %select_n3A_2644 = arith.select %gt3A_2638, %select_n3A_2635, %select_n3A_2570 : vector<16xi1>, vector<16xf32>
      %select_n3A_2645 = arith.select %gt3A_2638, %get3A_2585, %select_n3A_2571 : vector<16xi1>, vector<16xf32>
      %get3A_2646 = arith.constant 288 : index
      %get3A_2647 = tpu.vector_load %arg13[%get3A_2646] {strides = array<i32>} : memref<320xf32, #tpu.memory_space<vmem>>, vector<16xf32>,
      %get3A_2648 = arith.constant 288 : index
      %get3A_2649 = tpu.vector_load %arg14[%get3A_2648] {strides = array<i32>} : memref<320xf32, #tpu.memory_space<vmem>>, vector<16xf32>,
      %get3A_2650 = arith.constant 288 : index
      %get3A_2651 = tpu.vector_load %arg15[%get3A_2650] {strides = array<i32>} : memref<320xf32, #tpu.memory_space<vmem>>, vector<16xf32>,
      %get3A_2652 = arith.constant 288 : index
      %get3A_2653 = tpu.vector_load %arg16[%get3A_2652] {strides = array<i32>} : memref<320xf32, #tpu.memory_space<vmem>>, vector<16xf32>,
      %get3A_2654 = arith.constant 288 : index
      %get3A_2655 = tpu.vector_load %arg17[%get3A_2654] {strides = array<i32>} : memref<320xf32, #tpu.memory_space<vmem>>, vector<16xf32>,
      %get3A_2656 = arith.constant 288 : index
      %get3A_2657 = tpu.vector_load %arg18[%get3A_2656] {strides = array<i32>} : memref<320xf32, #tpu.memory_space<vmem>>, vector<16xf32>,
      %get3A_2658 = arith.constant 288 : index
      %get3A_2659 = tpu.vector_load %arg19[%get3A_2658] {strides = array<i32>} : memref<320xf32, #tpu.memory_space<vmem>>, vector<16xf32>,
      %min3A_2660 = arith.minimumf %get3A_2651, %gather3A_1157 : vector<16xf32>
      %max3A_2661 = arith.maximumf %get3A_2647, %gather3A_1155 : vector<16xf32>
      %sub3A_2662 = arith.subf %min3A_2660, %max3A_2661 : vector<16xf32>
      %max3A_2663 = arith.maximumf %sub3A_2662, %broadcast_in_dim3A_3 : vector<16xf32>
      %min3A_2664 = arith.minimumf %get3A_2653, %gather3A_1158 : vector<16xf32>
      %max3A_2665 = arith.maximumf %get3A_2649, %gather3A_1156 : vector<16xf32>
      %sub3A_2666 = arith.subf %min3A_2664, %max3A_2665 : vector<16xf32>
      %max3A_2667 = arith.maximumf %sub3A_2666, %broadcast_in_dim3A_3 : vector<16xf32>
      %mul3A_2668 = arith.mulf %max3A_2663, %max3A_2667 : vector<16xf32>
      %add3A_2669 = arith.addf %get3A_2655, %mul3A_1161 : vector<16xf32>
      %sub3A_2670 = arith.subf %add3A_2669, %mul3A_2668 : vector<16xf32>
      %max3A_2671 = arith.constant 9.99999971E-10 : f32
      %max3A_2672 = vector.broadcast %max3A_2671 : f32 to vector<16xf32>
      %max3A_2673 = arith.maximumf %sub3A_2670, %max3A_2672 : vector<16xf32>
      %min3A_2674 = arith.minimumf %get3A_2651, %select_n3A_1276 : vector<16xf32>
      %max3A_2675 = arith.maximumf %get3A_2647, %select_n3A_1274 : vector<16xf32>
      %sub3A_2676 = arith.subf %min3A_2674, %max3A_2675 : vector<16xf32>
      %max3A_2677 = arith.maximumf %sub3A_2676, %broadcast_in_dim3A_3 : vector<16xf32>
      %min3A_2678 = arith.minimumf %get3A_2653, %select_n3A_1277 : vector<16xf32>
      %max3A_2679 = arith.maximumf %get3A_2649, %select_n3A_1275 : vector<16xf32>
      %sub3A_2680 = arith.subf %min3A_2678, %max3A_2679 : vector<16xf32>
      %max3A_2681 = arith.maximumf %sub3A_2680, %broadcast_in_dim3A_3 : vector<16xf32>
      %mul3A_2682 = arith.mulf %max3A_2677, %max3A_2681 : vector<16xf32>
      %add3A_2683 = arith.addf %get3A_2655, %mul3A_1280 : vector<16xf32>
      %sub3A_2684 = arith.subf %add3A_2683, %mul3A_2682 : vector<16xf32>
      %max3A_2685 = arith.constant 9.99999971E-10 : f32
      %max3A_2686 = vector.broadcast %max3A_2685 : f32 to vector<16xf32>
      %max3A_2687 = arith.maximumf %sub3A_2684, %max3A_2686 : vector<16xf32>
      %mul3A_2688 = arith.constant 0.699999988 : f32
      %mul3A_2689 = vector.broadcast %mul3A_2688 : f32 to vector<16xf32>
      %mul3A_2690 = arith.mulf %mul3A_2689, %max3A_2673 : vector<16xf32>
      %gt3A_2691 = arith.cmpf ogt, %mul3A_2668, %mul3A_2690 : vector<16xf32>
      %mul3A_2692 = arith.constant 0.699999988 : f32
      %mul3A_2693 = vector.broadcast %mul3A_2692 : f32 to vector<16xf32>
      %mul3A_2694 = arith.mulf %mul3A_2693, %max3A_2687 : vector<16xf32>
      %gt3A_2695 = arith.cmpf ogt, %mul3A_2682, %mul3A_2694 : vector<16xf32>
      %or3A_2696 = arith.ori %gt3A_2691, %gt3A_2695 : vector<16xi1>
      %gt3A_2697 = arith.constant 5.000000e-02 : f32
      %gt3A_2698 = vector.broadcast %gt3A_2697 : f32 to vector<16xf32>
      %gt3A_2699 = arith.cmpf ogt, %get3A_2657, %gt3A_2698 : vector<16xf32>
      %and3A_2700 = arith.andi %or3A_2696, %gt3A_2699 : vector<16xi1>
      %sub3A_2701 = arith.constant 2.000000e+00 : f32
      %sub3A_2702 = vector.broadcast %sub3A_2701 : f32 to vector<16xf32>
      %sub3A_2703 = arith.subf %get3A_2657, %sub3A_2702 : vector<16xf32>
      %select_n3A_2704 = arith.select %and3A_2700, %sub3A_2703, %get3A_2657 : vector<16xi1>, vector<16xf32>
      %broadcast_in_dim3A_2705 = vector.broadcast %squeeze3A_1152 : f32 to vector<16xf32>
      %eq3A_2706 = arith.cmpf oeq, %get3A_2659, %broadcast_in_dim3A_2705 : vector<16xf32>
      %eq3A_2707 = arith.cmpf oeq, %get3A_2659, %select_n3A_1284 : vector<16xf32>
      %or3A_2708 = arith.ori %eq3A_2706, %eq3A_2707 : vector<16xi1>
      %select_n3A_2709 = arith.select %or3A_2708, %broadcast_in_dim3A_5, %select_n3A_2704 : vector<16xi1>, vector<16xf32>
      %swap3A_2710 = arith.constant 288 : index
      %swap3A_2711 = tpu.vector_load %arg18[%swap3A_2710] {strides = array<i32>} : memref<320xf32, #tpu.memory_space<vmem>>, vector<16xf32>,
      tpu.vector_store %arg18[%swap3A_2710], %select_n3A_2709 {strides = array<i32>} : memref<320xf32, #tpu.memory_space<vmem>>, vector<16xf32>,
      %gt3A_2712 = arith.cmpf ogt, %select_n3A_2709, %select_n3A_2644 : vector<16xf32>
      %gt3A_2713 = arith.cmpf ogt, %select_n3A_2709, %select_n3A_2641 : vector<16xf32>
      %select_n3A_2714 = arith.select %gt3A_2713, %select_n3A_2709, %select_n3A_2641 : vector<16xi1>, vector<16xf32>
      %select_n3A_2715 = arith.select %gt3A_2712, %select_n3A_2644, %select_n3A_2714 : vector<16xi1>, vector<16xf32>
      %select_n3A_2716 = arith.select %gt3A_2713, %get3A_2659, %select_n3A_2643 : vector<16xi1>, vector<16xf32>
      %select_n3A_2717 = arith.select %gt3A_2712, %select_n3A_2645, %select_n3A_2716 : vector<16xi1>, vector<16xf32>
      %select_n3A_2718 = arith.select %gt3A_2712, %select_n3A_2709, %select_n3A_2644 : vector<16xi1>, vector<16xf32>
      %select_n3A_2719 = arith.select %gt3A_2712, %get3A_2659, %select_n3A_2645 : vector<16xi1>, vector<16xf32>
      %get3A_2720 = arith.constant 304 : index
      %get3A_2721 = tpu.vector_load %arg13[%get3A_2720] {strides = array<i32>} : memref<320xf32, #tpu.memory_space<vmem>>, vector<16xf32>,
      %get3A_2722 = arith.constant 304 : index
      %get3A_2723 = tpu.vector_load %arg14[%get3A_2722] {strides = array<i32>} : memref<320xf32, #tpu.memory_space<vmem>>, vector<16xf32>,
      %get3A_2724 = arith.constant 304 : index
      %get3A_2725 = tpu.vector_load %arg15[%get3A_2724] {strides = array<i32>} : memref<320xf32, #tpu.memory_space<vmem>>, vector<16xf32>,
      %get3A_2726 = arith.constant 304 : index
      %get3A_2727 = tpu.vector_load %arg16[%get3A_2726] {strides = array<i32>} : memref<320xf32, #tpu.memory_space<vmem>>, vector<16xf32>,
      %get3A_2728 = arith.constant 304 : index
      %get3A_2729 = tpu.vector_load %arg17[%get3A_2728] {strides = array<i32>} : memref<320xf32, #tpu.memory_space<vmem>>, vector<16xf32>,
      %get3A_2730 = arith.constant 304 : index
      %get3A_2731 = tpu.vector_load %arg18[%get3A_2730] {strides = array<i32>} : memref<320xf32, #tpu.memory_space<vmem>>, vector<16xf32>,
      %get3A_2732 = arith.constant 304 : index
      %get3A_2733 = tpu.vector_load %arg19[%get3A_2732] {strides = array<i32>} : memref<320xf32, #tpu.memory_space<vmem>>, vector<16xf32>,
      %min3A_2734 = arith.minimumf %get3A_2725, %gather3A_1157 : vector<16xf32>
      %max3A_2735 = arith.maximumf %get3A_2721, %gather3A_1155 : vector<16xf32>
      %sub3A_2736 = arith.subf %min3A_2734, %max3A_2735 : vector<16xf32>
      %max3A_2737 = arith.maximumf %sub3A_2736, %broadcast_in_dim3A_3 : vector<16xf32>
      %min3A_2738 = arith.minimumf %get3A_2727, %gather3A_1158 : vector<16xf32>
      %max3A_2739 = arith.maximumf %get3A_2723, %gather3A_1156 : vector<16xf32>
      %sub3A_2740 = arith.subf %min3A_2738, %max3A_2739 : vector<16xf32>
      %max3A_2741 = arith.maximumf %sub3A_2740, %broadcast_in_dim3A_3 : vector<16xf32>
      %mul3A_2742 = arith.mulf %max3A_2737, %max3A_2741 : vector<16xf32>
      %add3A_2743 = arith.addf %get3A_2729, %mul3A_1161 : vector<16xf32>
      %sub3A_2744 = arith.subf %add3A_2743, %mul3A_2742 : vector<16xf32>
      %max3A_2745 = arith.constant 9.99999971E-10 : f32
      %max3A_2746 = vector.broadcast %max3A_2745 : f32 to vector<16xf32>
      %max3A_2747 = arith.maximumf %sub3A_2744, %max3A_2746 : vector<16xf32>
      %min3A_2748 = arith.minimumf %get3A_2725, %select_n3A_1276 : vector<16xf32>
      %max3A_2749 = arith.maximumf %get3A_2721, %select_n3A_1274 : vector<16xf32>
      %sub3A_2750 = arith.subf %min3A_2748, %max3A_2749 : vector<16xf32>
      %max3A_2751 = arith.maximumf %sub3A_2750, %broadcast_in_dim3A_3 : vector<16xf32>
      %min3A_2752 = arith.minimumf %get3A_2727, %select_n3A_1277 : vector<16xf32>
      %max3A_2753 = arith.maximumf %get3A_2723, %select_n3A_1275 : vector<16xf32>
      %sub3A_2754 = arith.subf %min3A_2752, %max3A_2753 : vector<16xf32>
      %max3A_2755 = arith.maximumf %sub3A_2754, %broadcast_in_dim3A_3 : vector<16xf32>
      %mul3A_2756 = arith.mulf %max3A_2751, %max3A_2755 : vector<16xf32>
      %add3A_2757 = arith.addf %get3A_2729, %mul3A_1280 : vector<16xf32>
      %sub3A_2758 = arith.subf %add3A_2757, %mul3A_2756 : vector<16xf32>
      %max3A_2759 = arith.constant 9.99999971E-10 : f32
      %max3A_2760 = vector.broadcast %max3A_2759 : f32 to vector<16xf32>
      %max3A_2761 = arith.maximumf %sub3A_2758, %max3A_2760 : vector<16xf32>
      %mul3A_2762 = arith.constant 0.699999988 : f32
      %mul3A_2763 = vector.broadcast %mul3A_2762 : f32 to vector<16xf32>
      %mul3A_2764 = arith.mulf %mul3A_2763, %max3A_2747 : vector<16xf32>
      %gt3A_2765 = arith.cmpf ogt, %mul3A_2742, %mul3A_2764 : vector<16xf32>
      %mul3A_2766 = arith.constant 0.699999988 : f32
      %mul3A_2767 = vector.broadcast %mul3A_2766 : f32 to vector<16xf32>
      %mul3A_2768 = arith.mulf %mul3A_2767, %max3A_2761 : vector<16xf32>
      %gt3A_2769 = arith.cmpf ogt, %mul3A_2756, %mul3A_2768 : vector<16xf32>
      %or3A_2770 = arith.ori %gt3A_2765, %gt3A_2769 : vector<16xi1>
      %gt3A_2771 = arith.constant 5.000000e-02 : f32
      %gt3A_2772 = vector.broadcast %gt3A_2771 : f32 to vector<16xf32>
      %gt3A_2773 = arith.cmpf ogt, %get3A_2731, %gt3A_2772 : vector<16xf32>
      %and3A_2774 = arith.andi %or3A_2770, %gt3A_2773 : vector<16xi1>
      %sub3A_2775 = arith.constant 2.000000e+00 : f32
      %sub3A_2776 = vector.broadcast %sub3A_2775 : f32 to vector<16xf32>
      %sub3A_2777 = arith.subf %get3A_2731, %sub3A_2776 : vector<16xf32>
      %select_n3A_2778 = arith.select %and3A_2774, %sub3A_2777, %get3A_2731 : vector<16xi1>, vector<16xf32>
      %broadcast_in_dim3A_2779 = vector.broadcast %squeeze3A_1152 : f32 to vector<16xf32>
      %eq3A_2780 = arith.cmpf oeq, %get3A_2733, %broadcast_in_dim3A_2779 : vector<16xf32>
      %eq3A_2781 = arith.cmpf oeq, %get3A_2733, %select_n3A_1284 : vector<16xf32>
      %or3A_2782 = arith.ori %eq3A_2780, %eq3A_2781 : vector<16xi1>
      %select_n3A_2783 = arith.select %or3A_2782, %broadcast_in_dim3A_5, %select_n3A_2778 : vector<16xi1>, vector<16xf32>
      %swap3A_2784 = arith.constant 304 : index
      %swap3A_2785 = tpu.vector_load %arg18[%swap3A_2784] {strides = array<i32>} : memref<320xf32, #tpu.memory_space<vmem>>, vector<16xf32>,
      tpu.vector_store %arg18[%swap3A_2784], %select_n3A_2783 {strides = array<i32>} : memref<320xf32, #tpu.memory_space<vmem>>, vector<16xf32>,
      %gt3A_2786 = arith.cmpf ogt, %select_n3A_2783, %select_n3A_2718 : vector<16xf32>
      %gt3A_2787 = arith.cmpf ogt, %select_n3A_2783, %select_n3A_2715 : vector<16xf32>
      %select_n3A_2788 = arith.select %gt3A_2787, %select_n3A_2783, %select_n3A_2715 : vector<16xi1>, vector<16xf32>
      %select_n3A_2789 = arith.select %gt3A_2786, %select_n3A_2718, %select_n3A_2788 : vector<16xi1>, vector<16xf32>
      %select_n3A_2790 = arith.select %gt3A_2787, %get3A_2733, %select_n3A_2717 : vector<16xi1>, vector<16xf32>
      %select_n3A_2791 = arith.select %gt3A_2786, %select_n3A_2719, %select_n3A_2790 : vector<16xi1>, vector<16xf32>
      %select_n3A_2792 = arith.select %gt3A_2786, %select_n3A_2783, %select_n3A_2718 : vector<16xi1>, vector<16xf32>
      %select_n3A_2793 = arith.select %gt3A_2786, %get3A_2733, %select_n3A_2719 : vector<16xi1>, vector<16xf32>
      %jit3A = arith.constant 2 : i32
      %jit3A_2794 = arith.constant 1 : i32
      %select_n3A_2795 = arith.select %not3A_1265, %jit3A, %jit3A_2794 : i32
      %add3A_2796 = arith.addi %while3A_1074, %select_n3A_2795 : i32
      %add3A_2797 = arith.constant 1 : i32
      %add3A_2798 = arith.addi %while3A_1075, %add3A_2797 : i32
      scf.yield %add3A_2796, %add3A_2798, %select_n3A_2792, %select_n3A_2793, %select_n3A_2789, %select_n3A_2791 : i32, i32, vector<16xf32>, vector<16xf32>, vector<16xf32>, vector<16xf32>
    }
    %eq3A = arith.constant 0 : i32
    %eq3A_1069 = arith.cmpi eq, %arg1, %eq3A : i32
    %eq3A_1070 = arith.constant 0 : i32
    %eq3A_1071 = arith.cmpi eq, %arg0, %eq3A_1070 : i32
    %and3A = arith.andi %eq3A_1069, %eq3A_1071 : i1
    %convert_element_type3A_1072 = arith.extui %and3A : i1 to i32
    %cond3A = arith.constant 0 : i32
    %cond3A_1073 = arith.cmpi ne, %convert_element_type3A_1072, %cond3A : i32
    scf.if %cond3A_1073 {
      "tpu.region"() ({
        %run_scoped3A = tpu.sem_alloc : memref<!tpu.dma_semaphore, #tpu.memory_space<semaphore_mem>>
        tpu.enqueue_dma source(%arg24 : memref<1792xf32, #tpu.memory_space<vmem>>) target(%arg7 : memref<1792xf32, #tpu.memory_space<hbm>>) target_semaphore(%run_scoped3A : memref<!tpu.dma_semaphore, #tpu.memory_space<semaphore_mem>>)
        tpu.wait_dma2 semaphore(%run_scoped3A : memref<!tpu.dma_semaphore, #tpu.memory_space<semaphore_mem>>) src(%arg24 : memref<1792xf32, #tpu.memory_space<vmem>>) dst(%arg7 : memref<1792xf32, #tpu.memory_space<hbm>>)
        tpu.yield
      }) : () -> ()
    } else {
    }
    return
  }
}

</mosaic_0001>

<sc_bundles>
// kernel: kernel.3.cloned.1.call-start
scs
__scs_entry_jumppad:
0x0: {  	(pc) =	sbr.rel $0x88, $3  }
0x1: {  	(tag) =	ssettag $0x0;
	lr =	simm.s32 $0x1  }
0x2: {  	[smem:$0x3F9F] =	sst lr;
	_ =	strace $0xD0000000  }
0x3: {  	_ = 	snop  }
0x4: {  	_ = 	snop  }
0x5: {  	_ = 	snop  }
0x6: {  	_ = 	snop  }
0x7: {  	_ = 	snop  }
__scs_overlays_trampoline_lowered:
0x8: {  	[smem:$0x3FAE] =	sst s0  }
0x9: {  	[smem:$0x3FAF] =	sst s1  }
0xa: {  	[smem:$0x3FB0] =	sst s2  }
0xb: {  	[smem:$0x3FB1] =	sst s3  }
0xc: {  	[smem:$0x3FB2] =	sst s4  }
0xd: {  	[smem:$0x3FB3] =	sst s5  }
0xe: {  	[smem:$0x3FB4] =	sst s6  }
0xf: {  	[smem:$0x3FB5] =	sst s7  }
0x10: {  	[smem:$0x3FB6] =	sst s8  }
0x11: {  	[smem:$0x3FB7] =	sst s9;
	s0 =	simm.s32 @!p0 $0x0  }
0x12: {  	s1 =	sld [smem:$0x3F9D];
	s0 =	simm.s32 @p0 $0x1  }
0x13: {  	[smem:$0x3FB8] =	sst s0;
	s0 =	simm.s32 @!p1 $0x0  }
0x14: {  	s2 =	sld [smem:$0x3F9C];
	s0 =	simm.s32 @p1 $0x1  }
0x15: {  	[smem:$0x3FB9] =	sst s0;
	s0 =	simm.s32 @!p2 $0x0  }
0x16: {  	s3 =	sld [smem:$0x3FDB];
	s0 =	simm.s32 @p2 $0x1  }
0x17: {  	s4 =	simm.s32 $0x1BF5;
	[smem:$0x3FBB] =	sst s0  }
0x18: {  	s0 =	sld [smem:$0x3F9E];
	_ =	swait.ge [sflag:s4], $0x0  }
0x19: {  	s7 =	sld [smem:$0x3F9F]  }
0x1a: {  	s8 =	sadd.s32 $0xFFFFE003, lr  }
0x1b: {  	s9 =	sadd.s32 $0xFFFFFEF7, lr;
	s5 =	simm.s32 $0xFFFFFFFF;
	p2 =	slt.u32 s8, $0xFFFFF086  }
0x1c: {  	p1 =	slt.u32 s9, $0xF7A;
	s5 =	simm.s32 @!p2 $0x0  }
0x1d: {  	s5 =	simm.s32 @p1 $0x1;
	p0 =	seq.s32 s7, s2  }
0x1e: {  	s7 =	smul.u32 @!p0 $0xF7A, s2;
	p2 =	seq.s32 @!p0 s5, $0x0  }
0x1f: {  	s9 =	smul.u32 $0xF7A, s1;
	s8 =	simm.s32 @!p0 $0x1BF5;
	p2 =	por !p2, p0  }
0x20: {  	[sflag:s8] =	ssyncset.s32 @!p0 $0xFFFFF086;
	s6 =	sadd.s32 @!p0 s3, s7;
	s7 =	simm.s32 @!p0 $0x108  }
0x21: {  	s3 =	sadd.s32 s3, s9;
	s6 =	sadd.s32 @!p0 $0x88, s6;
	s7 =	simm.s32 @p2 $0x1082  }
0x22: {  	[simem:s7], [sflag:s8] =	dma.local @!p0 [hbm:s6], $0xF7A  }
0x23: {  	s9 =	sor.u32 $0xD0000000, s2;
	s6 =	simm.s32 $0x108;
	_ =	swait.ge @!p0 [sflag:s8], $0x0  }
0x24: {  	s3 =	sadd.s32 $0x88, s3;
	s6 =	simm.s32 @!p1 $0x1082;
	[sflag:s4] =	ssyncset.s32 $0xFFFFF086  }
0x25: {  	[simem:s6], [sflag:s4] =	dma.local [hbm:s3], $0xF7A  }
0x26: {  	[smem:$0x3F9F] =	sst s1;
	(tag) =	ssettag s2;
	_ =	strace s9  }
0x27: {  	s1 =	sld [smem:$0x3FAF]  }
0x28: {  	s2 =	sld [smem:$0x3FB0]  }
0x29: {  	s4 =	sld [smem:$0x3FB2]  }
0x2a: {  	p0 =	seq.s32 s5, $0x0;
	s5 =	sld [smem:$0x3FB3]  }
0x2b: {  	s6 =	sld [smem:$0x3FB4]  }
0x2c: {  	s7 =	sld [smem:$0x3FB5]  }
0x2d: {  	s3 =	simm.s32 $0x108;
	s8 =	sld [smem:$0x3FB6]  }
0x2e: {  	s3 =	simm.s32 @!p0 $0x1082;
	s9 =	sld [smem:$0x3FB7]  }
0x2f: {  	lr =	sadd.s32 s0, s3;
	s0 =	sld [smem:$0x3FAE]  }
0x30: {  	s3 =	sld [smem:$0x3FB1]  }
0x31: {  	[smem:$0x3FBA] =	sst s10  }
0x32: {  	s10 =	sld [smem:$0x3FB8];
	_ =	sdelay $0x3  }
0x33: {  	p0 =	seq.s32 s10, $0x1;
	s10 =	sld [smem:$0x3FBA];
	_ =	sdelay $0x3  }
0x34: {  	[smem:$0x3FBA] =	sst s10  }
0x35: {  	s10 =	sld [smem:$0x3FB9];
	_ =	sdelay $0x3  }
0x36: {  	p1 =	seq.s32 s10, $0x1;
	s10 =	sld [smem:$0x3FBA];
	_ =	sdelay $0x3  }
0x37: {  	[smem:$0x3FBA] =	sst s10  }
0x38: {  	s10 =	sld [smem:$0x3FBB]  }
0x39: {  	_ = 	snop;
	(pc) =	sbr.ind lr, $3  }
0x3a: {  	_ = 	snop  }
0x3b: {  	_ = 	snop  }
0x3c: {  	p2 =	seq.s32 s10, $0x1;
	s10 =	sld [smem:$0x3FBA]  }
0x3d: {  	_ =	shalt  }
0x3e: {  	_ =	shalt  }
0x3f: {  	_ =	shalt  }
0x40: {  	_ =	shalt  }
0x41: {  	_ =	shalt  }
0x42: {  	_ =	shalt  }
0x43: {  	_ =	shalt  }
0x44: {  	_ =	shalt  }
0x45: {  	_ =	shalt  }
0x46: {  	_ =	shalt  }
0x47: {  	_ =	shalt  }
0x48: {  	_ =	shalt  }
0x49: {  	_ =	shalt  }
0x4a: {  	_ =	shalt  }
0x4b: {  	_ =	shalt  }
0x4c: {  	_ =	shalt  }
0x4d: {  	_ =	shalt  }
0x4e: {  	_ =	shalt  }
0x4f: {  	_ =	shalt  }
0x50: {  	_ =	shalt  }
0x51: {  	_ =	shalt  }
0x52: {  	_ =	shalt  }
0x53: {  	_ =	shalt  }
0x54: {  	_ =	shalt  }
0x55: {  	_ =	shalt  }
0x56: {  	_ =	shalt  }
0x57: {  	_ =	shalt  }
0x58: {  	_ =	shalt  }
0x59: {  	_ =	shalt  }
0x5a: {  	_ =	shalt  }
0x5b: {  	_ =	shalt  }
0x5c: {  	_ =	shalt  }
0x5d: {  	_ =	shalt  }
0x5e: {  	_ =	shalt  }
0x5f: {  	_ =	shalt  }
0x60: {  	_ =	shalt  }
0x61: {  	_ =	shalt  }
0x62: {  	_ =	shalt  }
0x63: {  	_ =	shalt  }
0x64: {  	_ =	shalt  }
0x65: {  	_ =	shalt  }
0x66: {  	_ =	shalt  }
0x67: {  	_ =	shalt  }
0x68: {  	_ =	shalt  }
0x69: {  	_ =	shalt  }
0x6a: {  	_ =	shalt  }
0x6b: {  	_ =	shalt  }
0x6c: {  	_ =	shalt  }
0x6d: {  	_ =	shalt  }
0x6e: {  	_ =	shalt  }
0x6f: {  	_ =	shalt  }
0x70: {  	_ =	shalt  }
0x71: {  	_ =	shalt  }
0x72: {  	_ =	shalt  }
0x73: {  	_ =	shalt  }
0x74: {  	_ =	shalt  }
0x75: {  	_ =	shalt  }
0x76: {  	_ =	shalt  }
0x77: {  	_ =	shalt  }
0x78: {  	_ =	shalt  }
0x79: {  	_ =	shalt  }
0x7a: {  	_ =	shalt  }
0x7b: {  	_ =	shalt  }
0x7c: {  	_ =	shalt  }
0x7d: {  	_ =	shalt  }
0x7e: {  	_ =	shalt  }
0x7f: {  	_ =	shalt  }
0x80: {  	_ =	shalt  }
0x81: {  	_ =	shalt  }
0x82: {  	_ =	shalt  }
0x83: {  	_ =	shalt  }
0x84: {  	_ =	shalt  }
0x85: {  	_ =	shalt  }
0x86: {  	_ =	shalt  }
0x87: {  	_ =	shalt  }
.Lfunc_end0:
.L_simem_size_0:
called_computation_lowered:
.L_overlay_start_0:
0x88: {  	s2 =	sld [smem:$0x3FD9]  }
0x89: {  	s3 =	sld [smem:$0x3FFE];
	_ =	sdelay $0x1  }
0x8a: {  	s1 =	srdreg.scid  }
0x8b: {  	s0 =	sand.u32 $0x1, s1  }
0x8c: {  	s16 =	sshll.u32 s0, $0xA;
	s2 =	sadd.s32 s3, s2  }
0x8d: {  	s2 =	sadd.s32 s2, s16  }
0x8e: {  	[smem:$0x3FC6] =	sst s2  }
0x8f: {  	_ = 	snop  }
0x90: {  	(tm) =	ssettm $0x1  }
0x91: {  	s17 =	sld [smem:$0x3FFB];
	_ =	sdelay $0x3  }
0x92: {  	_ =	strace s17  }
0x93: {  	s2 =	sld [smem:$0x3FFC];
	_ =	sdelay $0x3  }
0x94: {  	_ =	strace s2  }
0x95: {  	s2 =	sld [smem:$0x3FFD];
	_ =	sdelay $0x3  }
0x96: {  	_ =	strace s2  }
0x97: {  	_ =	strace $0x8FFFFFFF  }
0x98: {  	s18 =	sld [smem:$0x3FDB];
	_ =	sdelay $0x1  }
0x99: {  	s19 =	simm.s32 $_scs_section_size  }
0x9a: {  	s4 =	simm.s32 $_size__tile_overlayer_lowered;
	s5 =	simm.s32 $_tile_overlayer_lowered  }
0x9b: {  	s22 =	simm.s32 $0x1BFF;
	s21 =	sshll.u32 s5, $0x1;
	s2 =	sadd.s32 s19, s18  }
0x9c: {  	s6 =	simm.s32 $0x0;
	s20 =	sshll.u32 s4, $0x1;
	s4 =	sadd.s32 s21, s2  }
0x9d: {  	[timem:s6], [sflag:s22] =	dma.local [hbm:s4], s20  }
0x9e: {  	_ =	swait.ge [sflag:s22], s20  }
0x9f: {  	s3 =	ssub.s32 $0x0, s20;
	[sflag:s22] =	ssyncset.done $0x0  }
0xa0: {  	[sflag:s22] =	ssyncadd.s32 s3;
	_ =	sdelay $0x1  }
0xa1: {  	s23 =	simm.s32 $0x1B8B  }
0xa2: {  	_ =	swait.ge [sflag:s23], $0x1  }
0xa3: {  	[sflag:s23] =	ssyncset.done $0x0  }
0xa4: {  	s25 =	simm.s32 $0x1B8E;
	s24 =	sld [smem:$0x3FFE];
	[sflag:s23] =	ssyncadd.s32 $0xFFFFFFFF  }
0xa5: {  	s26 =	simm.s32 $execute0_lowered;
	[smem:$0x3FD2] =	sst s25  }
0xa6: {  	s4 =	sshll.u32 s26, $0x1;
	_ =	strace $0x80000046;
	[dreg:$0x1] =	wrdreg $0xFFFFFFFF  }
0xa7: {  	s28 =	simm.s32 $_size_execute0_lowered;
	s2 =	sadd.s32 s2, s4;
	[dreg:$0x0] =	wrdreg $0x0  }
0xa8: {  	s4 =	sshll.u32 s28, $0x1;
	[dreg:$0x2] =	wrdreg s2  }
0xa9: {  	[dreg:$0x3] =	wrdreg s4  }
0xaa: {  	[dreg:$0x4] =	wrdreg $0xC0  }
0xab: {  	_ =	task [dreg:s6], $0x5FFFF  }
0xac: {  	[dreg:$0x1] =	wrdreg $0xFFFFFFFF  }
0xad: {  	[dreg:$0x0] =	wrdreg $0x60  }
0xae: {  	[dreg:$0x2] =	wrdreg s24  }
0xaf: {  	[dreg:$0x3] =	wrdreg $0x7F000  }
0xb0: {  	[dreg:$0x4] =	wrdreg $0x9  }
0xb1: {  	_ =	task.clear_ibuf [dreg:s6], $0x5FFFF;
	_ =	strace $0x90000046  }
0xb2: {  	s29 =	simm.s32 $0x9;
	_ =	strace $0x80000048  }
0xb3: {  	_ =	swait.ge [sflag:s29], $0x1  }
0xb4: {  	[sflag:s29] =	ssyncadd.s32 $0xFFFFFFFF  }
0xb5: {  	_ =	strace $0x90000048  }
0xb6: {  	_ =	sfence  }
0xb7: {  	s30 =	sld [smem:$0x0];
	_ =	sdelay $0x2  }
0xb8: {  	s31 =	sshll.u32 s1, $0xD;
	s1 =	sshrl.u32 s1, $0x2  }
0xb9: {  	s3 =	sand.u32 $0x4000, s31;
	s1 =	sadd.s32 s1, s30  }
0xba: {  	s0 =	sor.u32 s3, s0;
	s1 =	sshll.u32 s1, $0x11  }
0xbb: {  	s0 =	sor.u32 s1, s0  }
0xbc: {  	s0 =	sadd.s32 $0x8F2B, s0  }
0xbd: {  	[sflag:s0] =	ssyncadd.remote.s32 $0x1  }
0xbe: {  	_ =	sfence.sel $0xFFFF  }
0xbf: {  	[dreg:$0x0] =	wrdreg $0xFFFFFFFF;
	(pc) =	sbr.abs _section_cstart, $3  }
0xc0: {  	[dreg:$0x1] =	wrdreg $0xFFFFFFFF  }
0xc1: {  	_ =	task.clear_ibuf [dreg:s6], $0x2FFFF;
	_ =	strace $0x9FFFFFFF  }
0xc2: {  	(tm) =	ssettm $0x7FFFFFFF  }
0xc3: {  	_ =	shalt  }
tec
execute0_lowered:
.L_overlay_start_1:
0x0: {  	(tag) =	ssettag $0x1  }
0x1: {  	s0 =	stileid.u32;
	v0 =	vlaneseq.u32  }
0x2: {  	s7 =	smul.u32 $0x140, s0;
	v2 =	vmul.u32 $0x14, v0;
	_ =	sdelay $0x1  }
0x3: {  	v1 =	vadd.s32 s7, v2;
	v3 =	vor.u32 $0x1, v2  }
0x4: {  	[tilespmem:$0x1FD40] =	vst v1;
	v1 =	vcvt.s32.f32 v1;
	v3 =	vadd.s32 s7, v3  }
0x5: {  	v9 =	vadd.s32 $0x6, v2;
	[tilespmem:$0x1FD50] =	vst v3;
	v3 =	vcvt.s32.f32 v3  }
0x6: {  	v5 =	vor.u32 $0x2, v2;
	v6 =	vor.u32 $0x3, v2;
	v14 =	vadd.s32 s7, v9;
	[tilespmem:$0x1FD60] =	vst v1  }
0x7: {  	v41 =	vcvt.s32.f32 v14;
	v4 =	vmul.f32 $1.999999950e-04, v1;
	v1 =	vadd.s32 s7, v5;
	[tilespmem:$0x1FD70] =	vst v3  }
0x8: {  	v8 =	vadd.s32 $0x4, v2;
	v48 =	vadd.s32 $0xA, v2;
	[tilespmem:$0x1FD80] =	vst v1;
	v1 =	vcvt.s32.f32 v1  }
0x9: {  	v11 =	vadd.s32 s7, v8;
	v7 =	vmul.f32 $1.999999950e-04, v3;
	v3 =	vadd.s32 s7, v6;
	[tilespmem:$0x1FE20] =	vst v41  }
0xa: {  	v28 =	vadd.s32 s7, v48;
	[tilespmem:$0x1FD90] =	vst v3;
	v3 =	vcvt.s32.f32 v3;
	v39 =	vmul.f32 $1.999999950e-04, v1  }
0xb: {  	v49 =	vcvt.s32.f32 v28;
	[tilespmem:$0x1FDC0] =	vst v1;
	v1 =	vcvt.s32.f32 v11  }
0xc: {  	v8 =	vadd.s32 $0x5, v2;
	[tilespmem:$0x1FDD0] =	vst v3;
	v40 =	vmul.f32 $1.999999950e-04, v3;
	v3 =	vsub.f32 $-4.000000000e+00, v39  }
0xd: {  	v13 =	vadd.s32 s7, v8;
	[tilespmem:$0x1FEA0] =	vst v49;
	v43 =	vmul.f32 $1.999999950e-04, v1  }
0xe: {  	v4 =	vsub.f32 $-4.000000000e+00, v4;
	[tilespmem:$0x1FDE0] =	vst v3;
	v3 =	vcvt.s32.f32 v13  }
0xf: {  	v44 =	vadd.s32 $0x7, v2;
	[tilespmem:$0x1FE00] =	vst v1;
	v1 =	vsub.f32 $-4.000000000e+00, v43  }
0x10: {  	v19 =	vadd.s32 s7, v44;
	[tilespmem:$0x1FDA0] =	vst v4;
	v8 =	vmul.f32 $1.999999950e-04, v3  }
0x11: {  	[tilespmem:$0x1FE30] =	vst v1;
	v1 =	vcvt.s32.f32 v19  }
0x12: {  	v45 =	vadd.s32 $0x8, v2;
	v9 =	vmul.f32 $1.999999950e-04, v41;
	[tilespmem:$0x1FE10] =	vst v3;
	v3 =	vsub.f32 $-4.000000000e+00, v8  }
0x13: {  	v47 =	vadd.s32 $0x9, v2;
	v24 =	vadd.s32 s7, v45;
	v38 =	vsub.f32 $-4.000000000e+00, v7;
	[tilespmem:$0x1FE60] =	vst v1  }
0x14: {  	v46 =	vmul.f32 $1.999999950e-04, v1;
	v1 =	vcvt.s32.f32 v24;
	[tilespmem:$0x1FE40] =	vst v3;
	v3 =	vsub.f32 $-4.000000000e+00, v9  }
0x15: {  	v26 =	vadd.s32 s7, v47;
	[tilespmem:$0x1FDB0] =	vst v38;
	v42 =	vsub.f32 $-4.000000000e+00, v40  }
0x16: {  	v51 =	vmul.f32 $1.999999950e-04, v1;
	[tilespmem:$0x1FE50] =	vst v3;
	v3 =	vcvt.s32.f32 v26  }
0x17: {  	[tilespmem:$0x1FDF0] =	vst v42;
	v8 =	vadd.s32 $0xB, v2;
	v4 =	vsub.f32 $-4.000000000e+00, v46  }
0x18: {  	v29 =	vadd.s32 s7, v8;
	[tilespmem:$0x1FE80] =	vst v1;
	v1 =	vsub.f32 $-4.000000000e+00, v51;
	v52 =	vmul.f32 $1.999999950e-04, v3  }
0x19: {  	v54 =	vadd.s32 $0xD, v2;
	v50 =	vcvt.s32.f32 v29;
	v9 =	vmul.f32 $1.999999950e-04, v49;
	[tilespmem:$0x1FE70] =	vst v4  }
0x1a: {  	v55 =	vadd.s32 $0xF, v2;
	v8 =	vadd.s32 $0xC, v2;
	[tilespmem:$0x1FEC0] =	vst v1;
	v1 =	vsub.f32 $-4.000000000e+00, v52  }
0x1b: {  	v33 =	vadd.s32 s7, v8;
	v10 =	vmul.f32 $1.999999950e-04, v50;
	[tilespmem:$0x1FE90] =	vst v3;
	v3 =	vsub.f32 $-4.000000000e+00, v9  }
0x1c: {  	v57 =	vadd.s32 $0x10, v2;
	v39 =	vadd.s32 s7, v54;
	[tilespmem:$0x1FED0] =	vst v1;
	v1 =	vcvt.s32.f32 v33  }
0x1d: {  	v43 =	vadd.s32 s7, v55;
	v8 =	vadd.s32 $0xE, v2;
	[tilespmem:$0x1FEE0] =	vst v3;
	v3 =	vsub.f32 $-4.000000000e+00, v10  }
0x1e: {  	v40 =	vadd.s32 s7, v8;
	[tilespmem:$0x1FF00] =	vst v1;
	v53 =	vmul.f32 $1.999999950e-04, v1;
	v1 =	vcvt.s32.f32 v39  }
0x1f: {  	v56 =	vcvt.s32.f32 v43;
	v9 =	vadd.s32 $0x11, v2;
	[tilespmem:$0x1FEF0] =	vst v3;
	v3 =	vcvt.s32.f32 v40  }
0x20: {  	v46 =	vadd.s32 s7, v57;
	[tilespmem:$0x1FEB0] =	vst v50;
	v48 =	vadd.s32 s7, v9;
	v58 =	vmul.f32 $1.999999950e-04, v1  }
0x21: {  	v9 =	vadd.s32 $0x12, v2;
	v2 =	vadd.s32 $0x13, v2;
	[tilespmem:$0x1FF30] =	vst v3;
	v4 =	vsub.f32 $-4.000000000e+00, v53  }
0x22: {  	s8 =	rddreg [dreg:$0x0];
	v51 =	vadd.s32 s7, v2;
	v8 =	vmul.f32 $1.999999950e-04, v3;
	[tilespmem:$0x1FF20] =	vst v1;
	v2 =	vsub.f32 $-4.000000000e+00, v58  }
0x23: {  	s2 =	rddreg [dreg:$0x1];
	v1 =	vcvt.s32.f32 v46;
	[tilespmem:$0x1FF10] =	vst v4  }
0x24: {  	s1 =	rddreg [dreg:$0x2];
	v59 =	vmul.f32 $1.999999950e-04, v56;
	_ =	strace $0x80000047;
	[tilespmem:$0x1FF50] =	vst v2;
	v2 =	vsub.f32 $-4.000000000e+00, v8  }
0x25: {  	[tilespmem:$0x1FF70] =	vst v1  }
0x26: {  	v3 =	vcvt.s32.f32 v48;
	[tilespmem:$0x1FF60] =	vst v2;
	v2 =	vmul.f32 $1.999999950e-04, v1;
	v1 =	vsub.f32 $-4.000000000e+00, v59  }
0x27: {  	v50 =	vadd.s32 s7, v9  }
0x28: {  	s3 =	srdreg.scid;
	s12 =	simm.s32 $0x1400;
	v60 =	vcvt.s32.f32 v50;
	v62 =	vmul.f32 $1.999999950e-04, v3;
	[tilespmem:$0x1FF90] =	vst v1;
	v1 =	vsub.f32 $-4.000000000e+00, v2  }
0x29: {  	s13 =	simm.s32 $0x2800;
	s14 =	simm.s32 $0x3C00;
	s15 =	simm.s32 $0x5000;
	[tilespmem:$0x1FF40] =	vst v56  }
0x2a: {  	s17 =	simm.s32 $0x7780;
	s18 =	simm.s32 $0x6E80;
	s19 =	simm.s32 $0x0;
	v61 =	vcvt.s32.f32 v51;
	v63 =	vmul.f32 $1.999999950e-04, v60;
	[tilespmem:$0x1FFC0] =	vst v1;
	v1 =	vsub.f32 $-4.000000000e+00, v62  }
0x2b: {  	s9 =	sand.u32 $0x1, s3;
	s3 =	sadd.s32 $0x800, s8;
	s4 =	sadd.s32 $0xC00, s8;
	[tilespmem:$0x1FF80] =	vst v3  }
0x2c: {  	s5 =	sadd.s32 $0x1000, s8;
	s10 =	ssub.s32 $0x2, s9;
	s16 =	sor.u32 s9, s0;
	v8 =	vmul.f32 $1.999999950e-04, v61;
	[tilespmem:$0x1FFD0] =	vst v1;
	v1 =	vsub.f32 $-4.000000000e+00, v63  }
0x2d: {  	s6 =	sadd.s32 $0x1400, s8;
	s11 =	sshrl.u32 s10, $0x1;
	p3 =	sne.s32 s16, $0x0;
	[tilespmem:$0x1FFA0] =	vst v60  }
0x2e: {  	s16 =	simm.s32 $0x7700;
	s10 =	ssub.s32 s10, s11;
	s11 =	simm.s32 $0x1;
	[tilespmem:$0x1FFE0] =	vst v1;
	v1 =	vsub.f32 $-4.000000000e+00, v8  }
0x2f: {  	vm0 =	vcmask $0x3F0C;
	s9 =	smax.u32 s10, $0x1;
	s10 =	simm.s32 $0x0;
	s7 =	sadd.s32 $0x1800, s8;
	[tilespmem:$0x1FFB0] =	vst v61  }
0x30: {  	vm1 =	vcmask $0x3F08;
	vm2 =	vcmask $0x3F04;
	s8 =	sadd.s32 $0x1C00, s8;
	[dreg:$0x3] =	wrdreg s18;
	s18 =	simm.s32 $0x6F00;
	v61 =	vimm.f32 $0.0e+00;
	[tilespmem:$0x1FFF0] =	vst v1  }
.LBB2_1:
0x31: {  	[tilespmem:s10], [sflag:$0x1] =	stream.linear.gather [hbm4b:s3+s10], $0x1400, $0x38;
	[tilespmem:$0x7F60] =	vst v63  }
0x32: {  	_ =	swait.ge [sflag:s11], $0x1400  }
0x33: {  	[sflag:s11] =	ssyncset.done $0x0  }
0x34: {  	[sflag:s11] =	ssyncadd.s32 $0xFFFFEC00  }
0x35: {  	[tilespmem:s12], [sflag:$0x1] =	stream.linear.gather [hbm4b:s4+s10], $0x1400, $0x38;
	[tilespmem:$0x7F60] =	vst v63  }
0x36: {  	_ =	swait.ge [sflag:s11], $0x1400  }
0x37: {  	[sflag:s11] =	ssyncset.done $0x0  }
0x38: {  	[sflag:s11] =	ssyncadd.s32 $0xFFFFEC00  }
0x39: {  	[tilespmem:s13], [sflag:$0x1] =	stream.linear.gather [hbm4b:s5+s10], $0x1400, $0x38;
	[tilespmem:$0x7F60] =	vst v63  }
0x3a: {  	_ =	swait.ge [sflag:s11], $0x1400  }
0x3b: {  	[sflag:s11] =	ssyncset.done $0x0  }
0x3c: {  	[sflag:s11] =	ssyncadd.s32 $0xFFFFEC00  }
0x3d: {  	[tilespmem:s14], [sflag:$0x1] =	stream.linear.gather [hbm4b:s6+s10], $0x1400, $0x38;
	[tilespmem:$0x7F60] =	vst v63  }
0x3e: {  	_ =	swait.ge [sflag:s11], $0x1400  }
0x3f: {  	[sflag:s11] =	ssyncset.done $0x0  }
0x40: {  	[sflag:s11] =	ssyncadd.s32 $0xFFFFEC00  }
0x41: {  	[tilespmem:s15], [sflag:$0x1] =	stream.linear.gather [hbm4b:s7+s10], $0x1400, $0x38;
	[tilespmem:$0x7F60] =	vst v63  }
0x42: {  	_ =	swait.ge [sflag:s11], $0x1400  }
0x43: {  	v1 =	vld [tilespmem:$0x1FD40];
	_ =	sdelay $0x5  }
0x44: {  	[sflag:s11] =	ssyncset.done $0x0  }
0x45: {  	[sflag:s11] =	ssyncadd.s32 $0xFFFFEC00  }
0x46: {  	v2 =	vld.idx.msk [tilespmem:v1+s10+$0x0], $0xffff  }
0x47: {  	v4 =	vld.idx.msk [tilespmem:v1+s12+$0x0], $0xffff  }
0x48: {  	v7 =	vld.idx.msk [tilespmem:v1+s13+$0x0], $0xffff  }
0x49: {  	v8 =	vld.idx.msk [tilespmem:v1+s14+$0x0], $0xffff;
	_ =	sdelay $0x2  }
0x4a: {  	v9 =	vld.idx.msk [tilespmem:v1+s15+$0x0], $0xffff  }
0x4b: {  	v1 =	vld [tilespmem:$0x1FDA0]  }
0x4c: {  	[tilespmem:$0x6400] =	vst v2;
	v2 =	vsub.f32 v7, v2;
	v10 =	vsub.f32 v8, v4;
	_ =	sdelay $0x1  }
0x4d: {  	v3 =	vld [tilespmem:$0x1FD50];
	v2 =	vmul.f32 v10, v2  }
0x4e: {  	vm3 =	vgt.f32 v9, $5.000000070e-02  }
0x4f: {  	[tilespmem:$0x6A00] =	vst v2;
	v2 =	vsel vm3, v9, v1;
	v1 =	vld [tilespmem:$0x1FD60]  }
0x50: {  	[tilespmem:$0x6580] =	vst v4  }
0x51: {  	[tilespmem:$0x6700] =	vst v7;
	vm3 =	vlt.f32 v9, $-1.000000020e+29  }
0x52: {  	[tilespmem:$0x6880] =	vst v8;
	v2 =	vsel vm3, $0xF149F2CA, v2  }
0x53: {  	[tilespmem:$0x6B80] =	vst v2  }
0x54: {  	[tilespmem:$0x6D00] =	vst v1  }
0x55: {  	v4 =	vld.idx.msk [tilespmem:v3+s10+$0x0], $0xffff  }
0x56: {  	v7 =	vld.idx.msk [tilespmem:v3+s12+$0x0], $0xffff  }
0x57: {  	v8 =	vld.idx.msk [tilespmem:v3+s13+$0x0], $0xffff  }
0x58: {  	v9 =	vld.idx.msk [tilespmem:v3+s14+$0x0], $0xffff;
	_ =	sdelay $0x2  }
0x59: {  	v10 =	vld.idx.msk [tilespmem:v3+s15+$0x0], $0xffff  }
0x5a: {  	v3 =	vld [tilespmem:$0x1FDB0]  }
0x5b: {  	[tilespmem:$0x6410] =	vst v4;
	v4 =	vsub.f32 v8, v4;
	v12 =	vsub.f32 v9, v7;
	_ =	sdelay $0x1  }
0x5c: {  	v5 =	vld [tilespmem:$0x1FD80];
	v4 =	vmul.f32 v12, v4  }
0x5d: {  	vm3 =	vgt.f32 v10, $5.000000070e-02  }
0x5e: {  	[tilespmem:$0x6A10] =	vst v4;
	v4 =	vsel vm3, v10, v3;
	v3 =	vld [tilespmem:$0x1FD70]  }
0x5f: {  	[tilespmem:$0x6590] =	vst v7  }
0x60: {  	[tilespmem:$0x6710] =	vst v8;
	vm3 =	vlt.f32 v10, $-1.000000020e+29  }
0x61: {  	[tilespmem:$0x6890] =	vst v9;
	v4 =	vsel vm3, $0xF149F2CA, v4  }
0x62: {  	[tilespmem:$0x6B90] =	vst v4  }
0x63: {  	[tilespmem:$0x6D10] =	vst v3  }
0x64: {  	v7 =	vld.idx.msk [tilespmem:v5+s10+$0x0], $0xffff  }
0x65: {  	v8 =	vld.idx.msk [tilespmem:v5+s12+$0x0], $0xffff  }
0x66: {  	v9 =	vld.idx.msk [tilespmem:v5+s13+$0x0], $0xffff  }
0x67: {  	v10 =	vld.idx.msk [tilespmem:v5+s14+$0x0], $0xffff;
	_ =	sdelay $0x2  }
0x68: {  	v12 =	vld.idx.msk [tilespmem:v5+s15+$0x0], $0xffff  }
0x69: {  	v5 =	vld [tilespmem:$0x1FDE0]  }
0x6a: {  	[tilespmem:$0x6420] =	vst v7;
	v7 =	vsub.f32 v9, v7;
	v15 =	vsub.f32 v10, v8;
	_ =	sdelay $0x1  }
0x6b: {  	v6 =	vld [tilespmem:$0x1FDC0];
	v7 =	vmul.f32 v15, v7  }
0x6c: {  	vm3 =	vgt.f32 v12, $5.000000070e-02  }
0x6d: {  	[tilespmem:$0x6A20] =	vst v7;
	v7 =	vsel vm3, v12, v5;
	v5 =	vld [tilespmem:$0x1FD90];
	_ =	sdelay $0x2  }
0x6e: {  	[tilespmem:$0x6D20] =	vst v6  }
0x6f: {  	[tilespmem:$0x65A0] =	vst v8  }
0x70: {  	[tilespmem:$0x6720] =	vst v9;
	vm3 =	vlt.f32 v12, $-1.000000020e+29  }
0x71: {  	[tilespmem:$0x68A0] =	vst v10;
	v7 =	vsel vm3, $0xF149F2CA, v7  }
0x72: {  	[tilespmem:$0x6BA0] =	vst v7  }
0x73: {  	v8 =	vld.idx.msk [tilespmem:v5+s10+$0x0], $0xffff  }
0x74: {  	v9 =	vld.idx.msk [tilespmem:v5+s12+$0x0], $0xffff  }
0x75: {  	v10 =	vld.idx.msk [tilespmem:v5+s13+$0x0], $0xffff  }
0x76: {  	v12 =	vld.idx.msk [tilespmem:v5+s14+$0x0], $0xffff;
	_ =	sdelay $0x2  }
0x77: {  	v15 =	vld.idx.msk [tilespmem:v5+s15+$0x0], $0xffff  }
0x78: {  	v5 =	vld [tilespmem:$0x1FDF0]  }
0x79: {  	[tilespmem:$0x6430] =	vst v8;
	v8 =	vsub.f32 v10, v8;
	v16 =	vsub.f32 v12, v9;
	_ =	sdelay $0x1  }
0x7a: {  	v8 =	vmul.f32 v16, v8  }
0x7b: {  	vm3 =	vgt.f32 v15, $5.000000070e-02  }
0x7c: {  	[tilespmem:$0x6A30] =	vst v8;
	v8 =	vsel vm3, v15, v5;
	v5 =	vld [tilespmem:$0x1FDD0]  }
0x7d: {  	[tilespmem:$0x65B0] =	vst v9  }
0x7e: {  	[tilespmem:$0x6730] =	vst v10;
	vm3 =	vlt.f32 v15, $-1.000000020e+29  }
0x7f: {  	[tilespmem:$0x68B0] =	vst v12;
	v8 =	vsel vm3, $0xF149F2CA, v8  }
0x80: {  	[tilespmem:$0x6BB0] =	vst v8  }
0x81: {  	[tilespmem:$0x6D30] =	vst v5  }
0x82: {  	v9 =	vld.idx.msk [tilespmem:v11+s10+$0x0], $0xffff  }
0x83: {  	v10 =	vld.idx.msk [tilespmem:v11+s12+$0x0], $0xffff  }
0x84: {  	v12 =	vld.idx.msk [tilespmem:v11+s13+$0x0], $0xffff  }
0x85: {  	v15 =	vld.idx.msk [tilespmem:v11+s14+$0x0], $0xffff;
	_ =	sdelay $0x4  }
0x86: {  	v16 =	vld.idx.msk [tilespmem:v11+s15+$0x0], $0xffff;
	[tilespmem:$0x6440] =	vst v9;
	v9 =	vsub.f32 v12, v9;
	v17 =	vsub.f32 v15, v10;
	_ =	sdelay $0x1  }
0x87: {  	v27 =	vld [tilespmem:$0x1FE00];
	v9 =	vmul.f32 v17, v9;
	_ =	sdelay $0x1  }
0x88: {  	[tilespmem:$0x6A40] =	vst v9;
	v9 =	vld [tilespmem:$0x1FE30];
	_ =	sdelay $0x2  }
0x89: {  	[tilespmem:$0x6D40] =	vst v27  }
0x8a: {  	[tilespmem:$0x65C0] =	vst v10;
	vm3 =	vgt.f32 v16, $5.000000070e-02  }
0x8b: {  	[tilespmem:$0x6740] =	vst v12;
	v9 =	vsel vm3, v16, v9;
	vm3 =	vlt.f32 v16, $-1.000000020e+29  }
0x8c: {  	[tilespmem:$0x68C0] =	vst v15;
	v9 =	vsel vm3, $0xF149F2CA, v9  }
0x8d: {  	[tilespmem:$0x6BC0] =	vst v9  }
0x8e: {  	v10 =	vld.idx.msk [tilespmem:v13+s10+$0x0], $0xffff  }
0x8f: {  	v12 =	vld.idx.msk [tilespmem:v13+s12+$0x0], $0xffff  }
0x90: {  	v15 =	vld.idx.msk [tilespmem:v13+s13+$0x0], $0xffff  }
0x91: {  	v16 =	vld.idx.msk [tilespmem:v13+s14+$0x0], $0xffff;
	_ =	sdelay $0x4  }
0x92: {  	v17 =	vld.idx.msk [tilespmem:v13+s15+$0x0], $0xffff;
	[tilespmem:$0x6450] =	vst v10;
	v10 =	vsub.f32 v15, v10;
	v18 =	vsub.f32 v16, v12;
	_ =	sdelay $0x1  }
0x93: {  	v31 =	vld [tilespmem:$0x1FE10];
	v10 =	vmul.f32 v18, v10;
	_ =	sdelay $0x1  }
0x94: {  	[tilespmem:$0x6A50] =	vst v10;
	v10 =	vld [tilespmem:$0x1FE40];
	_ =	sdelay $0x2  }
0x95: {  	[tilespmem:$0x6D50] =	vst v31  }
0x96: {  	[tilespmem:$0x65D0] =	vst v12;
	vm3 =	vgt.f32 v17, $5.000000070e-02  }
0x97: {  	[tilespmem:$0x6750] =	vst v15;
	v10 =	vsel vm3, v17, v10;
	vm3 =	vlt.f32 v17, $-1.000000020e+29  }
0x98: {  	[tilespmem:$0x68D0] =	vst v16;
	v10 =	vsel vm3, $0xF149F2CA, v10  }
0x99: {  	[tilespmem:$0x6BD0] =	vst v10  }
0x9a: {  	v12 =	vld.idx.msk [tilespmem:v14+s10+$0x0], $0xffff  }
0x9b: {  	v15 =	vld.idx.msk [tilespmem:v14+s12+$0x0], $0xffff  }
0x9c: {  	v16 =	vld.idx.msk [tilespmem:v14+s13+$0x0], $0xffff  }
0x9d: {  	v17 =	vld.idx.msk [tilespmem:v14+s14+$0x0], $0xffff;
	_ =	sdelay $0x4  }
0x9e: {  	v18 =	vld.idx.msk [tilespmem:v14+s15+$0x0], $0xffff;
	[tilespmem:$0x6460] =	vst v12;
	v12 =	vsub.f32 v16, v12;
	v20 =	vsub.f32 v17, v15;
	_ =	sdelay $0x1  }
0x9f: {  	v32 =	vld [tilespmem:$0x1FE20];
	v12 =	vmul.f32 v20, v12;
	_ =	sdelay $0x1  }
0xa0: {  	[tilespmem:$0x6A60] =	vst v12;
	v12 =	vld [tilespmem:$0x1FE50];
	_ =	sdelay $0x2  }
0xa1: {  	[tilespmem:$0x6D60] =	vst v32  }
0xa2: {  	[tilespmem:$0x65E0] =	vst v15;
	vm3 =	vgt.f32 v18, $5.000000070e-02  }
0xa3: {  	[tilespmem:$0x6760] =	vst v16;
	v12 =	vsel vm3, v18, v12;
	vm3 =	vlt.f32 v18, $-1.000000020e+29  }
0xa4: {  	[tilespmem:$0x68E0] =	vst v17;
	v15 =	vsel vm3, $0xF149F2CA, v12  }
0xa5: {  	[tilespmem:$0x6BE0] =	vst v15  }
0xa6: {  	v12 =	vld.idx.msk [tilespmem:v19+s10+$0x0], $0xffff  }
0xa7: {  	v16 =	vld.idx.msk [tilespmem:v19+s12+$0x0], $0xffff  }
0xa8: {  	v17 =	vld.idx.msk [tilespmem:v19+s13+$0x0], $0xffff  }
0xa9: {  	v18 =	vld.idx.msk [tilespmem:v19+s14+$0x0], $0xffff;
	_ =	sdelay $0x4  }
0xaa: {  	v20 =	vld.idx.msk [tilespmem:v19+s15+$0x0], $0xffff;
	[tilespmem:$0x6470] =	vst v12;
	v12 =	vsub.f32 v17, v12;
	v21 =	vsub.f32 v18, v16;
	_ =	sdelay $0x1  }
0xab: {  	v36 =	vld [tilespmem:$0x1FE60];
	v12 =	vmul.f32 v21, v12;
	_ =	sdelay $0x1  }
0xac: {  	[tilespmem:$0x6A70] =	vst v12;
	v12 =	vld [tilespmem:$0x1FE70];
	_ =	sdelay $0x2  }
0xad: {  	[tilespmem:$0x6D70] =	vst v36  }
0xae: {  	[tilespmem:$0x65F0] =	vst v16;
	vm3 =	vgt.f32 v20, $5.000000070e-02  }
0xaf: {  	[tilespmem:$0x6770] =	vst v17;
	v12 =	vsel vm3, v20, v12;
	vm3 =	vlt.f32 v20, $-1.000000020e+29  }
0xb0: {  	[tilespmem:$0x68F0] =	vst v18;
	v18 =	vsel vm3, $0xF149F2CA, v12  }
0xb1: {  	[tilespmem:$0x6BF0] =	vst v18  }
0xb2: {  	v12 =	vld.idx.msk [tilespmem:v24+s10+$0x0], $0xffff  }
0xb3: {  	v16 =	vld.idx.msk [tilespmem:v24+s12+$0x0], $0xffff  }
0xb4: {  	v17 =	vld.idx.msk [tilespmem:v24+s13+$0x0], $0xffff  }
0xb5: {  	v20 =	vld.idx.msk [tilespmem:v24+s14+$0x0], $0xffff;
	_ =	sdelay $0x4  }
0xb6: {  	v53 =	vld.idx.msk [tilespmem:v24+s15+$0x0], $0xffff;
	[tilespmem:$0x6480] =	vst v12;
	v12 =	vsub.f32 v17, v12;
	v22 =	vsub.f32 v20, v16;
	_ =	sdelay $0x1  }
0xb7: {  	v41 =	vld [tilespmem:$0x1FE80];
	v12 =	vmul.f32 v22, v12;
	_ =	sdelay $0x1  }
0xb8: {  	[tilespmem:$0x6A80] =	vst v12;
	v12 =	vld [tilespmem:$0x1FEC0];
	_ =	sdelay $0x2  }
0xb9: {  	[tilespmem:$0x6D80] =	vst v41  }
0xba: {  	[tilespmem:$0x6600] =	vst v16;
	vm3 =	vgt.f32 v53, $5.000000070e-02  }
0xbb: {  	[tilespmem:$0x6780] =	vst v17;
	v12 =	vsel vm3, v53, v12;
	vm3 =	vlt.f32 v53, $-1.000000020e+29  }
0xbc: {  	[tilespmem:$0x6900] =	vst v20;
	v12 =	vsel vm3, $0xF149F2CA, v12  }
0xbd: {  	[tilespmem:$0x6C00] =	vst v12  }
0xbe: {  	v16 =	vld.idx.msk [tilespmem:v26+s10+$0x0], $0xffff  }
0xbf: {  	v17 =	vld.idx.msk [tilespmem:v26+s12+$0x0], $0xffff  }
0xc0: {  	v20 =	vld.idx.msk [tilespmem:v26+s13+$0x0], $0xffff  }
0xc1: {  	v54 =	vld.idx.msk [tilespmem:v26+s14+$0x0], $0xffff;
	_ =	sdelay $0x4  }
0xc2: {  	v55 =	vld.idx.msk [tilespmem:v26+s15+$0x0], $0xffff;
	[tilespmem:$0x6490] =	vst v16;
	v16 =	vsub.f32 v20, v16;
	v23 =	vsub.f32 v54, v17;
	_ =	sdelay $0x1  }
0xc3: {  	v42 =	vld [tilespmem:$0x1FE90];
	v16 =	vmul.f32 v23, v16;
	_ =	sdelay $0x1  }
0xc4: {  	[tilespmem:$0x6A90] =	vst v16;
	v16 =	vld [tilespmem:$0x1FED0];
	_ =	sdelay $0x2  }
0xc5: {  	[tilespmem:$0x6D90] =	vst v42  }
0xc6: {  	[tilespmem:$0x6610] =	vst v17;
	vm3 =	vgt.f32 v55, $5.000000070e-02  }
0xc7: {  	[tilespmem:$0x6790] =	vst v20;
	v16 =	vsel vm3, v55, v16;
	vm3 =	vlt.f32 v55, $-1.000000020e+29  }
0xc8: {  	[tilespmem:$0x6910] =	vst v54;
	v20 =	vsel vm3, $0xF149F2CA, v16  }
0xc9: {  	[tilespmem:$0x6C10] =	vst v20  }
0xca: {  	v16 =	vld.idx.msk [tilespmem:v28+s10+$0x0], $0xffff  }
0xcb: {  	v17 =	vld.idx.msk [tilespmem:v28+s12+$0x0], $0xffff  }
0xcc: {  	v21 =	vld.idx.msk [tilespmem:v28+s13+$0x0], $0xffff  }
0xcd: {  	v56 =	vld.idx.msk [tilespmem:v28+s14+$0x0], $0xffff;
	_ =	sdelay $0x4  }
0xce: {  	v57 =	vld.idx.msk [tilespmem:v28+s15+$0x0], $0xffff;
	[tilespmem:$0x64A0] =	vst v16;
	v16 =	vsub.f32 v21, v16;
	v25 =	vsub.f32 v56, v17;
	_ =	sdelay $0x1  }
0xcf: {  	v45 =	vld [tilespmem:$0x1FEA0];
	v16 =	vmul.f32 v25, v16;
	_ =	sdelay $0x1  }
0xd0: {  	[tilespmem:$0x6AA0] =	vst v16;
	v16 =	vld [tilespmem:$0x1FEE0];
	_ =	sdelay $0x2  }
0xd1: {  	[tilespmem:$0x6DA0] =	vst v45  }
0xd2: {  	[tilespmem:$0x6620] =	vst v17;
	vm3 =	vgt.f32 v57, $5.000000070e-02  }
0xd3: {  	[tilespmem:$0x67A0] =	vst v21;
	v16 =	vsel vm3, v57, v16;
	vm3 =	vlt.f32 v57, $-1.000000020e+29  }
0xd4: {  	[tilespmem:$0x6920] =	vst v56;
	v22 =	vsel vm3, $0xF149F2CA, v16  }
0xd5: {  	[tilespmem:$0x6C20] =	vst v22  }
0xd6: {  	v16 =	vld.idx.msk [tilespmem:v29+s10+$0x0], $0xffff  }
0xd7: {  	v17 =	vld.idx.msk [tilespmem:v29+s12+$0x0], $0xffff  }
0xd8: {  	v21 =	vld.idx.msk [tilespmem:v29+s13+$0x0], $0xffff  }
0xd9: {  	v58 =	vld.idx.msk [tilespmem:v29+s14+$0x0], $0xffff;
	_ =	sdelay $0x4  }
0xda: {  	v25 =	vld.idx.msk [tilespmem:v29+s15+$0x0], $0xffff;
	[tilespmem:$0x64B0] =	vst v16;
	v16 =	vsub.f32 v21, v16;
	v30 =	vsub.f32 v58, v17;
	_ =	sdelay $0x1  }
0xdb: {  	v47 =	vld [tilespmem:$0x1FEB0];
	v16 =	vmul.f32 v30, v16;
	_ =	sdelay $0x1  }
0xdc: {  	[tilespmem:$0x6AB0] =	vst v16;
	v16 =	vld [tilespmem:$0x1FEF0];
	_ =	sdelay $0x2  }
0xdd: {  	[tilespmem:$0x6DB0] =	vst v47  }
0xde: {  	[tilespmem:$0x6630] =	vst v17;
	vm3 =	vgt.f32 v25, $5.000000070e-02  }
0xdf: {  	[tilespmem:$0x67B0] =	vst v21;
	v16 =	vsel vm3, v25, v16;
	vm3 =	vlt.f32 v25, $-1.000000020e+29  }
0xe0: {  	[tilespmem:$0x6930] =	vst v58;
	v23 =	vsel vm3, $0xF149F2CA, v16  }
0xe1: {  	[tilespmem:$0x6C30] =	vst v23  }
0xe2: {  	v16 =	vld.idx.msk [tilespmem:v33+s10+$0x0], $0xffff  }
0xe3: {  	v17 =	vld.idx.msk [tilespmem:v33+s12+$0x0], $0xffff  }
0xe4: {  	v21 =	vld.idx.msk [tilespmem:v33+s13+$0x0], $0xffff  }
0xe5: {  	v25 =	vld.idx.msk [tilespmem:v33+s14+$0x0], $0xffff;
	_ =	sdelay $0x4  }
0xe6: {  	v30 =	vld.idx.msk [tilespmem:v33+s15+$0x0], $0xffff;
	[tilespmem:$0x64C0] =	vst v16;
	v16 =	vsub.f32 v21, v16;
	v34 =	vsub.f32 v25, v17;
	_ =	sdelay $0x1  }
0xe7: {  	v49 =	vld [tilespmem:$0x1FF00];
	v16 =	vmul.f32 v34, v16;
	_ =	sdelay $0x1  }
0xe8: {  	[tilespmem:$0x6AC0] =	vst v16;
	v16 =	vld [tilespmem:$0x1FF10];
	_ =	sdelay $0x2  }
0xe9: {  	[tilespmem:$0x6DC0] =	vst v49  }
0xea: {  	[tilespmem:$0x6640] =	vst v17;
	vm3 =	vgt.f32 v30, $5.000000070e-02  }
0xeb: {  	[tilespmem:$0x67C0] =	vst v21;
	v16 =	vsel vm3, v30, v16;
	vm3 =	vlt.f32 v30, $-1.000000020e+29  }
0xec: {  	[tilespmem:$0x6940] =	vst v25;
	v30 =	vsel vm3, $0xF149F2CA, v16  }
0xed: {  	[tilespmem:$0x6C40] =	vst v30  }
0xee: {  	v16 =	vld.idx.msk [tilespmem:v39+s10+$0x0], $0xffff  }
0xef: {  	v17 =	vld.idx.msk [tilespmem:v39+s12+$0x0], $0xffff  }
0xf0: {  	v21 =	vld.idx.msk [tilespmem:v39+s13+$0x0], $0xffff  }
0xf1: {  	v25 =	vld.idx.msk [tilespmem:v39+s14+$0x0], $0xffff;
	_ =	sdelay $0x4  }
0xf2: {  	v59 =	vld.idx.msk [tilespmem:v39+s15+$0x0], $0xffff;
	[tilespmem:$0x64D0] =	vst v16;
	v16 =	vsub.f32 v21, v16;
	v35 =	vsub.f32 v25, v17;
	_ =	sdelay $0x1  }
0xf3: {  	v53 =	vld [tilespmem:$0x1FF20];
	v16 =	vmul.f32 v35, v16;
	_ =	sdelay $0x1  }
0xf4: {  	[tilespmem:$0x6AD0] =	vst v16;
	v16 =	vld [tilespmem:$0x1FF50];
	_ =	sdelay $0x2  }
0xf5: {  	[tilespmem:$0x6DD0] =	vst v53  }
0xf6: {  	[tilespmem:$0x6650] =	vst v17;
	vm3 =	vgt.f32 v59, $5.000000070e-02  }
0xf7: {  	[tilespmem:$0x67D0] =	vst v21;
	v16 =	vsel vm3, v59, v16;
	vm3 =	vlt.f32 v59, $-1.000000020e+29  }
0xf8: {  	[tilespmem:$0x6950] =	vst v25;
	v34 =	vsel vm3, $0xF149F2CA, v16  }
0xf9: {  	[tilespmem:$0x6C50] =	vst v34  }
0xfa: {  	v16 =	vld.idx.msk [tilespmem:v40+s10+$0x0], $0xffff  }
0xfb: {  	v17 =	vld.idx.msk [tilespmem:v40+s12+$0x0], $0xffff  }
0xfc: {  	v21 =	vld.idx.msk [tilespmem:v40+s13+$0x0], $0xffff  }
0xfd: {  	v25 =	vld.idx.msk [tilespmem:v40+s14+$0x0], $0xffff;
	_ =	sdelay $0x4  }
0xfe: {  	v60 =	vld.idx.msk [tilespmem:v40+s15+$0x0], $0xffff;
	[tilespmem:$0x64E0] =	vst v16;
	v16 =	vsub.f32 v21, v16;
	v37 =	vsub.f32 v25, v17;
	_ =	sdelay $0x1  }
0xff: {  	v54 =	vld [tilespmem:$0x1FF30];
	v16 =	vmul.f32 v37, v16;
	_ =	sdelay $0x1  }
0x100: {  	[tilespmem:$0x6AE0] =	vst v16;
	v16 =	vld [tilespmem:$0x1FF60];
	_ =	sdelay $0x2  }
0x101: {  	[tilespmem:$0x6DE0] =	vst v54  }
0x102: {  	[tilespmem:$0x6660] =	vst v17;
	vm3 =	vgt.f32 v60, $5.000000070e-02  }
0x103: {  	[tilespmem:$0x67E0] =	vst v21;
	v16 =	vsel vm3, v60, v16;
	vm3 =	vlt.f32 v60, $-1.000000020e+29  }
0x104: {  	[tilespmem:$0x6960] =	vst v25;
	v35 =	vsel vm3, $0xF149F2CA, v16  }
0x105: {  	[tilespmem:$0x6C60] =	vst v35  }
0x106: {  	v16 =	vld.idx.msk [tilespmem:v43+s10+$0x0], $0xffff  }
0x107: {  	v17 =	vld.idx.msk [tilespmem:v43+s12+$0x0], $0xffff  }
0x108: {  	v21 =	vld.idx.msk [tilespmem:v43+s13+$0x0], $0xffff  }
0x109: {  	v25 =	vld.idx.msk [tilespmem:v43+s14+$0x0], $0xffff;
	_ =	sdelay $0x4  }
0x10a: {  	v62 =	vld.idx.msk [tilespmem:v43+s15+$0x0], $0xffff;
	[tilespmem:$0x64F0] =	vst v16;
	v16 =	vsub.f32 v21, v16;
	v38 =	vsub.f32 v25, v17;
	_ =	sdelay $0x1  }
0x10b: {  	v56 =	vld [tilespmem:$0x1FF40];
	v16 =	vmul.f32 v38, v16;
	_ =	sdelay $0x1  }
0x10c: {  	[tilespmem:$0x6AF0] =	vst v16;
	v16 =	vld [tilespmem:$0x1FF90];
	_ =	sdelay $0x2  }
0x10d: {  	[tilespmem:$0x6DF0] =	vst v56  }
0x10e: {  	[tilespmem:$0x6670] =	vst v17;
	vm3 =	vgt.f32 v62, $5.000000070e-02  }
0x10f: {  	[tilespmem:$0x67F0] =	vst v21;
	v16 =	vsel vm3, v62, v16;
	vm3 =	vlt.f32 v62, $-1.000000020e+29  }
0x110: {  	[tilespmem:$0x6970] =	vst v25;
	v16 =	vsel vm3, $0xF149F2CA, v16  }
0x111: {  	[tilespmem:$0x6C70] =	vst v16  }
0x112: {  	vm3 =	vgt.f32 v2, $-2.999999890e+30;
	v17 =	vld.idx.msk [tilespmem:v46+s10+$0x0], $0xffff  }
0x113: {  	vm4 =	vgt.f32 v4, $-2.999999890e+30;
	v2 =	vnsel vm3, $0xF2177617, v2;
	v21 =	vld.idx.msk [tilespmem:v46+s12+$0x0], $0xffff  }
0x114: {  	v25 =	vnsel vm4, $0xF2177617, v4;
	vm5 =	vgt.f32 v4, v2;
	v63 =	vld.idx.msk [tilespmem:v46+s13+$0x0], $0xffff  }
0x115: {  	v44 =	vld.idx.msk [tilespmem:v46+s14+$0x0], $0xffff;
	v25 =	vsel vm5, v2, v25  }
0x116: {  	v57 =	vnsel vm3, $0x4E6E6B28, v1;
	v2 =	vsel vm5, v4, v2;
	vm3 =	vgt.f32 v7, v25  }
0x117: {  	vm13 =	vgt.f32 v7, v2;
	v25 =	vsel vm3, v7, v25  }
0x118: {  	v52 =	vnsel vm4, $0x4E6E6B28, v3;
	v25 =	vsel vm13, v2, v25;
	v2 =	vsel vm13, v7, v2;
	v7 =	vld.idx.msk [tilespmem:v46+s15+$0x0], $0xffff  }
0x119: {  	v1 =	vld [tilespmem:$0x1FFC0];
	v4 =	vsel vm5, v57, v52;
	v38 =	vsel vm5, v3, v57  }
0x11a: {  	vm14 =	vgt.f32 v8, v25;
	v58 =	vsub.f32 v63, v17;
	v55 =	vsub.f32 v44, v21  }
0x11b: {  	v4 =	vsel vm3, v6, v4;
	vm3 =	vgt.f32 v8, v2;
	v25 =	vsel vm14, v8, v25  }
0x11c: {  	v25 =	vsel vm3, v2, v25;
	v2 =	vsel vm3, v8, v2;
	v8 =	vmul.f32 v55, v58  }
0x11d: {  	v4 =	vsel vm13, v38, v4;
	[tilespmem:$0x6500] =	vst v17;
	vm9 =	vgt.f32 v7, $5.000000070e-02  }
0x11e: {  	v17 =	vsel vm13, v6, v38;
	v4 =	vsel vm14, v5, v4;
	[tilespmem:$0x6B00] =	vst v8;
	v8 =	vsel vm9, v7, v1;
	v1 =	vld [tilespmem:$0x1FF70]  }
0x11f: {  	[tilespmem:$0x6680] =	vst v21;
	v4 =	vsel vm3, v17, v4;
	v17 =	vsel vm3, v5, v17;
	vm3 =	vgt.f32 v9, v25  }
0x120: {  	[tilespmem:$0x6800] =	vst v63;
	vm15 =	vgt.f32 v9, v2;
	v59 =	vsel vm3, v9, v25;
	vm10 =	vlt.f32 v7, $-1.000000020e+29  }
0x121: {  	[tilespmem:$0x6980] =	vst v44;
	v21 =	vsel vm15, v2, v59;
	v7 =	vsel vm15, v9, v2;
	v2 =	vsel vm10, $0xF149F2CA, v8  }
0x122: {  	[tilespmem:$0x6C80] =	vst v2  }
0x123: {  	vm6 =	vgt.f32 v10, v21;
	[tilespmem:$0x6E00] =	vst v1  }
0x124: {  	v4 =	vsel vm3, v27, v4;
	vm3 =	vgt.f32 v10, v7;
	v8 =	vsel vm6, v10, v21;
	v9 =	vld.idx.msk [tilespmem:v48+s10+$0x0], $0xffff  }
0x125: {  	v4 =	vsel vm15, v17, v4;
	v8 =	vsel vm3, v7, v8;
	v7 =	vsel vm3, v10, v7;
	v10 =	vld.idx.msk [tilespmem:v48+s12+$0x0], $0xffff  }
0x126: {  	v17 =	vsel vm15, v27, v17;
	v4 =	vsel vm6, v31, v4;
	vm11 =	vgt.f32 v15, v8;
	v60 =	vld.idx.msk [tilespmem:v48+s13+$0x0], $0xffff  }
0x127: {  	v4 =	vsel vm3, v17, v4;
	vm12 =	vgt.f32 v15, v7;
	v8 =	vsel vm11, v15, v8;
	v25 =	vld.idx.msk [tilespmem:v48+s14+$0x0], $0xffff  }
0x128: {  	v17 =	vsel vm3, v31, v17;
	v4 =	vsel vm11, v32, v4;
	v8 =	vsel vm12, v7, v8  }
0x129: {  	v7 =	vsel vm12, v15, v7;
	v4 =	vsel vm12, v17, v4;
	vm3 =	vgt.f32 v18, v8  }
0x12a: {  	v15 =	vsel vm12, v32, v17;
	v17 =	vld.idx.msk [tilespmem:v48+s15+$0x0], $0xffff;
	vm13 =	vgt.f32 v18, v7;
	v8 =	vsel vm3, v18, v8  }
0x12b: {  	v3 =	vld [tilespmem:$0x1FFD0];
	v8 =	vsel vm13, v7, v8  }
0x12c: {  	v7 =	vsel vm13, v18, v7;
	[tilespmem:$0x6510] =	vst v9;
	v9 =	vsub.f32 v60, v9;
	v18 =	vsub.f32 v25, v10;
	_ =	sdelay $0x1  }
0x12d: {  	v4 =	vsel vm3, v36, v4;
	v9 =	vmul.f32 v18, v9  }
0x12e: {  	v4 =	vsel vm13, v15, v4;
	vm14 =	vgt.f32 v12, v8;
	vm7 =	vgt.f32 v17, $5.000000070e-02  }
0x12f: {  	vm3 =	vgt.f32 v12, v7;
	v8 =	vsel vm14, v12, v8;
	[tilespmem:$0x6B10] =	vst v9;
	v9 =	vsel vm7, v17, v3;
	v3 =	vld [tilespmem:$0x1FF80]  }
0x130: {  	[tilespmem:$0x6690] =	vst v10;
	v10 =	vsel vm13, v36, v15;
	vm10 =	vlt.f32 v17, $-1.000000020e+29;
	v8 =	vsel vm3, v7, v8  }
0x131: {  	[tilespmem:$0x6810] =	vst v60;
	v4 =	vsel vm14, v41, v4;
	v7 =	vsel vm3, v12, v7;
	vm15 =	vgt.f32 v20, v8  }
0x132: {  	[tilespmem:$0x6990] =	vst v25;
	vm9 =	vgt.f32 v20, v7;
	v8 =	vsel vm15, v20, v8;
	v9 =	vsel vm10, $0xF149F2CA, v9  }
0x133: {  	v4 =	vsel vm3, v10, v4;
	v8 =	vsel vm9, v7, v8;
	[tilespmem:$0x6C90] =	vst v9  }
0x134: {  	v10 =	vsel vm3, v41, v10;
	v7 =	vsel vm9, v20, v7;
	vm11 =	vgt.f32 v22, v8;
	[tilespmem:$0x6E10] =	vst v3  }
0x135: {  	v4 =	vsel vm15, v42, v4;
	vm12 =	vgt.f32 v22, v7;
	v8 =	vsel vm11, v22, v8;
	v12 =	vld.idx.msk [tilespmem:v50+s10+$0x0], $0xffff  }
0x136: {  	v4 =	vsel vm9, v10, v4;
	v8 =	vsel vm12, v7, v8;
	v15 =	vld.idx.msk [tilespmem:v50+s12+$0x0], $0xffff  }
0x137: {  	v10 =	vsel vm9, v42, v10;
	v7 =	vsel vm12, v22, v7;
	vm3 =	vgt.f32 v23, v8;
	v17 =	vld.idx.msk [tilespmem:v50+s13+$0x0], $0xffff  }
0x138: {  	v4 =	vsel vm11, v45, v4;
	vm13 =	vgt.f32 v23, v7;
	v8 =	vsel vm3, v23, v8;
	v18 =	vld.idx.msk [tilespmem:v50+s14+$0x0], $0xffff  }
0x139: {  	v4 =	vsel vm12, v10, v4;
	v10 =	vsel vm12, v45, v10;
	v8 =	vsel vm13, v7, v8  }
0x13a: {  	v4 =	vsel vm3, v47, v4;
	v7 =	vsel vm13, v23, v7;
	vm14 =	vgt.f32 v30, v8  }
0x13b: {  	v20 =	vld.idx.msk [tilespmem:v50+s15+$0x0], $0xffff;
	v4 =	vsel vm13, v10, v4;
	vm15 =	vgt.f32 v30, v7;
	v8 =	vsel vm14, v30, v8  }
0x13c: {  	v5 =	vld [tilespmem:$0x1FFE0];
	v10 =	vsel vm13, v47, v10;
	v8 =	vsel vm15, v7, v8;
	v7 =	vsel vm15, v30, v7  }
0x13d: {  	vm9 =	vgt.f32 v34, v8;
	v62 =	vsub.f32 v17, v12;
	v63 =	vsub.f32 v18, v15  }
0x13e: {  	v4 =	vsel vm14, v49, v4;
	vm3 =	vgt.f32 v34, v7;
	v8 =	vsel vm9, v34, v8  }
0x13f: {  	v4 =	vsel vm15, v10, v4;
	[tilespmem:$0x6520] =	vst v12;
	v8 =	vsel vm3, v7, v8;
	v12 =	vmul.f32 v63, v62  }
0x140: {  	vm12 =	vgt.f32 v20, $5.000000070e-02;
	v7 =	vsel vm3, v34, v7;
	vm10 =	vgt.f32 v35, v8  }
0x141: {  	vm11 =	vgt.f32 v35, v7;
	v8 =	vsel vm10, v35, v8;
	[tilespmem:$0x6B20] =	vst v12;
	v12 =	vsel vm12, v20, v5;
	v5 =	vld [tilespmem:$0x1FFA0]  }
0x142: {  	v10 =	vsel vm15, v49, v10;
	[tilespmem:$0x66A0] =	vst v15;
	v4 =	vsel vm9, v53, v4;
	v8 =	vsel vm11, v7, v8  }
0x143: {  	[tilespmem:$0x6820] =	vst v17;
	vm14 =	vlt.f32 v20, $-1.000000020e+29;
	v7 =	vsel vm11, v35, v7;
	vm13 =	vgt.f32 v16, v8  }
0x144: {  	[tilespmem:$0x69A0] =	vst v18;
	v12 =	vsel vm14, $0xF149F2CA, v12;
	vm15 =	vgt.f32 v16, v7;
	v8 =	vsel vm13, v16, v8  }
0x145: {  	v4 =	vsel vm3, v10, v4;
	v10 =	vsel vm3, v53, v10;
	[tilespmem:$0x6CA0] =	vst v12;
	v8 =	vsel vm15, v7, v8  }
0x146: {  	v4 =	vsel vm10, v54, v4;
	v7 =	vsel vm15, v16, v7;
	vm3 =	vgt.f32 v2, v8;
	[tilespmem:$0x6E20] =	vst v5  }
0x147: {  	v4 =	vsel vm11, v10, v4;
	vm9 =	vgt.f32 v2, v7;
	v8 =	vsel vm3, v2, v8;
	v15 =	vld.idx.msk [tilespmem:v51+s10+$0x0], $0xffff  }
0x148: {  	v10 =	vsel vm11, v54, v10;
	v4 =	vsel vm13, v56, v4;
	v16 =	vld.idx.msk [tilespmem:v51+s12+$0x0], $0xffff;
	v8 =	vsel vm9, v7, v8  }
0x149: {  	v4 =	vsel vm15, v10, v4;
	v2 =	vsel vm9, v2, v7;
	v17 =	vld.idx.msk [tilespmem:v51+s13+$0x0], $0xffff;
	vm10 =	vgt.f32 v9, v8  }
0x14a: {  	v4 =	vsel vm3, v1, v4;
	v7 =	vld.idx.msk [tilespmem:v51+s14+$0x0], $0xffff;
	vm11 =	vgt.f32 v9, v2;
	v8 =	vsel vm10, v9, v8  }
0x14b: {  	v18 =	vld.idx.msk [tilespmem:v51+s15+$0x0], $0xffff;
	v8 =	vsel vm11, v2, v8;
	v2 =	vsel vm11, v9, v2;
	v9 =	vsel vm15, v56, v10  }
0x14c: {  	v4 =	vsel vm9, v9, v4;
	v9 =	vsel vm9, v1, v9;
	v1 =	vld [tilespmem:$0x1FFF0];
	_ =	sdelay $0x1  }
0x14d: {  	vm3 =	vgt.f32 v12, v8;
	vm12 =	vgt.f32 v12, v2  }
0x14e: {  	v8 =	vsel vm3, v12, v8;
	v10 =	vsel vm12, v12, v2  }
0x14f: {  	v12 =	vsub.f32 v7, v16;
	vm13 =	vgt.f32 v18, $5.000000070e-02;
	v4 =	vsel vm10, v3, v4  }
0x150: {  	[tilespmem:$0x6530] =	vst v15;
	v8 =	vsel vm12, v2, v8;
	v2 =	vsub.f32 v17, v15;
	v15 =	vsel vm13, v18, v1;
	v1 =	vld [tilespmem:$0x1FFB0]  }
0x151: {  	[tilespmem:$0x66B0] =	vst v16;
	vm14 =	vlt.f32 v18, $-1.000000020e+29;
	v4 =	vsel vm11, v9, v4  }
0x152: {  	[tilespmem:$0x69B0] =	vst v7;
	v7 =	vsel vm11, v3, v9;
	v4 =	vsel vm3, v5, v4;
	v2 =	vmul.f32 v12, v2  }
0x153: {  	[tilespmem:$0x6830] =	vst v17;
	v4 =	vsel vm12, v7, v4;
	v12 =	vsel vm14, $0xF149F2CA, v15  }
0x154: {  	v7 =	vsel vm12, v5, v7;
	[tilespmem:$0x6B30] =	vst v2;
	vm3 =	vgt.f32 v12, v8;
	vm15 =	vgt.f32 v12, v10  }
0x155: {  	[tilespmem:$0x6CB0] =	vst v12;
	v2 =	vsel vm3, v12, v8;
	v8 =	vsel vm15, v12, v10;
	v4 =	vsel vm3, v1, v4  }
0x156: {  	s20 =	simm.s32 $0x0;
	s21 =	simm.s32 $0x0;
	v2 =	vsel vm15, v10, v2;
	[tilespmem:$0x6E30] =	vst v1;
	v4 =	vsel vm15, v7, v4;
	v7 =	vsel vm15, v1, v7  }
.LBB2_2:
0x157: {  	(xrf0) =	vmax.scan.msk.f32 $0xffff, v8;
	_ =	sdelay $0x5  }
0x158: {  	v9, _, _ =	vpop (xrf0)  }
0x159: {  	v9 =	vbroadcast v9, $0xF;
	_ =	sdelay $0x1  }
0x15a: {  	vm3 =	veq.f32 v8, v9  }
0x15b: {  	[tilespmem:s16+$0x0] =	vst.msk vm3, v7  }
0x15c: {  	v10 =	vld.msk [tilespmem:$0x7700 ss:$0x0], $0xffff;
	_ =	sdelay $0x4  }
0x15d: {  	vm3 =	veq.f32 v7, v10  }
0x15e: {  	v2 =	vsel vm3, v2, v8  }
0x15f: {  	(xrf0) =	vmax.scan.msk.f32 $0xffff, v2;
	_ =	sdelay $0x5  }
0x160: {  	v8, _, _ =	vpop (xrf0)  }
0x161: {  	v8 =	vbroadcast v8, $0xF;
	_ =	sdelay $0x1  }
0x162: {  	v4 =	vsel vm3, v4, v7;
	vm3 =	veq.f32 v2, v8  }
0x163: {  	[tilespmem:s17+$0x0] =	vst.msk vm3, v4  }
0x164: {  	v2 =	vld.msk [tilespmem:$0x7780 ss:$0x0], $0xffff;
	_ =	sdelay $0x3  }
0x165: {  	s22 =	sand.u32 $0x10, s20  }
0x166: {  	s22 =	sor.u32 $0x40, s22;
	v2 =	vsel vm0, v2, v8  }
0x167: {  	s23 =	sor.u32 s0, s22;
	v2 =	vsel vm1, v2, v10  }
0x168: {  	s23 =	sshll.u32 s23, $0x7;
	v2 =	vsel vm2, v2, v9  }
0x169: {  	s24 =	rddreg [dreg:$0x3];
	s23 =	sadd.s32 s23, s2;
	[tilespmem:$0x6E80] =	vst v2  }
0x16a: {  	[spmem:s23] =	stream.linear.scatter [tilespmem:s24], [sflag:$0x1], $0x80, $0x38;
	[tilespmem:$0x7F60] =	vst v63  }
0x16b: {  	_ =	swait.ge [sflag:s11], $0x80  }
0x16c: {  	[sflag:s11] =	ssyncset.done $0x0  }
0x16d: {  	s22 =	sshll.u32 s22, $0x7;
	v2 =	vmul.u32 $0x80, v0;
	[sflag:s11] =	ssyncadd.s32 $0xFFFFFF80  }
0x16e: {  	s22 =	sadd.s32 s22, s2;
	[bflag:$0x0] =	sbarrier.arrive $0xFFFF  }
0x16f: {  	[tilespmem:s18], [sflag:$0x1] =	stream.linear.gather [spmem:s22], $0x800, $0x38;
	[tilespmem:$0x7F60] =	vst v63  }
0x170: {  	_ =	swait.ge [sflag:s11], $0x800  }
0x171: {  	[sflag:s11] =	ssyncset.done $0x0  }
0x172: {  	[sflag:s11] =	ssyncadd.s32 $0xFFFFF800  }
0x173: {  	v4 =	vld.idx.msk [tilespmem:v2+s18+$0x0], $0xffff;
	_ =	sdelay $0x4  }
0x174: {  	v7 =	vor.u32 $0x1, v2;
	(xrf0) =	vmax.scan.msk.f32 $0xffff, v4;
	_ =	sdelay $0x3  }
0x175: {  	v8 =	vor.u32 $0x2, v2  }
0x176: {  	v2 =	vor.u32 $0x3, v2;
	v7 =	vld.idx.msk [tilespmem:v7+s18+$0x0], $0xffff  }
0x177: {  	v12, _, _ =	vpop (xrf0)  }
0x178: {  	v9 =	vbroadcast v12, $0xF;
	_ =	sdelay $0x1  }
0x179: {  	v8 =	vld.idx.msk [tilespmem:v8+s18+$0x0], $0xffff;
	vm3 =	veq.f32 v4, v9  }
0x17a: {  	v2 =	vld.idx.msk [tilespmem:v2+s18+$0x0], $0xffff;
	[tilespmem:s16+$0x0] =	vst.msk vm3, v7  }
0x17b: {  	v16 =	vld [tilespmem:$0x7700];
	_ =	sdelay $0x4  }
0x17c: {  	(v2sf) =	vpush v16, $0x0;
	_ =	sdelay $0xe  }
0x17d: {  	s30 =	spop (v2sf)  }
0x17e: {  	s22 =	scvt.f32.s32 s30;
	_ =	sdelay $0x1  }
0x17f: {  	v17 =	vmov s22;
	_ =	sdelay $0x1  }
0x180: {  	v9 =	vtrunc.f32 v7  }
0x181: {  	v20 =	vcvt.f32.s32 v9;
	_ =	sdelay $0x1  }
0x182: {  	v10 =	vld.idx.msk [tilespmem:v17+s10+$0x0], $0xffff  }
0x183: {  	v9 =	vld.idx.msk [tilespmem:v17+s12+$0x0], $0xffff  }
0x184: {  	v21 =	vtrunc.f32 v2;
	v15 =	vld.idx.msk [tilespmem:v17+s13+$0x0], $0xffff  }
0x185: {  	v18 =	vld.idx.msk [tilespmem:v17+s14+$0x0], $0xffff;
	v17 =	vcvt.f32.s32 v21  }
0x186: {  	v42 =	vld.idx.msk [tilespmem:v20+s10+$0x0], $0xffff  }
0x187: {  	v22 =	vld.idx.msk [tilespmem:v20+s12+$0x0], $0xffff  }
0x188: {  	v23 =	vld.idx.msk [tilespmem:v20+s13+$0x0], $0xffff  }
0x189: {  	v20 =	vld.idx.msk [tilespmem:v20+s14+$0x0], $0xffff;
	_ =	sdelay $0x1  }
0x18a: {  	v25 =	vsub.f32 v15, v10;
	v30 =	vsub.f32 v18, v9;
	v34 =	vld.idx.msk [tilespmem:v17+s10+$0x0], $0xffff  }
0x18b: {  	v35 =	vld.idx.msk [tilespmem:v17+s12+$0x0], $0xffff  }
0x18c: {  	v63 =	vmul.f32 v30, v25;
	v25 =	vld.idx.msk [tilespmem:v17+s13+$0x0], $0xffff  }
0x18d: {  	v37 =	vsub.f32 v20, v22;
	v30 =	vsub.f32 v23, v42;
	v17 =	vld.idx.msk [tilespmem:v17+s14+$0x0], $0xffff;
	_ =	sdelay $0x1  }
0x18e: {  	v20 =	vmin.f32 v20, v18;
	v22 =	vmax.f32 v22, v9;
	v30 =	vmul.f32 v37, v30  }
0x18f: {  	v21 =	vmax.f32 v42, v10;
	v20 =	vsub.f32 v20, v22;
	v23 =	vmin.f32 v23, v15  }
0x190: {  	v21 =	vsub.f32 v23, v21;
	v44 =	vadd.f32 v30, v63  }
0x191: {  	v45 =	vsub.f32 v25, v34;
	v30 =	vsub.f32 v17, v35;
	v25 =	vmin.f32 v25, v15  }
0x192: {  	v34 =	vmax.f32 v34, v10;
	v17 =	vmin.f32 v17, v18;
	v35 =	vmax.f32 v35, v9  }
0x193: {  	v47 =	vsub.f32 v25, v34;
	v17 =	vsub.f32 v17, v35  }
0x194: {  	v20 =	vmax.f32 v20, $0.0e+00;
	v21 =	vmax.f32 v21, $0.0e+00;
	v23 =	vmul.f32 v30, v45  }
0x195: {  	v20 =	vmul.f32 v20, v21;
	v21 =	vmax.f32 v47, $0.0e+00;
	v17 =	vmax.f32 v17, $0.0e+00  }
0x196: {  	v17 =	vmul.f32 v17, v21;
	v49 =	vadd.f32 v23, v63;
	_ =	sdelay $0x1  }
0x197: {  	v62 =	vbroadcast v16, $0x0;
	v21 =	vsub.f32 v49, v17  }
0x198: {  	vm12 =	vgt.f32 v8, $5.000000070e-02;
	v22 =	vsub.f32 v44, v20  }
0x199: {  	vm13 =	vgt.f32 v4, $5.000000070e-02;
	vm4 =	vlt.f32 v7, v62;
	v16 =	vmax.f32 v21, $9.999999710e-10  }
0x19a: {  	vm5 =	vgt.f32 v7, v62;
	v22 =	vmax.f32 v22, $9.999999710e-10;
	v16 =	vmul.f32 $6.999999880e-01, v16  }
0x19b: {  	vm11 =	vlt.f32 v2, v62;
	vm6 =	vgt.f32 v2, v62;
	v22 =	vmul.f32 $6.999999880e-01, v22  }
0x19c: {  	vm4 =	vmor vm5, vm4;
	vm5 =	vmor vm6, vm11;
	vm7 =	vgt.f32 v17, v16  }
0x19d: {  	vm5 =	vmneg vm5;
	vm3 =	vgt.f32 v20, v22;
	vm6 =	vmand vm12, vm7  }
0x19e: {  	vm4 =	vmneg vm4;
	vm3 =	vmand vm13, vm3;
	vm5 =	vmor vm5, vm6  }
0x19f: {  	vm3 =	vmor vm4, vm3;
	v16 =	vsel vm5, $0xF2177617, v8  }
0x1a0: {  	v4 =	vsel vm3, v16, v4  }
0x1a1: {  	(xrf0) =	vmax.scan.msk.f32 $0xffff, v4;
	_ =	sdelay $0x5  }
0x1a2: {  	v16, _, _ =	vpop (xrf0)  }
0x1a3: {  	v17 =	vbroadcast v16, $0xF  }
0x1a4: {  	v2 =	vsel vm5, $0x4E6E6B28, v2  }
0x1a5: {  	v2 =	vsel vm3, v2, v7;
	vm14 =	veq.f32 v4, v17;
	vm15 =	vge.f32 v8, v17  }
0x1a6: {  	[tilespmem:s17+$0x0] =	vst.msk vm14, v2;
	vm4 =	vmand vm5, vm15  }
0x1a7: {  	v2 =	vld [tilespmem:$0x7780];
	vm3 =	vmand vm3, vm4  }
0x1a8: {  	v4 =	vsel vm3, $0x3F800000, v61  }
0x1a9: {  	(xrf0) =	vmax.scan.msk.f32 $0xffff, v4;
	_ =	sdelay $0x1  }
0x1aa: {  	(v2sf) =	vpush v16, $0xF  }
0x1ab: {  	(v2sf) =	vpush v2, $0x0;
	_ =	sdelay $0x2  }
0x1ac: {  	v4, _, _ =	vpop (xrf0)  }
0x1ad: {  	(v2sf) =	vpush v4, $0xF;
	_ =	sdelay $0x7  }
0x1ae: {  	(v2sf) =	vpush @!p3 v12, $0xF;
	_ =	sdelay $0x1  }
0x1af: {  	s22 =	spop (v2sf)  }
0x1b0: {  	s31 =	spop (v2sf)  }
0x1b1: {  	s23 =	smin.f32 s31, $5.119000000e+03  }
0x1b2: {  	s23 =	scvt.f32.s32 s23  }
0x1b3: {  	p0 =	seq.s32 @!p3 s21, $0x63  }
0x1b4: {  	p4 =	por p0, p3;
	v4 =	vmov s23;
	s23 =	spop (v2sf)  }
0x1b5: {  	p5 =	sgt.f32 @!p4 s23, $0.0e+00;
	_ =	sdelay $0x1  }
0x1b6: {  	p1 =	por @!p3 p5, p0  }
0x1b7: {  	p2 =	por p1, p3;
	p1 =	sgt.f32 s23, $0.0e+00;
	_ =	sdelay $0x1  }
0x1b8: {  	s23 =	simm.s32 @!p1 $0x0  }
0x1b9: {  	v7 =	vld.idx.msk [tilespmem:v4+s10+$0x0], $0xffff;
	s23 =	simm.s32 @p1 $0x1  }
0x1ba: {  	s24 =	spop @!p3 (v2sf);
	v8 =	vld.idx.msk [tilespmem:v4+s12+$0x0], $0xffff;
	[smem:$0x7FD] =	sst s23  }
0x1bb: {  	p6 =	sgt.f32 @!p3 s24, $5.000000070e-02;
	v12 =	vld.idx.msk [tilespmem:v4+s13+$0x0], $0xffff;
	s23 =	sld [smem:$0x7FD]  }
0x1bc: {  	v4 =	vld.idx.msk [tilespmem:v4+s14+$0x0], $0xffff;
	p1 =	sgt.f32 @!p2 s22, $5.000000070e-02  }
0x1bd: {  	p6 =	por !p6, p3  }
0x1be: {  	vm4 =	vcmask @!p3 $0x3F08;
	s24 =	simm.s32 @p6 $0x0;
	p1 =	por @!p4 !p1, p5;
	p6 =	seq.s32 s23, $0x1  }
0x1bf: {  	vm3 =	vcmask @!p3 $0x1310;
	p0 =	por @!p3 !p1, p0;
	v22 =	vpsel p6, $0xF149F2CA, v7;
	v7 =	vmov @!p3 s24  }
0x1c0: {  	p0 =	por !p0, p3;
	v20 =	vpsel p6, $0xF149F2CA, v8;
	v7 =	vnsel @!p3 vm3, $0x0, v7;
	vm3 =	vcmask @!p3 $0x3F10  }
0x1c1: {  	s22 =	simm.s32 @p0 $0x0;
	v23 =	vpsel p6, $0xF149F2CA, v4;
	v4 =	vsel @!p3 vm3, v7, v18;
	vm3 =	vcmask @!p3 $0x3F0C  }
0x1c2: {  	v7 =	vmov @!p2 s22;
	v4 =	vsel @!p3 vm3, v4, v15;
	vm3 =	vcmask @!p2 $0x1310  }
0x1c3: {  	v30 =	vpsel p6, $0xF149F2CA, v12;
	v7 =	vnsel @!p2 vm3, $0x0, v7;
	vm3 =	vcmask @!p2 $0x3F10  }
0x1c4: {  	v4 =	vsel @!p3 vm4, v4, v9;
	v7 =	vsel @!p2 vm3, v7, v23;
	vm3 =	vcmask @!p2 $0x3F0C  }
0x1c5: {  	s22 =	sshll.u32 @!p3 s21, $0x4;
	vm4 =	vmmov @!p3 $0x1;
	v7 =	vsel @!p2 vm3, v7, v30;
	vm3 =	vcmask @!p2 $0x3F08  }
0x1c6: {  	s22 =	sand.u32 @!p3 $0x3FFFFFF0, s22;
	v4 =	vsel @!p3 vm4, v10, v4;
	v7 =	vsel @!p2 vm3, v7, v20;
	vm3 =	vmmov @!p2 $0x1  }
0x1c7: {  	[tilespmem:s22+$0x7800] =	vst @!p3 v4;
	v4 =	vsel @!p2 vm3, v22, v7  }
0x1c8: {  	[tilespmem:s22+$0x7810] =	vst @!p2 v4  }
0x1c9: {  	v4 =	vld [tilespmem:$0x6400]  }
0x1ca: {  	v7 =	vld [tilespmem:$0x6580]  }
0x1cb: {  	v8 =	vld [tilespmem:$0x6700]  }
0x1cc: {  	v12 =	vld [tilespmem:$0x6880];
	_ =	sdelay $0x1  }
0x1cd: {  	v16 =	vsub.f32 v30, v22;
	v17 =	vsub.f32 v23, v20;
	_ =	sdelay $0x1  }
0x1ce: {  	v34 =	vmul.f32 v17, v16;
	v55 =	vld [tilespmem:$0x6A00];
	v52 =	vmin.f32 v8, v15  }
0x1cf: {  	v25 =	vmax.f32 v4, v10;
	v53 =	vmin.f32 v12, v18;
	v54 =	vmax.f32 v7, v9  }
0x1d0: {  	v16 =	vld [tilespmem:$0x6410];
	v8 =	vmin.f32 v8, v30;
	v4 =	vmax.f32 v4, v22;
	v12 =	vmin.f32 v12, v23  }
0x1d1: {  	v56 =	vld [tilespmem:$0x6710];
	v7 =	vmax.f32 v7, v20;
	v21 =	vsub.f32 v52, v25;
	v25 =	vsub.f32 v53, v54  }
0x1d2: {  	v60 =	vld [tilespmem:$0x6B80];
	v4 =	vsub.f32 v8, v4;
	v7 =	vsub.f32 v12, v7  }
0x1d3: {  	v2 =	vbroadcast v2, $0x0;
	v36 =	vld [tilespmem:$0x6430];
	v17 =	vadd.f32 v55, v63;
	v8 =	vmax.f32 v21, $0.0e+00  }
0x1d4: {  	v12 =	vmax.f32 v25, $0.0e+00;
	v4 =	vmax.f32 v4, $0.0e+00;
	v7 =	vmax.f32 v7, $0.0e+00;
	v25 =	vld [tilespmem:$0x6890]  }
0x1d5: {  	v8 =	vmul.f32 v12, v8;
	v12 =	vld [tilespmem:$0x6590];
	v4 =	vmul.f32 v7, v4;
	v7 =	vadd.f32 v55, v34  }
0x1d6: {  	v57 =	vmin.f32 v56, v15;
	v58 =	vmax.f32 v16, v10;
	v16 =	vmax.f32 v16, v22;
	v55 =	vld [tilespmem:$0x6A20]  }
0x1d7: {  	vm9 =	vgt.f32 v60, $5.000000070e-02;
	v17 =	vsub.f32 v17, v8;
	v7 =	vsub.f32 v7, v4  }
0x1d8: {  	v47 =	vmax.f32 v36, v10;
	v35 =	vsub.f32 v57, v58;
	v21 =	vmin.f32 v56, v30  }
0x1d9: {  	v41 =	vld [tilespmem:$0x6420];
	v17 =	vmax.f32 v17, $9.999999710e-10;
	v7 =	vmax.f32 v7, $9.999999710e-10;
	v38 =	vmin.f32 v25, v18  }
0x1da: {  	v57 =	vld [tilespmem:$0x68A0];
	v25 =	vmin.f32 v25, v23;
	v17 =	vmul.f32 $6.999999880e-01, v17;
	v7 =	vmul.f32 $6.999999880e-01, v7  }
0x1db: {  	v44 =	vmax.f32 v12, v9;
	v12 =	vmax.f32 v12, v20;
	v32 =	vadd.f32 v55, v63  }
0x1dc: {  	v52 =	vld [tilespmem:$0x6A10];
	v59 =	vsub.f32 v38, v44;
	v12 =	vsub.f32 v25, v12;
	vm3 =	vgt.f32 v8, v17  }
0x1dd: {  	v42 =	vld [tilespmem:$0x6730];
	v8 =	vsub.f32 v21, v16;
	vm8 =	vgt.f32 v4, v7;
	v4 =	vmax.f32 v35, $0.0e+00  }
0x1de: {  	v25 =	vld [tilespmem:$0x65A0];
	v35 =	vpsel p6, $0xC0A00000, v2;
	v2 =	vadd.f32 $-2.000000000e+00, v60;
	v21 =	vmax.f32 v41, v22  }
0x1df: {  	v16 =	vld [tilespmem:$0x6D00];
	v7 =	vmax.f32 v59, $0.0e+00;
	vm3 =	vmor vm3, vm8;
	v59 =	vmin.f32 v57, v23  }
0x1e0: {  	v17 =	vld [tilespmem:$0x6B90];
	v4 =	vmul.f32 v7, v4;
	v7 =	vmax.f32 v8, $0.0e+00;
	v8 =	vmax.f32 v12, $0.0e+00  }
0x1e1: {  	v12 =	vadd.f32 v52, v63;
	vm3 =	vmand vm9, vm3;
	v7 =	vmul.f32 v8, v7  }
0x1e2: {  	v8 =	vadd.f32 v52, v34;
	v2 =	vsel vm3, v2, v60;
	v52 =	vmin.f32 v42, v30  }
0x1e3: {  	v12 =	vsub.f32 v12, v4;
	v58 =	vmax.f32 v25, v9;
	v25 =	vmax.f32 v25, v20  }
0x1e4: {  	v8 =	vsub.f32 v8, v7;
	vm10 =	veq.f32 v16, v62;
	vm11 =	veq.f32 v16, v35  }
0x1e5: {  	v49 =	vld [tilespmem:$0x6720];
	vm14 =	vgt.f32 v17, $5.000000070e-02;
	v12 =	vmax.f32 v12, $9.999999710e-10;
	vm3 =	vmor vm10, vm11  }
0x1e6: {  	v8 =	vmax.f32 v8, $9.999999710e-10;
	v12 =	vmul.f32 $6.999999880e-01, v12;
	v37 =	vsel vm3, $0xF149F2CA, v2  }
0x1e7: {  	v56 =	vld [tilespmem:$0x68B0];
	v60 =	vsub.f32 v59, v25;
	v8 =	vmul.f32 $6.999999880e-01, v8;
	vm13 =	vgt.f32 v37, $-2.999999890e+30  }
0x1e8: {  	v2 =	vld [tilespmem:$0x6D10];
	vm3 =	vgt.f32 v4, v12;
	v4 =	vadd.f32 $-2.000000000e+00, v17;
	v12 =	vmin.f32 v57, v18  }
0x1e9: {  	v25 =	vnsel vm13, $0xF2177617, v37;
	v16 =	vnsel vm13, $0x4E6E6B28, v16;
	vm12 =	vgt.f32 v7, v8  }
0x1ea: {  	v7 =	vmin.f32 v49, v15;
	v8 =	vmax.f32 v41, v10;
	vm3 =	vmor vm3, vm12  }
0x1eb: {  	v7 =	vsub.f32 v7, v8;
	v8 =	vsub.f32 v12, v58;
	v12 =	vmin.f32 v49, v30  }
0x1ec: {  	v58 =	vmin.f32 v56, v18;
	v56 =	vmin.f32 v56, v23;
	vm3 =	vmand vm14, vm3  }
0x1ed: {  	v41 =	vld [tilespmem:$0x65B0];
	vm15 =	veq.f32 v2, v62;
	v12 =	vsub.f32 v12, v21;
	vm9 =	veq.f32 v2, v35  }
0x1ee: {  	v21 =	vmax.f32 v36, v22;
	v7 =	vmax.f32 v7, $0.0e+00;
	v8 =	vmax.f32 v8, $0.0e+00  }
0x1ef: {  	v4 =	vsel vm3, v4, v17;
	vm3 =	vmor vm15, vm9;
	v21 =	vsub.f32 v52, v21  }
0x1f0: {  	v7 =	vmul.f32 v8, v7;
	v8 =	vmax.f32 v12, $0.0e+00;
	v12 =	vmax.f32 v60, $0.0e+00  }
0x1f1: {  	v38 =	vsel vm3, $0xF149F2CA, v4;
	v8 =	vmul.f32 v12, v8;
	v12 =	vadd.f32 v55, v34  }
0x1f2: {  	v17 =	vld [tilespmem:$0x6BA0];
	vm3 =	vgt.f32 v38, v25;
	vm10 =	vgt.f32 v38, $-2.999999890e+30;
	v59 =	vmax.f32 v41, v9  }
0x1f3: {  	v52 =	vld [tilespmem:$0x65C0];
	v44 =	vmax.f32 v41, v20;
	v21 =	vmax.f32 v21, $0.0e+00;
	v4 =	vsub.f32 v32, v7  }
0x1f4: {  	v60 =	vld [tilespmem:$0x6A30];
	v45 =	vnsel vm10, $0xF2177617, v38;
	v57 =	vnsel vm10, $0x4E6E6B28, v2;
	v49 =	vsub.f32 v58, v59  }
0x1f5: {  	v44 =	vsub.f32 v56, v44;
	v2 =	vsel vm3, v2, v16;
	v12 =	vsub.f32 v12, v8  }
0x1f6: {  	v55 =	vsel vm3, v25, v45;
	v25 =	vsel vm3, v38, v25;
	v4 =	vmax.f32 v4, $9.999999710e-10  }
0x1f7: {  	vm13 =	vgt.f32 v17, $5.000000070e-02;
	v32 =	vmax.f32 v49, $0.0e+00;
	v44 =	vmax.f32 v44, $0.0e+00  }
0x1f8: {  	v56 =	vld [tilespmem:$0x6440];
	v27 =	vmax.f32 v52, v9;
	v12 =	vmax.f32 v12, $9.999999710e-10;
	v4 =	vmul.f32 $6.999999880e-01, v4  }
0x1f9: {  	v49 =	vld [tilespmem:$0x6740];
	v52 =	vmax.f32 v52, v20;
	v36 =	vadd.f32 v60, v63;
	v12 =	vmul.f32 $6.999999880e-01, v12  }
0x1fa: {  	v21 =	vmul.f32 v44, v21;
	v41 =	vadd.f32 v60, v34;
	vm11 =	vgt.f32 v7, v4;
	v7 =	vld [tilespmem:$0x6D20]  }
0x1fb: {  	v4 =	vsel vm3, v16, v57;
	vm12 =	vgt.f32 v8, v12;
	v12 =	vmin.f32 v42, v15  }
0x1fc: {  	v60 =	vld [tilespmem:$0x6BB0];
	v8 =	vadd.f32 $-2.000000000e+00, v17;
	vm4 =	vmor vm11, vm12;
	v12 =	vsub.f32 v12, v47  }
0x1fd: {  	v45 =	vmax.f32 v56, v10;
	v56 =	vmax.f32 v56, v22;
	vm4 =	vmand vm13, vm4  }
0x1fe: {  	v42 =	vmin.f32 v49, v15;
	v12 =	vmax.f32 v12, $0.0e+00;
	v8 =	vsel vm4, v8, v17  }
0x1ff: {  	v17 =	vld [tilespmem:$0x68C0];
	vm14 =	veq.f32 v7, v62;
	vm15 =	veq.f32 v7, v35;
	v12 =	vmul.f32 v32, v12  }
0x200: {  	v49 =	vmin.f32 v49, v30;
	v57 =	vsub.f32 v42, v45;
	vm9 =	vmor vm14, vm15  }
0x201: {  	v31 =	vld [tilespmem:$0x6A40];
	vm13 =	vgt.f32 v60, $5.000000070e-02;
	v44 =	vsel vm9, $0xF149F2CA, v8;
	v8 =	vsub.f32 v36, v12  }
0x202: {  	v42 =	vadd.f32 $-2.000000000e+00, v60;
	v36 =	vsub.f32 v41, v21;
	vm4 =	vgt.f32 v44, v55  }
0x203: {  	vm3 =	vgt.f32 v44, v25;
	v16 =	vsel vm4, v44, v55;
	v8 =	vmax.f32 v8, $9.999999710e-10  }
0x204: {  	v41 =	vmax.f32 v36, $9.999999710e-10;
	v47 =	vmin.f32 v17, v18;
	v17 =	vmin.f32 v17, v23  }
0x205: {  	v4 =	vsel vm4, v7, v4;
	v8 =	vmul.f32 $6.999999880e-01, v8;
	v55 =	vmul.f32 $6.999999880e-01, v41  }
0x206: {  	v27 =	vsub.f32 v47, v27;
	v41 =	vadd.f32 v31, v63;
	v16 =	vsel vm3, v25, v16  }
0x207: {  	v4 =	vsel vm3, v2, v4;
	v47 =	vld [tilespmem:$0x65D0];
	vm10 =	vgt.f32 v12, v8;
	v8 =	vsub.f32 v49, v56  }
0x208: {  	v12 =	vsub.f32 v17, v52;
	v17 =	vmax.f32 v57, $0.0e+00;
	v36 =	vmax.f32 v27, $0.0e+00;
	v27 =	vld [tilespmem:$0x6D30]  }
0x209: {  	v2 =	vsel vm3, v7, v2;
	vm11 =	vgt.f32 v21, v55;
	v49 =	vld [tilespmem:$0x6750];
	v17 =	vmul.f32 v36, v17  }
0x20a: {  	v7 =	vld [tilespmem:$0x6D40];
	vm12 =	vmor vm10, vm11;
	v8 =	vmax.f32 v8, $0.0e+00;
	v12 =	vmax.f32 v12, $0.0e+00  }
0x20b: {  	vm4 =	vmand vm13, vm12;
	v8 =	vmul.f32 v12, v8;
	v12 =	vadd.f32 v31, v34  }
0x20c: {  	v25 =	vsel vm3, v44, v25;
	v31 =	vld [tilespmem:$0x6BC0];
	v21 =	vsub.f32 v41, v17;
	v52 =	vsel vm4, v42, v60  }
0x20d: {  	v45 =	vld [tilespmem:$0x6450];
	v56 =	vmax.f32 v47, v20;
	v12 =	vsub.f32 v12, v8;
	vm14 =	veq.f32 v27, v62  }
0x20e: {  	v60 =	vld [tilespmem:$0x68D0];
	v21 =	vmax.f32 v21, $9.999999710e-10;
	vm15 =	veq.f32 v27, v35;
	v42 =	vmin.f32 v49, v30  }
0x20f: {  	v21 =	vmul.f32 $6.999999880e-01, v21;
	vm9 =	vmor vm14, vm15;
	vm14 =	veq.f32 v7, v62  }
0x210: {  	v41 =	vld [tilespmem:$0x6A50];
	vm15 =	veq.f32 v7, v35;
	v12 =	vmax.f32 v12, $9.999999710e-10;
	v52 =	vsel vm9, $0xF149F2CA, v52  }
0x211: {  	v54 =	vld [tilespmem:$0x68E0];
	v12 =	vmul.f32 $6.999999880e-01, v12;
	vm10 =	vgt.f32 v17, v21;
	vm12 =	vgt.f32 v31, $5.000000070e-02  }
0x212: {  	v57 =	vld [tilespmem:$0x6BD0];
	vm13 =	vgt.f32 v52, v25;
	vm3 =	vgt.f32 v52, v16;
	v17 =	vmax.f32 v45, v10  }
0x213: {  	v36 =	vmin.f32 v60, v18;
	v16 =	vsel vm3, v52, v16;
	v4 =	vsel vm3, v27, v4  }
0x214: {  	vm11 =	vgt.f32 v8, v12;
	v8 =	vadd.f32 $-2.000000000e+00, v31;
	v12 =	vmin.f32 v49, v15  }
0x215: {  	v49 =	vadd.f32 v41, v34;
	v16 =	vsel vm13, v25, v16;
	v4 =	vsel vm13, v2, v4  }
0x216: {  	v2 =	vsel vm13, v27, v2;
	vm5 =	vmor vm10, vm11;
	v12 =	vsub.f32 v12, v17  }
0x217: {  	v27 =	vmin.f32 v54, v18;
	vm10 =	vgt.f32 v57, $5.000000070e-02;
	vm5 =	vmand vm12, vm5  }
0x218: {  	v8 =	vsel vm5, v8, v31;
	v31 =	vmax.f32 v47, v9;
	v12 =	vmax.f32 v12, $0.0e+00  }
0x219: {  	vm5 =	vmor vm14, vm15;
	v17 =	vsub.f32 v36, v31;
	v31 =	vmax.f32 v45, v22  }
0x21a: {  	v45 =	vmin.f32 v60, v23;
	v55 =	vsel vm5, $0xF149F2CA, v8;
	v21 =	vsub.f32 v42, v31  }
0x21b: {  	v31 =	vsub.f32 v45, v56;
	v56 =	vsel vm13, v52, v25;
	vm5 =	vgt.f32 v55, v16  }
0x21c: {  	v25 =	vld [tilespmem:$0x65E0];
	v45 =	vmin.f32 v54, v23;
	v17 =	vmax.f32 v17, $0.0e+00;
	vm3 =	vgt.f32 v55, v56  }
0x21d: {  	v32 =	vld [tilespmem:$0x6A60];
	v16 =	vsel vm5, v55, v16;
	v4 =	vsel vm5, v7, v4;
	v12 =	vmul.f32 v17, v12  }
0x21e: {  	v17 =	vmax.f32 v21, $0.0e+00;
	v47 =	vmax.f32 v31, $0.0e+00;
	v31 =	vadd.f32 v41, v63  }
0x21f: {  	v53 =	vld [tilespmem:$0x6760];
	v16 =	vsel vm3, v56, v16;
	v4 =	vsel vm3, v2, v4;
	v17 =	vmul.f32 v47, v17  }
0x220: {  	v59 =	vsel vm3, v55, v56;
	v2 =	vsel vm3, v7, v2;
	v8 =	vsub.f32 v31, v12;
	v31 =	vld [tilespmem:$0x6460]  }
0x221: {  	v21 =	vsub.f32 v49, v17;
	v41 =	vmax.f32 v25, v9;
	v25 =	vmax.f32 v25, v20  }
0x222: {  	v49 =	vadd.f32 v32, v63;
	v8 =	vmax.f32 v8, $9.999999710e-10;
	v25 =	vsub.f32 v45, v25  }
0x223: {  	v42 =	vsub.f32 v27, v41;
	v21 =	vmax.f32 v21, $9.999999710e-10;
	v8 =	vmul.f32 $6.999999880e-01, v8  }
0x224: {  	v27 =	vmin.f32 v53, v30;
	v45 =	vld [tilespmem:$0x68F0];
	v21 =	vmul.f32 $6.999999880e-01, v21;
	v25 =	vmax.f32 v25, $0.0e+00  }
0x225: {  	vm8 =	vgt.f32 v12, v8;
	v8 =	vld [tilespmem:$0x6D50];
	v36 =	vmax.f32 v31, v10;
	v31 =	vmax.f32 v31, v22  }
0x226: {  	vm9 =	vgt.f32 v17, v21;
	v17 =	vmin.f32 v53, v15;
	v27 =	vsub.f32 v27, v31;
	v31 =	vld [tilespmem:$0x6470]  }
0x227: {  	v12 =	vadd.f32 $-2.000000000e+00, v57;
	v53 =	vld [tilespmem:$0x6770];
	vm4 =	vmor vm8, vm9;
	v17 =	vsub.f32 v17, v36  }
0x228: {  	v21 =	vmax.f32 v42, $0.0e+00;
	vm4 =	vmand vm10, vm4;
	v47 =	vmax.f32 v27, $0.0e+00  }
0x229: {  	v17 =	vmax.f32 v17, $0.0e+00;
	v12 =	vsel vm4, v12, v57;
	v57 =	vmin.f32 v45, v23  }
0x22a: {  	v27 =	vld [tilespmem:$0x65F0];
	vm11 =	veq.f32 v8, v62;
	vm12 =	veq.f32 v8, v35;
	v17 =	vmul.f32 v21, v17  }
0x22b: {  	v21 =	vmul.f32 v25, v47;
	v25 =	vadd.f32 v32, v34;
	vm13 =	vmor vm11, vm12  }
0x22c: {  	v47 =	vmax.f32 v31, v10;
	v32 =	vmin.f32 v53, v30;
	v31 =	vmax.f32 v31, v22  }
0x22d: {  	v56 =	vsel vm13, $0xF149F2CA, v12;
	v12 =	vsub.f32 v49, v17;
	v25 =	vsub.f32 v25, v21  }
0x22e: {  	v49 =	vmin.f32 v45, v18;
	vm3 =	vgt.f32 v56, v59;
	vm4 =	vgt.f32 v56, v16  }
0x22f: {  	v36 =	vmax.f32 v27, v9;
	v27 =	vmax.f32 v27, v20;
	v7 =	vsel vm4, v56, v16  }
0x230: {  	v41 =	vld [tilespmem:$0x6A70];
	v12 =	vmax.f32 v12, $9.999999710e-10;
	v16 =	vmax.f32 v25, $9.999999710e-10;
	v25 =	vmin.f32 v53, v15  }
0x231: {  	v45 =	vld [tilespmem:$0x6600];
	v36 =	vsub.f32 v49, v36;
	v4 =	vsel vm4, v8, v4;
	v12 =	vmul.f32 $6.999999880e-01, v12  }
0x232: {  	v16 =	vmul.f32 $6.999999880e-01, v16;
	v25 =	vsub.f32 v25, v47;
	v7 =	vsel vm3, v59, v7  }
0x233: {  	v53 =	vld [tilespmem:$0x6BE0];
	v4 =	vsel vm3, v2, v4;
	v59 =	vsel vm3, v56, v59;
	v2 =	vsel vm3, v8, v2  }
0x234: {  	v49 =	vld [tilespmem:$0x6900];
	v54 =	vmax.f32 v36, $0.0e+00;
	vm14 =	vgt.f32 v17, v12;
	v12 =	vsub.f32 v32, v31  }
0x235: {  	v47 =	vld [tilespmem:$0x6780];
	v17 =	vsub.f32 v57, v27;
	vm15 =	vgt.f32 v21, v16;
	v16 =	vmax.f32 v25, $0.0e+00  }
0x236: {  	v25 =	vld [tilespmem:$0x6D60];
	v57 =	vadd.f32 v41, v63;
	v36 =	vmax.f32 v45, v20;
	v16 =	vmul.f32 v54, v16  }
0x237: {  	v27 =	vld [tilespmem:$0x6BF0];
	vm8 =	vmor vm14, vm15;
	v12 =	vmax.f32 v12, $0.0e+00;
	v17 =	vmax.f32 v17, $0.0e+00  }
0x238: {  	v8 =	vld [tilespmem:$0x6D70];
	vm9 =	vgt.f32 v53, $5.000000070e-02;
	v31 =	vadd.f32 $-2.000000000e+00, v53;
	v12 =	vmul.f32 v17, v12  }
0x239: {  	v17 =	vadd.f32 v41, v34;
	v21 =	vsub.f32 v57, v16;
	vm4 =	vmand vm9, vm8  }
0x23a: {  	v54 =	vmin.f32 v47, v30;
	v31 =	vsel vm4, v31, v53;
	v53 =	vmin.f32 v49, v18  }
0x23b: {  	v17 =	vsub.f32 v17, v12;
	vm10 =	veq.f32 v25, v62;
	v21 =	vmax.f32 v21, $9.999999710e-10  }
0x23c: {  	v60 =	vld [tilespmem:$0x6480];
	vm11 =	veq.f32 v25, v35;
	vm15 =	vgt.f32 v27, $5.000000070e-02;
	v21 =	vmul.f32 $6.999999880e-01, v21  }
0x23d: {  	vm12 =	vmor vm10, vm11;
	vm10 =	veq.f32 v8, v62;
	v17 =	vmax.f32 v17, $9.999999710e-10  }
0x23e: {  	v32 =	vld [tilespmem:$0x6C00];
	vm11 =	veq.f32 v8, v35;
	v57 =	vsel vm12, $0xF149F2CA, v31;
	v17 =	vmul.f32 $6.999999880e-01, v17  }
0x23f: {  	v31 =	vld [tilespmem:$0x6A80];
	vm13 =	vgt.f32 v16, v21;
	vm9 =	vgt.f32 v57, v59;
	vm3 =	vgt.f32 v57, v7  }
0x240: {  	v16 =	vmin.f32 v47, v15;
	v7 =	vsel vm3, v57, v7;
	v4 =	vsel vm3, v25, v4  }
0x241: {  	v47 =	vld [tilespmem:$0x6910];
	vm14 =	vgt.f32 v12, v17;
	v12 =	vadd.f32 $-2.000000000e+00, v27;
	v17 =	vmax.f32 v60, v10  }
0x242: {  	v7 =	vsel vm9, v59, v7;
	v4 =	vsel vm9, v2, v4;
	vm5 =	vmor vm13, vm14  }
0x243: {  	v2 =	vsel vm9, v25, v2;
	v16 =	vsub.f32 v16, v17;
	vm5 =	vmand vm15, vm5  }
0x244: {  	vm14 =	vgt.f32 v32, $5.000000070e-02;
	v42 =	vadd.f32 v31, v34;
	v12 =	vsel vm5, v12, v27  }
0x245: {  	v27 =	vmax.f32 v45, v9;
	v16 =	vmax.f32 v16, $0.0e+00;
	vm5 =	vmor vm10, vm11  }
0x246: {  	v25 =	vmin.f32 v47, v18;
	v17 =	vsub.f32 v53, v27;
	v27 =	vmax.f32 v60, v22  }
0x247: {  	v60 =	vmin.f32 v49, v23;
	v58 =	vsel vm5, $0xF149F2CA, v12;
	v21 =	vsub.f32 v54, v27  }
0x248: {  	v27 =	vsub.f32 v60, v36;
	vm5 =	vgt.f32 v58, v7;
	v17 =	vmax.f32 v17, $0.0e+00  }
0x249: {  	v36 =	vld [tilespmem:$0x6610];
	v60 =	vmin.f32 v47, v23;
	v16 =	vmul.f32 v17, v16;
	v17 =	vmax.f32 v21, $0.0e+00  }
0x24a: {  	v41 =	vmax.f32 v27, $0.0e+00;
	v27 =	vadd.f32 v31, v63;
	v31 =	vsel vm9, v57, v59  }
0x24b: {  	v45 =	vld [tilespmem:$0x6790];
	v7 =	vsel vm5, v58, v7;
	v17 =	vmul.f32 v41, v17;
	vm3 =	vgt.f32 v58, v31  }
0x24c: {  	v4 =	vsel vm5, v8, v4;
	v12 =	vsub.f32 v27, v16;
	v27 =	vld [tilespmem:$0x6490];
	v7 =	vsel vm3, v31, v7  }
0x24d: {  	v4 =	vsel vm3, v2, v4;
	v31 =	vsel vm3, v58, v31;
	v21 =	vsub.f32 v42, v17  }
0x24e: {  	v2 =	vsel vm3, v8, v2;
	v53 =	vmax.f32 v36, v9;
	v12 =	vmax.f32 v12, $9.999999710e-10  }
0x24f: {  	v42 =	vld [tilespmem:$0x6A90];
	v36 =	vmax.f32 v36, v20;
	v21 =	vmax.f32 v21, $9.999999710e-10;
	v12 =	vmul.f32 $6.999999880e-01, v12  }
0x250: {  	v54 =	vsub.f32 v25, v53;
	v25 =	vmin.f32 v45, v30;
	v21 =	vmul.f32 $6.999999880e-01, v21  }
0x251: {  	vm12 =	vgt.f32 v16, v12;
	v12 =	vld [tilespmem:$0x6D80];
	v16 =	vadd.f32 $-2.000000000e+00, v32;
	v49 =	vmax.f32 v27, v10  }
0x252: {  	v27 =	vmax.f32 v27, v22;
	vm13 =	vgt.f32 v17, v21;
	v17 =	vmin.f32 v45, v15  }
0x253: {  	v25 =	vsub.f32 v25, v27;
	v27 =	vsub.f32 v60, v36;
	v21 =	vmax.f32 v54, $0.0e+00;
	v36 =	vld [tilespmem:$0x64A0]  }
0x254: {  	v47 =	vadd.f32 v42, v63;
	v60 =	vld [tilespmem:$0x6C10];
	vm4 =	vmor vm12, vm13;
	v17 =	vsub.f32 v17, v49  }
0x255: {  	vm4 =	vmand vm14, vm4;
	v45 =	vmax.f32 v25, $0.0e+00;
	v25 =	vmax.f32 v27, $0.0e+00  }
0x256: {  	v27 =	vld [tilespmem:$0x6620];
	v17 =	vmax.f32 v17, $0.0e+00;
	v16 =	vsel vm4, v16, v32;
	vm15 =	veq.f32 v12, v62  }
0x257: {  	vm9 =	veq.f32 v12, v35;
	v17 =	vmul.f32 v21, v17;
	v21 =	vmul.f32 v25, v45  }
0x258: {  	v32 =	vld [tilespmem:$0x6920];
	v25 =	vadd.f32 v42, v34;
	vm10 =	vmor vm15, vm9;
	v49 =	vmax.f32 v36, v10  }
0x259: {  	v36 =	vmax.f32 v36, v22;
	vm14 =	vgt.f32 v60, $5.000000070e-02;
	v59 =	vsel vm10, $0xF149F2CA, v16  }
0x25a: {  	v42 =	vld [tilespmem:$0x67A0];
	v16 =	vsub.f32 v47, v17;
	v25 =	vsub.f32 v25, v21;
	vm3 =	vgt.f32 v59, v31  }
0x25b: {  	vm4 =	vgt.f32 v59, v7;
	v45 =	vmax.f32 v27, v9;
	v27 =	vmax.f32 v27, v20  }
0x25c: {  	v7 =	vsel vm4, v59, v7;
	v8 =	vmax.f32 v16, $9.999999710e-10;
	v16 =	vmax.f32 v25, $9.999999710e-10  }
0x25d: {  	v53 =	vmin.f32 v32, v18;
	v32 =	vmin.f32 v32, v23;
	v4 =	vsel vm4, v12, v4  }
0x25e: {  	v47 =	vld [tilespmem:$0x6AA0];
	v12 =	vsel vm3, v12, v2;
	v8 =	vmul.f32 $6.999999880e-01, v8;
	v16 =	vmul.f32 $6.999999880e-01, v16  }
0x25f: {  	v25 =	vmin.f32 v42, v15;
	v54 =	vsub.f32 v53, v45;
	v42 =	vmin.f32 v42, v30  }
0x260: {  	v7 =	vsel vm3, v31, v7;
	v4 =	vsel vm3, v2, v4;
	v53 =	vadd.f32 $-2.000000000e+00, v60  }
0x261: {  	v25 =	vsub.f32 v25, v49;
	vm11 =	vgt.f32 v17, v8;
	v8 =	vsub.f32 v42, v36  }
0x262: {  	v45 =	vld [tilespmem:$0x6930];
	v17 =	vsub.f32 v32, v27;
	vm12 =	vgt.f32 v21, v16;
	v42 =	vmax.f32 v54, $0.0e+00  }
0x263: {  	v49 =	vadd.f32 v47, v63;
	v16 =	vmax.f32 v25, $0.0e+00;
	v25 =	vld [tilespmem:$0x6D90];
	vm13 =	vmor vm11, vm12  }
0x264: {  	v16 =	vmul.f32 v42, v16;
	v8 =	vmax.f32 v8, $0.0e+00;
	v17 =	vmax.f32 v17, $0.0e+00  }
0x265: {  	v27 =	vld [tilespmem:$0x6C20];
	vm4 =	vmand vm14, vm13;
	v8 =	vmul.f32 v17, v8;
	v17 =	vadd.f32 v47, v34  }
0x266: {  	v31 =	vsel vm3, v59, v31;
	v32 =	vsel vm4, v53, v60;
	v21 =	vsub.f32 v49, v16  }
0x267: {  	v36 =	vld [tilespmem:$0x64B0];
	v49 =	vmin.f32 v45, v18;
	v45 =	vmin.f32 v45, v23;
	v17 =	vsub.f32 v17, v8  }
0x268: {  	vm15 =	veq.f32 v25, v62;
	v21 =	vmax.f32 v21, $9.999999710e-10;
	vm9 =	veq.f32 v25, v35  }
0x269: {  	v41 =	vld [tilespmem:$0x6630];
	v17 =	vmax.f32 v17, $9.999999710e-10;
	v21 =	vmul.f32 $6.999999880e-01, v21;
	vm10 =	vmor vm15, vm9  }
0x26a: {  	vm13 =	vgt.f32 v27, $5.000000070e-02;
	v17 =	vmul.f32 $6.999999880e-01, v17;
	v60 =	vsel vm10, $0xF149F2CA, v32  }
0x26b: {  	v54 =	vld [tilespmem:$0x67B0];
	vm11 =	vgt.f32 v16, v21;
	vm14 =	vgt.f32 v60, v31;
	vm3 =	vgt.f32 v60, v7  }
0x26c: {  	v53 =	vld [tilespmem:$0x6AB0];
	vm12 =	vgt.f32 v8, v17;
	v8 =	vadd.f32 $-2.000000000e+00, v27;
	v17 =	vmax.f32 v36, v10  }
0x26d: {  	v16 =	vld [tilespmem:$0x6DA0];
	v7 =	vsel vm3, v60, v7;
	v32 =	vsel vm14, v60, v31;
	vm5 =	vmor vm11, vm12  }
0x26e: {  	v4 =	vsel vm3, v25, v4;
	v7 =	vsel vm14, v31, v7;
	vm5 =	vmand vm13, vm5  }
0x26f: {  	v4 =	vsel vm14, v12, v4;
	v12 =	vsel vm14, v25, v12;
	v2 =	vsel vm5, v8, v27  }
0x270: {  	v31 =	vld [tilespmem:$0x6640];
	v8 =	vmin.f32 v54, v15;
	v27 =	vmax.f32 v41, v9;
	v54 =	vmin.f32 v54, v30  }
0x271: {  	v41 =	vmax.f32 v41, v20;
	v8 =	vsub.f32 v8, v17;
	v17 =	vsub.f32 v49, v27  }
0x272: {  	v27 =	vmax.f32 v36, v22;
	vm15 =	veq.f32 v16, v62;
	v49 =	vadd.f32 v53, v34  }
0x273: {  	v42 =	vld [tilespmem:$0x67C0];
	vm9 =	veq.f32 v16, v35;
	v21 =	vsub.f32 v54, v27;
	v27 =	vsub.f32 v45, v41  }
0x274: {  	vm5 =	vmor vm15, vm9;
	v8 =	vmax.f32 v8, $0.0e+00;
	v17 =	vmax.f32 v17, $0.0e+00  }
0x275: {  	v36 =	vld [tilespmem:$0x6C30];
	v2 =	vsel vm5, $0xF149F2CA, v2;
	v54 =	vmax.f32 v31, v9;
	v8 =	vmul.f32 v17, v8  }
0x276: {  	v41 =	vld [tilespmem:$0x64C0];
	v17 =	vmax.f32 v21, $0.0e+00;
	v47 =	vmax.f32 v27, $0.0e+00;
	v27 =	vadd.f32 v53, v63  }
0x277: {  	v45 =	vld [tilespmem:$0x6940];
	v31 =	vmax.f32 v31, v20;
	vm3 =	vgt.f32 v2, v32;
	v17 =	vmul.f32 v47, v17  }
0x278: {  	vm5 =	vgt.f32 v2, v7;
	v53 =	vmin.f32 v42, v15;
	v27 =	vsub.f32 v27, v8  }
0x279: {  	v7 =	vsel vm5, v2, v7;
	v4 =	vsel vm5, v16, v4;
	v21 =	vsub.f32 v49, v17  }
0x27a: {  	v7 =	vsel vm3, v32, v7;
	vm12 =	vgt.f32 v36, $5.000000070e-02;
	v27 =	vmax.f32 v27, $9.999999710e-10  }
0x27b: {  	v32 =	vsel vm3, v2, v32;
	v21 =	vmax.f32 v21, $9.999999710e-10;
	v27 =	vmul.f32 $6.999999880e-01, v27  }
0x27c: {  	v25 =	vmax.f32 v41, v10;
	v47 =	vmin.f32 v45, v23;
	v21 =	vmul.f32 $6.999999880e-01, v21  }
0x27d: {  	v41 =	vmax.f32 v41, v22;
	v31 =	vsub.f32 v47, v31;
	vm10 =	vgt.f32 v8, v27  }
0x27e: {  	v49 =	vld [tilespmem:$0x6AC0];
	v8 =	vsel vm3, v12, v4;
	v27 =	vmin.f32 v45, v18;
	vm11 =	vgt.f32 v17, v21  }
0x27f: {  	v17 =	vld [tilespmem:$0x6DB0];
	v21 =	vsub.f32 v53, v25;
	v25 =	vsub.f32 v27, v54;
	v27 =	vmin.f32 v42, v30  }
0x280: {  	v4 =	vadd.f32 $-2.000000000e+00, v36;
	v12 =	vsel vm3, v16, v12;
	v27 =	vsub.f32 v27, v41  }
0x281: {  	v53 =	vld [tilespmem:$0x67D0];
	vm4 =	vmor vm10, vm11;
	v21 =	vmax.f32 v21, $0.0e+00;
	v25 =	vmax.f32 v25, $0.0e+00  }
0x282: {  	v21 =	vmul.f32 v25, v21;
	v25 =	vmax.f32 v27, $0.0e+00;
	v27 =	vmax.f32 v31, $0.0e+00  }
0x283: {  	vm4 =	vmand vm12, vm4;
	v31 =	vadd.f32 v49, v63;
	v25 =	vmul.f32 v27, v25  }
0x284: {  	v27 =	vadd.f32 v49, v34;
	vm13 =	veq.f32 v17, v62;
	vm14 =	veq.f32 v17, v35  }
0x285: {  	v4 =	vsel vm4, v4, v36;
	v36 =	vld [tilespmem:$0x6650];
	v31 =	vsub.f32 v31, v21;
	vm15 =	vmor vm13, vm14  }
0x286: {  	v16 =	vld [tilespmem:$0x6950];
	v54 =	vmin.f32 v53, v15;
	v27 =	vsub.f32 v27, v25;
	v4 =	vsel vm15, $0xF149F2CA, v4  }
0x287: {  	v41 =	vld [tilespmem:$0x64D0];
	v31 =	vmax.f32 v31, $9.999999710e-10;
	vm3 =	vgt.f32 v4, v32;
	vm4 =	vgt.f32 v4, v7  }
0x288: {  	v27 =	vmax.f32 v27, $9.999999710e-10;
	v31 =	vmul.f32 $6.999999880e-01, v31;
	v7 =	vsel vm4, v4, v7  }
0x289: {  	v8 =	vsel vm4, v17, v8;
	v27 =	vmul.f32 $6.999999880e-01, v27;
	v45 =	vsel vm3, v32, v7  }
0x28a: {  	v42 =	vld [tilespmem:$0x67E0];
	v8 =	vsel vm3, v12, v8;
	vm8 =	vgt.f32 v21, v31;
	v31 =	vmax.f32 v36, v9  }
0x28b: {  	v36 =	vmax.f32 v36, v20;
	v32 =	vsel vm3, v4, v32;
	v12 =	vsel vm3, v17, v12  }
0x28c: {  	v7 =	vld [tilespmem:$0x6C40];
	vm9 =	vgt.f32 v25, v27;
	v25 =	vmax.f32 v41, v10;
	v27 =	vmin.f32 v16, v18  }
0x28d: {  	v49 =	vld [tilespmem:$0x6AD0];
	v41 =	vmax.f32 v41, v22;
	v16 =	vmin.f32 v16, v23;
	v21 =	vsub.f32 v54, v25  }
0x28e: {  	v25 =	vsub.f32 v27, v31;
	v27 =	vmin.f32 v53, v30;
	v31 =	vld [tilespmem:$0x6DC0];
	v16 =	vsub.f32 v16, v36  }
0x28f: {  	vm4 =	vmor vm8, vm9;
	v27 =	vsub.f32 v27, v41;
	v41 =	vmin.f32 v42, v30  }
0x290: {  	v54 =	vld [tilespmem:$0x6C50];
	v21 =	vmax.f32 v21, $0.0e+00;
	v25 =	vmax.f32 v25, $0.0e+00;
	v16 =	vmax.f32 v16, $0.0e+00  }
0x291: {  	vm10 =	vgt.f32 v7, $5.000000070e-02;
	v21 =	vmul.f32 v25, v21;
	v25 =	vmax.f32 v27, $0.0e+00  }
0x292: {  	v27 =	vadd.f32 v49, v63;
	v53 =	vadd.f32 $-2.000000000e+00, v7;
	v16 =	vmul.f32 v16, v25  }
0x293: {  	v25 =	vadd.f32 v49, v34;
	vm4 =	vmand vm10, vm4;
	vm11 =	veq.f32 v31, v62  }
0x294: {  	v49 =	vld [tilespmem:$0x6DD0];
	vm12 =	veq.f32 v31, v35;
	v27 =	vsub.f32 v27, v21;
	v7 =	vsel vm4, v53, v7  }
0x295: {  	vm9 =	vgt.f32 v54, $5.000000070e-02;
	v25 =	vsub.f32 v25, v16;
	vm13 =	vmor vm11, vm12  }
0x296: {  	v53 =	vmin.f32 v42, v15;
	v7 =	vsel vm13, $0xF149F2CA, v7;
	v27 =	vmax.f32 v27, $9.999999710e-10  }
0x297: {  	v36 =	vld [tilespmem:$0x64E0];
	v25 =	vmax.f32 v25, $9.999999710e-10;
	vm4 =	vgt.f32 v7, v45;
	v27 =	vmul.f32 $6.999999880e-01, v27  }
0x298: {  	v47 =	vld [tilespmem:$0x6660];
	vm3 =	vgt.f32 v7, v32;
	v25 =	vmul.f32 $6.999999880e-01, v25;
	v17 =	vsel vm4, v7, v45  }
0x299: {  	v45 =	vld [tilespmem:$0x6960];
	v8 =	vsel vm4, v31, v8;
	vm10 =	veq.f32 v49, v62;
	vm11 =	veq.f32 v49, v35  }
0x29a: {  	v17 =	vsel vm3, v32, v17;
	vm14 =	vgt.f32 v21, v27;
	v27 =	vsel vm3, v12, v8  }
0x29b: {  	v32 =	vsel vm3, v7, v32;
	v12 =	vsel vm3, v31, v12;
	vm15 =	vgt.f32 v16, v25  }
0x29c: {  	v21 =	vld [tilespmem:$0x6AE0];
	v16 =	vadd.f32 $-2.000000000e+00, v54;
	v25 =	vmax.f32 v36, v10;
	vm8 =	vmor vm14, vm15  }
0x29d: {  	v36 =	vmax.f32 v36, v22;
	v8 =	vsub.f32 v53, v25;
	vm4 =	vmand vm9, vm8  }
0x29e: {  	v16 =	vsel vm4, v16, v54;
	v25 =	vmin.f32 v45, v18;
	v54 =	vmax.f32 v47, v9  }
0x29f: {  	v53 =	vmin.f32 v45, v23;
	v25 =	vsub.f32 v25, v54;
	v54 =	vmax.f32 v47, v20  }
0x2a0: {  	v36 =	vsub.f32 v41, v36;
	v8 =	vmax.f32 v8, $0.0e+00;
	v47 =	vsub.f32 v53, v54  }
0x2a1: {  	vm4 =	vmor vm10, vm11;
	v53 =	vadd.f32 v21, v63;
	v25 =	vmax.f32 v25, $0.0e+00  }
0x2a2: {  	v45 =	vld [tilespmem:$0x6970];
	v25 =	vmul.f32 v25, v8;
	v8 =	vmax.f32 v36, $0.0e+00;
	v54 =	vmax.f32 v47, $0.0e+00  }
0x2a3: {  	v42 =	vld [tilespmem:$0x6670];
	v21 =	vadd.f32 v21, v34;
	v36 =	vmul.f32 v54, v8;
	v8 =	vsel vm4, $0xF149F2CA, v16  }
0x2a4: {  	v47 =	vld [tilespmem:$0x6C60];
	v16 =	vsub.f32 v53, v25;
	vm3 =	vgt.f32 v8, v17;
	vm4 =	vgt.f32 v8, v32  }
0x2a5: {  	v31 =	vld [tilespmem:$0x67F0];
	v21 =	vsub.f32 v21, v36;
	v17 =	vsel vm3, v8, v17;
	v27 =	vsel vm3, v49, v27  }
0x2a6: {  	v41 =	vld [tilespmem:$0x64F0];
	v16 =	vmax.f32 v16, $9.999999710e-10;
	v54 =	vsel vm4, v32, v17;
	v27 =	vsel vm4, v12, v27  }
0x2a7: {  	v17 =	vsel vm4, v49, v12;
	v49 =	vmin.f32 v45, v18;
	v53 =	vmul.f32 $6.999999880e-01, v16  }
0x2a8: {  	v45 =	vmin.f32 v45, v23;
	v21 =	vmax.f32 v21, $9.999999710e-10;
	v16 =	vsel vm4, v8, v32  }
0x2a9: {  	v12 =	vld [tilespmem:$0x6AF0];
	vm13 =	vgt.f32 v47, $5.000000070e-02;
	v21 =	vmul.f32 $6.999999880e-01, v21;
	vm3 =	vgt.f32 v25, v53  }
0x2aa: {  	v25 =	vmin.f32 v31, v15;
	v53 =	vmax.f32 v42, v9;
	v31 =	vmin.f32 v31, v30  }
0x2ab: {  	v5 =	vld [tilespmem:$0x6980];
	v42 =	vmax.f32 v42, v20;
	vm12 =	vgt.f32 v36, v21;
	v36 =	vmax.f32 v41, v10  }
0x2ac: {  	v21 =	vld [tilespmem:$0x6DE0];
	v32 =	vsub.f32 v49, v53;
	v49 =	vadd.f32 $-2.000000000e+00, v47;
	v41 =	vmax.f32 v41, v22  }
0x2ad: {  	v3 =	vld [tilespmem:$0x6800];
	v45 =	vsub.f32 v45, v42;
	v25 =	vsub.f32 v25, v36;
	vm3 =	vmor vm3, vm12  }
0x2ae: {  	v53 =	vld [tilespmem:$0x6680];
	v1 =	vadd.f32 v12, v63;
	v31 =	vsub.f32 v31, v41;
	vm3 =	vmand vm13, vm3  }
0x2af: {  	v36 =	vld [tilespmem:$0x6500];
	v32 =	vmax.f32 v32, $0.0e+00;
	v25 =	vmax.f32 v25, $0.0e+00;
	v41 =	vsel vm3, v49, v47  }
0x2b0: {  	v31 =	vmax.f32 v31, $0.0e+00;
	v47 =	vmin.f32 v5, v18;
	v5 =	vmin.f32 v5, v23  }
0x2b1: {  	v6 =	vld [tilespmem:$0x6690];
	v25 =	vmul.f32 v32, v25;
	v32 =	vmax.f32 v45, $0.0e+00;
	vm3 =	veq.f32 v21, v62  }
0x2b2: {  	vm14 =	veq.f32 v21, v35;
	v31 =	vmul.f32 v32, v31;
	v32 =	vadd.f32 v12, v34  }
0x2b3: {  	v12 =	vmin.f32 v3, v15;
	v49 =	vmax.f32 v53, v9;
	v3 =	vmin.f32 v3, v30  }
0x2b4: {  	v53 =	vmax.f32 v53, v20;
	v1 =	vsub.f32 v1, v25;
	v45 =	vmax.f32 v36, v10  }
0x2b5: {  	v42 =	vld [tilespmem:$0x6B00];
	vm3 =	vmor vm3, vm14;
	v47 =	vsub.f32 v47, v49;
	v36 =	vmax.f32 v36, v22  }
0x2b6: {  	v5 =	vsub.f32 v5, v53;
	v53 =	vmax.f32 v6, v9;
	v6 =	vmax.f32 v6, v20  }
0x2b7: {  	v45 =	vsub.f32 v12, v45;
	v12 =	vsel vm3, $0xF149F2CA, v41;
	v32 =	vsub.f32 v32, v31;
	v41 =	vld [tilespmem:$0x6C70]  }
0x2b8: {  	v3 =	vsub.f32 v3, v36;
	v36 =	vld [tilespmem:$0x6810];
	v1 =	vmax.f32 v1, $9.999999710e-10;
	v47 =	vmax.f32 v47, $0.0e+00  }
0x2b9: {  	vm15 =	vgt.f32 v12, v54;
	v5 =	vmax.f32 v5, $0.0e+00;
	v45 =	vmax.f32 v45, $0.0e+00  }
0x2ba: {  	v49 =	vld [tilespmem:$0x6510];
	v1 =	vmul.f32 $6.999999880e-01, v1;
	v45 =	vmul.f32 v47, v45;
	v47 =	vadd.f32 v42, v63  }
0x2bb: {  	v32 =	vmax.f32 v32, $9.999999710e-10;
	v3 =	vmax.f32 v3, $0.0e+00;
	v27 =	vsel vm15, v21, v27  }
0x2bc: {  	vm3 =	vgt.f32 v25, v1;
	v1 =	vmul.f32 $6.999999880e-01, v32;
	v25 =	vld [tilespmem:$0x6990];
	v47 =	vsub.f32 v47, v45  }
0x2bd: {  	vm10 =	vgt.f32 v41, $5.000000070e-02;
	v32 =	vmin.f32 v36, v15;
	v36 =	vmin.f32 v36, v30  }
0x2be: {  	vm9 =	vgt.f32 v31, v1;
	v1 =	vmul.f32 v5, v3;
	v3 =	vadd.f32 v42, v34  }
0x2bf: {  	v42 =	vmax.f32 v49, v10;
	v49 =	vmax.f32 v49, v22;
	vm3 =	vmor vm3, vm9  }
0x2c0: {  	v5 =	vmax.f32 v47, $9.999999710e-10;
	v32 =	vsub.f32 v32, v42;
	v3 =	vsub.f32 v3, v1  }
0x2c1: {  	v31 =	vld [tilespmem:$0x6B10];
	v36 =	vsub.f32 v36, v49;
	v5 =	vmul.f32 $6.999999880e-01, v5;
	v47 =	vmin.f32 v25, v18  }
0x2c2: {  	vm11 =	vmand vm10, vm3;
	v3 =	vmax.f32 v3, $9.999999710e-10;
	v53 =	vsub.f32 v47, v53;
	v47 =	vld [tilespmem:$0x6520]  }
0x2c3: {  	v32 =	vmax.f32 v32, $0.0e+00;
	vm3 =	vgt.f32 v45, v5;
	v5 =	vld [tilespmem:$0x66A0];
	v3 =	vmul.f32 $6.999999880e-01, v3  }
0x2c4: {  	v25 =	vmin.f32 v25, v23;
	v45 =	vadd.f32 $-2.000000000e+00, v41;
	v42 =	vmax.f32 v53, $0.0e+00;
	v53 =	vld [tilespmem:$0x6820]  }
0x2c5: {  	v6 =	vsub.f32 v25, v6;
	vm12 =	vgt.f32 v1, v3;
	v1 =	vmul.f32 v42, v32;
	v32 =	vld [tilespmem:$0x69A0]  }
0x2c6: {  	vm10 =	vgt.f32 v12, v16;
	v3 =	vadd.f32 v31, v63;
	v42 =	vsel vm15, v12, v54;
	v54 =	vld [tilespmem:$0x6DF0]  }
0x2c7: {  	v36 =	vmax.f32 v36, $0.0e+00;
	v41 =	vsel vm11, v45, v41;
	v6 =	vmax.f32 v6, $0.0e+00  }
0x2c8: {  	v6 =	vmul.f32 v6, v36;
	v31 =	vadd.f32 v31, v34;
	v3 =	vsub.f32 v3, v1  }
0x2c9: {  	vm3 =	vmor vm3, vm12;
	v49 =	vmax.f32 v47, v10;
	v25 =	vmin.f32 v53, v15  }
0x2ca: {  	v3 =	vmax.f32 v3, $9.999999710e-10;
	v25 =	vsub.f32 v25, v49;
	v45 =	vmin.f32 v32, v18  }
0x2cb: {  	v49 =	vmax.f32 v5, v9;
	vm13 =	veq.f32 v54, v62;
	vm14 =	veq.f32 v54, v35  }
0x2cc: {  	v36 =	vld [tilespmem:$0x6B20];
	v3 =	vmul.f32 $6.999999880e-01, v3;
	v32 =	vmin.f32 v32, v23;
	v5 =	vmax.f32 v5, v20  }
0x2cd: {  	v45 =	vsub.f32 v45, v49;
	vm5 =	vmor vm13, vm14;
	v5 =	vsub.f32 v32, v5  }
0x2ce: {  	v49 =	vld [tilespmem:$0x6C80];
	v25 =	vmax.f32 v25, $0.0e+00;
	vm15 =	vgt.f32 v1, v3;
	v3 =	vsub.f32 v31, v6  }
0x2cf: {  	v32 =	vld [tilespmem:$0x6C90];
	v31 =	vmin.f32 v53, v30;
	v45 =	vmax.f32 v45, $0.0e+00;
	v5 =	vmax.f32 v5, $0.0e+00  }
0x2d0: {  	v1 =	vmul.f32 v45, v25;
	v25 =	vsel vm5, $0xF149F2CA, v41;
	v45 =	vmax.f32 v47, v22  }
0x2d1: {  	v3 =	vmax.f32 v3, $9.999999710e-10;
	v47 =	vadd.f32 v36, v63;
	v36 =	vadd.f32 v36, v34  }
0x2d2: {  	v53 =	vld [tilespmem:$0x66B0];
	v31 =	vsub.f32 v31, v45;
	v3 =	vmul.f32 $6.999999880e-01, v3;
	v45 =	vsel vm10, v16, v42  }
0x2d3: {  	v16 =	vsel vm10, v12, v16;
	vm9 =	vgt.f32 v49, $5.000000070e-02;
	v41 =	vsub.f32 v47, v1  }
0x2d4: {  	vm12 =	vgt.f32 v32, $5.000000070e-02;
	vm13 =	vgt.f32 v25, v45;
	vm3 =	vmand vm9, vm3  }
0x2d5: {  	vm11 =	vgt.f32 v6, v3;
	v3 =	vsel vm10, v17, v27;
	v6 =	vadd.f32 $-2.000000000e+00, v49  }
0x2d6: {  	v47 =	vld [tilespmem:$0x6830];
	v31 =	vmax.f32 v31, $0.0e+00;
	v17 =	vsel vm10, v21, v17;
	v21 =	vsel vm13, v25, v45  }
0x2d7: {  	v9 =	vmax.f32 v53, v9;
	v20 =	vmax.f32 v53, v20;
	v53 =	vld [tilespmem:$0x6E10];
	v27 =	vmax.f32 v41, $9.999999710e-10  }
0x2d8: {  	vm10 =	vgt.f32 v25, v16;
	v5 =	vmul.f32 v5, v31;
	v31 =	vld [tilespmem:$0x6E00];
	v27 =	vmul.f32 $6.999999880e-01, v27  }
0x2d9: {  	vm5 =	vmor vm15, vm11;
	v41 =	vld [tilespmem:$0x6530];
	v3 =	vsel vm13, v54, v3;
	v6 =	vsel vm3, v6, v49  }
0x2da: {  	vm5 =	vmand vm12, vm5;
	vm3 =	vgt.f32 v1, v27;
	v1 =	vadd.f32 $-2.000000000e+00, v32  }
0x2db: {  	v49 =	vld [tilespmem:$0x69B0];
	v3 =	vsel vm10, v17, v3;
	v27 =	vsub.f32 v36, v5;
	v15 =	vmin.f32 v47, v15  }
0x2dc: {  	vm12 =	veq.f32 v53, v62;
	vm13 =	veq.f32 v53, v35;
	v1 =	vsel vm5, v1, v32  }
0x2dd: {  	v27 =	vmax.f32 v27, $9.999999710e-10;
	vm14 =	veq.f32 v31, v62;
	vm15 =	veq.f32 v31, v35  }
0x2de: {  	v10 =	vmax.f32 v41, v10;
	v27 =	vmul.f32 $6.999999880e-01, v27;
	vm5 =	vmor vm14, vm15  }
0x2df: {  	v10 =	vsub.f32 v15, v10;
	v15 =	vmin.f32 v47, v30;
	v6 =	vsel vm5, $0xF149F2CA, v6  }
0x2e0: {  	vm9 =	vgt.f32 v5, v27;
	v5 =	vsel vm10, v54, v17;
	v17 =	vmin.f32 v49, v18  }
0x2e1: {  	v18 =	vsel vm10, v16, v21;
	v16 =	vsel vm10, v25, v16;
	v10 =	vmax.f32 v10, $0.0e+00  }
0x2e2: {  	v54 =	vld [tilespmem:$0x6CA0];
	v9 =	vsub.f32 v17, v9;
	v17 =	vmax.f32 v41, v22;
	vm5 =	vgt.f32 v6, v18  }
0x2e3: {  	v27 =	vld [tilespmem:$0x6E30];
	vm11 =	vgt.f32 v6, v16;
	vm3 =	vmor vm3, vm9;
	v15 =	vsub.f32 v15, v17  }
0x2e4: {  	v17 =	vmin.f32 v49, v23;
	v18 =	vsel vm5, v6, v18;
	v3 =	vsel vm5, v31, v3  }
0x2e5: {  	vm5 =	vmor vm12, vm13;
	v17 =	vsub.f32 v17, v20;
	v20 =	vld [tilespmem:$0x6B30];
	v3 =	vsel vm11, v5, v3  }
0x2e6: {  	[tilespmem:$0x6B80] =	vst v37;
	v5 =	vsel vm11, v31, v5;
	v9 =	vmax.f32 v9, $0.0e+00;
	v1 =	vsel vm5, $0xF149F2CA, v1  }
0x2e7: {  	[tilespmem:$0x6B90] =	vst v38;
	v15 =	vmax.f32 v15, $0.0e+00;
	v9 =	vmul.f32 v9, v10;
	v17 =	vmax.f32 v17, $0.0e+00  }
0x2e8: {  	[tilespmem:$0x6BC0] =	vst v55;
	vm14 =	vgt.f32 v54, $5.000000070e-02;
	v55 =	vadd.f32 $-2.000000000e+00, v54;
	vm13 =	veq.f32 v27, v62  }
0x2e9: {  	[tilespmem:$0x6BA0] =	vst v44;
	v10 =	vmul.f32 v17, v15;
	v15 =	vsel vm11, v16, v18;
	v16 =	vsel vm11, v6, v16  }
0x2ea: {  	[tilespmem:$0x6BB0] =	vst v52;
	vm4 =	vmand vm14, vm3;
	v17 =	vadd.f32 v20, v63;
	v18 =	vadd.f32 v20, v34;
	v20 =	vld [tilespmem:$0x6E20]  }
0x2eb: {  	[tilespmem:$0x6BD0] =	vst v56;
	vm14 =	veq.f32 v27, v35;
	vm5 =	vgt.f32 v1, v15;
	vm3 =	vgt.f32 v1, v16  }
0x2ec: {  	[tilespmem:$0x6BE0] =	vst v57;
	v22 =	vsel vm4, v55, v54;
	v15 =	vsel vm5, v1, v15;
	v3 =	vsel vm5, v53, v3;
	v63 =	vld [tilespmem:$0x6CB0]  }
0x2ed: {  	[tilespmem:$0x6C40] =	vst v7;
	v7 =	vsel vm3, v1, v16;
	v17 =	vsub.f32 v17, v9;
	v18 =	vsub.f32 v18, v10  }
0x2ee: {  	[tilespmem:$0x6BF0] =	vst v58;
	v15 =	vsel vm3, v16, v15;
	v3 =	vsel vm3, v5, v3;
	v5 =	vsel vm3, v53, v5  }
0x2ef: {  	[tilespmem:$0x6C00] =	vst v59;
	v17 =	vmax.f32 v17, $9.999999710e-10;
	v18 =	vmax.f32 v18, $9.999999710e-10;
	vm15 =	veq.f32 v20, v62  }
0x2f0: {  	[tilespmem:$0x6C10] =	vst v60;
	vm8 =	veq.f32 v20, v35;
	v17 =	vmul.f32 $6.999999880e-01, v17;
	v18 =	vmul.f32 $6.999999880e-01, v18  }
0x2f1: {  	s22 =	simm.s32 $0x1;
	[tilespmem:$0x6C30] =	vst v4;
	vm11 =	vgt.f32 v63, $5.000000070e-02;
	v4 =	vadd.f32 $-2.000000000e+00, v63;
	vm4 =	vmor vm15, vm8  }
0x2f2: {  	s22 =	simm.s32 @!p6 $0x2;
	[tilespmem:$0x6C20] =	vst v2;
	v2 =	vsel vm4, $0xF149F2CA, v22;
	vm9 =	vgt.f32 v9, v17;
	vm10 =	vgt.f32 v10, v18  }
0x2f3: {  	s21 =	sadd.s32 s21, s22;
	[tilespmem:$0x6C50] =	vst v8;
	vm4 =	vmor vm9, vm10;
	vm12 =	vgt.f32 v2, v15;
	vm15 =	vgt.f32 v2, v7  }
0x2f4: {  	p0 =	slt.u32 s21, $0x64;
	[tilespmem:$0x6C60] =	vst v12;
	vm4 =	vmand vm11, vm4;
	v8 =	vsel vm12, v2, v15;
	v3 =	vsel vm12, v20, v3  }
.Ltmp0:
0x2f5: {  	[tilespmem:$0x6C80] =	vst v6;
	v6 =	vsel vm15, v2, v7;
	v4 =	vsel vm4, v4, v63;
	vm4 =	vmor vm13, vm14;
	(pc) =	sbr.rel @p0 .LBB2_2-.Ltmp0, $4  }
0x2f6: {  	[tilespmem:$0x6C90] =	vst v1;
	v8 =	vsel vm15, v7, v8;
	v1 =	vsel vm15, v5, v3;
	v9 =	vsel vm4, $0xF149F2CA, v4  }
0x2f7: {  	[tilespmem:$0x6C70] =	vst v25;
	v5 =	vsel vm15, v20, v5;
	vm3 =	vgt.f32 v9, v8;
	vm4 =	vgt.f32 v9, v6  }
0x2f8: {  	[tilespmem:$0x6CA0] =	vst v2;
	v3 =	vsel vm3, v9, v8;
	v1 =	vsel vm3, v27, v1;
	v8 =	vsel vm4, v9, v6  }
0x2f9: {  	s20 =	sadd.s32 $0x10, s20;
	[tilespmem:$0x6CB0] =	vst v9;
	v7 =	vsel vm4, v27, v5;
	v2 =	vsel vm4, v6, v3;
	v4 =	vsel vm4, v5, v1  }
0x2fa: {  	s20 =	simm.s32 @!p3 $0x0;
	s21 =	simm.s32 @!p3 $0x7800;
	s19 =	sadd.s32 $0x1, s19  }
0x2fb: {  	[hbm4b:s8+s20] =	stream.linear.scatter @!p3 [tilespmem:s21], [sflag:$0x1], $0x700, $0x38;
	[tilespmem:$0x7F60] =	vst v63  }
0x2fc: {  	p0 =	sne.s32 s19, s9  }
.Ltmp1:
0x2fd: {  	_ = 	snop;
	(pc) =	sbr.rel @p0 .LBB2_1-.Ltmp1, $4  }
0x2fe: {  	s20 =	simm.s32 @!p3 $0x1  }
0x2ff: {  	_ =	swait.ge @!p3 [sflag:s20], $0x700  }
0x300: {  	[sflag:s20] =	ssyncset.done @!p3 $0x0  }
0x301: {  	[sflag:s20] =	ssyncadd.s32 @!p3 $0xFFFFF900  }
0x302: {  	_ =	sfence.sel $0x180000  }
0x303: {  	[bflag:$0x0] =	sbarrier.arrive $0xFFFF  }
0x304: {  	p0 =	sne.s32 s0, $0x0;
	_ =	strace $0x90000047  }
0x305: {  	s0 =	sadd.s32 @!p0 $0x100000, s1;
	[bflag:$0x2] =	sbarrier.arrive $0xFFFF  }
0x306: {  	[sflag:s0] =	ssyncadd.tile.s32 @!p0 $0x1;
	_ =	shalt  }
.Lfunc_end2:
_tile_overlayer_lowered:
.L_overlay_start_2:
0x307: {  	(tag) =	ssettag $0x2  }
0x308: {  	s0 =	rddreg [dreg:$0x0];
	s2 =	stileid.u32  }
0x309: {  	s1 =	rddreg [dreg:$0x1];
	p0 =	sne.s32 s2, $0x0  }
0x30a: {  	s3 =	rddreg [dreg:$0x2];
	[bflag:$0x3] =	sbarrier.arrive $0xFFFF;
	s2 =	simm.s32 @!p0 $0x1C01  }
0x30b: {  	[timem:s3], [sflag:s2] =	dma.local @!p0 [hbm:s0], s1  }
0x30c: {  	s0 =	simm.s32 @!p0 $0x1  }
0x30d: {  	_ =	swait.ge @!p0 [sflag:s0], s1  }
0x30e: {  	s1 =	ssub.s32 @!p0 $0x0, s1;
	[sflag:s0] =	ssyncset.done @!p0 $0x0  }
0x30f: {  	[sflag:s0] =	ssyncadd.s32 @!p0 s1  }
0x310: {  	[bflag:$0x3] =	sbarrier.arrive $0xFFFF  }
0x311: {  	_ =	shalt  }

</sc_bundles>
